<compile_context>
chip_gen: v7x
topology: tpu7x:2x2x1
jax: 0.10.2.dev20260603
libtpu: 0.0.44.dev20260713+nightly
codegen_flags: <defaults>
</compile_context>

<pallas_src>
import functools

import jax
import jax.numpy as jnp
from jax import lax
from jax.experimental import pallas as pl
from jax.experimental.pallas import tpu as pltpu
from jax.experimental.pallas import tpu_sc as plsc

N = 10000
E = 320000
F = 128

NC = 2
NS = 16
NW = NC * NS
CHUNK = 16
EPS = 20480
E_PAD = NS * EPS
CPW = EPS // CHUNK
G = 32
NGRP = CPW // G
GROWS = 2 * G * CHUNK // 128

SLAB = 10112
HALFN = 5000
ACC = 5120
TRASH = ACC - HALFN
ACC_PER_TILE = ACC // NS
SLAB_PER_TILE = SLAB // NS

_mesh = plsc.VectorSubcoreMesh(core_axis_name="c", subcore_axis_name="s")


@functools.partial(
    pl.kernel,
    out_type=jax.ShapeDtypeStruct((NC, NS, ACC_PER_TILE, F), jnp.float32),
    mesh=_mesh,
    scratch_types=[
        [pltpu.VMEM((GROWS, 128), jnp.int32) for _ in range(2)],
        [pltpu.VMEM((CHUNK, F), jnp.float32) for _ in range(2)],
        pltpu.VMEM_SHARED((ACC, F), jnp.float32),
        pltpu.VMEM_SHARED((SLAB, F), jnp.float32),
        [pltpu.SemaphoreType.DMA for _ in range(2)],
        [pltpu.SemaphoreType.DMA for _ in range(2)],
        [pltpu.SemaphoreType.DMA for _ in range(2)],
    ],
)
def _segsum_sc(idx_hbm, xs_hbm, out_hbm, idxs, bufs, acc, xs,
               gsems, ssems, isems):
    c = lax.axis_index("c")
    s = lax.axis_index("s")
    wid = s * NC + c

    def cvec(iv, jj):
        return iv[jj // 4, pl.ds((jj % 4) * 32, 16)]

    def rvec(iv, jj):
        return iv[jj // 4, pl.ds((jj % 4) * 32 + 16, 16)]

    z = jnp.zeros((16,), jnp.float32)

    def zrow(i, carry):
        for j in range(F // 16):
            bufs[0][i, pl.ds(j * 16, 16)] = z
            bufs[1][i, pl.ds(j * 16, 16)] = z
        return carry

    lax.fori_loop(0, CHUNK, zrow, 0)
    acc_base = s * ACC_PER_TILE
    nz = ACC_PER_TILE // CHUNK
    for k in range(nz):
        pltpu.async_copy(
            bufs[k % 2], acc.at[pl.ds(acc_base + k * CHUNK, CHUNK)],
            gsems[k % 2],
        )
    sl = s * SLAB_PER_TILE
    pltpu.sync_copy(
        xs_hbm.at[pl.ds(sl, SLAB_PER_TILE)], xs.at[pl.ds(sl, SLAB_PER_TILE)]
    )
    for k in range(nz):
        pltpu.make_async_copy(
            bufs[k % 2], acc.at[pl.ds(acc_base + k * CHUNK, CHUNK)],
            gsems[k % 2],
        ).wait()
    plsc.subcore_barrier()

    pltpu.sync_copy(idx_hbm.at[wid, 0], idxs[0])
    pltpu.async_copy(xs.at[cvec(idxs[0], 0)], bufs[0], gsems[0])
    pltpu.async_copy(bufs[1], acc.at[rvec(idxs[0], 0)], ssems[1], add=True)

    def outer(g2, carry):
        for par in range(2):
            h = g2 * 2 + par
            iv = idxs[par]
            ivn = idxs[1 - par]
            for jj in range(G):
                b = jj % 2
                pltpu.make_async_copy(
                    xs.at[cvec(iv, jj)], bufs[b], gsems[b]
                ).wait()
                if jj == 2:
                    pltpu.async_copy(
                        idx_hbm.at[wid, h + 1], ivn, isems[1 - par]
                    )
                pltpu.async_copy(
                    bufs[b], acc.at[rvec(iv, jj)], ssems[b], add=True
                )
                pltpu.make_async_copy(
                    bufs[1 - b], acc.at[rvec(iv, jj)], ssems[1 - b]
                ).wait()
                if jj < G - 1:
                    pltpu.async_copy(
                        xs.at[cvec(iv, jj + 1)], bufs[1 - b], gsems[1 - b]
                    )
                else:
                    pltpu.make_async_copy(
                        idx_hbm.at[wid, h + 1], ivn, isems[1 - par]
                    ).wait()
                    pltpu.async_copy(
                        xs.at[cvec(ivn, 0)], bufs[1 - b], gsems[1 - b]
                    )
        return carry

    lax.fori_loop(0, NGRP // 2, outer, 0)

    pltpu.make_async_copy(
        xs.at[cvec(idxs[0], 0)], bufs[0], gsems[0]
    ).wait()
    pltpu.make_async_copy(
        bufs[1], acc.at[rvec(idxs[0], 0)], ssems[1]
    ).wait()

    plsc.subcore_barrier()
    pltpu.sync_copy(
        acc.at[pl.ds(s * ACC_PER_TILE, ACC_PER_TILE)], out_hbm.at[c, s]
    )


ROWS_BLK = 1000
_GRID = N // ROWS_BLK


def _combine_body(p_ref, w_ref, o_ref):
    y = jnp.dot(p_ref[0], w_ref[...], preferred_element_type=jnp.float32)
    o_ref[...] = jnp.where(y > 0, y, jnp.exp(y) - 1.0)


def _combine(parts, W):
    return pl.pallas_call(
        _combine_body,
        grid=(_GRID,),
        in_specs=[
            pl.BlockSpec((1, ROWS_BLK, F), lambda i: (i // 5, i % 5, 0)),
            pl.BlockSpec((F, F), lambda i: (0, 0)),
        ],
        out_specs=pl.BlockSpec((ROWS_BLK, F), lambda i: (i, 0)),
        out_shape=jax.ShapeDtypeStruct((N, F), jnp.float32),
    )(parts, W)


def kernel(input, edge_index, W, a):
    row = edge_index[0]
    col = edge_index[1]
    pad = E_PAD - E
    col_p = jnp.concatenate([col, jnp.zeros((pad,), jnp.int32)])
    row_p = jnp.concatenate([row, jnp.full((pad,), -1, jnp.int32)])
    colr = col_p.reshape(NS, EPS)
    rowr = row_p.reshape(NS, EPS)
    e2 = jnp.arange(EPS, dtype=jnp.int32)[None, :]
    sidx_off = jnp.arange(NS, dtype=jnp.int32)[:, None]
    spread = (e2 * 97 + sidx_off * 613) % SLAB
    trash_l = HALFN + (e2 + sidx_off * 7) % TRASH
    half = rowr // HALFN
    phased = []
    for c in range(NC):
        ih = half == c
        cl = jnp.where(ih, colr, spread)
        rl = jnp.where(ih, rowr - c * HALFN, trash_l)
        phased.append(jnp.stack(
            [cl.reshape(NS, CPW, CHUNK), rl.reshape(NS, CPW, CHUNK)], axis=3
        ))
    idx = jnp.stack(phased, axis=1)
    idx = jnp.swapaxes(idx, 3, 4)
    idx = idx.reshape(NW, NGRP, GROWS, 128)
    idx = jnp.concatenate(
        [idx, jnp.zeros((NW, 1, GROWS, 128), jnp.int32)], axis=1
    )

    x_pad = jnp.concatenate([input, jnp.zeros((SLAB - N, F), jnp.float32)])

    parts = _segsum_sc(idx, x_pad)
    parts = parts.reshape(NC, ACC, F)
    return _combine(parts, W)

# --- scband reference (transcript-rebuilt; emitter-appended) ---
"""Pipeline reference for scband-attntopo-81827716923658 (READ-ONLY COPY).

The authoritative reference and input builder live on the scoring server;
editing this copy changes nothing except your own understanding.
"""

import jax, jax.numpy as jnp
import numpy as np

N = 10000
E = 320000
F_IN = 128
F_OUT = 128
ALPHA = 0.2


def setup_inputs(seed: int = 0) -> dict:
    key = jax.random.key(seed)
    k1, k2, k3, k4 = jax.random.split(key, 4)
    x = jax.random.normal(k1, (N, F_IN), dtype=jnp.float32)
    edge_index = jax.random.randint(k2, (2, E), 0, N, dtype=jnp.int32)
    # xavier_uniform with gain=1.414 for W: limit = gain * sqrt(6/(fan_in+fan_out))
    limW = 1.414 * np.sqrt(6.0 / (F_IN + F_OUT))
    W = jax.random.uniform(k3, (F_IN, F_OUT), minval=-limW, maxval=limW, dtype=jnp.float32)
    lima = 1.414 * np.sqrt(6.0 / (2 * F_OUT + 1))
    a = jax.random.uniform(k4, (2 * F_OUT, 1), minval=-lima, maxval=lima, dtype=jnp.float32)
    return {"input": x, "edge_index": edge_index, "W": W, "a": a}


def reference(input, edge_index, W, a):
    # h = input @ W (no bias)
    h = jnp.matmul(input, W)
    f_out = W.shape[1]
    # attention logits: e = leakyrelu(Wh1[row] + Wh2[col])
    Wh1 = jnp.matmul(h, a[:f_out, :])  # [N, 1]
    Wh2 = jnp.matmul(h, a[f_out:, :])  # [N, 1]
    row = edge_index[0]
    col = edge_index[1]
    e = Wh1[row] + Wh2[col]            # [E, 1]
    e = jnp.where(e > 0, e, ALPHA * e)  # LeakyReLU(alpha=0.2)
    # dropout is identity at inference (training=False)
    # softmax over dim=1 of shape [E, 1] -> all ones (faithful to original)
    attention = jax.nn.softmax(e, axis=1)
    values = jnp.squeeze(attention, axis=-1)  # [E]
    # sparse_coo(edge_index, values) @ h  == scatter-add of values * h[col] into row
    msgs = values[:, None] * h[col]    # gather + weight
    h_prime = jax.ops.segment_sum(msgs, row, num_segments=input.shape[0])
    return jax.nn.elu(h_prime)

if __name__ == "__main__":
    import jax
    _d = setup_inputs()
    print(jax.jit(kernel)(*tuple(_d.values())))

</pallas_src>

<mosaic_0001>
#map = affine_map<(d0, d1) -> (0, 0, 0, 0)>
#map1 = affine_map<(d0, d1) -> (0, 0)>
module attributes {stable_mosaic.version = 14 : i64} {
  func.func @_segsum_sc(%arg0: i32, %arg1: i32, %arg2: memref<32x41x8x128xi32, #tpu.memory_space<hbm>>, %arg3: memref<10112x128xf32, #tpu.memory_space<hbm>>, %arg4: memref<2x16x320x128xf32, #tpu.memory_space<hbm>>, %arg5: memref<8x128xi32, #tpu.memory_space<vmem>>, %arg6: memref<8x128xi32, #tpu.memory_space<vmem>>, %arg7: memref<16x128xf32, #tpu.memory_space<vmem>>, %arg8: memref<16x128xf32, #tpu.memory_space<vmem>>, %arg9: memref<5120x128xf32, #tpu.memory_space<vmem_shared>>, %arg10: memref<10112x128xf32, #tpu.memory_space<vmem_shared>>, %arg11: memref<!tpu.dma_semaphore, #tpu.memory_space<semaphore_mem>>, %arg12: memref<!tpu.dma_semaphore, #tpu.memory_space<semaphore_mem>>, %arg13: memref<!tpu.dma_semaphore, #tpu.memory_space<semaphore_mem>>, %arg14: memref<!tpu.dma_semaphore, #tpu.memory_space<semaphore_mem>>, %arg15: memref<!tpu.dma_semaphore, #tpu.memory_space<semaphore_mem>>, %arg16: memref<!tpu.dma_semaphore, #tpu.memory_space<semaphore_mem>>) attributes {dimension_semantics = [#tpu.dimension_semantics<core_parallel>, #tpu.dimension_semantics<subcore_parallel>], iteration_bounds = array<i64: 2, 16>, scalar_prefetch = 0 : i64, scratch_operands = 12 : i64, tpu.core_type = #tpu.core_type<sc_vector_subcore>, window_params = [{transform_indices = #map}, {transform_indices = #map1}, {transform_indices = #map}]} {
    %mul3A = arith.constant 2 : i32
    %mul3A_0 = arith.muli %arg1, %mul3A : i32
    %add3A = arith.addi %mul3A_0, %arg0 : i32
    %broadcast_in_dim3A = arith.constant 0.000000e+00 : f32
    %broadcast_in_dim3A_1 = vector.broadcast %broadcast_in_dim3A : f32 to vector<16xf32>
    %scan3A = arith.constant 0 : i32
    %scan3A_2 = arith.constant 0 : i32
    %scan3A_3 = arith.constant 16 : i32
    %scan3A_4 = arith.addi %scan3A_2, %scan3A_3 : i32
    %scan3A_5 = arith.constant 1 : i32
    scf.for %scan3A_289 = %scan3A_2 to %scan3A_4 step %scan3A_5  : i32 {
      %swap3A = arith.index_cast %scan3A_289 : i32 to index
      %swap3A_290 = arith.constant 0 : index
      %swap3A_291 = tpu.vector_load %arg7[%swap3A, %swap3A_290] {strides = array<i32>} : memref<16x128xf32, #tpu.memory_space<vmem>>, vector<1x16xf32>,
      %swap3A_292 = vector.shape_cast %swap3A_291 : vector<1x16xf32> to vector<16xf32>
      %swap3A_293 = vector.shape_cast %broadcast_in_dim3A_1 : vector<16xf32> to vector<1x16xf32>
      tpu.vector_store %arg7[%swap3A, %swap3A_290], %swap3A_293 {strides = array<i32>} : memref<16x128xf32, #tpu.memory_space<vmem>>, vector<1x16xf32>,
      %swap3A_294 = arith.index_cast %scan3A_289 : i32 to index
      %swap3A_295 = arith.constant 0 : index
      %swap3A_296 = tpu.vector_load %arg8[%swap3A_294, %swap3A_295] {strides = array<i32>} : memref<16x128xf32, #tpu.memory_space<vmem>>, vector<1x16xf32>,
      %swap3A_297 = vector.shape_cast %swap3A_296 : vector<1x16xf32> to vector<16xf32>
      %swap3A_298 = vector.shape_cast %broadcast_in_dim3A_1 : vector<16xf32> to vector<1x16xf32>
      tpu.vector_store %arg8[%swap3A_294, %swap3A_295], %swap3A_298 {strides = array<i32>} : memref<16x128xf32, #tpu.memory_space<vmem>>, vector<1x16xf32>,
      %swap3A_299 = arith.index_cast %scan3A_289 : i32 to index
      %swap3A_300 = arith.constant 16 : index
      %swap3A_301 = tpu.vector_load %arg7[%swap3A_299, %swap3A_300] {strides = array<i32>} : memref<16x128xf32, #tpu.memory_space<vmem>>, vector<1x16xf32>,
      %swap3A_302 = vector.shape_cast %swap3A_301 : vector<1x16xf32> to vector<16xf32>
      %swap3A_303 = vector.shape_cast %broadcast_in_dim3A_1 : vector<16xf32> to vector<1x16xf32>
      tpu.vector_store %arg7[%swap3A_299, %swap3A_300], %swap3A_303 {strides = array<i32>} : memref<16x128xf32, #tpu.memory_space<vmem>>, vector<1x16xf32>,
      %swap3A_304 = arith.index_cast %scan3A_289 : i32 to index
      %swap3A_305 = arith.constant 16 : index
      %swap3A_306 = tpu.vector_load %arg8[%swap3A_304, %swap3A_305] {strides = array<i32>} : memref<16x128xf32, #tpu.memory_space<vmem>>, vector<1x16xf32>,
      %swap3A_307 = vector.shape_cast %swap3A_306 : vector<1x16xf32> to vector<16xf32>
      %swap3A_308 = vector.shape_cast %broadcast_in_dim3A_1 : vector<16xf32> to vector<1x16xf32>
      tpu.vector_store %arg8[%swap3A_304, %swap3A_305], %swap3A_308 {strides = array<i32>} : memref<16x128xf32, #tpu.memory_space<vmem>>, vector<1x16xf32>,
      %swap3A_309 = arith.index_cast %scan3A_289 : i32 to index
      %swap3A_310 = arith.constant 32 : index
      %swap3A_311 = tpu.vector_load %arg7[%swap3A_309, %swap3A_310] {strides = array<i32>} : memref<16x128xf32, #tpu.memory_space<vmem>>, vector<1x16xf32>,
      %swap3A_312 = vector.shape_cast %swap3A_311 : vector<1x16xf32> to vector<16xf32>
      %swap3A_313 = vector.shape_cast %broadcast_in_dim3A_1 : vector<16xf32> to vector<1x16xf32>
      tpu.vector_store %arg7[%swap3A_309, %swap3A_310], %swap3A_313 {strides = array<i32>} : memref<16x128xf32, #tpu.memory_space<vmem>>, vector<1x16xf32>,
      %swap3A_314 = arith.index_cast %scan3A_289 : i32 to index
      %swap3A_315 = arith.constant 32 : index
      %swap3A_316 = tpu.vector_load %arg8[%swap3A_314, %swap3A_315] {strides = array<i32>} : memref<16x128xf32, #tpu.memory_space<vmem>>, vector<1x16xf32>,
      %swap3A_317 = vector.shape_cast %swap3A_316 : vector<1x16xf32> to vector<16xf32>
      %swap3A_318 = vector.shape_cast %broadcast_in_dim3A_1 : vector<16xf32> to vector<1x16xf32>
      tpu.vector_store %arg8[%swap3A_314, %swap3A_315], %swap3A_318 {strides = array<i32>} : memref<16x128xf32, #tpu.memory_space<vmem>>, vector<1x16xf32>,
      %swap3A_319 = arith.index_cast %scan3A_289 : i32 to index
      %swap3A_320 = arith.constant 48 : index
      %swap3A_321 = tpu.vector_load %arg7[%swap3A_319, %swap3A_320] {strides = array<i32>} : memref<16x128xf32, #tpu.memory_space<vmem>>, vector<1x16xf32>,
      %swap3A_322 = vector.shape_cast %swap3A_321 : vector<1x16xf32> to vector<16xf32>
      %swap3A_323 = vector.shape_cast %broadcast_in_dim3A_1 : vector<16xf32> to vector<1x16xf32>
      tpu.vector_store %arg7[%swap3A_319, %swap3A_320], %swap3A_323 {strides = array<i32>} : memref<16x128xf32, #tpu.memory_space<vmem>>, vector<1x16xf32>,
      %swap3A_324 = arith.index_cast %scan3A_289 : i32 to index
      %swap3A_325 = arith.constant 48 : index
      %swap3A_326 = tpu.vector_load %arg8[%swap3A_324, %swap3A_325] {strides = array<i32>} : memref<16x128xf32, #tpu.memory_space<vmem>>, vector<1x16xf32>,
      %swap3A_327 = vector.shape_cast %swap3A_326 : vector<1x16xf32> to vector<16xf32>
      %swap3A_328 = vector.shape_cast %broadcast_in_dim3A_1 : vector<16xf32> to vector<1x16xf32>
      tpu.vector_store %arg8[%swap3A_324, %swap3A_325], %swap3A_328 {strides = array<i32>} : memref<16x128xf32, #tpu.memory_space<vmem>>, vector<1x16xf32>,
      %swap3A_329 = arith.index_cast %scan3A_289 : i32 to index
      %swap3A_330 = arith.constant 64 : index
      %swap3A_331 = tpu.vector_load %arg7[%swap3A_329, %swap3A_330] {strides = array<i32>} : memref<16x128xf32, #tpu.memory_space<vmem>>, vector<1x16xf32>,
      %swap3A_332 = vector.shape_cast %swap3A_331 : vector<1x16xf32> to vector<16xf32>
      %swap3A_333 = vector.shape_cast %broadcast_in_dim3A_1 : vector<16xf32> to vector<1x16xf32>
      tpu.vector_store %arg7[%swap3A_329, %swap3A_330], %swap3A_333 {strides = array<i32>} : memref<16x128xf32, #tpu.memory_space<vmem>>, vector<1x16xf32>,
      %swap3A_334 = arith.index_cast %scan3A_289 : i32 to index
      %swap3A_335 = arith.constant 64 : index
      %swap3A_336 = tpu.vector_load %arg8[%swap3A_334, %swap3A_335] {strides = array<i32>} : memref<16x128xf32, #tpu.memory_space<vmem>>, vector<1x16xf32>,
      %swap3A_337 = vector.shape_cast %swap3A_336 : vector<1x16xf32> to vector<16xf32>
      %swap3A_338 = vector.shape_cast %broadcast_in_dim3A_1 : vector<16xf32> to vector<1x16xf32>
      tpu.vector_store %arg8[%swap3A_334, %swap3A_335], %swap3A_338 {strides = array<i32>} : memref<16x128xf32, #tpu.memory_space<vmem>>, vector<1x16xf32>,
      %swap3A_339 = arith.index_cast %scan3A_289 : i32 to index
      %swap3A_340 = arith.constant 80 : index
      %swap3A_341 = tpu.vector_load %arg7[%swap3A_339, %swap3A_340] {strides = array<i32>} : memref<16x128xf32, #tpu.memory_space<vmem>>, vector<1x16xf32>,
      %swap3A_342 = vector.shape_cast %swap3A_341 : vector<1x16xf32> to vector<16xf32>
      %swap3A_343 = vector.shape_cast %broadcast_in_dim3A_1 : vector<16xf32> to vector<1x16xf32>
      tpu.vector_store %arg7[%swap3A_339, %swap3A_340], %swap3A_343 {strides = array<i32>} : memref<16x128xf32, #tpu.memory_space<vmem>>, vector<1x16xf32>,
      %swap3A_344 = arith.index_cast %scan3A_289 : i32 to index
      %swap3A_345 = arith.constant 80 : index
      %swap3A_346 = tpu.vector_load %arg8[%swap3A_344, %swap3A_345] {strides = array<i32>} : memref<16x128xf32, #tpu.memory_space<vmem>>, vector<1x16xf32>,
      %swap3A_347 = vector.shape_cast %swap3A_346 : vector<1x16xf32> to vector<16xf32>
      %swap3A_348 = vector.shape_cast %broadcast_in_dim3A_1 : vector<16xf32> to vector<1x16xf32>
      tpu.vector_store %arg8[%swap3A_344, %swap3A_345], %swap3A_348 {strides = array<i32>} : memref<16x128xf32, #tpu.memory_space<vmem>>, vector<1x16xf32>,
      %swap3A_349 = arith.index_cast %scan3A_289 : i32 to index
      %swap3A_350 = arith.constant 96 : index
      %swap3A_351 = tpu.vector_load %arg7[%swap3A_349, %swap3A_350] {strides = array<i32>} : memref<16x128xf32, #tpu.memory_space<vmem>>, vector<1x16xf32>,
      %swap3A_352 = vector.shape_cast %swap3A_351 : vector<1x16xf32> to vector<16xf32>
      %swap3A_353 = vector.shape_cast %broadcast_in_dim3A_1 : vector<16xf32> to vector<1x16xf32>
      tpu.vector_store %arg7[%swap3A_349, %swap3A_350], %swap3A_353 {strides = array<i32>} : memref<16x128xf32, #tpu.memory_space<vmem>>, vector<1x16xf32>,
      %swap3A_354 = arith.index_cast %scan3A_289 : i32 to index
      %swap3A_355 = arith.constant 96 : index
      %swap3A_356 = tpu.vector_load %arg8[%swap3A_354, %swap3A_355] {strides = array<i32>} : memref<16x128xf32, #tpu.memory_space<vmem>>, vector<1x16xf32>,
      %swap3A_357 = vector.shape_cast %swap3A_356 : vector<1x16xf32> to vector<16xf32>
      %swap3A_358 = vector.shape_cast %broadcast_in_dim3A_1 : vector<16xf32> to vector<1x16xf32>
      tpu.vector_store %arg8[%swap3A_354, %swap3A_355], %swap3A_358 {strides = array<i32>} : memref<16x128xf32, #tpu.memory_space<vmem>>, vector<1x16xf32>,
      %swap3A_359 = arith.index_cast %scan3A_289 : i32 to index
      %swap3A_360 = arith.constant 112 : index
      %swap3A_361 = tpu.vector_load %arg7[%swap3A_359, %swap3A_360] {strides = array<i32>} : memref<16x128xf32, #tpu.memory_space<vmem>>, vector<1x16xf32>,
      %swap3A_362 = vector.shape_cast %swap3A_361 : vector<1x16xf32> to vector<16xf32>
      %swap3A_363 = vector.shape_cast %broadcast_in_dim3A_1 : vector<16xf32> to vector<1x16xf32>
      tpu.vector_store %arg7[%swap3A_359, %swap3A_360], %swap3A_363 {strides = array<i32>} : memref<16x128xf32, #tpu.memory_space<vmem>>, vector<1x16xf32>,
      %swap3A_364 = arith.index_cast %scan3A_289 : i32 to index
      %swap3A_365 = arith.constant 112 : index
      %swap3A_366 = tpu.vector_load %arg8[%swap3A_364, %swap3A_365] {strides = array<i32>} : memref<16x128xf32, #tpu.memory_space<vmem>>, vector<1x16xf32>,
      %swap3A_367 = vector.shape_cast %swap3A_366 : vector<1x16xf32> to vector<16xf32>
      %swap3A_368 = vector.shape_cast %broadcast_in_dim3A_1 : vector<16xf32> to vector<1x16xf32>
      tpu.vector_store %arg8[%swap3A_364, %swap3A_365], %swap3A_368 {strides = array<i32>} : memref<16x128xf32, #tpu.memory_space<vmem>>, vector<1x16xf32>,
    }
    %scan3A_6 = arith.constant 16 : i32
    %mul3A_7 = arith.constant 320 : i32
    %mul3A_8 = arith.muli %arg1, %mul3A_7 : i32
    %add3A_9 = arith.constant 0 : i32
    %add3A_10 = arith.addi %mul3A_8, %add3A_9 : i32
    %dma_start3A = arith.constant 0 : i32
    %dma_start3A_11 = tpu.memref_slice %arg9[%add3A_10, %dma_start3A] : memref<5120x128xf32, #tpu.memory_space<vmem_shared>> -> memref<16x128xf32, #tpu.memory_space<vmem_shared>>
    %dma_start3A_12 = arith.constant 0 : i32
    %dma_start3A_13 = tpu.memref_slice %arg9[%add3A_10, %dma_start3A_12] : memref<5120x128xf32, #tpu.memory_space<vmem_shared>> -> memref<16x128xf32, #tpu.memory_space<vmem_shared>>
    tpu.enqueue_dma source(%arg7 : memref<16x128xf32, #tpu.memory_space<vmem>>) target(%dma_start3A_13 : memref<16x128xf32, #tpu.memory_space<vmem_shared>>) target_semaphore(%arg11 : memref<!tpu.dma_semaphore, #tpu.memory_space<semaphore_mem>>)
    %add3A_14 = arith.constant 16 : i32
    %add3A_15 = arith.addi %mul3A_8, %add3A_14 : i32
    %dma_start3A_16 = arith.constant 0 : i32
    %dma_start3A_17 = tpu.memref_slice %arg9[%add3A_15, %dma_start3A_16] : memref<5120x128xf32, #tpu.memory_space<vmem_shared>> -> memref<16x128xf32, #tpu.memory_space<vmem_shared>>
    %dma_start3A_18 = arith.constant 0 : i32
    %dma_start3A_19 = tpu.memref_slice %arg9[%add3A_15, %dma_start3A_18] : memref<5120x128xf32, #tpu.memory_space<vmem_shared>> -> memref<16x128xf32, #tpu.memory_space<vmem_shared>>
    tpu.enqueue_dma source(%arg8 : memref<16x128xf32, #tpu.memory_space<vmem>>) target(%dma_start3A_19 : memref<16x128xf32, #tpu.memory_space<vmem_shared>>) target_semaphore(%arg12 : memref<!tpu.dma_semaphore, #tpu.memory_space<semaphore_mem>>)
    %add3A_20 = arith.constant 32 : i32
    %add3A_21 = arith.addi %mul3A_8, %add3A_20 : i32
    %dma_start3A_22 = arith.constant 0 : i32
    %dma_start3A_23 = tpu.memref_slice %arg9[%add3A_21, %dma_start3A_22] : memref<5120x128xf32, #tpu.memory_space<vmem_shared>> -> memref<16x128xf32, #tpu.memory_space<vmem_shared>>
    %dma_start3A_24 = arith.constant 0 : i32
    %dma_start3A_25 = tpu.memref_slice %arg9[%add3A_21, %dma_start3A_24] : memref<5120x128xf32, #tpu.memory_space<vmem_shared>> -> memref<16x128xf32, #tpu.memory_space<vmem_shared>>
    tpu.enqueue_dma source(%arg7 : memref<16x128xf32, #tpu.memory_space<vmem>>) target(%dma_start3A_25 : memref<16x128xf32, #tpu.memory_space<vmem_shared>>) target_semaphore(%arg11 : memref<!tpu.dma_semaphore, #tpu.memory_space<semaphore_mem>>)
    %add3A_26 = arith.constant 48 : i32
    %add3A_27 = arith.addi %mul3A_8, %add3A_26 : i32
    %dma_start3A_28 = arith.constant 0 : i32
    %dma_start3A_29 = tpu.memref_slice %arg9[%add3A_27, %dma_start3A_28] : memref<5120x128xf32, #tpu.memory_space<vmem_shared>> -> memref<16x128xf32, #tpu.memory_space<vmem_shared>>
    %dma_start3A_30 = arith.constant 0 : i32
    %dma_start3A_31 = tpu.memref_slice %arg9[%add3A_27, %dma_start3A_30] : memref<5120x128xf32, #tpu.memory_space<vmem_shared>> -> memref<16x128xf32, #tpu.memory_space<vmem_shared>>
    tpu.enqueue_dma source(%arg8 : memref<16x128xf32, #tpu.memory_space<vmem>>) target(%dma_start3A_31 : memref<16x128xf32, #tpu.memory_space<vmem_shared>>) target_semaphore(%arg12 : memref<!tpu.dma_semaphore, #tpu.memory_space<semaphore_mem>>)
    %add3A_32 = arith.constant 64 : i32
    %add3A_33 = arith.addi %mul3A_8, %add3A_32 : i32
    %dma_start3A_34 = arith.constant 0 : i32
    %dma_start3A_35 = tpu.memref_slice %arg9[%add3A_33, %dma_start3A_34] : memref<5120x128xf32, #tpu.memory_space<vmem_shared>> -> memref<16x128xf32, #tpu.memory_space<vmem_shared>>
    %dma_start3A_36 = arith.constant 0 : i32
    %dma_start3A_37 = tpu.memref_slice %arg9[%add3A_33, %dma_start3A_36] : memref<5120x128xf32, #tpu.memory_space<vmem_shared>> -> memref<16x128xf32, #tpu.memory_space<vmem_shared>>
    tpu.enqueue_dma source(%arg7 : memref<16x128xf32, #tpu.memory_space<vmem>>) target(%dma_start3A_37 : memref<16x128xf32, #tpu.memory_space<vmem_shared>>) target_semaphore(%arg11 : memref<!tpu.dma_semaphore, #tpu.memory_space<semaphore_mem>>)
    %add3A_38 = arith.constant 80 : i32
    %add3A_39 = arith.addi %mul3A_8, %add3A_38 : i32
    %dma_start3A_40 = arith.constant 0 : i32
    %dma_start3A_41 = tpu.memref_slice %arg9[%add3A_39, %dma_start3A_40] : memref<5120x128xf32, #tpu.memory_space<vmem_shared>> -> memref<16x128xf32, #tpu.memory_space<vmem_shared>>
    %dma_start3A_42 = arith.constant 0 : i32
    %dma_start3A_43 = tpu.memref_slice %arg9[%add3A_39, %dma_start3A_42] : memref<5120x128xf32, #tpu.memory_space<vmem_shared>> -> memref<16x128xf32, #tpu.memory_space<vmem_shared>>
    tpu.enqueue_dma source(%arg8 : memref<16x128xf32, #tpu.memory_space<vmem>>) target(%dma_start3A_43 : memref<16x128xf32, #tpu.memory_space<vmem_shared>>) target_semaphore(%arg12 : memref<!tpu.dma_semaphore, #tpu.memory_space<semaphore_mem>>)
    %add3A_44 = arith.constant 96 : i32
    %add3A_45 = arith.addi %mul3A_8, %add3A_44 : i32
    %dma_start3A_46 = arith.constant 0 : i32
    %dma_start3A_47 = tpu.memref_slice %arg9[%add3A_45, %dma_start3A_46] : memref<5120x128xf32, #tpu.memory_space<vmem_shared>> -> memref<16x128xf32, #tpu.memory_space<vmem_shared>>
    %dma_start3A_48 = arith.constant 0 : i32
    %dma_start3A_49 = tpu.memref_slice %arg9[%add3A_45, %dma_start3A_48] : memref<5120x128xf32, #tpu.memory_space<vmem_shared>> -> memref<16x128xf32, #tpu.memory_space<vmem_shared>>
    tpu.enqueue_dma source(%arg7 : memref<16x128xf32, #tpu.memory_space<vmem>>) target(%dma_start3A_49 : memref<16x128xf32, #tpu.memory_space<vmem_shared>>) target_semaphore(%arg11 : memref<!tpu.dma_semaphore, #tpu.memory_space<semaphore_mem>>)
    %add3A_50 = arith.constant 112 : i32
    %add3A_51 = arith.addi %mul3A_8, %add3A_50 : i32
    %dma_start3A_52 = arith.constant 0 : i32
    %dma_start3A_53 = tpu.memref_slice %arg9[%add3A_51, %dma_start3A_52] : memref<5120x128xf32, #tpu.memory_space<vmem_shared>> -> memref<16x128xf32, #tpu.memory_space<vmem_shared>>
    %dma_start3A_54 = arith.constant 0 : i32
    %dma_start3A_55 = tpu.memref_slice %arg9[%add3A_51, %dma_start3A_54] : memref<5120x128xf32, #tpu.memory_space<vmem_shared>> -> memref<16x128xf32, #tpu.memory_space<vmem_shared>>
    tpu.enqueue_dma source(%arg8 : memref<16x128xf32, #tpu.memory_space<vmem>>) target(%dma_start3A_55 : memref<16x128xf32, #tpu.memory_space<vmem_shared>>) target_semaphore(%arg12 : memref<!tpu.dma_semaphore, #tpu.memory_space<semaphore_mem>>)
    %add3A_56 = arith.constant 128 : i32
    %add3A_57 = arith.addi %mul3A_8, %add3A_56 : i32
    %dma_start3A_58 = arith.constant 0 : i32
    %dma_start3A_59 = tpu.memref_slice %arg9[%add3A_57, %dma_start3A_58] : memref<5120x128xf32, #tpu.memory_space<vmem_shared>> -> memref<16x128xf32, #tpu.memory_space<vmem_shared>>
    %dma_start3A_60 = arith.constant 0 : i32
    %dma_start3A_61 = tpu.memref_slice %arg9[%add3A_57, %dma_start3A_60] : memref<5120x128xf32, #tpu.memory_space<vmem_shared>> -> memref<16x128xf32, #tpu.memory_space<vmem_shared>>
    tpu.enqueue_dma source(%arg7 : memref<16x128xf32, #tpu.memory_space<vmem>>) target(%dma_start3A_61 : memref<16x128xf32, #tpu.memory_space<vmem_shared>>) target_semaphore(%arg11 : memref<!tpu.dma_semaphore, #tpu.memory_space<semaphore_mem>>)
    %add3A_62 = arith.constant 144 : i32
    %add3A_63 = arith.addi %mul3A_8, %add3A_62 : i32
    %dma_start3A_64 = arith.constant 0 : i32
    %dma_start3A_65 = tpu.memref_slice %arg9[%add3A_63, %dma_start3A_64] : memref<5120x128xf32, #tpu.memory_space<vmem_shared>> -> memref<16x128xf32, #tpu.memory_space<vmem_shared>>
    %dma_start3A_66 = arith.constant 0 : i32
    %dma_start3A_67 = tpu.memref_slice %arg9[%add3A_63, %dma_start3A_66] : memref<5120x128xf32, #tpu.memory_space<vmem_shared>> -> memref<16x128xf32, #tpu.memory_space<vmem_shared>>
    tpu.enqueue_dma source(%arg8 : memref<16x128xf32, #tpu.memory_space<vmem>>) target(%dma_start3A_67 : memref<16x128xf32, #tpu.memory_space<vmem_shared>>) target_semaphore(%arg12 : memref<!tpu.dma_semaphore, #tpu.memory_space<semaphore_mem>>)
    %add3A_68 = arith.constant 160 : i32
    %add3A_69 = arith.addi %mul3A_8, %add3A_68 : i32
    %dma_start3A_70 = arith.constant 0 : i32
    %dma_start3A_71 = tpu.memref_slice %arg9[%add3A_69, %dma_start3A_70] : memref<5120x128xf32, #tpu.memory_space<vmem_shared>> -> memref<16x128xf32, #tpu.memory_space<vmem_shared>>
    %dma_start3A_72 = arith.constant 0 : i32
    %dma_start3A_73 = tpu.memref_slice %arg9[%add3A_69, %dma_start3A_72] : memref<5120x128xf32, #tpu.memory_space<vmem_shared>> -> memref<16x128xf32, #tpu.memory_space<vmem_shared>>
    tpu.enqueue_dma source(%arg7 : memref<16x128xf32, #tpu.memory_space<vmem>>) target(%dma_start3A_73 : memref<16x128xf32, #tpu.memory_space<vmem_shared>>) target_semaphore(%arg11 : memref<!tpu.dma_semaphore, #tpu.memory_space<semaphore_mem>>)
    %add3A_74 = arith.constant 176 : i32
    %add3A_75 = arith.addi %mul3A_8, %add3A_74 : i32
    %dma_start3A_76 = arith.constant 0 : i32
    %dma_start3A_77 = tpu.memref_slice %arg9[%add3A_75, %dma_start3A_76] : memref<5120x128xf32, #tpu.memory_space<vmem_shared>> -> memref<16x128xf32, #tpu.memory_space<vmem_shared>>
    %dma_start3A_78 = arith.constant 0 : i32
    %dma_start3A_79 = tpu.memref_slice %arg9[%add3A_75, %dma_start3A_78] : memref<5120x128xf32, #tpu.memory_space<vmem_shared>> -> memref<16x128xf32, #tpu.memory_space<vmem_shared>>
    tpu.enqueue_dma source(%arg8 : memref<16x128xf32, #tpu.memory_space<vmem>>) target(%dma_start3A_79 : memref<16x128xf32, #tpu.memory_space<vmem_shared>>) target_semaphore(%arg12 : memref<!tpu.dma_semaphore, #tpu.memory_space<semaphore_mem>>)
    %add3A_80 = arith.constant 192 : i32
    %add3A_81 = arith.addi %mul3A_8, %add3A_80 : i32
    %dma_start3A_82 = arith.constant 0 : i32
    %dma_start3A_83 = tpu.memref_slice %arg9[%add3A_81, %dma_start3A_82] : memref<5120x128xf32, #tpu.memory_space<vmem_shared>> -> memref<16x128xf32, #tpu.memory_space<vmem_shared>>
    %dma_start3A_84 = arith.constant 0 : i32
    %dma_start3A_85 = tpu.memref_slice %arg9[%add3A_81, %dma_start3A_84] : memref<5120x128xf32, #tpu.memory_space<vmem_shared>> -> memref<16x128xf32, #tpu.memory_space<vmem_shared>>
    tpu.enqueue_dma source(%arg7 : memref<16x128xf32, #tpu.memory_space<vmem>>) target(%dma_start3A_85 : memref<16x128xf32, #tpu.memory_space<vmem_shared>>) target_semaphore(%arg11 : memref<!tpu.dma_semaphore, #tpu.memory_space<semaphore_mem>>)
    %add3A_86 = arith.constant 208 : i32
    %add3A_87 = arith.addi %mul3A_8, %add3A_86 : i32
    %dma_start3A_88 = arith.constant 0 : i32
    %dma_start3A_89 = tpu.memref_slice %arg9[%add3A_87, %dma_start3A_88] : memref<5120x128xf32, #tpu.memory_space<vmem_shared>> -> memref<16x128xf32, #tpu.memory_space<vmem_shared>>
    %dma_start3A_90 = arith.constant 0 : i32
    %dma_start3A_91 = tpu.memref_slice %arg9[%add3A_87, %dma_start3A_90] : memref<5120x128xf32, #tpu.memory_space<vmem_shared>> -> memref<16x128xf32, #tpu.memory_space<vmem_shared>>
    tpu.enqueue_dma source(%arg8 : memref<16x128xf32, #tpu.memory_space<vmem>>) target(%dma_start3A_91 : memref<16x128xf32, #tpu.memory_space<vmem_shared>>) target_semaphore(%arg12 : memref<!tpu.dma_semaphore, #tpu.memory_space<semaphore_mem>>)
    %add3A_92 = arith.constant 224 : i32
    %add3A_93 = arith.addi %mul3A_8, %add3A_92 : i32
    %dma_start3A_94 = arith.constant 0 : i32
    %dma_start3A_95 = tpu.memref_slice %arg9[%add3A_93, %dma_start3A_94] : memref<5120x128xf32, #tpu.memory_space<vmem_shared>> -> memref<16x128xf32, #tpu.memory_space<vmem_shared>>
    %dma_start3A_96 = arith.constant 0 : i32
    %dma_start3A_97 = tpu.memref_slice %arg9[%add3A_93, %dma_start3A_96] : memref<5120x128xf32, #tpu.memory_space<vmem_shared>> -> memref<16x128xf32, #tpu.memory_space<vmem_shared>>
    tpu.enqueue_dma source(%arg7 : memref<16x128xf32, #tpu.memory_space<vmem>>) target(%dma_start3A_97 : memref<16x128xf32, #tpu.memory_space<vmem_shared>>) target_semaphore(%arg11 : memref<!tpu.dma_semaphore, #tpu.memory_space<semaphore_mem>>)
    %add3A_98 = arith.constant 240 : i32
    %add3A_99 = arith.addi %mul3A_8, %add3A_98 : i32
    %dma_start3A_100 = arith.constant 0 : i32
    %dma_start3A_101 = tpu.memref_slice %arg9[%add3A_99, %dma_start3A_100] : memref<5120x128xf32, #tpu.memory_space<vmem_shared>> -> memref<16x128xf32, #tpu.memory_space<vmem_shared>>
    %dma_start3A_102 = arith.constant 0 : i32
    %dma_start3A_103 = tpu.memref_slice %arg9[%add3A_99, %dma_start3A_102] : memref<5120x128xf32, #tpu.memory_space<vmem_shared>> -> memref<16x128xf32, #tpu.memory_space<vmem_shared>>
    tpu.enqueue_dma source(%arg8 : memref<16x128xf32, #tpu.memory_space<vmem>>) target(%dma_start3A_103 : memref<16x128xf32, #tpu.memory_space<vmem_shared>>) target_semaphore(%arg12 : memref<!tpu.dma_semaphore, #tpu.memory_space<semaphore_mem>>)
    %add3A_104 = arith.constant 256 : i32
    %add3A_105 = arith.addi %mul3A_8, %add3A_104 : i32
    %dma_start3A_106 = arith.constant 0 : i32
    %dma_start3A_107 = tpu.memref_slice %arg9[%add3A_105, %dma_start3A_106] : memref<5120x128xf32, #tpu.memory_space<vmem_shared>> -> memref<16x128xf32, #tpu.memory_space<vmem_shared>>
    %dma_start3A_108 = arith.constant 0 : i32
    %dma_start3A_109 = tpu.memref_slice %arg9[%add3A_105, %dma_start3A_108] : memref<5120x128xf32, #tpu.memory_space<vmem_shared>> -> memref<16x128xf32, #tpu.memory_space<vmem_shared>>
    tpu.enqueue_dma source(%arg7 : memref<16x128xf32, #tpu.memory_space<vmem>>) target(%dma_start3A_109 : memref<16x128xf32, #tpu.memory_space<vmem_shared>>) target_semaphore(%arg11 : memref<!tpu.dma_semaphore, #tpu.memory_space<semaphore_mem>>)
    %add3A_110 = arith.constant 272 : i32
    %add3A_111 = arith.addi %mul3A_8, %add3A_110 : i32
    %dma_start3A_112 = arith.constant 0 : i32
    %dma_start3A_113 = tpu.memref_slice %arg9[%add3A_111, %dma_start3A_112] : memref<5120x128xf32, #tpu.memory_space<vmem_shared>> -> memref<16x128xf32, #tpu.memory_space<vmem_shared>>
    %dma_start3A_114 = arith.constant 0 : i32
    %dma_start3A_115 = tpu.memref_slice %arg9[%add3A_111, %dma_start3A_114] : memref<5120x128xf32, #tpu.memory_space<vmem_shared>> -> memref<16x128xf32, #tpu.memory_space<vmem_shared>>
    tpu.enqueue_dma source(%arg8 : memref<16x128xf32, #tpu.memory_space<vmem>>) target(%dma_start3A_115 : memref<16x128xf32, #tpu.memory_space<vmem_shared>>) target_semaphore(%arg12 : memref<!tpu.dma_semaphore, #tpu.memory_space<semaphore_mem>>)
    %add3A_116 = arith.constant 288 : i32
    %add3A_117 = arith.addi %mul3A_8, %add3A_116 : i32
    %dma_start3A_118 = arith.constant 0 : i32
    %dma_start3A_119 = tpu.memref_slice %arg9[%add3A_117, %dma_start3A_118] : memref<5120x128xf32, #tpu.memory_space<vmem_shared>> -> memref<16x128xf32, #tpu.memory_space<vmem_shared>>
    %dma_start3A_120 = arith.constant 0 : i32
    %dma_start3A_121 = tpu.memref_slice %arg9[%add3A_117, %dma_start3A_120] : memref<5120x128xf32, #tpu.memory_space<vmem_shared>> -> memref<16x128xf32, #tpu.memory_space<vmem_shared>>
    tpu.enqueue_dma source(%arg7 : memref<16x128xf32, #tpu.memory_space<vmem>>) target(%dma_start3A_121 : memref<16x128xf32, #tpu.memory_space<vmem_shared>>) target_semaphore(%arg11 : memref<!tpu.dma_semaphore, #tpu.memory_space<semaphore_mem>>)
    %add3A_122 = arith.constant 304 : i32
    %add3A_123 = arith.addi %mul3A_8, %add3A_122 : i32
    %dma_start3A_124 = arith.constant 0 : i32
    %dma_start3A_125 = tpu.memref_slice %arg9[%add3A_123, %dma_start3A_124] : memref<5120x128xf32, #tpu.memory_space<vmem_shared>> -> memref<16x128xf32, #tpu.memory_space<vmem_shared>>
    %dma_start3A_126 = arith.constant 0 : i32
    %dma_start3A_127 = tpu.memref_slice %arg9[%add3A_123, %dma_start3A_126] : memref<5120x128xf32, #tpu.memory_space<vmem_shared>> -> memref<16x128xf32, #tpu.memory_space<vmem_shared>>
    tpu.enqueue_dma source(%arg8 : memref<16x128xf32, #tpu.memory_space<vmem>>) target(%dma_start3A_127 : memref<16x128xf32, #tpu.memory_space<vmem_shared>>) target_semaphore(%arg12 : memref<!tpu.dma_semaphore, #tpu.memory_space<semaphore_mem>>)
    %mul3A_128 = arith.constant 632 : i32
    %mul3A_129 = arith.muli %arg1, %mul3A_128 : i32
    "tpu.region"() ({
      %run_scoped3A_289 = tpu.sem_alloc : memref<!tpu.dma_semaphore, #tpu.memory_space<semaphore_mem>>
      %dma_start3A_290 = arith.constant 0 : i32
      %dma_start3A_291 = tpu.memref_slice %arg10[%mul3A_129, %dma_start3A_290] : memref<10112x128xf32, #tpu.memory_space<vmem_shared>> -> memref<632x128xf32, #tpu.memory_space<vmem_shared>>
      %dma_start3A_292 = arith.constant 0 : i32
      %dma_start3A_293 = tpu.memref_slice %arg3[%mul3A_129, %dma_start3A_292] : memref<10112x128xf32, #tpu.memory_space<hbm>> -> memref<632x128xf32, #tpu.memory_space<hbm>>
      tpu.enqueue_dma source(%dma_start3A_293 : memref<632x128xf32, #tpu.memory_space<hbm>>) target(%dma_start3A_291 : memref<632x128xf32, #tpu.memory_space<vmem_shared>>) target_semaphore(%run_scoped3A_289 : memref<!tpu.dma_semaphore, #tpu.memory_space<semaphore_mem>>)
      %dma_wait3A_294 = arith.constant 0 : i32
      %dma_wait3A_295 = tpu.memref_slice %arg10[%mul3A_129, %dma_wait3A_294] : memref<10112x128xf32, #tpu.memory_space<vmem_shared>> -> memref<632x128xf32, #tpu.memory_space<vmem_shared>>
      %dma_wait3A_296 = arith.constant 0 : i32
      %dma_wait3A_297 = tpu.memref_slice %arg3[%mul3A_129, %dma_wait3A_296] : memref<10112x128xf32, #tpu.memory_space<hbm>> -> memref<632x128xf32, #tpu.memory_space<hbm>>
      tpu.wait_dma2 semaphore(%run_scoped3A_289 : memref<!tpu.dma_semaphore, #tpu.memory_space<semaphore_mem>>) src(%dma_wait3A_297 : memref<632x128xf32, #tpu.memory_space<hbm>>) dst(%dma_wait3A_295 : memref<632x128xf32, #tpu.memory_space<vmem_shared>>)
      tpu.yield
    }) : () -> ()
    %add3A_130 = arith.constant 0 : i32
    %add3A_131 = arith.addi %mul3A_8, %add3A_130 : i32
    %dma_wait3A = arith.constant 0 : i32
    %dma_wait3A_132 = tpu.memref_slice %arg9[%add3A_131, %dma_wait3A] : memref<5120x128xf32, #tpu.memory_space<vmem_shared>> -> memref<16x128xf32, #tpu.memory_space<vmem_shared>>
    %dma_wait3A_133 = arith.constant 0 : i32
    %dma_wait3A_134 = tpu.memref_slice %arg9[%add3A_131, %dma_wait3A_133] : memref<5120x128xf32, #tpu.memory_space<vmem_shared>> -> memref<16x128xf32, #tpu.memory_space<vmem_shared>>
    tpu.wait_dma2 semaphore(%arg11 : memref<!tpu.dma_semaphore, #tpu.memory_space<semaphore_mem>>) src(%arg7 : memref<16x128xf32, #tpu.memory_space<vmem>>) dst(%dma_wait3A_134 : memref<16x128xf32, #tpu.memory_space<vmem_shared>>)
    %add3A_135 = arith.constant 16 : i32
    %add3A_136 = arith.addi %mul3A_8, %add3A_135 : i32
    %dma_wait3A_137 = arith.constant 0 : i32
    %dma_wait3A_138 = tpu.memref_slice %arg9[%add3A_136, %dma_wait3A_137] : memref<5120x128xf32, #tpu.memory_space<vmem_shared>> -> memref<16x128xf32, #tpu.memory_space<vmem_shared>>
    %dma_wait3A_139 = arith.constant 0 : i32
    %dma_wait3A_140 = tpu.memref_slice %arg9[%add3A_136, %dma_wait3A_139] : memref<5120x128xf32, #tpu.memory_space<vmem_shared>> -> memref<16x128xf32, #tpu.memory_space<vmem_shared>>
    tpu.wait_dma2 semaphore(%arg12 : memref<!tpu.dma_semaphore, #tpu.memory_space<semaphore_mem>>) src(%arg8 : memref<16x128xf32, #tpu.memory_space<vmem>>) dst(%dma_wait3A_140 : memref<16x128xf32, #tpu.memory_space<vmem_shared>>)
    %add3A_141 = arith.constant 32 : i32
    %add3A_142 = arith.addi %mul3A_8, %add3A_141 : i32
    %dma_wait3A_143 = arith.constant 0 : i32
    %dma_wait3A_144 = tpu.memref_slice %arg9[%add3A_142, %dma_wait3A_143] : memref<5120x128xf32, #tpu.memory_space<vmem_shared>> -> memref<16x128xf32, #tpu.memory_space<vmem_shared>>
    %dma_wait3A_145 = arith.constant 0 : i32
    %dma_wait3A_146 = tpu.memref_slice %arg9[%add3A_142, %dma_wait3A_145] : memref<5120x128xf32, #tpu.memory_space<vmem_shared>> -> memref<16x128xf32, #tpu.memory_space<vmem_shared>>
    tpu.wait_dma2 semaphore(%arg11 : memref<!tpu.dma_semaphore, #tpu.memory_space<semaphore_mem>>) src(%arg7 : memref<16x128xf32, #tpu.memory_space<vmem>>) dst(%dma_wait3A_146 : memref<16x128xf32, #tpu.memory_space<vmem_shared>>)
    %add3A_147 = arith.constant 48 : i32
    %add3A_148 = arith.addi %mul3A_8, %add3A_147 : i32
    %dma_wait3A_149 = arith.constant 0 : i32
    %dma_wait3A_150 = tpu.memref_slice %arg9[%add3A_148, %dma_wait3A_149] : memref<5120x128xf32, #tpu.memory_space<vmem_shared>> -> memref<16x128xf32, #tpu.memory_space<vmem_shared>>
    %dma_wait3A_151 = arith.constant 0 : i32
    %dma_wait3A_152 = tpu.memref_slice %arg9[%add3A_148, %dma_wait3A_151] : memref<5120x128xf32, #tpu.memory_space<vmem_shared>> -> memref<16x128xf32, #tpu.memory_space<vmem_shared>>
    tpu.wait_dma2 semaphore(%arg12 : memref<!tpu.dma_semaphore, #tpu.memory_space<semaphore_mem>>) src(%arg8 : memref<16x128xf32, #tpu.memory_space<vmem>>) dst(%dma_wait3A_152 : memref<16x128xf32, #tpu.memory_space<vmem_shared>>)
    %add3A_153 = arith.constant 64 : i32
    %add3A_154 = arith.addi %mul3A_8, %add3A_153 : i32
    %dma_wait3A_155 = arith.constant 0 : i32
    %dma_wait3A_156 = tpu.memref_slice %arg9[%add3A_154, %dma_wait3A_155] : memref<5120x128xf32, #tpu.memory_space<vmem_shared>> -> memref<16x128xf32, #tpu.memory_space<vmem_shared>>
    %dma_wait3A_157 = arith.constant 0 : i32
    %dma_wait3A_158 = tpu.memref_slice %arg9[%add3A_154, %dma_wait3A_157] : memref<5120x128xf32, #tpu.memory_space<vmem_shared>> -> memref<16x128xf32, #tpu.memory_space<vmem_shared>>
    tpu.wait_dma2 semaphore(%arg11 : memref<!tpu.dma_semaphore, #tpu.memory_space<semaphore_mem>>) src(%arg7 : memref<16x128xf32, #tpu.memory_space<vmem>>) dst(%dma_wait3A_158 : memref<16x128xf32, #tpu.memory_space<vmem_shared>>)
    %add3A_159 = arith.constant 80 : i32
    %add3A_160 = arith.addi %mul3A_8, %add3A_159 : i32
    %dma_wait3A_161 = arith.constant 0 : i32
    %dma_wait3A_162 = tpu.memref_slice %arg9[%add3A_160, %dma_wait3A_161] : memref<5120x128xf32, #tpu.memory_space<vmem_shared>> -> memref<16x128xf32, #tpu.memory_space<vmem_shared>>
    %dma_wait3A_163 = arith.constant 0 : i32
    %dma_wait3A_164 = tpu.memref_slice %arg9[%add3A_160, %dma_wait3A_163] : memref<5120x128xf32, #tpu.memory_space<vmem_shared>> -> memref<16x128xf32, #tpu.memory_space<vmem_shared>>
    tpu.wait_dma2 semaphore(%arg12 : memref<!tpu.dma_semaphore, #tpu.memory_space<semaphore_mem>>) src(%arg8 : memref<16x128xf32, #tpu.memory_space<vmem>>) dst(%dma_wait3A_164 : memref<16x128xf32, #tpu.memory_space<vmem_shared>>)
    %add3A_165 = arith.constant 96 : i32
    %add3A_166 = arith.addi %mul3A_8, %add3A_165 : i32
    %dma_wait3A_167 = arith.constant 0 : i32
    %dma_wait3A_168 = tpu.memref_slice %arg9[%add3A_166, %dma_wait3A_167] : memref<5120x128xf32, #tpu.memory_space<vmem_shared>> -> memref<16x128xf32, #tpu.memory_space<vmem_shared>>
    %dma_wait3A_169 = arith.constant 0 : i32
    %dma_wait3A_170 = tpu.memref_slice %arg9[%add3A_166, %dma_wait3A_169] : memref<5120x128xf32, #tpu.memory_space<vmem_shared>> -> memref<16x128xf32, #tpu.memory_space<vmem_shared>>
    tpu.wait_dma2 semaphore(%arg11 : memref<!tpu.dma_semaphore, #tpu.memory_space<semaphore_mem>>) src(%arg7 : memref<16x128xf32, #tpu.memory_space<vmem>>) dst(%dma_wait3A_170 : memref<16x128xf32, #tpu.memory_space<vmem_shared>>)
    %add3A_171 = arith.constant 112 : i32
    %add3A_172 = arith.addi %mul3A_8, %add3A_171 : i32
    %dma_wait3A_173 = arith.constant 0 : i32
    %dma_wait3A_174 = tpu.memref_slice %arg9[%add3A_172, %dma_wait3A_173] : memref<5120x128xf32, #tpu.memory_space<vmem_shared>> -> memref<16x128xf32, #tpu.memory_space<vmem_shared>>
    %dma_wait3A_175 = arith.constant 0 : i32
    %dma_wait3A_176 = tpu.memref_slice %arg9[%add3A_172, %dma_wait3A_175] : memref<5120x128xf32, #tpu.memory_space<vmem_shared>> -> memref<16x128xf32, #tpu.memory_space<vmem_shared>>
    tpu.wait_dma2 semaphore(%arg12 : memref<!tpu.dma_semaphore, #tpu.memory_space<semaphore_mem>>) src(%arg8 : memref<16x128xf32, #tpu.memory_space<vmem>>) dst(%dma_wait3A_176 : memref<16x128xf32, #tpu.memory_space<vmem_shared>>)
    %add3A_177 = arith.constant 128 : i32
    %add3A_178 = arith.addi %mul3A_8, %add3A_177 : i32
    %dma_wait3A_179 = arith.constant 0 : i32
    %dma_wait3A_180 = tpu.memref_slice %arg9[%add3A_178, %dma_wait3A_179] : memref<5120x128xf32, #tpu.memory_space<vmem_shared>> -> memref<16x128xf32, #tpu.memory_space<vmem_shared>>
    %dma_wait3A_181 = arith.constant 0 : i32
    %dma_wait3A_182 = tpu.memref_slice %arg9[%add3A_178, %dma_wait3A_181] : memref<5120x128xf32, #tpu.memory_space<vmem_shared>> -> memref<16x128xf32, #tpu.memory_space<vmem_shared>>
    tpu.wait_dma2 semaphore(%arg11 : memref<!tpu.dma_semaphore, #tpu.memory_space<semaphore_mem>>) src(%arg7 : memref<16x128xf32, #tpu.memory_space<vmem>>) dst(%dma_wait3A_182 : memref<16x128xf32, #tpu.memory_space<vmem_shared>>)
    %add3A_183 = arith.constant 144 : i32
    %add3A_184 = arith.addi %mul3A_8, %add3A_183 : i32
    %dma_wait3A_185 = arith.constant 0 : i32
    %dma_wait3A_186 = tpu.memref_slice %arg9[%add3A_184, %dma_wait3A_185] : memref<5120x128xf32, #tpu.memory_space<vmem_shared>> -> memref<16x128xf32, #tpu.memory_space<vmem_shared>>
    %dma_wait3A_187 = arith.constant 0 : i32
    %dma_wait3A_188 = tpu.memref_slice %arg9[%add3A_184, %dma_wait3A_187] : memref<5120x128xf32, #tpu.memory_space<vmem_shared>> -> memref<16x128xf32, #tpu.memory_space<vmem_shared>>
    tpu.wait_dma2 semaphore(%arg12 : memref<!tpu.dma_semaphore, #tpu.memory_space<semaphore_mem>>) src(%arg8 : memref<16x128xf32, #tpu.memory_space<vmem>>) dst(%dma_wait3A_188 : memref<16x128xf32, #tpu.memory_space<vmem_shared>>)
    %add3A_189 = arith.constant 160 : i32
    %add3A_190 = arith.addi %mul3A_8, %add3A_189 : i32
    %dma_wait3A_191 = arith.constant 0 : i32
    %dma_wait3A_192 = tpu.memref_slice %arg9[%add3A_190, %dma_wait3A_191] : memref<5120x128xf32, #tpu.memory_space<vmem_shared>> -> memref<16x128xf32, #tpu.memory_space<vmem_shared>>
    %dma_wait3A_193 = arith.constant 0 : i32
    %dma_wait3A_194 = tpu.memref_slice %arg9[%add3A_190, %dma_wait3A_193] : memref<5120x128xf32, #tpu.memory_space<vmem_shared>> -> memref<16x128xf32, #tpu.memory_space<vmem_shared>>
    tpu.wait_dma2 semaphore(%arg11 : memref<!tpu.dma_semaphore, #tpu.memory_space<semaphore_mem>>) src(%arg7 : memref<16x128xf32, #tpu.memory_space<vmem>>) dst(%dma_wait3A_194 : memref<16x128xf32, #tpu.memory_space<vmem_shared>>)
    %add3A_195 = arith.constant 176 : i32
    %add3A_196 = arith.addi %mul3A_8, %add3A_195 : i32
    %dma_wait3A_197 = arith.constant 0 : i32
    %dma_wait3A_198 = tpu.memref_slice %arg9[%add3A_196, %dma_wait3A_197] : memref<5120x128xf32, #tpu.memory_space<vmem_shared>> -> memref<16x128xf32, #tpu.memory_space<vmem_shared>>
    %dma_wait3A_199 = arith.constant 0 : i32
    %dma_wait3A_200 = tpu.memref_slice %arg9[%add3A_196, %dma_wait3A_199] : memref<5120x128xf32, #tpu.memory_space<vmem_shared>> -> memref<16x128xf32, #tpu.memory_space<vmem_shared>>
    tpu.wait_dma2 semaphore(%arg12 : memref<!tpu.dma_semaphore, #tpu.memory_space<semaphore_mem>>) src(%arg8 : memref<16x128xf32, #tpu.memory_space<vmem>>) dst(%dma_wait3A_200 : memref<16x128xf32, #tpu.memory_space<vmem_shared>>)
    %add3A_201 = arith.constant 192 : i32
    %add3A_202 = arith.addi %mul3A_8, %add3A_201 : i32
    %dma_wait3A_203 = arith.constant 0 : i32
    %dma_wait3A_204 = tpu.memref_slice %arg9[%add3A_202, %dma_wait3A_203] : memref<5120x128xf32, #tpu.memory_space<vmem_shared>> -> memref<16x128xf32, #tpu.memory_space<vmem_shared>>
    %dma_wait3A_205 = arith.constant 0 : i32
    %dma_wait3A_206 = tpu.memref_slice %arg9[%add3A_202, %dma_wait3A_205] : memref<5120x128xf32, #tpu.memory_space<vmem_shared>> -> memref<16x128xf32, #tpu.memory_space<vmem_shared>>
    tpu.wait_dma2 semaphore(%arg11 : memref<!tpu.dma_semaphore, #tpu.memory_space<semaphore_mem>>) src(%arg7 : memref<16x128xf32, #tpu.memory_space<vmem>>) dst(%dma_wait3A_206 : memref<16x128xf32, #tpu.memory_space<vmem_shared>>)
    %add3A_207 = arith.constant 208 : i32
    %add3A_208 = arith.addi %mul3A_8, %add3A_207 : i32
    %dma_wait3A_209 = arith.constant 0 : i32
    %dma_wait3A_210 = tpu.memref_slice %arg9[%add3A_208, %dma_wait3A_209] : memref<5120x128xf32, #tpu.memory_space<vmem_shared>> -> memref<16x128xf32, #tpu.memory_space<vmem_shared>>
    %dma_wait3A_211 = arith.constant 0 : i32
    %dma_wait3A_212 = tpu.memref_slice %arg9[%add3A_208, %dma_wait3A_211] : memref<5120x128xf32, #tpu.memory_space<vmem_shared>> -> memref<16x128xf32, #tpu.memory_space<vmem_shared>>
    tpu.wait_dma2 semaphore(%arg12 : memref<!tpu.dma_semaphore, #tpu.memory_space<semaphore_mem>>) src(%arg8 : memref<16x128xf32, #tpu.memory_space<vmem>>) dst(%dma_wait3A_212 : memref<16x128xf32, #tpu.memory_space<vmem_shared>>)
    %add3A_213 = arith.constant 224 : i32
    %add3A_214 = arith.addi %mul3A_8, %add3A_213 : i32
    %dma_wait3A_215 = arith.constant 0 : i32
    %dma_wait3A_216 = tpu.memref_slice %arg9[%add3A_214, %dma_wait3A_215] : memref<5120x128xf32, #tpu.memory_space<vmem_shared>> -> memref<16x128xf32, #tpu.memory_space<vmem_shared>>
    %dma_wait3A_217 = arith.constant 0 : i32
    %dma_wait3A_218 = tpu.memref_slice %arg9[%add3A_214, %dma_wait3A_217] : memref<5120x128xf32, #tpu.memory_space<vmem_shared>> -> memref<16x128xf32, #tpu.memory_space<vmem_shared>>
    tpu.wait_dma2 semaphore(%arg11 : memref<!tpu.dma_semaphore, #tpu.memory_space<semaphore_mem>>) src(%arg7 : memref<16x128xf32, #tpu.memory_space<vmem>>) dst(%dma_wait3A_218 : memref<16x128xf32, #tpu.memory_space<vmem_shared>>)
    %add3A_219 = arith.constant 240 : i32
    %add3A_220 = arith.addi %mul3A_8, %add3A_219 : i32
    %dma_wait3A_221 = arith.constant 0 : i32
    %dma_wait3A_222 = tpu.memref_slice %arg9[%add3A_220, %dma_wait3A_221] : memref<5120x128xf32, #tpu.memory_space<vmem_shared>> -> memref<16x128xf32, #tpu.memory_space<vmem_shared>>
    %dma_wait3A_223 = arith.constant 0 : i32
    %dma_wait3A_224 = tpu.memref_slice %arg9[%add3A_220, %dma_wait3A_223] : memref<5120x128xf32, #tpu.memory_space<vmem_shared>> -> memref<16x128xf32, #tpu.memory_space<vmem_shared>>
    tpu.wait_dma2 semaphore(%arg12 : memref<!tpu.dma_semaphore, #tpu.memory_space<semaphore_mem>>) src(%arg8 : memref<16x128xf32, #tpu.memory_space<vmem>>) dst(%dma_wait3A_224 : memref<16x128xf32, #tpu.memory_space<vmem_shared>>)
    %add3A_225 = arith.constant 256 : i32
    %add3A_226 = arith.addi %mul3A_8, %add3A_225 : i32
    %dma_wait3A_227 = arith.constant 0 : i32
    %dma_wait3A_228 = tpu.memref_slice %arg9[%add3A_226, %dma_wait3A_227] : memref<5120x128xf32, #tpu.memory_space<vmem_shared>> -> memref<16x128xf32, #tpu.memory_space<vmem_shared>>
    %dma_wait3A_229 = arith.constant 0 : i32
    %dma_wait3A_230 = tpu.memref_slice %arg9[%add3A_226, %dma_wait3A_229] : memref<5120x128xf32, #tpu.memory_space<vmem_shared>> -> memref<16x128xf32, #tpu.memory_space<vmem_shared>>
    tpu.wait_dma2 semaphore(%arg11 : memref<!tpu.dma_semaphore, #tpu.memory_space<semaphore_mem>>) src(%arg7 : memref<16x128xf32, #tpu.memory_space<vmem>>) dst(%dma_wait3A_230 : memref<16x128xf32, #tpu.memory_space<vmem_shared>>)
    %add3A_231 = arith.constant 272 : i32
    %add3A_232 = arith.addi %mul3A_8, %add3A_231 : i32
    %dma_wait3A_233 = arith.constant 0 : i32
    %dma_wait3A_234 = tpu.memref_slice %arg9[%add3A_232, %dma_wait3A_233] : memref<5120x128xf32, #tpu.memory_space<vmem_shared>> -> memref<16x128xf32, #tpu.memory_space<vmem_shared>>
    %dma_wait3A_235 = arith.constant 0 : i32
    %dma_wait3A_236 = tpu.memref_slice %arg9[%add3A_232, %dma_wait3A_235] : memref<5120x128xf32, #tpu.memory_space<vmem_shared>> -> memref<16x128xf32, #tpu.memory_space<vmem_shared>>
    tpu.wait_dma2 semaphore(%arg12 : memref<!tpu.dma_semaphore, #tpu.memory_space<semaphore_mem>>) src(%arg8 : memref<16x128xf32, #tpu.memory_space<vmem>>) dst(%dma_wait3A_236 : memref<16x128xf32, #tpu.memory_space<vmem_shared>>)
    %add3A_237 = arith.constant 288 : i32
    %add3A_238 = arith.addi %mul3A_8, %add3A_237 : i32
    %dma_wait3A_239 = arith.constant 0 : i32
    %dma_wait3A_240 = tpu.memref_slice %arg9[%add3A_238, %dma_wait3A_239] : memref<5120x128xf32, #tpu.memory_space<vmem_shared>> -> memref<16x128xf32, #tpu.memory_space<vmem_shared>>
    %dma_wait3A_241 = arith.constant 0 : i32
    %dma_wait3A_242 = tpu.memref_slice %arg9[%add3A_238, %dma_wait3A_241] : memref<5120x128xf32, #tpu.memory_space<vmem_shared>> -> memref<16x128xf32, #tpu.memory_space<vmem_shared>>
    tpu.wait_dma2 semaphore(%arg11 : memref<!tpu.dma_semaphore, #tpu.memory_space<semaphore_mem>>) src(%arg7 : memref<16x128xf32, #tpu.memory_space<vmem>>) dst(%dma_wait3A_242 : memref<16x128xf32, #tpu.memory_space<vmem_shared>>)
    %add3A_243 = arith.constant 304 : i32
    %add3A_244 = arith.addi %mul3A_8, %add3A_243 : i32
    %dma_wait3A_245 = arith.constant 0 : i32
    %dma_wait3A_246 = tpu.memref_slice %arg9[%add3A_244, %dma_wait3A_245] : memref<5120x128xf32, #tpu.memory_space<vmem_shared>> -> memref<16x128xf32, #tpu.memory_space<vmem_shared>>
    %dma_wait3A_247 = arith.constant 0 : i32
    %dma_wait3A_248 = tpu.memref_slice %arg9[%add3A_244, %dma_wait3A_247] : memref<5120x128xf32, #tpu.memory_space<vmem_shared>> -> memref<16x128xf32, #tpu.memory_space<vmem_shared>>
    tpu.wait_dma2 semaphore(%arg12 : memref<!tpu.dma_semaphore, #tpu.memory_space<semaphore_mem>>) src(%arg8 : memref<16x128xf32, #tpu.memory_space<vmem>>) dst(%dma_wait3A_248 : memref<16x128xf32, #tpu.memory_space<vmem_shared>>)
    %barrier3A = arith.constant 0 : index
    tpu.barrier barrier_id(%barrier3A)
    %run_scoped3A = arith.constant 0 : i32
    "tpu.region"() ({
      %run_scoped3A_289 = tpu.sem_alloc : memref<!tpu.dma_semaphore, #tpu.memory_space<semaphore_mem>>
      %dma_start3A_290 = arith.constant 0 : i32
      %dma_start3A_291 = arith.constant 0 : i32
      %dma_start3A_292 = tpu.memref_slice %arg2[%add3A, %run_scoped3A, %dma_start3A_290, %dma_start3A_291] : memref<32x41x8x128xi32, #tpu.memory_space<hbm>> -> memref<1x1x8x128xi32, #tpu.memory_space<hbm>>
      %dma_start3A_293 = tpu.memref_squeeze %dma_start3A_292 : memref<1x1x8x128xi32, #tpu.memory_space<hbm>> -> memref<8x128xi32, #tpu.memory_space<hbm>>
      %dma_start3A_294 = arith.constant 0 : i32
      %dma_start3A_295 = arith.constant 0 : i32
      %dma_start3A_296 = tpu.memref_slice %arg2[%add3A, %run_scoped3A, %dma_start3A_294, %dma_start3A_295] : memref<32x41x8x128xi32, #tpu.memory_space<hbm>> -> memref<1x1x8x128xi32, #tpu.memory_space<hbm>>
      %dma_start3A_297 = tpu.memref_squeeze %dma_start3A_296 : memref<1x1x8x128xi32, #tpu.memory_space<hbm>> -> memref<8x128xi32, #tpu.memory_space<hbm>>
      tpu.enqueue_dma source(%dma_start3A_297 : memref<8x128xi32, #tpu.memory_space<hbm>>) target(%arg5 : memref<8x128xi32, #tpu.memory_space<vmem>>) target_semaphore(%run_scoped3A_289 : memref<!tpu.dma_semaphore, #tpu.memory_space<semaphore_mem>>)
      %dma_wait3A_298 = arith.constant 0 : i32
      %dma_wait3A_299 = arith.constant 0 : i32
      %dma_wait3A_300 = tpu.memref_slice %arg2[%add3A, %run_scoped3A, %dma_wait3A_298, %dma_wait3A_299] : memref<32x41x8x128xi32, #tpu.memory_space<hbm>> -> memref<1x1x8x128xi32, #tpu.memory_space<hbm>>
      %dma_wait3A_301 = tpu.memref_squeeze %dma_wait3A_300 : memref<1x1x8x128xi32, #tpu.memory_space<hbm>> -> memref<8x128xi32, #tpu.memory_space<hbm>>
      %dma_wait3A_302 = arith.constant 0 : i32
      %dma_wait3A_303 = arith.constant 0 : i32
      %dma_wait3A_304 = tpu.memref_slice %arg2[%add3A, %run_scoped3A, %dma_wait3A_302, %dma_wait3A_303] : memref<32x41x8x128xi32, #tpu.memory_space<hbm>> -> memref<1x1x8x128xi32, #tpu.memory_space<hbm>>
      %dma_wait3A_305 = tpu.memref_squeeze %dma_wait3A_304 : memref<1x1x8x128xi32, #tpu.memory_space<hbm>> -> memref<8x128xi32, #tpu.memory_space<hbm>>
      tpu.wait_dma2 semaphore(%run_scoped3A_289 : memref<!tpu.dma_semaphore, #tpu.memory_space<semaphore_mem>>) src(%dma_wait3A_305 : memref<8x128xi32, #tpu.memory_space<hbm>>) dst(%arg5 : memref<8x128xi32, #tpu.memory_space<vmem>>)
      tpu.yield
    }) : () -> ()
    %get3A = arith.constant 0 : i32
    %get3A_249 = arith.index_cast %get3A : i32 to index
    %get3A_250 = arith.constant 0 : index
    %get3A_251 = tpu.vector_load %arg5[%get3A_249, %get3A_250] {strides = array<i32>} : memref<8x128xi32, #tpu.memory_space<vmem>>, vector<1x16xi32>,
    %get3A_252 = vector.shape_cast %get3A_251 : vector<1x16xi32> to vector<16xi32>
    %dma_start3A_253 = arith.constant 0 : i32
    %dma_start3A_254 = arith.constant 0 : i32
    %dma_start3A_255 = tpu.memref_slice %arg10[%dma_start3A_253, %dma_start3A_254] : memref<10112x128xf32, #tpu.memory_space<vmem_shared>> -> memref<10112x128xf32, #tpu.memory_space<vmem_shared>>
    tpu.enqueue_indirect_dma source(%dma_start3A_255 : memref<10112x128xf32, #tpu.memory_space<vmem_shared>>) target(%arg7 : memref<16x128xf32, #tpu.memory_space<vmem>>) offsets(%get3A_252 : vector<16xi32>) semaphore(%arg11 : memref<!tpu.dma_semaphore, #tpu.memory_space<semaphore_mem>>)
    %get3A_256 = arith.constant 0 : i32
    %get3A_257 = arith.index_cast %get3A_256 : i32 to index
    %get3A_258 = arith.constant 16 : index
    %get3A_259 = tpu.vector_load %arg5[%get3A_257, %get3A_258] {strides = array<i32>} : memref<8x128xi32, #tpu.memory_space<vmem>>, vector<1x16xi32>,
    %get3A_260 = vector.shape_cast %get3A_259 : vector<1x16xi32> to vector<16xi32>
    %dma_start3A_261 = arith.constant 0 : i32
    %dma_start3A_262 = arith.constant 0 : i32
    %dma_start3A_263 = tpu.memref_slice %arg9[%dma_start3A_261, %dma_start3A_262] : memref<5120x128xf32, #tpu.memory_space<vmem_shared>> -> memref<5120x128xf32, #tpu.memory_space<vmem_shared>>
    tpu.enqueue_indirect_dma source(%arg8 : memref<16x128xf32, #tpu.memory_space<vmem>>) target(%dma_start3A_263 : memref<5120x128xf32, #tpu.memory_space<vmem_shared>>) offsets(%get3A_260 : vector<16xi32>) semaphore(%arg14 : memref<!tpu.dma_semaphore, #tpu.memory_space<semaphore_mem>>) {add = true}
    %scan3A_264 = arith.constant 0 : i32
    %scan3A_265 = arith.constant 0 : i32
    %scan3A_266 = arith.constant 20 : i32
    %scan3A_267 = arith.addi %scan3A_265, %scan3A_266 : i32
    %scan3A_268 = arith.constant 1 : i32
    scf.for %scan3A_289 = %scan3A_265 to %scan3A_267 step %scan3A_268  : i32 {
      %mul3A_290 = arith.constant 2 : i32
      %mul3A_291 = arith.muli %scan3A_289, %mul3A_290 : i32
      %add3A_292 = arith.constant 0 : i32
      %add3A_293 = arith.addi %mul3A_291, %add3A_292 : i32
      %get3A_294 = arith.constant 0 : i32
      %get3A_295 = arith.index_cast %get3A_294 : i32 to index
      %get3A_296 = arith.constant 0 : index
      %get3A_297 = tpu.vector_load %arg5[%get3A_295, %get3A_296] {strides = array<i32>} : memref<8x128xi32, #tpu.memory_space<vmem>>, vector<1x16xi32>,
      %get3A_298 = vector.shape_cast %get3A_297 : vector<1x16xi32> to vector<16xi32>
      %dma_wait3A_299 = arith.constant 0 : i32
      %dma_wait3A_300 = arith.constant 0 : i32
      %dma_wait3A_301 = tpu.memref_slice %arg10[%dma_wait3A_299, %dma_wait3A_300] : memref<10112x128xf32, #tpu.memory_space<vmem_shared>> -> memref<10112x128xf32, #tpu.memory_space<vmem_shared>>
      tpu.wait_indirect_dma semaphore(%arg11 : memref<!tpu.dma_semaphore, #tpu.memory_space<semaphore_mem>>) src(%dma_wait3A_301 : memref<10112x128xf32, #tpu.memory_space<vmem_shared>>) dst(%arg7 : memref<16x128xf32, #tpu.memory_space<vmem>>)
      %get3A_302 = arith.constant 0 : i32
      %get3A_303 = arith.index_cast %get3A_302 : i32 to index
      %get3A_304 = arith.constant 16 : index
      %get3A_305 = tpu.vector_load %arg5[%get3A_303, %get3A_304] {strides = array<i32>} : memref<8x128xi32, #tpu.memory_space<vmem>>, vector<1x16xi32>,
      %get3A_306 = vector.shape_cast %get3A_305 : vector<1x16xi32> to vector<16xi32>
      %dma_start3A_307 = arith.constant 0 : i32
      %dma_start3A_308 = arith.constant 0 : i32
      %dma_start3A_309 = tpu.memref_slice %arg9[%dma_start3A_307, %dma_start3A_308] : memref<5120x128xf32, #tpu.memory_space<vmem_shared>> -> memref<5120x128xf32, #tpu.memory_space<vmem_shared>>
      tpu.enqueue_indirect_dma source(%arg7 : memref<16x128xf32, #tpu.memory_space<vmem>>) target(%dma_start3A_309 : memref<5120x128xf32, #tpu.memory_space<vmem_shared>>) offsets(%get3A_306 : vector<16xi32>) semaphore(%arg13 : memref<!tpu.dma_semaphore, #tpu.memory_space<semaphore_mem>>) {add = true}
      %get3A_310 = arith.constant 0 : i32
      %get3A_311 = arith.index_cast %get3A_310 : i32 to index
      %get3A_312 = arith.constant 16 : index
      %get3A_313 = tpu.vector_load %arg5[%get3A_311, %get3A_312] {strides = array<i32>} : memref<8x128xi32, #tpu.memory_space<vmem>>, vector<1x16xi32>,
      %get3A_314 = vector.shape_cast %get3A_313 : vector<1x16xi32> to vector<16xi32>
      %dma_wait3A_315 = arith.constant 0 : i32
      %dma_wait3A_316 = arith.constant 0 : i32
      %dma_wait3A_317 = tpu.memref_slice %arg9[%dma_wait3A_315, %dma_wait3A_316] : memref<5120x128xf32, #tpu.memory_space<vmem_shared>> -> memref<5120x128xf32, #tpu.memory_space<vmem_shared>>
      tpu.wait_indirect_dma semaphore(%arg14 : memref<!tpu.dma_semaphore, #tpu.memory_space<semaphore_mem>>) src(%arg8 : memref<16x128xf32, #tpu.memory_space<vmem>>) dst(%dma_wait3A_317 : memref<5120x128xf32, #tpu.memory_space<vmem_shared>>)
      %get3A_318 = arith.constant 0 : i32
      %get3A_319 = arith.index_cast %get3A_318 : i32 to index
      %get3A_320 = arith.constant 32 : index
      %get3A_321 = tpu.vector_load %arg5[%get3A_319, %get3A_320] {strides = array<i32>} : memref<8x128xi32, #tpu.memory_space<vmem>>, vector<1x16xi32>,
      %get3A_322 = vector.shape_cast %get3A_321 : vector<1x16xi32> to vector<16xi32>
      %dma_start3A_323 = arith.constant 0 : i32
      %dma_start3A_324 = arith.constant 0 : i32
      %dma_start3A_325 = tpu.memref_slice %arg10[%dma_start3A_323, %dma_start3A_324] : memref<10112x128xf32, #tpu.memory_space<vmem_shared>> -> memref<10112x128xf32, #tpu.memory_space<vmem_shared>>
      tpu.enqueue_indirect_dma source(%dma_start3A_325 : memref<10112x128xf32, #tpu.memory_space<vmem_shared>>) target(%arg8 : memref<16x128xf32, #tpu.memory_space<vmem>>) offsets(%get3A_322 : vector<16xi32>) semaphore(%arg12 : memref<!tpu.dma_semaphore, #tpu.memory_space<semaphore_mem>>)
      %get3A_326 = arith.constant 0 : i32
      %get3A_327 = arith.index_cast %get3A_326 : i32 to index
      %get3A_328 = arith.constant 32 : index
      %get3A_329 = tpu.vector_load %arg5[%get3A_327, %get3A_328] {strides = array<i32>} : memref<8x128xi32, #tpu.memory_space<vmem>>, vector<1x16xi32>,
      %get3A_330 = vector.shape_cast %get3A_329 : vector<1x16xi32> to vector<16xi32>
      %dma_wait3A_331 = arith.constant 0 : i32
      %dma_wait3A_332 = arith.constant 0 : i32
      %dma_wait3A_333 = tpu.memref_slice %arg10[%dma_wait3A_331, %dma_wait3A_332] : memref<10112x128xf32, #tpu.memory_space<vmem_shared>> -> memref<10112x128xf32, #tpu.memory_space<vmem_shared>>
      tpu.wait_indirect_dma semaphore(%arg12 : memref<!tpu.dma_semaphore, #tpu.memory_space<semaphore_mem>>) src(%dma_wait3A_333 : memref<10112x128xf32, #tpu.memory_space<vmem_shared>>) dst(%arg8 : memref<16x128xf32, #tpu.memory_space<vmem>>)
      %get3A_334 = arith.constant 0 : i32
      %get3A_335 = arith.index_cast %get3A_334 : i32 to index
      %get3A_336 = arith.constant 48 : index
      %get3A_337 = tpu.vector_load %arg5[%get3A_335, %get3A_336] {strides = array<i32>} : memref<8x128xi32, #tpu.memory_space<vmem>>, vector<1x16xi32>,
      %get3A_338 = vector.shape_cast %get3A_337 : vector<1x16xi32> to vector<16xi32>
      %dma_start3A_339 = arith.constant 0 : i32
      %dma_start3A_340 = arith.constant 0 : i32
      %dma_start3A_341 = tpu.memref_slice %arg9[%dma_start3A_339, %dma_start3A_340] : memref<5120x128xf32, #tpu.memory_space<vmem_shared>> -> memref<5120x128xf32, #tpu.memory_space<vmem_shared>>
      tpu.enqueue_indirect_dma source(%arg8 : memref<16x128xf32, #tpu.memory_space<vmem>>) target(%dma_start3A_341 : memref<5120x128xf32, #tpu.memory_space<vmem_shared>>) offsets(%get3A_338 : vector<16xi32>) semaphore(%arg14 : memref<!tpu.dma_semaphore, #tpu.memory_space<semaphore_mem>>) {add = true}
      %get3A_342 = arith.constant 0 : i32
      %get3A_343 = arith.index_cast %get3A_342 : i32 to index
      %get3A_344 = arith.constant 48 : index
      %get3A_345 = tpu.vector_load %arg5[%get3A_343, %get3A_344] {strides = array<i32>} : memref<8x128xi32, #tpu.memory_space<vmem>>, vector<1x16xi32>,
      %get3A_346 = vector.shape_cast %get3A_345 : vector<1x16xi32> to vector<16xi32>
      %dma_wait3A_347 = arith.constant 0 : i32
      %dma_wait3A_348 = arith.constant 0 : i32
      %dma_wait3A_349 = tpu.memref_slice %arg9[%dma_wait3A_347, %dma_wait3A_348] : memref<5120x128xf32, #tpu.memory_space<vmem_shared>> -> memref<5120x128xf32, #tpu.memory_space<vmem_shared>>
      tpu.wait_indirect_dma semaphore(%arg13 : memref<!tpu.dma_semaphore, #tpu.memory_space<semaphore_mem>>) src(%arg7 : memref<16x128xf32, #tpu.memory_space<vmem>>) dst(%dma_wait3A_349 : memref<5120x128xf32, #tpu.memory_space<vmem_shared>>)
      %get3A_350 = arith.constant 0 : i32
      %get3A_351 = arith.index_cast %get3A_350 : i32 to index
      %get3A_352 = arith.constant 64 : index
      %get3A_353 = tpu.vector_load %arg5[%get3A_351, %get3A_352] {strides = array<i32>} : memref<8x128xi32, #tpu.memory_space<vmem>>, vector<1x16xi32>,
      %get3A_354 = vector.shape_cast %get3A_353 : vector<1x16xi32> to vector<16xi32>
      %dma_start3A_355 = arith.constant 0 : i32
      %dma_start3A_356 = arith.constant 0 : i32
      %dma_start3A_357 = tpu.memref_slice %arg10[%dma_start3A_355, %dma_start3A_356] : memref<10112x128xf32, #tpu.memory_space<vmem_shared>> -> memref<10112x128xf32, #tpu.memory_space<vmem_shared>>
      tpu.enqueue_indirect_dma source(%dma_start3A_357 : memref<10112x128xf32, #tpu.memory_space<vmem_shared>>) target(%arg7 : memref<16x128xf32, #tpu.memory_space<vmem>>) offsets(%get3A_354 : vector<16xi32>) semaphore(%arg11 : memref<!tpu.dma_semaphore, #tpu.memory_space<semaphore_mem>>)
      %get3A_358 = arith.constant 0 : i32
      %get3A_359 = arith.index_cast %get3A_358 : i32 to index
      %get3A_360 = arith.constant 64 : index
      %get3A_361 = tpu.vector_load %arg5[%get3A_359, %get3A_360] {strides = array<i32>} : memref<8x128xi32, #tpu.memory_space<vmem>>, vector<1x16xi32>,
      %get3A_362 = vector.shape_cast %get3A_361 : vector<1x16xi32> to vector<16xi32>
      %dma_wait3A_363 = arith.constant 0 : i32
      %dma_wait3A_364 = arith.constant 0 : i32
      %dma_wait3A_365 = tpu.memref_slice %arg10[%dma_wait3A_363, %dma_wait3A_364] : memref<10112x128xf32, #tpu.memory_space<vmem_shared>> -> memref<10112x128xf32, #tpu.memory_space<vmem_shared>>
      tpu.wait_indirect_dma semaphore(%arg11 : memref<!tpu.dma_semaphore, #tpu.memory_space<semaphore_mem>>) src(%dma_wait3A_365 : memref<10112x128xf32, #tpu.memory_space<vmem_shared>>) dst(%arg7 : memref<16x128xf32, #tpu.memory_space<vmem>>)
      %add3A_366 = arith.constant 1 : i32
      %add3A_367 = arith.addi %add3A_293, %add3A_366 : i32
      %dma_start3A_368 = arith.constant 0 : i32
      %dma_start3A_369 = arith.constant 0 : i32
      %dma_start3A_370 = tpu.memref_slice %arg2[%add3A, %add3A_367, %dma_start3A_368, %dma_start3A_369] : memref<32x41x8x128xi32, #tpu.memory_space<hbm>> -> memref<1x1x8x128xi32, #tpu.memory_space<hbm>>
      %dma_start3A_371 = tpu.memref_squeeze %dma_start3A_370 : memref<1x1x8x128xi32, #tpu.memory_space<hbm>> -> memref<8x128xi32, #tpu.memory_space<hbm>>
      %dma_start3A_372 = arith.constant 0 : i32
      %dma_start3A_373 = arith.constant 0 : i32
      %dma_start3A_374 = tpu.memref_slice %arg2[%add3A, %add3A_367, %dma_start3A_372, %dma_start3A_373] : memref<32x41x8x128xi32, #tpu.memory_space<hbm>> -> memref<1x1x8x128xi32, #tpu.memory_space<hbm>>
      %dma_start3A_375 = tpu.memref_squeeze %dma_start3A_374 : memref<1x1x8x128xi32, #tpu.memory_space<hbm>> -> memref<8x128xi32, #tpu.memory_space<hbm>>
      tpu.enqueue_dma source(%dma_start3A_375 : memref<8x128xi32, #tpu.memory_space<hbm>>) target(%arg6 : memref<8x128xi32, #tpu.memory_space<vmem>>) target_semaphore(%arg16 : memref<!tpu.dma_semaphore, #tpu.memory_space<semaphore_mem>>)
      %get3A_376 = arith.constant 0 : i32
      %get3A_377 = arith.index_cast %get3A_376 : i32 to index
      %get3A_378 = arith.constant 80 : index
      %get3A_379 = tpu.vector_load %arg5[%get3A_377, %get3A_378] {strides = array<i32>} : memref<8x128xi32, #tpu.memory_space<vmem>>, vector<1x16xi32>,
      %get3A_380 = vector.shape_cast %get3A_379 : vector<1x16xi32> to vector<16xi32>
      %dma_start3A_381 = arith.constant 0 : i32
      %dma_start3A_382 = arith.constant 0 : i32
      %dma_start3A_383 = tpu.memref_slice %arg9[%dma_start3A_381, %dma_start3A_382] : memref<5120x128xf32, #tpu.memory_space<vmem_shared>> -> memref<5120x128xf32, #tpu.memory_space<vmem_shared>>
      tpu.enqueue_indirect_dma source(%arg7 : memref<16x128xf32, #tpu.memory_space<vmem>>) target(%dma_start3A_383 : memref<5120x128xf32, #tpu.memory_space<vmem_shared>>) offsets(%get3A_380 : vector<16xi32>) semaphore(%arg13 : memref<!tpu.dma_semaphore, #tpu.memory_space<semaphore_mem>>) {add = true}
      %get3A_384 = arith.constant 0 : i32
      %get3A_385 = arith.index_cast %get3A_384 : i32 to index
      %get3A_386 = arith.constant 80 : index
      %get3A_387 = tpu.vector_load %arg5[%get3A_385, %get3A_386] {strides = array<i32>} : memref<8x128xi32, #tpu.memory_space<vmem>>, vector<1x16xi32>,
      %get3A_388 = vector.shape_cast %get3A_387 : vector<1x16xi32> to vector<16xi32>
      %dma_wait3A_389 = arith.constant 0 : i32
      %dma_wait3A_390 = arith.constant 0 : i32
      %dma_wait3A_391 = tpu.memref_slice %arg9[%dma_wait3A_389, %dma_wait3A_390] : memref<5120x128xf32, #tpu.memory_space<vmem_shared>> -> memref<5120x128xf32, #tpu.memory_space<vmem_shared>>
      tpu.wait_indirect_dma semaphore(%arg14 : memref<!tpu.dma_semaphore, #tpu.memory_space<semaphore_mem>>) src(%arg8 : memref<16x128xf32, #tpu.memory_space<vmem>>) dst(%dma_wait3A_391 : memref<5120x128xf32, #tpu.memory_space<vmem_shared>>)
      %get3A_392 = arith.constant 0 : i32
      %get3A_393 = arith.index_cast %get3A_392 : i32 to index
      %get3A_394 = arith.constant 96 : index
      %get3A_395 = tpu.vector_load %arg5[%get3A_393, %get3A_394] {strides = array<i32>} : memref<8x128xi32, #tpu.memory_space<vmem>>, vector<1x16xi32>,
      %get3A_396 = vector.shape_cast %get3A_395 : vector<1x16xi32> to vector<16xi32>
      %dma_start3A_397 = arith.constant 0 : i32
      %dma_start3A_398 = arith.constant 0 : i32
      %dma_start3A_399 = tpu.memref_slice %arg10[%dma_start3A_397, %dma_start3A_398] : memref<10112x128xf32, #tpu.memory_space<vmem_shared>> -> memref<10112x128xf32, #tpu.memory_space<vmem_shared>>
      tpu.enqueue_indirect_dma source(%dma_start3A_399 : memref<10112x128xf32, #tpu.memory_space<vmem_shared>>) target(%arg8 : memref<16x128xf32, #tpu.memory_space<vmem>>) offsets(%get3A_396 : vector<16xi32>) semaphore(%arg12 : memref<!tpu.dma_semaphore, #tpu.memory_space<semaphore_mem>>)
      %get3A_400 = arith.constant 0 : i32
      %get3A_401 = arith.index_cast %get3A_400 : i32 to index
      %get3A_402 = arith.constant 96 : index
      %get3A_403 = tpu.vector_load %arg5[%get3A_401, %get3A_402] {strides = array<i32>} : memref<8x128xi32, #tpu.memory_space<vmem>>, vector<1x16xi32>,
      %get3A_404 = vector.shape_cast %get3A_403 : vector<1x16xi32> to vector<16xi32>
      %dma_wait3A_405 = arith.constant 0 : i32
      %dma_wait3A_406 = arith.constant 0 : i32
      %dma_wait3A_407 = tpu.memref_slice %arg10[%dma_wait3A_405, %dma_wait3A_406] : memref<10112x128xf32, #tpu.memory_space<vmem_shared>> -> memref<10112x128xf32, #tpu.memory_space<vmem_shared>>
      tpu.wait_indirect_dma semaphore(%arg12 : memref<!tpu.dma_semaphore, #tpu.memory_space<semaphore_mem>>) src(%dma_wait3A_407 : memref<10112x128xf32, #tpu.memory_space<vmem_shared>>) dst(%arg8 : memref<16x128xf32, #tpu.memory_space<vmem>>)
      %get3A_408 = arith.constant 0 : i32
      %get3A_409 = arith.index_cast %get3A_408 : i32 to index
      %get3A_410 = arith.constant 112 : index
      %get3A_411 = tpu.vector_load %arg5[%get3A_409, %get3A_410] {strides = array<i32>} : memref<8x128xi32, #tpu.memory_space<vmem>>, vector<1x16xi32>,
      %get3A_412 = vector.shape_cast %get3A_411 : vector<1x16xi32> to vector<16xi32>
      %dma_start3A_413 = arith.constant 0 : i32
      %dma_start3A_414 = arith.constant 0 : i32
      %dma_start3A_415 = tpu.memref_slice %arg9[%dma_start3A_413, %dma_start3A_414] : memref<5120x128xf32, #tpu.memory_space<vmem_shared>> -> memref<5120x128xf32, #tpu.memory_space<vmem_shared>>
      tpu.enqueue_indirect_dma source(%arg8 : memref<16x128xf32, #tpu.memory_space<vmem>>) target(%dma_start3A_415 : memref<5120x128xf32, #tpu.memory_space<vmem_shared>>) offsets(%get3A_412 : vector<16xi32>) semaphore(%arg14 : memref<!tpu.dma_semaphore, #tpu.memory_space<semaphore_mem>>) {add = true}
      %get3A_416 = arith.constant 0 : i32
      %get3A_417 = arith.index_cast %get3A_416 : i32 to index
      %get3A_418 = arith.constant 112 : index
      %get3A_419 = tpu.vector_load %arg5[%get3A_417, %get3A_418] {strides = array<i32>} : memref<8x128xi32, #tpu.memory_space<vmem>>, vector<1x16xi32>,
      %get3A_420 = vector.shape_cast %get3A_419 : vector<1x16xi32> to vector<16xi32>
      %dma_wait3A_421 = arith.constant 0 : i32
      %dma_wait3A_422 = arith.constant 0 : i32
      %dma_wait3A_423 = tpu.memref_slice %arg9[%dma_wait3A_421, %dma_wait3A_422] : memref<5120x128xf32, #tpu.memory_space<vmem_shared>> -> memref<5120x128xf32, #tpu.memory_space<vmem_shared>>
      tpu.wait_indirect_dma semaphore(%arg13 : memref<!tpu.dma_semaphore, #tpu.memory_space<semaphore_mem>>) src(%arg7 : memref<16x128xf32, #tpu.memory_space<vmem>>) dst(%dma_wait3A_423 : memref<5120x128xf32, #tpu.memory_space<vmem_shared>>)
      %get3A_424 = arith.constant 1 : i32
      %get3A_425 = arith.index_cast %get3A_424 : i32 to index
      %get3A_426 = arith.constant 0 : index
      %get3A_427 = tpu.vector_load %arg5[%get3A_425, %get3A_426] {strides = array<i32>} : memref<8x128xi32, #tpu.memory_space<vmem>>, vector<1x16xi32>,
      %get3A_428 = vector.shape_cast %get3A_427 : vector<1x16xi32> to vector<16xi32>
      %dma_start3A_429 = arith.constant 0 : i32
      %dma_start3A_430 = arith.constant 0 : i32
      %dma_start3A_431 = tpu.memref_slice %arg10[%dma_start3A_429, %dma_start3A_430] : memref<10112x128xf32, #tpu.memory_space<vmem_shared>> -> memref<10112x128xf32, #tpu.memory_space<vmem_shared>>
      tpu.enqueue_indirect_dma source(%dma_start3A_431 : memref<10112x128xf32, #tpu.memory_space<vmem_shared>>) target(%arg7 : memref<16x128xf32, #tpu.memory_space<vmem>>) offsets(%get3A_428 : vector<16xi32>) semaphore(%arg11 : memref<!tpu.dma_semaphore, #tpu.memory_space<semaphore_mem>>)
      %get3A_432 = arith.constant 1 : i32
      %get3A_433 = arith.index_cast %get3A_432 : i32 to index
      %get3A_434 = arith.constant 0 : index
      %get3A_435 = tpu.vector_load %arg5[%get3A_433, %get3A_434] {strides = array<i32>} : memref<8x128xi32, #tpu.memory_space<vmem>>, vector<1x16xi32>,
      %get3A_436 = vector.shape_cast %get3A_435 : vector<1x16xi32> to vector<16xi32>
      %dma_wait3A_437 = arith.constant 0 : i32
      %dma_wait3A_438 = arith.constant 0 : i32
      %dma_wait3A_439 = tpu.memref_slice %arg10[%dma_wait3A_437, %dma_wait3A_438] : memref<10112x128xf32, #tpu.memory_space<vmem_shared>> -> memref<10112x128xf32, #tpu.memory_space<vmem_shared>>
      tpu.wait_indirect_dma semaphore(%arg11 : memref<!tpu.dma_semaphore, #tpu.memory_space<semaphore_mem>>) src(%dma_wait3A_439 : memref<10112x128xf32, #tpu.memory_space<vmem_shared>>) dst(%arg7 : memref<16x128xf32, #tpu.memory_space<vmem>>)
      %get3A_440 = arith.constant 1 : i32
      %get3A_441 = arith.index_cast %get3A_440 : i32 to index
      %get3A_442 = arith.constant 16 : index
      %get3A_443 = tpu.vector_load %arg5[%get3A_441, %get3A_442] {strides = array<i32>} : memref<8x128xi32, #tpu.memory_space<vmem>>, vector<1x16xi32>,
      %get3A_444 = vector.shape_cast %get3A_443 : vector<1x16xi32> to vector<16xi32>
      %dma_start3A_445 = arith.constant 0 : i32
      %dma_start3A_446 = arith.constant 0 : i32
      %dma_start3A_447 = tpu.memref_slice %arg9[%dma_start3A_445, %dma_start3A_446] : memref<5120x128xf32, #tpu.memory_space<vmem_shared>> -> memref<5120x128xf32, #tpu.memory_space<vmem_shared>>
      tpu.enqueue_indirect_dma source(%arg7 : memref<16x128xf32, #tpu.memory_space<vmem>>) target(%dma_start3A_447 : memref<5120x128xf32, #tpu.memory_space<vmem_shared>>) offsets(%get3A_444 : vector<16xi32>) semaphore(%arg13 : memref<!tpu.dma_semaphore, #tpu.memory_space<semaphore_mem>>) {add = true}
      %get3A_448 = arith.constant 1 : i32
      %get3A_449 = arith.index_cast %get3A_448 : i32 to index
      %get3A_450 = arith.constant 16 : index
      %get3A_451 = tpu.vector_load %arg5[%get3A_449, %get3A_450] {strides = array<i32>} : memref<8x128xi32, #tpu.memory_space<vmem>>, vector<1x16xi32>,
      %get3A_452 = vector.shape_cast %get3A_451 : vector<1x16xi32> to vector<16xi32>
      %dma_wait3A_453 = arith.constant 0 : i32
      %dma_wait3A_454 = arith.constant 0 : i32
      %dma_wait3A_455 = tpu.memref_slice %arg9[%dma_wait3A_453, %dma_wait3A_454] : memref<5120x128xf32, #tpu.memory_space<vmem_shared>> -> memref<5120x128xf32, #tpu.memory_space<vmem_shared>>
      tpu.wait_indirect_dma semaphore(%arg14 : memref<!tpu.dma_semaphore, #tpu.memory_space<semaphore_mem>>) src(%arg8 : memref<16x128xf32, #tpu.memory_space<vmem>>) dst(%dma_wait3A_455 : memref<5120x128xf32, #tpu.memory_space<vmem_shared>>)
      %get3A_456 = arith.constant 1 : i32
      %get3A_457 = arith.index_cast %get3A_456 : i32 to index
      %get3A_458 = arith.constant 32 : index
      %get3A_459 = tpu.vector_load %arg5[%get3A_457, %get3A_458] {strides = array<i32>} : memref<8x128xi32, #tpu.memory_space<vmem>>, vector<1x16xi32>,
      %get3A_460 = vector.shape_cast %get3A_459 : vector<1x16xi32> to vector<16xi32>
      %dma_start3A_461 = arith.constant 0 : i32
      %dma_start3A_462 = arith.constant 0 : i32
      %dma_start3A_463 = tpu.memref_slice %arg10[%dma_start3A_461, %dma_start3A_462] : memref<10112x128xf32, #tpu.memory_space<vmem_shared>> -> memref<10112x128xf32, #tpu.memory_space<vmem_shared>>
      tpu.enqueue_indirect_dma source(%dma_start3A_463 : memref<10112x128xf32, #tpu.memory_space<vmem_shared>>) target(%arg8 : memref<16x128xf32, #tpu.memory_space<vmem>>) offsets(%get3A_460 : vector<16xi32>) semaphore(%arg12 : memref<!tpu.dma_semaphore, #tpu.memory_space<semaphore_mem>>)
      %get3A_464 = arith.constant 1 : i32
      %get3A_465 = arith.index_cast %get3A_464 : i32 to index
      %get3A_466 = arith.constant 32 : index
      %get3A_467 = tpu.vector_load %arg5[%get3A_465, %get3A_466] {strides = array<i32>} : memref<8x128xi32, #tpu.memory_space<vmem>>, vector<1x16xi32>,
      %get3A_468 = vector.shape_cast %get3A_467 : vector<1x16xi32> to vector<16xi32>
      %dma_wait3A_469 = arith.constant 0 : i32
      %dma_wait3A_470 = arith.constant 0 : i32
      %dma_wait3A_471 = tpu.memref_slice %arg10[%dma_wait3A_469, %dma_wait3A_470] : memref<10112x128xf32, #tpu.memory_space<vmem_shared>> -> memref<10112x128xf32, #tpu.memory_space<vmem_shared>>
      tpu.wait_indirect_dma semaphore(%arg12 : memref<!tpu.dma_semaphore, #tpu.memory_space<semaphore_mem>>) src(%dma_wait3A_471 : memref<10112x128xf32, #tpu.memory_space<vmem_shared>>) dst(%arg8 : memref<16x128xf32, #tpu.memory_space<vmem>>)
      %get3A_472 = arith.constant 1 : i32
      %get3A_473 = arith.index_cast %get3A_472 : i32 to index
      %get3A_474 = arith.constant 48 : index
      %get3A_475 = tpu.vector_load %arg5[%get3A_473, %get3A_474] {strides = array<i32>} : memref<8x128xi32, #tpu.memory_space<vmem>>, vector<1x16xi32>,
      %get3A_476 = vector.shape_cast %get3A_475 : vector<1x16xi32> to vector<16xi32>
      %dma_start3A_477 = arith.constant 0 : i32
      %dma_start3A_478 = arith.constant 0 : i32
      %dma_start3A_479 = tpu.memref_slice %arg9[%dma_start3A_477, %dma_start3A_478] : memref<5120x128xf32, #tpu.memory_space<vmem_shared>> -> memref<5120x128xf32, #tpu.memory_space<vmem_shared>>
      tpu.enqueue_indirect_dma source(%arg8 : memref<16x128xf32, #tpu.memory_space<vmem>>) target(%dma_start3A_479 : memref<5120x128xf32, #tpu.memory_space<vmem_shared>>) offsets(%get3A_476 : vector<16xi32>) semaphore(%arg14 : memref<!tpu.dma_semaphore, #tpu.memory_space<semaphore_mem>>) {add = true}
      %get3A_480 = arith.constant 1 : i32
      %get3A_481 = arith.index_cast %get3A_480 : i32 to index
      %get3A_482 = arith.constant 48 : index
      %get3A_483 = tpu.vector_load %arg5[%get3A_481, %get3A_482] {strides = array<i32>} : memref<8x128xi32, #tpu.memory_space<vmem>>, vector<1x16xi32>,
      %get3A_484 = vector.shape_cast %get3A_483 : vector<1x16xi32> to vector<16xi32>
      %dma_wait3A_485 = arith.constant 0 : i32
      %dma_wait3A_486 = arith.constant 0 : i32
      %dma_wait3A_487 = tpu.memref_slice %arg9[%dma_wait3A_485, %dma_wait3A_486] : memref<5120x128xf32, #tpu.memory_space<vmem_shared>> -> memref<5120x128xf32, #tpu.memory_space<vmem_shared>>
      tpu.wait_indirect_dma semaphore(%arg13 : memref<!tpu.dma_semaphore, #tpu.memory_space<semaphore_mem>>) src(%arg7 : memref<16x128xf32, #tpu.memory_space<vmem>>) dst(%dma_wait3A_487 : memref<5120x128xf32, #tpu.memory_space<vmem_shared>>)
      %get3A_488 = arith.constant 1 : i32
      %get3A_489 = arith.index_cast %get3A_488 : i32 to index
      %get3A_490 = arith.constant 64 : index
      %get3A_491 = tpu.vector_load %arg5[%get3A_489, %get3A_490] {strides = array<i32>} : memref<8x128xi32, #tpu.memory_space<vmem>>, vector<1x16xi32>,
      %get3A_492 = vector.shape_cast %get3A_491 : vector<1x16xi32> to vector<16xi32>
      %dma_start3A_493 = arith.constant 0 : i32
      %dma_start3A_494 = arith.constant 0 : i32
      %dma_start3A_495 = tpu.memref_slice %arg10[%dma_start3A_493, %dma_start3A_494] : memref<10112x128xf32, #tpu.memory_space<vmem_shared>> -> memref<10112x128xf32, #tpu.memory_space<vmem_shared>>
      tpu.enqueue_indirect_dma source(%dma_start3A_495 : memref<10112x128xf32, #tpu.memory_space<vmem_shared>>) target(%arg7 : memref<16x128xf32, #tpu.memory_space<vmem>>) offsets(%get3A_492 : vector<16xi32>) semaphore(%arg11 : memref<!tpu.dma_semaphore, #tpu.memory_space<semaphore_mem>>)
      %get3A_496 = arith.constant 1 : i32
      %get3A_497 = arith.index_cast %get3A_496 : i32 to index
      %get3A_498 = arith.constant 64 : index
      %get3A_499 = tpu.vector_load %arg5[%get3A_497, %get3A_498] {strides = array<i32>} : memref<8x128xi32, #tpu.memory_space<vmem>>, vector<1x16xi32>,
      %get3A_500 = vector.shape_cast %get3A_499 : vector<1x16xi32> to vector<16xi32>
      %dma_wait3A_501 = arith.constant 0 : i32
      %dma_wait3A_502 = arith.constant 0 : i32
      %dma_wait3A_503 = tpu.memref_slice %arg10[%dma_wait3A_501, %dma_wait3A_502] : memref<10112x128xf32, #tpu.memory_space<vmem_shared>> -> memref<10112x128xf32, #tpu.memory_space<vmem_shared>>
      tpu.wait_indirect_dma semaphore(%arg11 : memref<!tpu.dma_semaphore, #tpu.memory_space<semaphore_mem>>) src(%dma_wait3A_503 : memref<10112x128xf32, #tpu.memory_space<vmem_shared>>) dst(%arg7 : memref<16x128xf32, #tpu.memory_space<vmem>>)
      %get3A_504 = arith.constant 1 : i32
      %get3A_505 = arith.index_cast %get3A_504 : i32 to index
      %get3A_506 = arith.constant 80 : index
      %get3A_507 = tpu.vector_load %arg5[%get3A_505, %get3A_506] {strides = array<i32>} : memref<8x128xi32, #tpu.memory_space<vmem>>, vector<1x16xi32>,
      %get3A_508 = vector.shape_cast %get3A_507 : vector<1x16xi32> to vector<16xi32>
      %dma_start3A_509 = arith.constant 0 : i32
      %dma_start3A_510 = arith.constant 0 : i32
      %dma_start3A_511 = tpu.memref_slice %arg9[%dma_start3A_509, %dma_start3A_510] : memref<5120x128xf32, #tpu.memory_space<vmem_shared>> -> memref<5120x128xf32, #tpu.memory_space<vmem_shared>>
      tpu.enqueue_indirect_dma source(%arg7 : memref<16x128xf32, #tpu.memory_space<vmem>>) target(%dma_start3A_511 : memref<5120x128xf32, #tpu.memory_space<vmem_shared>>) offsets(%get3A_508 : vector<16xi32>) semaphore(%arg13 : memref<!tpu.dma_semaphore, #tpu.memory_space<semaphore_mem>>) {add = true}
      %get3A_512 = arith.constant 1 : i32
      %get3A_513 = arith.index_cast %get3A_512 : i32 to index
      %get3A_514 = arith.constant 80 : index
      %get3A_515 = tpu.vector_load %arg5[%get3A_513, %get3A_514] {strides = array<i32>} : memref<8x128xi32, #tpu.memory_space<vmem>>, vector<1x16xi32>,
      %get3A_516 = vector.shape_cast %get3A_515 : vector<1x16xi32> to vector<16xi32>
      %dma_wait3A_517 = arith.constant 0 : i32
      %dma_wait3A_518 = arith.constant 0 : i32
      %dma_wait3A_519 = tpu.memref_slice %arg9[%dma_wait3A_517, %dma_wait3A_518] : memref<5120x128xf32, #tpu.memory_space<vmem_shared>> -> memref<5120x128xf32, #tpu.memory_space<vmem_shared>>
      tpu.wait_indirect_dma semaphore(%arg14 : memref<!tpu.dma_semaphore, #tpu.memory_space<semaphore_mem>>) src(%arg8 : memref<16x128xf32, #tpu.memory_space<vmem>>) dst(%dma_wait3A_519 : memref<5120x128xf32, #tpu.memory_space<vmem_shared>>)
      %get3A_520 = arith.constant 1 : i32
      %get3A_521 = arith.index_cast %get3A_520 : i32 to index
      %get3A_522 = arith.constant 96 : index
      %get3A_523 = tpu.vector_load %arg5[%get3A_521, %get3A_522] {strides = array<i32>} : memref<8x128xi32, #tpu.memory_space<vmem>>, vector<1x16xi32>,
      %get3A_524 = vector.shape_cast %get3A_523 : vector<1x16xi32> to vector<16xi32>
      %dma_start3A_525 = arith.constant 0 : i32
      %dma_start3A_526 = arith.constant 0 : i32
      %dma_start3A_527 = tpu.memref_slice %arg10[%dma_start3A_525, %dma_start3A_526] : memref<10112x128xf32, #tpu.memory_space<vmem_shared>> -> memref<10112x128xf32, #tpu.memory_space<vmem_shared>>
      tpu.enqueue_indirect_dma source(%dma_start3A_527 : memref<10112x128xf32, #tpu.memory_space<vmem_shared>>) target(%arg8 : memref<16x128xf32, #tpu.memory_space<vmem>>) offsets(%get3A_524 : vector<16xi32>) semaphore(%arg12 : memref<!tpu.dma_semaphore, #tpu.memory_space<semaphore_mem>>)
      %get3A_528 = arith.constant 1 : i32
      %get3A_529 = arith.index_cast %get3A_528 : i32 to index
      %get3A_530 = arith.constant 96 : index
      %get3A_531 = tpu.vector_load %arg5[%get3A_529, %get3A_530] {strides = array<i32>} : memref<8x128xi32, #tpu.memory_space<vmem>>, vector<1x16xi32>,
      %get3A_532 = vector.shape_cast %get3A_531 : vector<1x16xi32> to vector<16xi32>
      %dma_wait3A_533 = arith.constant 0 : i32
      %dma_wait3A_534 = arith.constant 0 : i32
      %dma_wait3A_535 = tpu.memref_slice %arg10[%dma_wait3A_533, %dma_wait3A_534] : memref<10112x128xf32, #tpu.memory_space<vmem_shared>> -> memref<10112x128xf32, #tpu.memory_space<vmem_shared>>
      tpu.wait_indirect_dma semaphore(%arg12 : memref<!tpu.dma_semaphore, #tpu.memory_space<semaphore_mem>>) src(%dma_wait3A_535 : memref<10112x128xf32, #tpu.memory_space<vmem_shared>>) dst(%arg8 : memref<16x128xf32, #tpu.memory_space<vmem>>)
      %get3A_536 = arith.constant 1 : i32
      %get3A_537 = arith.index_cast %get3A_536 : i32 to index
      %get3A_538 = arith.constant 112 : index
      %get3A_539 = tpu.vector_load %arg5[%get3A_537, %get3A_538] {strides = array<i32>} : memref<8x128xi32, #tpu.memory_space<vmem>>, vector<1x16xi32>,
      %get3A_540 = vector.shape_cast %get3A_539 : vector<1x16xi32> to vector<16xi32>
      %dma_start3A_541 = arith.constant 0 : i32
      %dma_start3A_542 = arith.constant 0 : i32
      %dma_start3A_543 = tpu.memref_slice %arg9[%dma_start3A_541, %dma_start3A_542] : memref<5120x128xf32, #tpu.memory_space<vmem_shared>> -> memref<5120x128xf32, #tpu.memory_space<vmem_shared>>
      tpu.enqueue_indirect_dma source(%arg8 : memref<16x128xf32, #tpu.memory_space<vmem>>) target(%dma_start3A_543 : memref<5120x128xf32, #tpu.memory_space<vmem_shared>>) offsets(%get3A_540 : vector<16xi32>) semaphore(%arg14 : memref<!tpu.dma_semaphore, #tpu.memory_space<semaphore_mem>>) {add = true}
      %get3A_544 = arith.constant 1 : i32
      %get3A_545 = arith.index_cast %get3A_544 : i32 to index
      %get3A_546 = arith.constant 112 : index
      %get3A_547 = tpu.vector_load %arg5[%get3A_545, %get3A_546] {strides = array<i32>} : memref<8x128xi32, #tpu.memory_space<vmem>>, vector<1x16xi32>,
      %get3A_548 = vector.shape_cast %get3A_547 : vector<1x16xi32> to vector<16xi32>
      %dma_wait3A_549 = arith.constant 0 : i32
      %dma_wait3A_550 = arith.constant 0 : i32
      %dma_wait3A_551 = tpu.memref_slice %arg9[%dma_wait3A_549, %dma_wait3A_550] : memref<5120x128xf32, #tpu.memory_space<vmem_shared>> -> memref<5120x128xf32, #tpu.memory_space<vmem_shared>>
      tpu.wait_indirect_dma semaphore(%arg13 : memref<!tpu.dma_semaphore, #tpu.memory_space<semaphore_mem>>) src(%arg7 : memref<16x128xf32, #tpu.memory_space<vmem>>) dst(%dma_wait3A_551 : memref<5120x128xf32, #tpu.memory_space<vmem_shared>>)
      %get3A_552 = arith.constant 2 : i32
      %get3A_553 = arith.index_cast %get3A_552 : i32 to index
      %get3A_554 = arith.constant 0 : index
      %get3A_555 = tpu.vector_load %arg5[%get3A_553, %get3A_554] {strides = array<i32>} : memref<8x128xi32, #tpu.memory_space<vmem>>, vector<1x16xi32>,
      %get3A_556 = vector.shape_cast %get3A_555 : vector<1x16xi32> to vector<16xi32>
      %dma_start3A_557 = arith.constant 0 : i32
      %dma_start3A_558 = arith.constant 0 : i32
      %dma_start3A_559 = tpu.memref_slice %arg10[%dma_start3A_557, %dma_start3A_558] : memref<10112x128xf32, #tpu.memory_space<vmem_shared>> -> memref<10112x128xf32, #tpu.memory_space<vmem_shared>>
      tpu.enqueue_indirect_dma source(%dma_start3A_559 : memref<10112x128xf32, #tpu.memory_space<vmem_shared>>) target(%arg7 : memref<16x128xf32, #tpu.memory_space<vmem>>) offsets(%get3A_556 : vector<16xi32>) semaphore(%arg11 : memref<!tpu.dma_semaphore, #tpu.memory_space<semaphore_mem>>)
      %get3A_560 = arith.constant 2 : i32
      %get3A_561 = arith.index_cast %get3A_560 : i32 to index
      %get3A_562 = arith.constant 0 : index
      %get3A_563 = tpu.vector_load %arg5[%get3A_561, %get3A_562] {strides = array<i32>} : memref<8x128xi32, #tpu.memory_space<vmem>>, vector<1x16xi32>,
      %get3A_564 = vector.shape_cast %get3A_563 : vector<1x16xi32> to vector<16xi32>
      %dma_wait3A_565 = arith.constant 0 : i32
      %dma_wait3A_566 = arith.constant 0 : i32
      %dma_wait3A_567 = tpu.memref_slice %arg10[%dma_wait3A_565, %dma_wait3A_566] : memref<10112x128xf32, #tpu.memory_space<vmem_shared>> -> memref<10112x128xf32, #tpu.memory_space<vmem_shared>>
      tpu.wait_indirect_dma semaphore(%arg11 : memref<!tpu.dma_semaphore, #tpu.memory_space<semaphore_mem>>) src(%dma_wait3A_567 : memref<10112x128xf32, #tpu.memory_space<vmem_shared>>) dst(%arg7 : memref<16x128xf32, #tpu.memory_space<vmem>>)
      %get3A_568 = arith.constant 2 : i32
      %get3A_569 = arith.index_cast %get3A_568 : i32 to index
      %get3A_570 = arith.constant 16 : index
      %get3A_571 = tpu.vector_load %arg5[%get3A_569, %get3A_570] {strides = array<i32>} : memref<8x128xi32, #tpu.memory_space<vmem>>, vector<1x16xi32>,
      %get3A_572 = vector.shape_cast %get3A_571 : vector<1x16xi32> to vector<16xi32>
      %dma_start3A_573 = arith.constant 0 : i32
      %dma_start3A_574 = arith.constant 0 : i32
      %dma_start3A_575 = tpu.memref_slice %arg9[%dma_start3A_573, %dma_start3A_574] : memref<5120x128xf32, #tpu.memory_space<vmem_shared>> -> memref<5120x128xf32, #tpu.memory_space<vmem_shared>>
      tpu.enqueue_indirect_dma source(%arg7 : memref<16x128xf32, #tpu.memory_space<vmem>>) target(%dma_start3A_575 : memref<5120x128xf32, #tpu.memory_space<vmem_shared>>) offsets(%get3A_572 : vector<16xi32>) semaphore(%arg13 : memref<!tpu.dma_semaphore, #tpu.memory_space<semaphore_mem>>) {add = true}
      %get3A_576 = arith.constant 2 : i32
      %get3A_577 = arith.index_cast %get3A_576 : i32 to index
      %get3A_578 = arith.constant 16 : index
      %get3A_579 = tpu.vector_load %arg5[%get3A_577, %get3A_578] {strides = array<i32>} : memref<8x128xi32, #tpu.memory_space<vmem>>, vector<1x16xi32>,
      %get3A_580 = vector.shape_cast %get3A_579 : vector<1x16xi32> to vector<16xi32>
      %dma_wait3A_581 = arith.constant 0 : i32
      %dma_wait3A_582 = arith.constant 0 : i32
      %dma_wait3A_583 = tpu.memref_slice %arg9[%dma_wait3A_581, %dma_wait3A_582] : memref<5120x128xf32, #tpu.memory_space<vmem_shared>> -> memref<5120x128xf32, #tpu.memory_space<vmem_shared>>
      tpu.wait_indirect_dma semaphore(%arg14 : memref<!tpu.dma_semaphore, #tpu.memory_space<semaphore_mem>>) src(%arg8 : memref<16x128xf32, #tpu.memory_space<vmem>>) dst(%dma_wait3A_583 : memref<5120x128xf32, #tpu.memory_space<vmem_shared>>)
      %get3A_584 = arith.constant 2 : i32
      %get3A_585 = arith.index_cast %get3A_584 : i32 to index
      %get3A_586 = arith.constant 32 : index
      %get3A_587 = tpu.vector_load %arg5[%get3A_585, %get3A_586] {strides = array<i32>} : memref<8x128xi32, #tpu.memory_space<vmem>>, vector<1x16xi32>,
      %get3A_588 = vector.shape_cast %get3A_587 : vector<1x16xi32> to vector<16xi32>
      %dma_start3A_589 = arith.constant 0 : i32
      %dma_start3A_590 = arith.constant 0 : i32
      %dma_start3A_591 = tpu.memref_slice %arg10[%dma_start3A_589, %dma_start3A_590] : memref<10112x128xf32, #tpu.memory_space<vmem_shared>> -> memref<10112x128xf32, #tpu.memory_space<vmem_shared>>
      tpu.enqueue_indirect_dma source(%dma_start3A_591 : memref<10112x128xf32, #tpu.memory_space<vmem_shared>>) target(%arg8 : memref<16x128xf32, #tpu.memory_space<vmem>>) offsets(%get3A_588 : vector<16xi32>) semaphore(%arg12 : memref<!tpu.dma_semaphore, #tpu.memory_space<semaphore_mem>>)
      %get3A_592 = arith.constant 2 : i32
      %get3A_593 = arith.index_cast %get3A_592 : i32 to index
      %get3A_594 = arith.constant 32 : index
      %get3A_595 = tpu.vector_load %arg5[%get3A_593, %get3A_594] {strides = array<i32>} : memref<8x128xi32, #tpu.memory_space<vmem>>, vector<1x16xi32>,
      %get3A_596 = vector.shape_cast %get3A_595 : vector<1x16xi32> to vector<16xi32>
      %dma_wait3A_597 = arith.constant 0 : i32
      %dma_wait3A_598 = arith.constant 0 : i32
      %dma_wait3A_599 = tpu.memref_slice %arg10[%dma_wait3A_597, %dma_wait3A_598] : memref<10112x128xf32, #tpu.memory_space<vmem_shared>> -> memref<10112x128xf32, #tpu.memory_space<vmem_shared>>
      tpu.wait_indirect_dma semaphore(%arg12 : memref<!tpu.dma_semaphore, #tpu.memory_space<semaphore_mem>>) src(%dma_wait3A_599 : memref<10112x128xf32, #tpu.memory_space<vmem_shared>>) dst(%arg8 : memref<16x128xf32, #tpu.memory_space<vmem>>)
      %get3A_600 = arith.constant 2 : i32
      %get3A_601 = arith.index_cast %get3A_600 : i32 to index
      %get3A_602 = arith.constant 48 : index
      %get3A_603 = tpu.vector_load %arg5[%get3A_601, %get3A_602] {strides = array<i32>} : memref<8x128xi32, #tpu.memory_space<vmem>>, vector<1x16xi32>,
      %get3A_604 = vector.shape_cast %get3A_603 : vector<1x16xi32> to vector<16xi32>
      %dma_start3A_605 = arith.constant 0 : i32
      %dma_start3A_606 = arith.constant 0 : i32
      %dma_start3A_607 = tpu.memref_slice %arg9[%dma_start3A_605, %dma_start3A_606] : memref<5120x128xf32, #tpu.memory_space<vmem_shared>> -> memref<5120x128xf32, #tpu.memory_space<vmem_shared>>
      tpu.enqueue_indirect_dma source(%arg8 : memref<16x128xf32, #tpu.memory_space<vmem>>) target(%dma_start3A_607 : memref<5120x128xf32, #tpu.memory_space<vmem_shared>>) offsets(%get3A_604 : vector<16xi32>) semaphore(%arg14 : memref<!tpu.dma_semaphore, #tpu.memory_space<semaphore_mem>>) {add = true}
      %get3A_608 = arith.constant 2 : i32
      %get3A_609 = arith.index_cast %get3A_608 : i32 to index
      %get3A_610 = arith.constant 48 : index
      %get3A_611 = tpu.vector_load %arg5[%get3A_609, %get3A_610] {strides = array<i32>} : memref<8x128xi32, #tpu.memory_space<vmem>>, vector<1x16xi32>,
      %get3A_612 = vector.shape_cast %get3A_611 : vector<1x16xi32> to vector<16xi32>
      %dma_wait3A_613 = arith.constant 0 : i32
      %dma_wait3A_614 = arith.constant 0 : i32
      %dma_wait3A_615 = tpu.memref_slice %arg9[%dma_wait3A_613, %dma_wait3A_614] : memref<5120x128xf32, #tpu.memory_space<vmem_shared>> -> memref<5120x128xf32, #tpu.memory_space<vmem_shared>>
      tpu.wait_indirect_dma semaphore(%arg13 : memref<!tpu.dma_semaphore, #tpu.memory_space<semaphore_mem>>) src(%arg7 : memref<16x128xf32, #tpu.memory_space<vmem>>) dst(%dma_wait3A_615 : memref<5120x128xf32, #tpu.memory_space<vmem_shared>>)
      %get3A_616 = arith.constant 2 : i32
      %get3A_617 = arith.index_cast %get3A_616 : i32 to index
      %get3A_618 = arith.constant 64 : index
      %get3A_619 = tpu.vector_load %arg5[%get3A_617, %get3A_618] {strides = array<i32>} : memref<8x128xi32, #tpu.memory_space<vmem>>, vector<1x16xi32>,
      %get3A_620 = vector.shape_cast %get3A_619 : vector<1x16xi32> to vector<16xi32>
      %dma_start3A_621 = arith.constant 0 : i32
      %dma_start3A_622 = arith.constant 0 : i32
      %dma_start3A_623 = tpu.memref_slice %arg10[%dma_start3A_621, %dma_start3A_622] : memref<10112x128xf32, #tpu.memory_space<vmem_shared>> -> memref<10112x128xf32, #tpu.memory_space<vmem_shared>>
      tpu.enqueue_indirect_dma source(%dma_start3A_623 : memref<10112x128xf32, #tpu.memory_space<vmem_shared>>) target(%arg7 : memref<16x128xf32, #tpu.memory_space<vmem>>) offsets(%get3A_620 : vector<16xi32>) semaphore(%arg11 : memref<!tpu.dma_semaphore, #tpu.memory_space<semaphore_mem>>)
      %get3A_624 = arith.constant 2 : i32
      %get3A_625 = arith.index_cast %get3A_624 : i32 to index
      %get3A_626 = arith.constant 64 : index
      %get3A_627 = tpu.vector_load %arg5[%get3A_625, %get3A_626] {strides = array<i32>} : memref<8x128xi32, #tpu.memory_space<vmem>>, vector<1x16xi32>,
      %get3A_628 = vector.shape_cast %get3A_627 : vector<1x16xi32> to vector<16xi32>
      %dma_wait3A_629 = arith.constant 0 : i32
      %dma_wait3A_630 = arith.constant 0 : i32
      %dma_wait3A_631 = tpu.memref_slice %arg10[%dma_wait3A_629, %dma_wait3A_630] : memref<10112x128xf32, #tpu.memory_space<vmem_shared>> -> memref<10112x128xf32, #tpu.memory_space<vmem_shared>>
      tpu.wait_indirect_dma semaphore(%arg11 : memref<!tpu.dma_semaphore, #tpu.memory_space<semaphore_mem>>) src(%dma_wait3A_631 : memref<10112x128xf32, #tpu.memory_space<vmem_shared>>) dst(%arg7 : memref<16x128xf32, #tpu.memory_space<vmem>>)
      %get3A_632 = arith.constant 2 : i32
      %get3A_633 = arith.index_cast %get3A_632 : i32 to index
      %get3A_634 = arith.constant 80 : index
      %get3A_635 = tpu.vector_load %arg5[%get3A_633, %get3A_634] {strides = array<i32>} : memref<8x128xi32, #tpu.memory_space<vmem>>, vector<1x16xi32>,
      %get3A_636 = vector.shape_cast %get3A_635 : vector<1x16xi32> to vector<16xi32>
      %dma_start3A_637 = arith.constant 0 : i32
      %dma_start3A_638 = arith.constant 0 : i32
      %dma_start3A_639 = tpu.memref_slice %arg9[%dma_start3A_637, %dma_start3A_638] : memref<5120x128xf32, #tpu.memory_space<vmem_shared>> -> memref<5120x128xf32, #tpu.memory_space<vmem_shared>>
      tpu.enqueue_indirect_dma source(%arg7 : memref<16x128xf32, #tpu.memory_space<vmem>>) target(%dma_start3A_639 : memref<5120x128xf32, #tpu.memory_space<vmem_shared>>) offsets(%get3A_636 : vector<16xi32>) semaphore(%arg13 : memref<!tpu.dma_semaphore, #tpu.memory_space<semaphore_mem>>) {add = true}
      %get3A_640 = arith.constant 2 : i32
      %get3A_641 = arith.index_cast %get3A_640 : i32 to index
      %get3A_642 = arith.constant 80 : index
      %get3A_643 = tpu.vector_load %arg5[%get3A_641, %get3A_642] {strides = array<i32>} : memref<8x128xi32, #tpu.memory_space<vmem>>, vector<1x16xi32>,
      %get3A_644 = vector.shape_cast %get3A_643 : vector<1x16xi32> to vector<16xi32>
      %dma_wait3A_645 = arith.constant 0 : i32
      %dma_wait3A_646 = arith.constant 0 : i32
      %dma_wait3A_647 = tpu.memref_slice %arg9[%dma_wait3A_645, %dma_wait3A_646] : memref<5120x128xf32, #tpu.memory_space<vmem_shared>> -> memref<5120x128xf32, #tpu.memory_space<vmem_shared>>
      tpu.wait_indirect_dma semaphore(%arg14 : memref<!tpu.dma_semaphore, #tpu.memory_space<semaphore_mem>>) src(%arg8 : memref<16x128xf32, #tpu.memory_space<vmem>>) dst(%dma_wait3A_647 : memref<5120x128xf32, #tpu.memory_space<vmem_shared>>)
      %get3A_648 = arith.constant 2 : i32
      %get3A_649 = arith.index_cast %get3A_648 : i32 to index
      %get3A_650 = arith.constant 96 : index
      %get3A_651 = tpu.vector_load %arg5[%get3A_649, %get3A_650] {strides = array<i32>} : memref<8x128xi32, #tpu.memory_space<vmem>>, vector<1x16xi32>,
      %get3A_652 = vector.shape_cast %get3A_651 : vector<1x16xi32> to vector<16xi32>
      %dma_start3A_653 = arith.constant 0 : i32
      %dma_start3A_654 = arith.constant 0 : i32
      %dma_start3A_655 = tpu.memref_slice %arg10[%dma_start3A_653, %dma_start3A_654] : memref<10112x128xf32, #tpu.memory_space<vmem_shared>> -> memref<10112x128xf32, #tpu.memory_space<vmem_shared>>
      tpu.enqueue_indirect_dma source(%dma_start3A_655 : memref<10112x128xf32, #tpu.memory_space<vmem_shared>>) target(%arg8 : memref<16x128xf32, #tpu.memory_space<vmem>>) offsets(%get3A_652 : vector<16xi32>) semaphore(%arg12 : memref<!tpu.dma_semaphore, #tpu.memory_space<semaphore_mem>>)
      %get3A_656 = arith.constant 2 : i32
      %get3A_657 = arith.index_cast %get3A_656 : i32 to index
      %get3A_658 = arith.constant 96 : index
      %get3A_659 = tpu.vector_load %arg5[%get3A_657, %get3A_658] {strides = array<i32>} : memref<8x128xi32, #tpu.memory_space<vmem>>, vector<1x16xi32>,
      %get3A_660 = vector.shape_cast %get3A_659 : vector<1x16xi32> to vector<16xi32>
      %dma_wait3A_661 = arith.constant 0 : i32
      %dma_wait3A_662 = arith.constant 0 : i32
      %dma_wait3A_663 = tpu.memref_slice %arg10[%dma_wait3A_661, %dma_wait3A_662] : memref<10112x128xf32, #tpu.memory_space<vmem_shared>> -> memref<10112x128xf32, #tpu.memory_space<vmem_shared>>
      tpu.wait_indirect_dma semaphore(%arg12 : memref<!tpu.dma_semaphore, #tpu.memory_space<semaphore_mem>>) src(%dma_wait3A_663 : memref<10112x128xf32, #tpu.memory_space<vmem_shared>>) dst(%arg8 : memref<16x128xf32, #tpu.memory_space<vmem>>)
      %get3A_664 = arith.constant 2 : i32
      %get3A_665 = arith.index_cast %get3A_664 : i32 to index
      %get3A_666 = arith.constant 112 : index
      %get3A_667 = tpu.vector_load %arg5[%get3A_665, %get3A_666] {strides = array<i32>} : memref<8x128xi32, #tpu.memory_space<vmem>>, vector<1x16xi32>,
      %get3A_668 = vector.shape_cast %get3A_667 : vector<1x16xi32> to vector<16xi32>
      %dma_start3A_669 = arith.constant 0 : i32
      %dma_start3A_670 = arith.constant 0 : i32
      %dma_start3A_671 = tpu.memref_slice %arg9[%dma_start3A_669, %dma_start3A_670] : memref<5120x128xf32, #tpu.memory_space<vmem_shared>> -> memref<5120x128xf32, #tpu.memory_space<vmem_shared>>
      tpu.enqueue_indirect_dma source(%arg8 : memref<16x128xf32, #tpu.memory_space<vmem>>) target(%dma_start3A_671 : memref<5120x128xf32, #tpu.memory_space<vmem_shared>>) offsets(%get3A_668 : vector<16xi32>) semaphore(%arg14 : memref<!tpu.dma_semaphore, #tpu.memory_space<semaphore_mem>>) {add = true}
      %get3A_672 = arith.constant 2 : i32
      %get3A_673 = arith.index_cast %get3A_672 : i32 to index
      %get3A_674 = arith.constant 112 : index
      %get3A_675 = tpu.vector_load %arg5[%get3A_673, %get3A_674] {strides = array<i32>} : memref<8x128xi32, #tpu.memory_space<vmem>>, vector<1x16xi32>,
      %get3A_676 = vector.shape_cast %get3A_675 : vector<1x16xi32> to vector<16xi32>
      %dma_wait3A_677 = arith.constant 0 : i32
      %dma_wait3A_678 = arith.constant 0 : i32
      %dma_wait3A_679 = tpu.memref_slice %arg9[%dma_wait3A_677, %dma_wait3A_678] : memref<5120x128xf32, #tpu.memory_space<vmem_shared>> -> memref<5120x128xf32, #tpu.memory_space<vmem_shared>>
      tpu.wait_indirect_dma semaphore(%arg13 : memref<!tpu.dma_semaphore, #tpu.memory_space<semaphore_mem>>) src(%arg7 : memref<16x128xf32, #tpu.memory_space<vmem>>) dst(%dma_wait3A_679 : memref<5120x128xf32, #tpu.memory_space<vmem_shared>>)
      %get3A_680 = arith.constant 3 : i32
      %get3A_681 = arith.index_cast %get3A_680 : i32 to index
      %get3A_682 = arith.constant 0 : index
      %get3A_683 = tpu.vector_load %arg5[%get3A_681, %get3A_682] {strides = array<i32>} : memref<8x128xi32, #tpu.memory_space<vmem>>, vector<1x16xi32>,
      %get3A_684 = vector.shape_cast %get3A_683 : vector<1x16xi32> to vector<16xi32>
      %dma_start3A_685 = arith.constant 0 : i32
      %dma_start3A_686 = arith.constant 0 : i32
      %dma_start3A_687 = tpu.memref_slice %arg10[%dma_start3A_685, %dma_start3A_686] : memref<10112x128xf32, #tpu.memory_space<vmem_shared>> -> memref<10112x128xf32, #tpu.memory_space<vmem_shared>>
      tpu.enqueue_indirect_dma source(%dma_start3A_687 : memref<10112x128xf32, #tpu.memory_space<vmem_shared>>) target(%arg7 : memref<16x128xf32, #tpu.memory_space<vmem>>) offsets(%get3A_684 : vector<16xi32>) semaphore(%arg11 : memref<!tpu.dma_semaphore, #tpu.memory_space<semaphore_mem>>)
      %get3A_688 = arith.constant 3 : i32
      %get3A_689 = arith.index_cast %get3A_688 : i32 to index
      %get3A_690 = arith.constant 0 : index
      %get3A_691 = tpu.vector_load %arg5[%get3A_689, %get3A_690] {strides = array<i32>} : memref<8x128xi32, #tpu.memory_space<vmem>>, vector<1x16xi32>,
      %get3A_692 = vector.shape_cast %get3A_691 : vector<1x16xi32> to vector<16xi32>
      %dma_wait3A_693 = arith.constant 0 : i32
      %dma_wait3A_694 = arith.constant 0 : i32
      %dma_wait3A_695 = tpu.memref_slice %arg10[%dma_wait3A_693, %dma_wait3A_694] : memref<10112x128xf32, #tpu.memory_space<vmem_shared>> -> memref<10112x128xf32, #tpu.memory_space<vmem_shared>>
      tpu.wait_indirect_dma semaphore(%arg11 : memref<!tpu.dma_semaphore, #tpu.memory_space<semaphore_mem>>) src(%dma_wait3A_695 : memref<10112x128xf32, #tpu.memory_space<vmem_shared>>) dst(%arg7 : memref<16x128xf32, #tpu.memory_space<vmem>>)
      %get3A_696 = arith.constant 3 : i32
      %get3A_697 = arith.index_cast %get3A_696 : i32 to index
      %get3A_698 = arith.constant 16 : index
      %get3A_699 = tpu.vector_load %arg5[%get3A_697, %get3A_698] {strides = array<i32>} : memref<8x128xi32, #tpu.memory_space<vmem>>, vector<1x16xi32>,
      %get3A_700 = vector.shape_cast %get3A_699 : vector<1x16xi32> to vector<16xi32>
      %dma_start3A_701 = arith.constant 0 : i32
      %dma_start3A_702 = arith.constant 0 : i32
      %dma_start3A_703 = tpu.memref_slice %arg9[%dma_start3A_701, %dma_start3A_702] : memref<5120x128xf32, #tpu.memory_space<vmem_shared>> -> memref<5120x128xf32, #tpu.memory_space<vmem_shared>>
      tpu.enqueue_indirect_dma source(%arg7 : memref<16x128xf32, #tpu.memory_space<vmem>>) target(%dma_start3A_703 : memref<5120x128xf32, #tpu.memory_space<vmem_shared>>) offsets(%get3A_700 : vector<16xi32>) semaphore(%arg13 : memref<!tpu.dma_semaphore, #tpu.memory_space<semaphore_mem>>) {add = true}
      %get3A_704 = arith.constant 3 : i32
      %get3A_705 = arith.index_cast %get3A_704 : i32 to index
      %get3A_706 = arith.constant 16 : index
      %get3A_707 = tpu.vector_load %arg5[%get3A_705, %get3A_706] {strides = array<i32>} : memref<8x128xi32, #tpu.memory_space<vmem>>, vector<1x16xi32>,
      %get3A_708 = vector.shape_cast %get3A_707 : vector<1x16xi32> to vector<16xi32>
      %dma_wait3A_709 = arith.constant 0 : i32
      %dma_wait3A_710 = arith.constant 0 : i32
      %dma_wait3A_711 = tpu.memref_slice %arg9[%dma_wait3A_709, %dma_wait3A_710] : memref<5120x128xf32, #tpu.memory_space<vmem_shared>> -> memref<5120x128xf32, #tpu.memory_space<vmem_shared>>
      tpu.wait_indirect_dma semaphore(%arg14 : memref<!tpu.dma_semaphore, #tpu.memory_space<semaphore_mem>>) src(%arg8 : memref<16x128xf32, #tpu.memory_space<vmem>>) dst(%dma_wait3A_711 : memref<5120x128xf32, #tpu.memory_space<vmem_shared>>)
      %get3A_712 = arith.constant 3 : i32
      %get3A_713 = arith.index_cast %get3A_712 : i32 to index
      %get3A_714 = arith.constant 32 : index
      %get3A_715 = tpu.vector_load %arg5[%get3A_713, %get3A_714] {strides = array<i32>} : memref<8x128xi32, #tpu.memory_space<vmem>>, vector<1x16xi32>,
      %get3A_716 = vector.shape_cast %get3A_715 : vector<1x16xi32> to vector<16xi32>
      %dma_start3A_717 = arith.constant 0 : i32
      %dma_start3A_718 = arith.constant 0 : i32
      %dma_start3A_719 = tpu.memref_slice %arg10[%dma_start3A_717, %dma_start3A_718] : memref<10112x128xf32, #tpu.memory_space<vmem_shared>> -> memref<10112x128xf32, #tpu.memory_space<vmem_shared>>
      tpu.enqueue_indirect_dma source(%dma_start3A_719 : memref<10112x128xf32, #tpu.memory_space<vmem_shared>>) target(%arg8 : memref<16x128xf32, #tpu.memory_space<vmem>>) offsets(%get3A_716 : vector<16xi32>) semaphore(%arg12 : memref<!tpu.dma_semaphore, #tpu.memory_space<semaphore_mem>>)
      %get3A_720 = arith.constant 3 : i32
      %get3A_721 = arith.index_cast %get3A_720 : i32 to index
      %get3A_722 = arith.constant 32 : index
      %get3A_723 = tpu.vector_load %arg5[%get3A_721, %get3A_722] {strides = array<i32>} : memref<8x128xi32, #tpu.memory_space<vmem>>, vector<1x16xi32>,
      %get3A_724 = vector.shape_cast %get3A_723 : vector<1x16xi32> to vector<16xi32>
      %dma_wait3A_725 = arith.constant 0 : i32
      %dma_wait3A_726 = arith.constant 0 : i32
      %dma_wait3A_727 = tpu.memref_slice %arg10[%dma_wait3A_725, %dma_wait3A_726] : memref<10112x128xf32, #tpu.memory_space<vmem_shared>> -> memref<10112x128xf32, #tpu.memory_space<vmem_shared>>
      tpu.wait_indirect_dma semaphore(%arg12 : memref<!tpu.dma_semaphore, #tpu.memory_space<semaphore_mem>>) src(%dma_wait3A_727 : memref<10112x128xf32, #tpu.memory_space<vmem_shared>>) dst(%arg8 : memref<16x128xf32, #tpu.memory_space<vmem>>)
      %get3A_728 = arith.constant 3 : i32
      %get3A_729 = arith.index_cast %get3A_728 : i32 to index
      %get3A_730 = arith.constant 48 : index
      %get3A_731 = tpu.vector_load %arg5[%get3A_729, %get3A_730] {strides = array<i32>} : memref<8x128xi32, #tpu.memory_space<vmem>>, vector<1x16xi32>,
      %get3A_732 = vector.shape_cast %get3A_731 : vector<1x16xi32> to vector<16xi32>
      %dma_start3A_733 = arith.constant 0 : i32
      %dma_start3A_734 = arith.constant 0 : i32
      %dma_start3A_735 = tpu.memref_slice %arg9[%dma_start3A_733, %dma_start3A_734] : memref<5120x128xf32, #tpu.memory_space<vmem_shared>> -> memref<5120x128xf32, #tpu.memory_space<vmem_shared>>
      tpu.enqueue_indirect_dma source(%arg8 : memref<16x128xf32, #tpu.memory_space<vmem>>) target(%dma_start3A_735 : memref<5120x128xf32, #tpu.memory_space<vmem_shared>>) offsets(%get3A_732 : vector<16xi32>) semaphore(%arg14 : memref<!tpu.dma_semaphore, #tpu.memory_space<semaphore_mem>>) {add = true}
      %get3A_736 = arith.constant 3 : i32
      %get3A_737 = arith.index_cast %get3A_736 : i32 to index
      %get3A_738 = arith.constant 48 : index
      %get3A_739 = tpu.vector_load %arg5[%get3A_737, %get3A_738] {strides = array<i32>} : memref<8x128xi32, #tpu.memory_space<vmem>>, vector<1x16xi32>,
      %get3A_740 = vector.shape_cast %get3A_739 : vector<1x16xi32> to vector<16xi32>
      %dma_wait3A_741 = arith.constant 0 : i32
      %dma_wait3A_742 = arith.constant 0 : i32
      %dma_wait3A_743 = tpu.memref_slice %arg9[%dma_wait3A_741, %dma_wait3A_742] : memref<5120x128xf32, #tpu.memory_space<vmem_shared>> -> memref<5120x128xf32, #tpu.memory_space<vmem_shared>>
      tpu.wait_indirect_dma semaphore(%arg13 : memref<!tpu.dma_semaphore, #tpu.memory_space<semaphore_mem>>) src(%arg7 : memref<16x128xf32, #tpu.memory_space<vmem>>) dst(%dma_wait3A_743 : memref<5120x128xf32, #tpu.memory_space<vmem_shared>>)
      %get3A_744 = arith.constant 3 : i32
      %get3A_745 = arith.index_cast %get3A_744 : i32 to index
      %get3A_746 = arith.constant 64 : index
      %get3A_747 = tpu.vector_load %arg5[%get3A_745, %get3A_746] {strides = array<i32>} : memref<8x128xi32, #tpu.memory_space<vmem>>, vector<1x16xi32>,
      %get3A_748 = vector.shape_cast %get3A_747 : vector<1x16xi32> to vector<16xi32>
      %dma_start3A_749 = arith.constant 0 : i32
      %dma_start3A_750 = arith.constant 0 : i32
      %dma_start3A_751 = tpu.memref_slice %arg10[%dma_start3A_749, %dma_start3A_750] : memref<10112x128xf32, #tpu.memory_space<vmem_shared>> -> memref<10112x128xf32, #tpu.memory_space<vmem_shared>>
      tpu.enqueue_indirect_dma source(%dma_start3A_751 : memref<10112x128xf32, #tpu.memory_space<vmem_shared>>) target(%arg7 : memref<16x128xf32, #tpu.memory_space<vmem>>) offsets(%get3A_748 : vector<16xi32>) semaphore(%arg11 : memref<!tpu.dma_semaphore, #tpu.memory_space<semaphore_mem>>)
      %get3A_752 = arith.constant 3 : i32
      %get3A_753 = arith.index_cast %get3A_752 : i32 to index
      %get3A_754 = arith.constant 64 : index
      %get3A_755 = tpu.vector_load %arg5[%get3A_753, %get3A_754] {strides = array<i32>} : memref<8x128xi32, #tpu.memory_space<vmem>>, vector<1x16xi32>,
      %get3A_756 = vector.shape_cast %get3A_755 : vector<1x16xi32> to vector<16xi32>
      %dma_wait3A_757 = arith.constant 0 : i32
      %dma_wait3A_758 = arith.constant 0 : i32
      %dma_wait3A_759 = tpu.memref_slice %arg10[%dma_wait3A_757, %dma_wait3A_758] : memref<10112x128xf32, #tpu.memory_space<vmem_shared>> -> memref<10112x128xf32, #tpu.memory_space<vmem_shared>>
      tpu.wait_indirect_dma semaphore(%arg11 : memref<!tpu.dma_semaphore, #tpu.memory_space<semaphore_mem>>) src(%dma_wait3A_759 : memref<10112x128xf32, #tpu.memory_space<vmem_shared>>) dst(%arg7 : memref<16x128xf32, #tpu.memory_space<vmem>>)
      %get3A_760 = arith.constant 3 : i32
      %get3A_761 = arith.index_cast %get3A_760 : i32 to index
      %get3A_762 = arith.constant 80 : index
      %get3A_763 = tpu.vector_load %arg5[%get3A_761, %get3A_762] {strides = array<i32>} : memref<8x128xi32, #tpu.memory_space<vmem>>, vector<1x16xi32>,
      %get3A_764 = vector.shape_cast %get3A_763 : vector<1x16xi32> to vector<16xi32>
      %dma_start3A_765 = arith.constant 0 : i32
      %dma_start3A_766 = arith.constant 0 : i32
      %dma_start3A_767 = tpu.memref_slice %arg9[%dma_start3A_765, %dma_start3A_766] : memref<5120x128xf32, #tpu.memory_space<vmem_shared>> -> memref<5120x128xf32, #tpu.memory_space<vmem_shared>>
      tpu.enqueue_indirect_dma source(%arg7 : memref<16x128xf32, #tpu.memory_space<vmem>>) target(%dma_start3A_767 : memref<5120x128xf32, #tpu.memory_space<vmem_shared>>) offsets(%get3A_764 : vector<16xi32>) semaphore(%arg13 : memref<!tpu.dma_semaphore, #tpu.memory_space<semaphore_mem>>) {add = true}
      %get3A_768 = arith.constant 3 : i32
      %get3A_769 = arith.index_cast %get3A_768 : i32 to index
      %get3A_770 = arith.constant 80 : index
      %get3A_771 = tpu.vector_load %arg5[%get3A_769, %get3A_770] {strides = array<i32>} : memref<8x128xi32, #tpu.memory_space<vmem>>, vector<1x16xi32>,
      %get3A_772 = vector.shape_cast %get3A_771 : vector<1x16xi32> to vector<16xi32>
      %dma_wait3A_773 = arith.constant 0 : i32
      %dma_wait3A_774 = arith.constant 0 : i32
      %dma_wait3A_775 = tpu.memref_slice %arg9[%dma_wait3A_773, %dma_wait3A_774] : memref<5120x128xf32, #tpu.memory_space<vmem_shared>> -> memref<5120x128xf32, #tpu.memory_space<vmem_shared>>
      tpu.wait_indirect_dma semaphore(%arg14 : memref<!tpu.dma_semaphore, #tpu.memory_space<semaphore_mem>>) src(%arg8 : memref<16x128xf32, #tpu.memory_space<vmem>>) dst(%dma_wait3A_775 : memref<5120x128xf32, #tpu.memory_space<vmem_shared>>)
      %get3A_776 = arith.constant 3 : i32
      %get3A_777 = arith.index_cast %get3A_776 : i32 to index
      %get3A_778 = arith.constant 96 : index
      %get3A_779 = tpu.vector_load %arg5[%get3A_777, %get3A_778] {strides = array<i32>} : memref<8x128xi32, #tpu.memory_space<vmem>>, vector<1x16xi32>,
      %get3A_780 = vector.shape_cast %get3A_779 : vector<1x16xi32> to vector<16xi32>
      %dma_start3A_781 = arith.constant 0 : i32
      %dma_start3A_782 = arith.constant 0 : i32
      %dma_start3A_783 = tpu.memref_slice %arg10[%dma_start3A_781, %dma_start3A_782] : memref<10112x128xf32, #tpu.memory_space<vmem_shared>> -> memref<10112x128xf32, #tpu.memory_space<vmem_shared>>
      tpu.enqueue_indirect_dma source(%dma_start3A_783 : memref<10112x128xf32, #tpu.memory_space<vmem_shared>>) target(%arg8 : memref<16x128xf32, #tpu.memory_space<vmem>>) offsets(%get3A_780 : vector<16xi32>) semaphore(%arg12 : memref<!tpu.dma_semaphore, #tpu.memory_space<semaphore_mem>>)
      %get3A_784 = arith.constant 3 : i32
      %get3A_785 = arith.index_cast %get3A_784 : i32 to index
      %get3A_786 = arith.constant 96 : index
      %get3A_787 = tpu.vector_load %arg5[%get3A_785, %get3A_786] {strides = array<i32>} : memref<8x128xi32, #tpu.memory_space<vmem>>, vector<1x16xi32>,
      %get3A_788 = vector.shape_cast %get3A_787 : vector<1x16xi32> to vector<16xi32>
      %dma_wait3A_789 = arith.constant 0 : i32
      %dma_wait3A_790 = arith.constant 0 : i32
      %dma_wait3A_791 = tpu.memref_slice %arg10[%dma_wait3A_789, %dma_wait3A_790] : memref<10112x128xf32, #tpu.memory_space<vmem_shared>> -> memref<10112x128xf32, #tpu.memory_space<vmem_shared>>
      tpu.wait_indirect_dma semaphore(%arg12 : memref<!tpu.dma_semaphore, #tpu.memory_space<semaphore_mem>>) src(%dma_wait3A_791 : memref<10112x128xf32, #tpu.memory_space<vmem_shared>>) dst(%arg8 : memref<16x128xf32, #tpu.memory_space<vmem>>)
      %get3A_792 = arith.constant 3 : i32
      %get3A_793 = arith.index_cast %get3A_792 : i32 to index
      %get3A_794 = arith.constant 112 : index
      %get3A_795 = tpu.vector_load %arg5[%get3A_793, %get3A_794] {strides = array<i32>} : memref<8x128xi32, #tpu.memory_space<vmem>>, vector<1x16xi32>,
      %get3A_796 = vector.shape_cast %get3A_795 : vector<1x16xi32> to vector<16xi32>
      %dma_start3A_797 = arith.constant 0 : i32
      %dma_start3A_798 = arith.constant 0 : i32
      %dma_start3A_799 = tpu.memref_slice %arg9[%dma_start3A_797, %dma_start3A_798] : memref<5120x128xf32, #tpu.memory_space<vmem_shared>> -> memref<5120x128xf32, #tpu.memory_space<vmem_shared>>
      tpu.enqueue_indirect_dma source(%arg8 : memref<16x128xf32, #tpu.memory_space<vmem>>) target(%dma_start3A_799 : memref<5120x128xf32, #tpu.memory_space<vmem_shared>>) offsets(%get3A_796 : vector<16xi32>) semaphore(%arg14 : memref<!tpu.dma_semaphore, #tpu.memory_space<semaphore_mem>>) {add = true}
      %get3A_800 = arith.constant 3 : i32
      %get3A_801 = arith.index_cast %get3A_800 : i32 to index
      %get3A_802 = arith.constant 112 : index
      %get3A_803 = tpu.vector_load %arg5[%get3A_801, %get3A_802] {strides = array<i32>} : memref<8x128xi32, #tpu.memory_space<vmem>>, vector<1x16xi32>,
      %get3A_804 = vector.shape_cast %get3A_803 : vector<1x16xi32> to vector<16xi32>
      %dma_wait3A_805 = arith.constant 0 : i32
      %dma_wait3A_806 = arith.constant 0 : i32
      %dma_wait3A_807 = tpu.memref_slice %arg9[%dma_wait3A_805, %dma_wait3A_806] : memref<5120x128xf32, #tpu.memory_space<vmem_shared>> -> memref<5120x128xf32, #tpu.memory_space<vmem_shared>>
      tpu.wait_indirect_dma semaphore(%arg13 : memref<!tpu.dma_semaphore, #tpu.memory_space<semaphore_mem>>) src(%arg7 : memref<16x128xf32, #tpu.memory_space<vmem>>) dst(%dma_wait3A_807 : memref<5120x128xf32, #tpu.memory_space<vmem_shared>>)
      %get3A_808 = arith.constant 4 : i32
      %get3A_809 = arith.index_cast %get3A_808 : i32 to index
      %get3A_810 = arith.constant 0 : index
      %get3A_811 = tpu.vector_load %arg5[%get3A_809, %get3A_810] {strides = array<i32>} : memref<8x128xi32, #tpu.memory_space<vmem>>, vector<1x16xi32>,
      %get3A_812 = vector.shape_cast %get3A_811 : vector<1x16xi32> to vector<16xi32>
      %dma_start3A_813 = arith.constant 0 : i32
      %dma_start3A_814 = arith.constant 0 : i32
      %dma_start3A_815 = tpu.memref_slice %arg10[%dma_start3A_813, %dma_start3A_814] : memref<10112x128xf32, #tpu.memory_space<vmem_shared>> -> memref<10112x128xf32, #tpu.memory_space<vmem_shared>>
      tpu.enqueue_indirect_dma source(%dma_start3A_815 : memref<10112x128xf32, #tpu.memory_space<vmem_shared>>) target(%arg7 : memref<16x128xf32, #tpu.memory_space<vmem>>) offsets(%get3A_812 : vector<16xi32>) semaphore(%arg11 : memref<!tpu.dma_semaphore, #tpu.memory_space<semaphore_mem>>)
      %get3A_816 = arith.constant 4 : i32
      %get3A_817 = arith.index_cast %get3A_816 : i32 to index
      %get3A_818 = arith.constant 0 : index
      %get3A_819 = tpu.vector_load %arg5[%get3A_817, %get3A_818] {strides = array<i32>} : memref<8x128xi32, #tpu.memory_space<vmem>>, vector<1x16xi32>,
      %get3A_820 = vector.shape_cast %get3A_819 : vector<1x16xi32> to vector<16xi32>
      %dma_wait3A_821 = arith.constant 0 : i32
      %dma_wait3A_822 = arith.constant 0 : i32
      %dma_wait3A_823 = tpu.memref_slice %arg10[%dma_wait3A_821, %dma_wait3A_822] : memref<10112x128xf32, #tpu.memory_space<vmem_shared>> -> memref<10112x128xf32, #tpu.memory_space<vmem_shared>>
      tpu.wait_indirect_dma semaphore(%arg11 : memref<!tpu.dma_semaphore, #tpu.memory_space<semaphore_mem>>) src(%dma_wait3A_823 : memref<10112x128xf32, #tpu.memory_space<vmem_shared>>) dst(%arg7 : memref<16x128xf32, #tpu.memory_space<vmem>>)
      %get3A_824 = arith.constant 4 : i32
      %get3A_825 = arith.index_cast %get3A_824 : i32 to index
      %get3A_826 = arith.constant 16 : index
      %get3A_827 = tpu.vector_load %arg5[%get3A_825, %get3A_826] {strides = array<i32>} : memref<8x128xi32, #tpu.memory_space<vmem>>, vector<1x16xi32>,
      %get3A_828 = vector.shape_cast %get3A_827 : vector<1x16xi32> to vector<16xi32>
      %dma_start3A_829 = arith.constant 0 : i32
      %dma_start3A_830 = arith.constant 0 : i32
      %dma_start3A_831 = tpu.memref_slice %arg9[%dma_start3A_829, %dma_start3A_830] : memref<5120x128xf32, #tpu.memory_space<vmem_shared>> -> memref<5120x128xf32, #tpu.memory_space<vmem_shared>>
      tpu.enqueue_indirect_dma source(%arg7 : memref<16x128xf32, #tpu.memory_space<vmem>>) target(%dma_start3A_831 : memref<5120x128xf32, #tpu.memory_space<vmem_shared>>) offsets(%get3A_828 : vector<16xi32>) semaphore(%arg13 : memref<!tpu.dma_semaphore, #tpu.memory_space<semaphore_mem>>) {add = true}
      %get3A_832 = arith.constant 4 : i32
      %get3A_833 = arith.index_cast %get3A_832 : i32 to index
      %get3A_834 = arith.constant 16 : index
      %get3A_835 = tpu.vector_load %arg5[%get3A_833, %get3A_834] {strides = array<i32>} : memref<8x128xi32, #tpu.memory_space<vmem>>, vector<1x16xi32>,
      %get3A_836 = vector.shape_cast %get3A_835 : vector<1x16xi32> to vector<16xi32>
      %dma_wait3A_837 = arith.constant 0 : i32
      %dma_wait3A_838 = arith.constant 0 : i32
      %dma_wait3A_839 = tpu.memref_slice %arg9[%dma_wait3A_837, %dma_wait3A_838] : memref<5120x128xf32, #tpu.memory_space<vmem_shared>> -> memref<5120x128xf32, #tpu.memory_space<vmem_shared>>
      tpu.wait_indirect_dma semaphore(%arg14 : memref<!tpu.dma_semaphore, #tpu.memory_space<semaphore_mem>>) src(%arg8 : memref<16x128xf32, #tpu.memory_space<vmem>>) dst(%dma_wait3A_839 : memref<5120x128xf32, #tpu.memory_space<vmem_shared>>)
      %get3A_840 = arith.constant 4 : i32
      %get3A_841 = arith.index_cast %get3A_840 : i32 to index
      %get3A_842 = arith.constant 32 : index
      %get3A_843 = tpu.vector_load %arg5[%get3A_841, %get3A_842] {strides = array<i32>} : memref<8x128xi32, #tpu.memory_space<vmem>>, vector<1x16xi32>,
      %get3A_844 = vector.shape_cast %get3A_843 : vector<1x16xi32> to vector<16xi32>
      %dma_start3A_845 = arith.constant 0 : i32
      %dma_start3A_846 = arith.constant 0 : i32
      %dma_start3A_847 = tpu.memref_slice %arg10[%dma_start3A_845, %dma_start3A_846] : memref<10112x128xf32, #tpu.memory_space<vmem_shared>> -> memref<10112x128xf32, #tpu.memory_space<vmem_shared>>
      tpu.enqueue_indirect_dma source(%dma_start3A_847 : memref<10112x128xf32, #tpu.memory_space<vmem_shared>>) target(%arg8 : memref<16x128xf32, #tpu.memory_space<vmem>>) offsets(%get3A_844 : vector<16xi32>) semaphore(%arg12 : memref<!tpu.dma_semaphore, #tpu.memory_space<semaphore_mem>>)
      %get3A_848 = arith.constant 4 : i32
      %get3A_849 = arith.index_cast %get3A_848 : i32 to index
      %get3A_850 = arith.constant 32 : index
      %get3A_851 = tpu.vector_load %arg5[%get3A_849, %get3A_850] {strides = array<i32>} : memref<8x128xi32, #tpu.memory_space<vmem>>, vector<1x16xi32>,
      %get3A_852 = vector.shape_cast %get3A_851 : vector<1x16xi32> to vector<16xi32>
      %dma_wait3A_853 = arith.constant 0 : i32
      %dma_wait3A_854 = arith.constant 0 : i32
      %dma_wait3A_855 = tpu.memref_slice %arg10[%dma_wait3A_853, %dma_wait3A_854] : memref<10112x128xf32, #tpu.memory_space<vmem_shared>> -> memref<10112x128xf32, #tpu.memory_space<vmem_shared>>
      tpu.wait_indirect_dma semaphore(%arg12 : memref<!tpu.dma_semaphore, #tpu.memory_space<semaphore_mem>>) src(%dma_wait3A_855 : memref<10112x128xf32, #tpu.memory_space<vmem_shared>>) dst(%arg8 : memref<16x128xf32, #tpu.memory_space<vmem>>)
      %get3A_856 = arith.constant 4 : i32
      %get3A_857 = arith.index_cast %get3A_856 : i32 to index
      %get3A_858 = arith.constant 48 : index
      %get3A_859 = tpu.vector_load %arg5[%get3A_857, %get3A_858] {strides = array<i32>} : memref<8x128xi32, #tpu.memory_space<vmem>>, vector<1x16xi32>,
      %get3A_860 = vector.shape_cast %get3A_859 : vector<1x16xi32> to vector<16xi32>
      %dma_start3A_861 = arith.constant 0 : i32
      %dma_start3A_862 = arith.constant 0 : i32
      %dma_start3A_863 = tpu.memref_slice %arg9[%dma_start3A_861, %dma_start3A_862] : memref<5120x128xf32, #tpu.memory_space<vmem_shared>> -> memref<5120x128xf32, #tpu.memory_space<vmem_shared>>
      tpu.enqueue_indirect_dma source(%arg8 : memref<16x128xf32, #tpu.memory_space<vmem>>) target(%dma_start3A_863 : memref<5120x128xf32, #tpu.memory_space<vmem_shared>>) offsets(%get3A_860 : vector<16xi32>) semaphore(%arg14 : memref<!tpu.dma_semaphore, #tpu.memory_space<semaphore_mem>>) {add = true}
      %get3A_864 = arith.constant 4 : i32
      %get3A_865 = arith.index_cast %get3A_864 : i32 to index
      %get3A_866 = arith.constant 48 : index
      %get3A_867 = tpu.vector_load %arg5[%get3A_865, %get3A_866] {strides = array<i32>} : memref<8x128xi32, #tpu.memory_space<vmem>>, vector<1x16xi32>,
      %get3A_868 = vector.shape_cast %get3A_867 : vector<1x16xi32> to vector<16xi32>
      %dma_wait3A_869 = arith.constant 0 : i32
      %dma_wait3A_870 = arith.constant 0 : i32
      %dma_wait3A_871 = tpu.memref_slice %arg9[%dma_wait3A_869, %dma_wait3A_870] : memref<5120x128xf32, #tpu.memory_space<vmem_shared>> -> memref<5120x128xf32, #tpu.memory_space<vmem_shared>>
      tpu.wait_indirect_dma semaphore(%arg13 : memref<!tpu.dma_semaphore, #tpu.memory_space<semaphore_mem>>) src(%arg7 : memref<16x128xf32, #tpu.memory_space<vmem>>) dst(%dma_wait3A_871 : memref<5120x128xf32, #tpu.memory_space<vmem_shared>>)
      %get3A_872 = arith.constant 4 : i32
      %get3A_873 = arith.index_cast %get3A_872 : i32 to index
      %get3A_874 = arith.constant 64 : index
      %get3A_875 = tpu.vector_load %arg5[%get3A_873, %get3A_874] {strides = array<i32>} : memref<8x128xi32, #tpu.memory_space<vmem>>, vector<1x16xi32>,
      %get3A_876 = vector.shape_cast %get3A_875 : vector<1x16xi32> to vector<16xi32>
      %dma_start3A_877 = arith.constant 0 : i32
      %dma_start3A_878 = arith.constant 0 : i32
      %dma_start3A_879 = tpu.memref_slice %arg10[%dma_start3A_877, %dma_start3A_878] : memref<10112x128xf32, #tpu.memory_space<vmem_shared>> -> memref<10112x128xf32, #tpu.memory_space<vmem_shared>>
      tpu.enqueue_indirect_dma source(%dma_start3A_879 : memref<10112x128xf32, #tpu.memory_space<vmem_shared>>) target(%arg7 : memref<16x128xf32, #tpu.memory_space<vmem>>) offsets(%get3A_876 : vector<16xi32>) semaphore(%arg11 : memref<!tpu.dma_semaphore, #tpu.memory_space<semaphore_mem>>)
      %get3A_880 = arith.constant 4 : i32
      %get3A_881 = arith.index_cast %get3A_880 : i32 to index
      %get3A_882 = arith.constant 64 : index
      %get3A_883 = tpu.vector_load %arg5[%get3A_881, %get3A_882] {strides = array<i32>} : memref<8x128xi32, #tpu.memory_space<vmem>>, vector<1x16xi32>,
      %get3A_884 = vector.shape_cast %get3A_883 : vector<1x16xi32> to vector<16xi32>
      %dma_wait3A_885 = arith.constant 0 : i32
      %dma_wait3A_886 = arith.constant 0 : i32
      %dma_wait3A_887 = tpu.memref_slice %arg10[%dma_wait3A_885, %dma_wait3A_886] : memref<10112x128xf32, #tpu.memory_space<vmem_shared>> -> memref<10112x128xf32, #tpu.memory_space<vmem_shared>>
      tpu.wait_indirect_dma semaphore(%arg11 : memref<!tpu.dma_semaphore, #tpu.memory_space<semaphore_mem>>) src(%dma_wait3A_887 : memref<10112x128xf32, #tpu.memory_space<vmem_shared>>) dst(%arg7 : memref<16x128xf32, #tpu.memory_space<vmem>>)
      %get3A_888 = arith.constant 4 : i32
      %get3A_889 = arith.index_cast %get3A_888 : i32 to index
      %get3A_890 = arith.constant 80 : index
      %get3A_891 = tpu.vector_load %arg5[%get3A_889, %get3A_890] {strides = array<i32>} : memref<8x128xi32, #tpu.memory_space<vmem>>, vector<1x16xi32>,
      %get3A_892 = vector.shape_cast %get3A_891 : vector<1x16xi32> to vector<16xi32>
      %dma_start3A_893 = arith.constant 0 : i32
      %dma_start3A_894 = arith.constant 0 : i32
      %dma_start3A_895 = tpu.memref_slice %arg9[%dma_start3A_893, %dma_start3A_894] : memref<5120x128xf32, #tpu.memory_space<vmem_shared>> -> memref<5120x128xf32, #tpu.memory_space<vmem_shared>>
      tpu.enqueue_indirect_dma source(%arg7 : memref<16x128xf32, #tpu.memory_space<vmem>>) target(%dma_start3A_895 : memref<5120x128xf32, #tpu.memory_space<vmem_shared>>) offsets(%get3A_892 : vector<16xi32>) semaphore(%arg13 : memref<!tpu.dma_semaphore, #tpu.memory_space<semaphore_mem>>) {add = true}
      %get3A_896 = arith.constant 4 : i32
      %get3A_897 = arith.index_cast %get3A_896 : i32 to index
      %get3A_898 = arith.constant 80 : index
      %get3A_899 = tpu.vector_load %arg5[%get3A_897, %get3A_898] {strides = array<i32>} : memref<8x128xi32, #tpu.memory_space<vmem>>, vector<1x16xi32>,
      %get3A_900 = vector.shape_cast %get3A_899 : vector<1x16xi32> to vector<16xi32>
      %dma_wait3A_901 = arith.constant 0 : i32
      %dma_wait3A_902 = arith.constant 0 : i32
      %dma_wait3A_903 = tpu.memref_slice %arg9[%dma_wait3A_901, %dma_wait3A_902] : memref<5120x128xf32, #tpu.memory_space<vmem_shared>> -> memref<5120x128xf32, #tpu.memory_space<vmem_shared>>
      tpu.wait_indirect_dma semaphore(%arg14 : memref<!tpu.dma_semaphore, #tpu.memory_space<semaphore_mem>>) src(%arg8 : memref<16x128xf32, #tpu.memory_space<vmem>>) dst(%dma_wait3A_903 : memref<5120x128xf32, #tpu.memory_space<vmem_shared>>)
      %get3A_904 = arith.constant 4 : i32
      %get3A_905 = arith.index_cast %get3A_904 : i32 to index
      %get3A_906 = arith.constant 96 : index
      %get3A_907 = tpu.vector_load %arg5[%get3A_905, %get3A_906] {strides = array<i32>} : memref<8x128xi32, #tpu.memory_space<vmem>>, vector<1x16xi32>,
      %get3A_908 = vector.shape_cast %get3A_907 : vector<1x16xi32> to vector<16xi32>
      %dma_start3A_909 = arith.constant 0 : i32
      %dma_start3A_910 = arith.constant 0 : i32
      %dma_start3A_911 = tpu.memref_slice %arg10[%dma_start3A_909, %dma_start3A_910] : memref<10112x128xf32, #tpu.memory_space<vmem_shared>> -> memref<10112x128xf32, #tpu.memory_space<vmem_shared>>
      tpu.enqueue_indirect_dma source(%dma_start3A_911 : memref<10112x128xf32, #tpu.memory_space<vmem_shared>>) target(%arg8 : memref<16x128xf32, #tpu.memory_space<vmem>>) offsets(%get3A_908 : vector<16xi32>) semaphore(%arg12 : memref<!tpu.dma_semaphore, #tpu.memory_space<semaphore_mem>>)
      %get3A_912 = arith.constant 4 : i32
      %get3A_913 = arith.index_cast %get3A_912 : i32 to index
      %get3A_914 = arith.constant 96 : index
      %get3A_915 = tpu.vector_load %arg5[%get3A_913, %get3A_914] {strides = array<i32>} : memref<8x128xi32, #tpu.memory_space<vmem>>, vector<1x16xi32>,
      %get3A_916 = vector.shape_cast %get3A_915 : vector<1x16xi32> to vector<16xi32>
      %dma_wait3A_917 = arith.constant 0 : i32
      %dma_wait3A_918 = arith.constant 0 : i32
      %dma_wait3A_919 = tpu.memref_slice %arg10[%dma_wait3A_917, %dma_wait3A_918] : memref<10112x128xf32, #tpu.memory_space<vmem_shared>> -> memref<10112x128xf32, #tpu.memory_space<vmem_shared>>
      tpu.wait_indirect_dma semaphore(%arg12 : memref<!tpu.dma_semaphore, #tpu.memory_space<semaphore_mem>>) src(%dma_wait3A_919 : memref<10112x128xf32, #tpu.memory_space<vmem_shared>>) dst(%arg8 : memref<16x128xf32, #tpu.memory_space<vmem>>)
      %get3A_920 = arith.constant 4 : i32
      %get3A_921 = arith.index_cast %get3A_920 : i32 to index
      %get3A_922 = arith.constant 112 : index
      %get3A_923 = tpu.vector_load %arg5[%get3A_921, %get3A_922] {strides = array<i32>} : memref<8x128xi32, #tpu.memory_space<vmem>>, vector<1x16xi32>,
      %get3A_924 = vector.shape_cast %get3A_923 : vector<1x16xi32> to vector<16xi32>
      %dma_start3A_925 = arith.constant 0 : i32
      %dma_start3A_926 = arith.constant 0 : i32
      %dma_start3A_927 = tpu.memref_slice %arg9[%dma_start3A_925, %dma_start3A_926] : memref<5120x128xf32, #tpu.memory_space<vmem_shared>> -> memref<5120x128xf32, #tpu.memory_space<vmem_shared>>
      tpu.enqueue_indirect_dma source(%arg8 : memref<16x128xf32, #tpu.memory_space<vmem>>) target(%dma_start3A_927 : memref<5120x128xf32, #tpu.memory_space<vmem_shared>>) offsets(%get3A_924 : vector<16xi32>) semaphore(%arg14 : memref<!tpu.dma_semaphore, #tpu.memory_space<semaphore_mem>>) {add = true}
      %get3A_928 = arith.constant 4 : i32
      %get3A_929 = arith.index_cast %get3A_928 : i32 to index
      %get3A_930 = arith.constant 112 : index
      %get3A_931 = tpu.vector_load %arg5[%get3A_929, %get3A_930] {strides = array<i32>} : memref<8x128xi32, #tpu.memory_space<vmem>>, vector<1x16xi32>,
      %get3A_932 = vector.shape_cast %get3A_931 : vector<1x16xi32> to vector<16xi32>
      %dma_wait3A_933 = arith.constant 0 : i32
      %dma_wait3A_934 = arith.constant 0 : i32
      %dma_wait3A_935 = tpu.memref_slice %arg9[%dma_wait3A_933, %dma_wait3A_934] : memref<5120x128xf32, #tpu.memory_space<vmem_shared>> -> memref<5120x128xf32, #tpu.memory_space<vmem_shared>>
      tpu.wait_indirect_dma semaphore(%arg13 : memref<!tpu.dma_semaphore, #tpu.memory_space<semaphore_mem>>) src(%arg7 : memref<16x128xf32, #tpu.memory_space<vmem>>) dst(%dma_wait3A_935 : memref<5120x128xf32, #tpu.memory_space<vmem_shared>>)
      %get3A_936 = arith.constant 5 : i32
      %get3A_937 = arith.index_cast %get3A_936 : i32 to index
      %get3A_938 = arith.constant 0 : index
      %get3A_939 = tpu.vector_load %arg5[%get3A_937, %get3A_938] {strides = array<i32>} : memref<8x128xi32, #tpu.memory_space<vmem>>, vector<1x16xi32>,
      %get3A_940 = vector.shape_cast %get3A_939 : vector<1x16xi32> to vector<16xi32>
      %dma_start3A_941 = arith.constant 0 : i32
      %dma_start3A_942 = arith.constant 0 : i32
      %dma_start3A_943 = tpu.memref_slice %arg10[%dma_start3A_941, %dma_start3A_942] : memref<10112x128xf32, #tpu.memory_space<vmem_shared>> -> memref<10112x128xf32, #tpu.memory_space<vmem_shared>>
      tpu.enqueue_indirect_dma source(%dma_start3A_943 : memref<10112x128xf32, #tpu.memory_space<vmem_shared>>) target(%arg7 : memref<16x128xf32, #tpu.memory_space<vmem>>) offsets(%get3A_940 : vector<16xi32>) semaphore(%arg11 : memref<!tpu.dma_semaphore, #tpu.memory_space<semaphore_mem>>)
      %get3A_944 = arith.constant 5 : i32
      %get3A_945 = arith.index_cast %get3A_944 : i32 to index
      %get3A_946 = arith.constant 0 : index
      %get3A_947 = tpu.vector_load %arg5[%get3A_945, %get3A_946] {strides = array<i32>} : memref<8x128xi32, #tpu.memory_space<vmem>>, vector<1x16xi32>,
      %get3A_948 = vector.shape_cast %get3A_947 : vector<1x16xi32> to vector<16xi32>
      %dma_wait3A_949 = arith.constant 0 : i32
      %dma_wait3A_950 = arith.constant 0 : i32
      %dma_wait3A_951 = tpu.memref_slice %arg10[%dma_wait3A_949, %dma_wait3A_950] : memref<10112x128xf32, #tpu.memory_space<vmem_shared>> -> memref<10112x128xf32, #tpu.memory_space<vmem_shared>>
      tpu.wait_indirect_dma semaphore(%arg11 : memref<!tpu.dma_semaphore, #tpu.memory_space<semaphore_mem>>) src(%dma_wait3A_951 : memref<10112x128xf32, #tpu.memory_space<vmem_shared>>) dst(%arg7 : memref<16x128xf32, #tpu.memory_space<vmem>>)
      %get3A_952 = arith.constant 5 : i32
      %get3A_953 = arith.index_cast %get3A_952 : i32 to index
      %get3A_954 = arith.constant 16 : index
      %get3A_955 = tpu.vector_load %arg5[%get3A_953, %get3A_954] {strides = array<i32>} : memref<8x128xi32, #tpu.memory_space<vmem>>, vector<1x16xi32>,
      %get3A_956 = vector.shape_cast %get3A_955 : vector<1x16xi32> to vector<16xi32>
      %dma_start3A_957 = arith.constant 0 : i32
      %dma_start3A_958 = arith.constant 0 : i32
      %dma_start3A_959 = tpu.memref_slice %arg9[%dma_start3A_957, %dma_start3A_958] : memref<5120x128xf32, #tpu.memory_space<vmem_shared>> -> memref<5120x128xf32, #tpu.memory_space<vmem_shared>>
      tpu.enqueue_indirect_dma source(%arg7 : memref<16x128xf32, #tpu.memory_space<vmem>>) target(%dma_start3A_959 : memref<5120x128xf32, #tpu.memory_space<vmem_shared>>) offsets(%get3A_956 : vector<16xi32>) semaphore(%arg13 : memref<!tpu.dma_semaphore, #tpu.memory_space<semaphore_mem>>) {add = true}
      %get3A_960 = arith.constant 5 : i32
      %get3A_961 = arith.index_cast %get3A_960 : i32 to index
      %get3A_962 = arith.constant 16 : index
      %get3A_963 = tpu.vector_load %arg5[%get3A_961, %get3A_962] {strides = array<i32>} : memref<8x128xi32, #tpu.memory_space<vmem>>, vector<1x16xi32>,
      %get3A_964 = vector.shape_cast %get3A_963 : vector<1x16xi32> to vector<16xi32>
      %dma_wait3A_965 = arith.constant 0 : i32
      %dma_wait3A_966 = arith.constant 0 : i32
      %dma_wait3A_967 = tpu.memref_slice %arg9[%dma_wait3A_965, %dma_wait3A_966] : memref<5120x128xf32, #tpu.memory_space<vmem_shared>> -> memref<5120x128xf32, #tpu.memory_space<vmem_shared>>
      tpu.wait_indirect_dma semaphore(%arg14 : memref<!tpu.dma_semaphore, #tpu.memory_space<semaphore_mem>>) src(%arg8 : memref<16x128xf32, #tpu.memory_space<vmem>>) dst(%dma_wait3A_967 : memref<5120x128xf32, #tpu.memory_space<vmem_shared>>)
      %get3A_968 = arith.constant 5 : i32
      %get3A_969 = arith.index_cast %get3A_968 : i32 to index
      %get3A_970 = arith.constant 32 : index
      %get3A_971 = tpu.vector_load %arg5[%get3A_969, %get3A_970] {strides = array<i32>} : memref<8x128xi32, #tpu.memory_space<vmem>>, vector<1x16xi32>,
      %get3A_972 = vector.shape_cast %get3A_971 : vector<1x16xi32> to vector<16xi32>
      %dma_start3A_973 = arith.constant 0 : i32
      %dma_start3A_974 = arith.constant 0 : i32
      %dma_start3A_975 = tpu.memref_slice %arg10[%dma_start3A_973, %dma_start3A_974] : memref<10112x128xf32, #tpu.memory_space<vmem_shared>> -> memref<10112x128xf32, #tpu.memory_space<vmem_shared>>
      tpu.enqueue_indirect_dma source(%dma_start3A_975 : memref<10112x128xf32, #tpu.memory_space<vmem_shared>>) target(%arg8 : memref<16x128xf32, #tpu.memory_space<vmem>>) offsets(%get3A_972 : vector<16xi32>) semaphore(%arg12 : memref<!tpu.dma_semaphore, #tpu.memory_space<semaphore_mem>>)
      %get3A_976 = arith.constant 5 : i32
      %get3A_977 = arith.index_cast %get3A_976 : i32 to index
      %get3A_978 = arith.constant 32 : index
      %get3A_979 = tpu.vector_load %arg5[%get3A_977, %get3A_978] {strides = array<i32>} : memref<8x128xi32, #tpu.memory_space<vmem>>, vector<1x16xi32>,
      %get3A_980 = vector.shape_cast %get3A_979 : vector<1x16xi32> to vector<16xi32>
      %dma_wait3A_981 = arith.constant 0 : i32
      %dma_wait3A_982 = arith.constant 0 : i32
      %dma_wait3A_983 = tpu.memref_slice %arg10[%dma_wait3A_981, %dma_wait3A_982] : memref<10112x128xf32, #tpu.memory_space<vmem_shared>> -> memref<10112x128xf32, #tpu.memory_space<vmem_shared>>
      tpu.wait_indirect_dma semaphore(%arg12 : memref<!tpu.dma_semaphore, #tpu.memory_space<semaphore_mem>>) src(%dma_wait3A_983 : memref<10112x128xf32, #tpu.memory_space<vmem_shared>>) dst(%arg8 : memref<16x128xf32, #tpu.memory_space<vmem>>)
      %get3A_984 = arith.constant 5 : i32
      %get3A_985 = arith.index_cast %get3A_984 : i32 to index
      %get3A_986 = arith.constant 48 : index
      %get3A_987 = tpu.vector_load %arg5[%get3A_985, %get3A_986] {strides = array<i32>} : memref<8x128xi32, #tpu.memory_space<vmem>>, vector<1x16xi32>,
      %get3A_988 = vector.shape_cast %get3A_987 : vector<1x16xi32> to vector<16xi32>
      %dma_start3A_989 = arith.constant 0 : i32
      %dma_start3A_990 = arith.constant 0 : i32
      %dma_start3A_991 = tpu.memref_slice %arg9[%dma_start3A_989, %dma_start3A_990] : memref<5120x128xf32, #tpu.memory_space<vmem_shared>> -> memref<5120x128xf32, #tpu.memory_space<vmem_shared>>
      tpu.enqueue_indirect_dma source(%arg8 : memref<16x128xf32, #tpu.memory_space<vmem>>) target(%dma_start3A_991 : memref<5120x128xf32, #tpu.memory_space<vmem_shared>>) offsets(%get3A_988 : vector<16xi32>) semaphore(%arg14 : memref<!tpu.dma_semaphore, #tpu.memory_space<semaphore_mem>>) {add = true}
      %get3A_992 = arith.constant 5 : i32
      %get3A_993 = arith.index_cast %get3A_992 : i32 to index
      %get3A_994 = arith.constant 48 : index
      %get3A_995 = tpu.vector_load %arg5[%get3A_993, %get3A_994] {strides = array<i32>} : memref<8x128xi32, #tpu.memory_space<vmem>>, vector<1x16xi32>,
      %get3A_996 = vector.shape_cast %get3A_995 : vector<1x16xi32> to vector<16xi32>
      %dma_wait3A_997 = arith.constant 0 : i32
      %dma_wait3A_998 = arith.constant 0 : i32
      %dma_wait3A_999 = tpu.memref_slice %arg9[%dma_wait3A_997, %dma_wait3A_998] : memref<5120x128xf32, #tpu.memory_space<vmem_shared>> -> memref<5120x128xf32, #tpu.memory_space<vmem_shared>>
      tpu.wait_indirect_dma semaphore(%arg13 : memref<!tpu.dma_semaphore, #tpu.memory_space<semaphore_mem>>) src(%arg7 : memref<16x128xf32, #tpu.memory_space<vmem>>) dst(%dma_wait3A_999 : memref<5120x128xf32, #tpu.memory_space<vmem_shared>>)
      %get3A_1000 = arith.constant 5 : i32
      %get3A_1001 = arith.index_cast %get3A_1000 : i32 to index
      %get3A_1002 = arith.constant 64 : index
      %get3A_1003 = tpu.vector_load %arg5[%get3A_1001, %get3A_1002] {strides = array<i32>} : memref<8x128xi32, #tpu.memory_space<vmem>>, vector<1x16xi32>,
      %get3A_1004 = vector.shape_cast %get3A_1003 : vector<1x16xi32> to vector<16xi32>
      %dma_start3A_1005 = arith.constant 0 : i32
      %dma_start3A_1006 = arith.constant 0 : i32
      %dma_start3A_1007 = tpu.memref_slice %arg10[%dma_start3A_1005, %dma_start3A_1006] : memref<10112x128xf32, #tpu.memory_space<vmem_shared>> -> memref<10112x128xf32, #tpu.memory_space<vmem_shared>>
      tpu.enqueue_indirect_dma source(%dma_start3A_1007 : memref<10112x128xf32, #tpu.memory_space<vmem_shared>>) target(%arg7 : memref<16x128xf32, #tpu.memory_space<vmem>>) offsets(%get3A_1004 : vector<16xi32>) semaphore(%arg11 : memref<!tpu.dma_semaphore, #tpu.memory_space<semaphore_mem>>)
      %get3A_1008 = arith.constant 5 : i32
      %get3A_1009 = arith.index_cast %get3A_1008 : i32 to index
      %get3A_1010 = arith.constant 64 : index
      %get3A_1011 = tpu.vector_load %arg5[%get3A_1009, %get3A_1010] {strides = array<i32>} : memref<8x128xi32, #tpu.memory_space<vmem>>, vector<1x16xi32>,
      %get3A_1012 = vector.shape_cast %get3A_1011 : vector<1x16xi32> to vector<16xi32>
      %dma_wait3A_1013 = arith.constant 0 : i32
      %dma_wait3A_1014 = arith.constant 0 : i32
      %dma_wait3A_1015 = tpu.memref_slice %arg10[%dma_wait3A_1013, %dma_wait3A_1014] : memref<10112x128xf32, #tpu.memory_space<vmem_shared>> -> memref<10112x128xf32, #tpu.memory_space<vmem_shared>>
      tpu.wait_indirect_dma semaphore(%arg11 : memref<!tpu.dma_semaphore, #tpu.memory_space<semaphore_mem>>) src(%dma_wait3A_1015 : memref<10112x128xf32, #tpu.memory_space<vmem_shared>>) dst(%arg7 : memref<16x128xf32, #tpu.memory_space<vmem>>)
      %get3A_1016 = arith.constant 5 : i32
      %get3A_1017 = arith.index_cast %get3A_1016 : i32 to index
      %get3A_1018 = arith.constant 80 : index
      %get3A_1019 = tpu.vector_load %arg5[%get3A_1017, %get3A_1018] {strides = array<i32>} : memref<8x128xi32, #tpu.memory_space<vmem>>, vector<1x16xi32>,
      %get3A_1020 = vector.shape_cast %get3A_1019 : vector<1x16xi32> to vector<16xi32>
      %dma_start3A_1021 = arith.constant 0 : i32
      %dma_start3A_1022 = arith.constant 0 : i32
      %dma_start3A_1023 = tpu.memref_slice %arg9[%dma_start3A_1021, %dma_start3A_1022] : memref<5120x128xf32, #tpu.memory_space<vmem_shared>> -> memref<5120x128xf32, #tpu.memory_space<vmem_shared>>
      tpu.enqueue_indirect_dma source(%arg7 : memref<16x128xf32, #tpu.memory_space<vmem>>) target(%dma_start3A_1023 : memref<5120x128xf32, #tpu.memory_space<vmem_shared>>) offsets(%get3A_1020 : vector<16xi32>) semaphore(%arg13 : memref<!tpu.dma_semaphore, #tpu.memory_space<semaphore_mem>>) {add = true}
      %get3A_1024 = arith.constant 5 : i32
      %get3A_1025 = arith.index_cast %get3A_1024 : i32 to index
      %get3A_1026 = arith.constant 80 : index
      %get3A_1027 = tpu.vector_load %arg5[%get3A_1025, %get3A_1026] {strides = array<i32>} : memref<8x128xi32, #tpu.memory_space<vmem>>, vector<1x16xi32>,
      %get3A_1028 = vector.shape_cast %get3A_1027 : vector<1x16xi32> to vector<16xi32>
      %dma_wait3A_1029 = arith.constant 0 : i32
      %dma_wait3A_1030 = arith.constant 0 : i32
      %dma_wait3A_1031 = tpu.memref_slice %arg9[%dma_wait3A_1029, %dma_wait3A_1030] : memref<5120x128xf32, #tpu.memory_space<vmem_shared>> -> memref<5120x128xf32, #tpu.memory_space<vmem_shared>>
      tpu.wait_indirect_dma semaphore(%arg14 : memref<!tpu.dma_semaphore, #tpu.memory_space<semaphore_mem>>) src(%arg8 : memref<16x128xf32, #tpu.memory_space<vmem>>) dst(%dma_wait3A_1031 : memref<5120x128xf32, #tpu.memory_space<vmem_shared>>)
      %get3A_1032 = arith.constant 5 : i32
      %get3A_1033 = arith.index_cast %get3A_1032 : i32 to index
      %get3A_1034 = arith.constant 96 : index
      %get3A_1035 = tpu.vector_load %arg5[%get3A_1033, %get3A_1034] {strides = array<i32>} : memref<8x128xi32, #tpu.memory_space<vmem>>, vector<1x16xi32>,
      %get3A_1036 = vector.shape_cast %get3A_1035 : vector<1x16xi32> to vector<16xi32>
      %dma_start3A_1037 = arith.constant 0 : i32
      %dma_start3A_1038 = arith.constant 0 : i32
      %dma_start3A_1039 = tpu.memref_slice %arg10[%dma_start3A_1037, %dma_start3A_1038] : memref<10112x128xf32, #tpu.memory_space<vmem_shared>> -> memref<10112x128xf32, #tpu.memory_space<vmem_shared>>
      tpu.enqueue_indirect_dma source(%dma_start3A_1039 : memref<10112x128xf32, #tpu.memory_space<vmem_shared>>) target(%arg8 : memref<16x128xf32, #tpu.memory_space<vmem>>) offsets(%get3A_1036 : vector<16xi32>) semaphore(%arg12 : memref<!tpu.dma_semaphore, #tpu.memory_space<semaphore_mem>>)
      %get3A_1040 = arith.constant 5 : i32
      %get3A_1041 = arith.index_cast %get3A_1040 : i32 to index
      %get3A_1042 = arith.constant 96 : index
      %get3A_1043 = tpu.vector_load %arg5[%get3A_1041, %get3A_1042] {strides = array<i32>} : memref<8x128xi32, #tpu.memory_space<vmem>>, vector<1x16xi32>,
      %get3A_1044 = vector.shape_cast %get3A_1043 : vector<1x16xi32> to vector<16xi32>
      %dma_wait3A_1045 = arith.constant 0 : i32
      %dma_wait3A_1046 = arith.constant 0 : i32
      %dma_wait3A_1047 = tpu.memref_slice %arg10[%dma_wait3A_1045, %dma_wait3A_1046] : memref<10112x128xf32, #tpu.memory_space<vmem_shared>> -> memref<10112x128xf32, #tpu.memory_space<vmem_shared>>
      tpu.wait_indirect_dma semaphore(%arg12 : memref<!tpu.dma_semaphore, #tpu.memory_space<semaphore_mem>>) src(%dma_wait3A_1047 : memref<10112x128xf32, #tpu.memory_space<vmem_shared>>) dst(%arg8 : memref<16x128xf32, #tpu.memory_space<vmem>>)
      %get3A_1048 = arith.constant 5 : i32
      %get3A_1049 = arith.index_cast %get3A_1048 : i32 to index
      %get3A_1050 = arith.constant 112 : index
      %get3A_1051 = tpu.vector_load %arg5[%get3A_1049, %get3A_1050] {strides = array<i32>} : memref<8x128xi32, #tpu.memory_space<vmem>>, vector<1x16xi32>,
      %get3A_1052 = vector.shape_cast %get3A_1051 : vector<1x16xi32> to vector<16xi32>
      %dma_start3A_1053 = arith.constant 0 : i32
      %dma_start3A_1054 = arith.constant 0 : i32
      %dma_start3A_1055 = tpu.memref_slice %arg9[%dma_start3A_1053, %dma_start3A_1054] : memref<5120x128xf32, #tpu.memory_space<vmem_shared>> -> memref<5120x128xf32, #tpu.memory_space<vmem_shared>>
      tpu.enqueue_indirect_dma source(%arg8 : memref<16x128xf32, #tpu.memory_space<vmem>>) target(%dma_start3A_1055 : memref<5120x128xf32, #tpu.memory_space<vmem_shared>>) offsets(%get3A_1052 : vector<16xi32>) semaphore(%arg14 : memref<!tpu.dma_semaphore, #tpu.memory_space<semaphore_mem>>) {add = true}
      %get3A_1056 = arith.constant 5 : i32
      %get3A_1057 = arith.index_cast %get3A_1056 : i32 to index
      %get3A_1058 = arith.constant 112 : index
      %get3A_1059 = tpu.vector_load %arg5[%get3A_1057, %get3A_1058] {strides = array<i32>} : memref<8x128xi32, #tpu.memory_space<vmem>>, vector<1x16xi32>,
      %get3A_1060 = vector.shape_cast %get3A_1059 : vector<1x16xi32> to vector<16xi32>
      %dma_wait3A_1061 = arith.constant 0 : i32
      %dma_wait3A_1062 = arith.constant 0 : i32
      %dma_wait3A_1063 = tpu.memref_slice %arg9[%dma_wait3A_1061, %dma_wait3A_1062] : memref<5120x128xf32, #tpu.memory_space<vmem_shared>> -> memref<5120x128xf32, #tpu.memory_space<vmem_shared>>
      tpu.wait_indirect_dma semaphore(%arg13 : memref<!tpu.dma_semaphore, #tpu.memory_space<semaphore_mem>>) src(%arg7 : memref<16x128xf32, #tpu.memory_space<vmem>>) dst(%dma_wait3A_1063 : memref<5120x128xf32, #tpu.memory_space<vmem_shared>>)
      %get3A_1064 = arith.constant 6 : i32
      %get3A_1065 = arith.index_cast %get3A_1064 : i32 to index
      %get3A_1066 = arith.constant 0 : index
      %get3A_1067 = tpu.vector_load %arg5[%get3A_1065, %get3A_1066] {strides = array<i32>} : memref<8x128xi32, #tpu.memory_space<vmem>>, vector<1x16xi32>,
      %get3A_1068 = vector.shape_cast %get3A_1067 : vector<1x16xi32> to vector<16xi32>
      %dma_start3A_1069 = arith.constant 0 : i32
      %dma_start3A_1070 = arith.constant 0 : i32
      %dma_start3A_1071 = tpu.memref_slice %arg10[%dma_start3A_1069, %dma_start3A_1070] : memref<10112x128xf32, #tpu.memory_space<vmem_shared>> -> memref<10112x128xf32, #tpu.memory_space<vmem_shared>>
      tpu.enqueue_indirect_dma source(%dma_start3A_1071 : memref<10112x128xf32, #tpu.memory_space<vmem_shared>>) target(%arg7 : memref<16x128xf32, #tpu.memory_space<vmem>>) offsets(%get3A_1068 : vector<16xi32>) semaphore(%arg11 : memref<!tpu.dma_semaphore, #tpu.memory_space<semaphore_mem>>)
      %get3A_1072 = arith.constant 6 : i32
      %get3A_1073 = arith.index_cast %get3A_1072 : i32 to index
      %get3A_1074 = arith.constant 0 : index
      %get3A_1075 = tpu.vector_load %arg5[%get3A_1073, %get3A_1074] {strides = array<i32>} : memref<8x128xi32, #tpu.memory_space<vmem>>, vector<1x16xi32>,
      %get3A_1076 = vector.shape_cast %get3A_1075 : vector<1x16xi32> to vector<16xi32>
      %dma_wait3A_1077 = arith.constant 0 : i32
      %dma_wait3A_1078 = arith.constant 0 : i32
      %dma_wait3A_1079 = tpu.memref_slice %arg10[%dma_wait3A_1077, %dma_wait3A_1078] : memref<10112x128xf32, #tpu.memory_space<vmem_shared>> -> memref<10112x128xf32, #tpu.memory_space<vmem_shared>>
      tpu.wait_indirect_dma semaphore(%arg11 : memref<!tpu.dma_semaphore, #tpu.memory_space<semaphore_mem>>) src(%dma_wait3A_1079 : memref<10112x128xf32, #tpu.memory_space<vmem_shared>>) dst(%arg7 : memref<16x128xf32, #tpu.memory_space<vmem>>)
      %get3A_1080 = arith.constant 6 : i32
      %get3A_1081 = arith.index_cast %get3A_1080 : i32 to index
      %get3A_1082 = arith.constant 16 : index
      %get3A_1083 = tpu.vector_load %arg5[%get3A_1081, %get3A_1082] {strides = array<i32>} : memref<8x128xi32, #tpu.memory_space<vmem>>, vector<1x16xi32>,
      %get3A_1084 = vector.shape_cast %get3A_1083 : vector<1x16xi32> to vector<16xi32>
      %dma_start3A_1085 = arith.constant 0 : i32
      %dma_start3A_1086 = arith.constant 0 : i32
      %dma_start3A_1087 = tpu.memref_slice %arg9[%dma_start3A_1085, %dma_start3A_1086] : memref<5120x128xf32, #tpu.memory_space<vmem_shared>> -> memref<5120x128xf32, #tpu.memory_space<vmem_shared>>
      tpu.enqueue_indirect_dma source(%arg7 : memref<16x128xf32, #tpu.memory_space<vmem>>) target(%dma_start3A_1087 : memref<5120x128xf32, #tpu.memory_space<vmem_shared>>) offsets(%get3A_1084 : vector<16xi32>) semaphore(%arg13 : memref<!tpu.dma_semaphore, #tpu.memory_space<semaphore_mem>>) {add = true}
      %get3A_1088 = arith.constant 6 : i32
      %get3A_1089 = arith.index_cast %get3A_1088 : i32 to index
      %get3A_1090 = arith.constant 16 : index
      %get3A_1091 = tpu.vector_load %arg5[%get3A_1089, %get3A_1090] {strides = array<i32>} : memref<8x128xi32, #tpu.memory_space<vmem>>, vector<1x16xi32>,
      %get3A_1092 = vector.shape_cast %get3A_1091 : vector<1x16xi32> to vector<16xi32>
      %dma_wait3A_1093 = arith.constant 0 : i32
      %dma_wait3A_1094 = arith.constant 0 : i32
      %dma_wait3A_1095 = tpu.memref_slice %arg9[%dma_wait3A_1093, %dma_wait3A_1094] : memref<5120x128xf32, #tpu.memory_space<vmem_shared>> -> memref<5120x128xf32, #tpu.memory_space<vmem_shared>>
      tpu.wait_indirect_dma semaphore(%arg14 : memref<!tpu.dma_semaphore, #tpu.memory_space<semaphore_mem>>) src(%arg8 : memref<16x128xf32, #tpu.memory_space<vmem>>) dst(%dma_wait3A_1095 : memref<5120x128xf32, #tpu.memory_space<vmem_shared>>)
      %get3A_1096 = arith.constant 6 : i32
      %get3A_1097 = arith.index_cast %get3A_1096 : i32 to index
      %get3A_1098 = arith.constant 32 : index
      %get3A_1099 = tpu.vector_load %arg5[%get3A_1097, %get3A_1098] {strides = array<i32>} : memref<8x128xi32, #tpu.memory_space<vmem>>, vector<1x16xi32>,
      %get3A_1100 = vector.shape_cast %get3A_1099 : vector<1x16xi32> to vector<16xi32>
      %dma_start3A_1101 = arith.constant 0 : i32
      %dma_start3A_1102 = arith.constant 0 : i32
      %dma_start3A_1103 = tpu.memref_slice %arg10[%dma_start3A_1101, %dma_start3A_1102] : memref<10112x128xf32, #tpu.memory_space<vmem_shared>> -> memref<10112x128xf32, #tpu.memory_space<vmem_shared>>
      tpu.enqueue_indirect_dma source(%dma_start3A_1103 : memref<10112x128xf32, #tpu.memory_space<vmem_shared>>) target(%arg8 : memref<16x128xf32, #tpu.memory_space<vmem>>) offsets(%get3A_1100 : vector<16xi32>) semaphore(%arg12 : memref<!tpu.dma_semaphore, #tpu.memory_space<semaphore_mem>>)
      %get3A_1104 = arith.constant 6 : i32
      %get3A_1105 = arith.index_cast %get3A_1104 : i32 to index
      %get3A_1106 = arith.constant 32 : index
      %get3A_1107 = tpu.vector_load %arg5[%get3A_1105, %get3A_1106] {strides = array<i32>} : memref<8x128xi32, #tpu.memory_space<vmem>>, vector<1x16xi32>,
      %get3A_1108 = vector.shape_cast %get3A_1107 : vector<1x16xi32> to vector<16xi32>
      %dma_wait3A_1109 = arith.constant 0 : i32
      %dma_wait3A_1110 = arith.constant 0 : i32
      %dma_wait3A_1111 = tpu.memref_slice %arg10[%dma_wait3A_1109, %dma_wait3A_1110] : memref<10112x128xf32, #tpu.memory_space<vmem_shared>> -> memref<10112x128xf32, #tpu.memory_space<vmem_shared>>
      tpu.wait_indirect_dma semaphore(%arg12 : memref<!tpu.dma_semaphore, #tpu.memory_space<semaphore_mem>>) src(%dma_wait3A_1111 : memref<10112x128xf32, #tpu.memory_space<vmem_shared>>) dst(%arg8 : memref<16x128xf32, #tpu.memory_space<vmem>>)
      %get3A_1112 = arith.constant 6 : i32
      %get3A_1113 = arith.index_cast %get3A_1112 : i32 to index
      %get3A_1114 = arith.constant 48 : index
      %get3A_1115 = tpu.vector_load %arg5[%get3A_1113, %get3A_1114] {strides = array<i32>} : memref<8x128xi32, #tpu.memory_space<vmem>>, vector<1x16xi32>,
      %get3A_1116 = vector.shape_cast %get3A_1115 : vector<1x16xi32> to vector<16xi32>
      %dma_start3A_1117 = arith.constant 0 : i32
      %dma_start3A_1118 = arith.constant 0 : i32
      %dma_start3A_1119 = tpu.memref_slice %arg9[%dma_start3A_1117, %dma_start3A_1118] : memref<5120x128xf32, #tpu.memory_space<vmem_shared>> -> memref<5120x128xf32, #tpu.memory_space<vmem_shared>>
      tpu.enqueue_indirect_dma source(%arg8 : memref<16x128xf32, #tpu.memory_space<vmem>>) target(%dma_start3A_1119 : memref<5120x128xf32, #tpu.memory_space<vmem_shared>>) offsets(%get3A_1116 : vector<16xi32>) semaphore(%arg14 : memref<!tpu.dma_semaphore, #tpu.memory_space<semaphore_mem>>) {add = true}
      %get3A_1120 = arith.constant 6 : i32
      %get3A_1121 = arith.index_cast %get3A_1120 : i32 to index
      %get3A_1122 = arith.constant 48 : index
      %get3A_1123 = tpu.vector_load %arg5[%get3A_1121, %get3A_1122] {strides = array<i32>} : memref<8x128xi32, #tpu.memory_space<vmem>>, vector<1x16xi32>,
      %get3A_1124 = vector.shape_cast %get3A_1123 : vector<1x16xi32> to vector<16xi32>
      %dma_wait3A_1125 = arith.constant 0 : i32
      %dma_wait3A_1126 = arith.constant 0 : i32
      %dma_wait3A_1127 = tpu.memref_slice %arg9[%dma_wait3A_1125, %dma_wait3A_1126] : memref<5120x128xf32, #tpu.memory_space<vmem_shared>> -> memref<5120x128xf32, #tpu.memory_space<vmem_shared>>
      tpu.wait_indirect_dma semaphore(%arg13 : memref<!tpu.dma_semaphore, #tpu.memory_space<semaphore_mem>>) src(%arg7 : memref<16x128xf32, #tpu.memory_space<vmem>>) dst(%dma_wait3A_1127 : memref<5120x128xf32, #tpu.memory_space<vmem_shared>>)
      %get3A_1128 = arith.constant 6 : i32
      %get3A_1129 = arith.index_cast %get3A_1128 : i32 to index
      %get3A_1130 = arith.constant 64 : index
      %get3A_1131 = tpu.vector_load %arg5[%get3A_1129, %get3A_1130] {strides = array<i32>} : memref<8x128xi32, #tpu.memory_space<vmem>>, vector<1x16xi32>,
      %get3A_1132 = vector.shape_cast %get3A_1131 : vector<1x16xi32> to vector<16xi32>
      %dma_start3A_1133 = arith.constant 0 : i32
      %dma_start3A_1134 = arith.constant 0 : i32
      %dma_start3A_1135 = tpu.memref_slice %arg10[%dma_start3A_1133, %dma_start3A_1134] : memref<10112x128xf32, #tpu.memory_space<vmem_shared>> -> memref<10112x128xf32, #tpu.memory_space<vmem_shared>>
      tpu.enqueue_indirect_dma source(%dma_start3A_1135 : memref<10112x128xf32, #tpu.memory_space<vmem_shared>>) target(%arg7 : memref<16x128xf32, #tpu.memory_space<vmem>>) offsets(%get3A_1132 : vector<16xi32>) semaphore(%arg11 : memref<!tpu.dma_semaphore, #tpu.memory_space<semaphore_mem>>)
      %get3A_1136 = arith.constant 6 : i32
      %get3A_1137 = arith.index_cast %get3A_1136 : i32 to index
      %get3A_1138 = arith.constant 64 : index
      %get3A_1139 = tpu.vector_load %arg5[%get3A_1137, %get3A_1138] {strides = array<i32>} : memref<8x128xi32, #tpu.memory_space<vmem>>, vector<1x16xi32>,
      %get3A_1140 = vector.shape_cast %get3A_1139 : vector<1x16xi32> to vector<16xi32>
      %dma_wait3A_1141 = arith.constant 0 : i32
      %dma_wait3A_1142 = arith.constant 0 : i32
      %dma_wait3A_1143 = tpu.memref_slice %arg10[%dma_wait3A_1141, %dma_wait3A_1142] : memref<10112x128xf32, #tpu.memory_space<vmem_shared>> -> memref<10112x128xf32, #tpu.memory_space<vmem_shared>>
      tpu.wait_indirect_dma semaphore(%arg11 : memref<!tpu.dma_semaphore, #tpu.memory_space<semaphore_mem>>) src(%dma_wait3A_1143 : memref<10112x128xf32, #tpu.memory_space<vmem_shared>>) dst(%arg7 : memref<16x128xf32, #tpu.memory_space<vmem>>)
      %get3A_1144 = arith.constant 6 : i32
      %get3A_1145 = arith.index_cast %get3A_1144 : i32 to index
      %get3A_1146 = arith.constant 80 : index
      %get3A_1147 = tpu.vector_load %arg5[%get3A_1145, %get3A_1146] {strides = array<i32>} : memref<8x128xi32, #tpu.memory_space<vmem>>, vector<1x16xi32>,
      %get3A_1148 = vector.shape_cast %get3A_1147 : vector<1x16xi32> to vector<16xi32>
      %dma_start3A_1149 = arith.constant 0 : i32
      %dma_start3A_1150 = arith.constant 0 : i32
      %dma_start3A_1151 = tpu.memref_slice %arg9[%dma_start3A_1149, %dma_start3A_1150] : memref<5120x128xf32, #tpu.memory_space<vmem_shared>> -> memref<5120x128xf32, #tpu.memory_space<vmem_shared>>
      tpu.enqueue_indirect_dma source(%arg7 : memref<16x128xf32, #tpu.memory_space<vmem>>) target(%dma_start3A_1151 : memref<5120x128xf32, #tpu.memory_space<vmem_shared>>) offsets(%get3A_1148 : vector<16xi32>) semaphore(%arg13 : memref<!tpu.dma_semaphore, #tpu.memory_space<semaphore_mem>>) {add = true}
      %get3A_1152 = arith.constant 6 : i32
      %get3A_1153 = arith.index_cast %get3A_1152 : i32 to index
      %get3A_1154 = arith.constant 80 : index
      %get3A_1155 = tpu.vector_load %arg5[%get3A_1153, %get3A_1154] {strides = array<i32>} : memref<8x128xi32, #tpu.memory_space<vmem>>, vector<1x16xi32>,
      %get3A_1156 = vector.shape_cast %get3A_1155 : vector<1x16xi32> to vector<16xi32>
      %dma_wait3A_1157 = arith.constant 0 : i32
      %dma_wait3A_1158 = arith.constant 0 : i32
      %dma_wait3A_1159 = tpu.memref_slice %arg9[%dma_wait3A_1157, %dma_wait3A_1158] : memref<5120x128xf32, #tpu.memory_space<vmem_shared>> -> memref<5120x128xf32, #tpu.memory_space<vmem_shared>>
      tpu.wait_indirect_dma semaphore(%arg14 : memref<!tpu.dma_semaphore, #tpu.memory_space<semaphore_mem>>) src(%arg8 : memref<16x128xf32, #tpu.memory_space<vmem>>) dst(%dma_wait3A_1159 : memref<5120x128xf32, #tpu.memory_space<vmem_shared>>)
      %get3A_1160 = arith.constant 6 : i32
      %get3A_1161 = arith.index_cast %get3A_1160 : i32 to index
      %get3A_1162 = arith.constant 96 : index
      %get3A_1163 = tpu.vector_load %arg5[%get3A_1161, %get3A_1162] {strides = array<i32>} : memref<8x128xi32, #tpu.memory_space<vmem>>, vector<1x16xi32>,
      %get3A_1164 = vector.shape_cast %get3A_1163 : vector<1x16xi32> to vector<16xi32>
      %dma_start3A_1165 = arith.constant 0 : i32
      %dma_start3A_1166 = arith.constant 0 : i32
      %dma_start3A_1167 = tpu.memref_slice %arg10[%dma_start3A_1165, %dma_start3A_1166] : memref<10112x128xf32, #tpu.memory_space<vmem_shared>> -> memref<10112x128xf32, #tpu.memory_space<vmem_shared>>
      tpu.enqueue_indirect_dma source(%dma_start3A_1167 : memref<10112x128xf32, #tpu.memory_space<vmem_shared>>) target(%arg8 : memref<16x128xf32, #tpu.memory_space<vmem>>) offsets(%get3A_1164 : vector<16xi32>) semaphore(%arg12 : memref<!tpu.dma_semaphore, #tpu.memory_space<semaphore_mem>>)
      %get3A_1168 = arith.constant 6 : i32
      %get3A_1169 = arith.index_cast %get3A_1168 : i32 to index
      %get3A_1170 = arith.constant 96 : index
      %get3A_1171 = tpu.vector_load %arg5[%get3A_1169, %get3A_1170] {strides = array<i32>} : memref<8x128xi32, #tpu.memory_space<vmem>>, vector<1x16xi32>,
      %get3A_1172 = vector.shape_cast %get3A_1171 : vector<1x16xi32> to vector<16xi32>
      %dma_wait3A_1173 = arith.constant 0 : i32
      %dma_wait3A_1174 = arith.constant 0 : i32
      %dma_wait3A_1175 = tpu.memref_slice %arg10[%dma_wait3A_1173, %dma_wait3A_1174] : memref<10112x128xf32, #tpu.memory_space<vmem_shared>> -> memref<10112x128xf32, #tpu.memory_space<vmem_shared>>
      tpu.wait_indirect_dma semaphore(%arg12 : memref<!tpu.dma_semaphore, #tpu.memory_space<semaphore_mem>>) src(%dma_wait3A_1175 : memref<10112x128xf32, #tpu.memory_space<vmem_shared>>) dst(%arg8 : memref<16x128xf32, #tpu.memory_space<vmem>>)
      %get3A_1176 = arith.constant 6 : i32
      %get3A_1177 = arith.index_cast %get3A_1176 : i32 to index
      %get3A_1178 = arith.constant 112 : index
      %get3A_1179 = tpu.vector_load %arg5[%get3A_1177, %get3A_1178] {strides = array<i32>} : memref<8x128xi32, #tpu.memory_space<vmem>>, vector<1x16xi32>,
      %get3A_1180 = vector.shape_cast %get3A_1179 : vector<1x16xi32> to vector<16xi32>
      %dma_start3A_1181 = arith.constant 0 : i32
      %dma_start3A_1182 = arith.constant 0 : i32
      %dma_start3A_1183 = tpu.memref_slice %arg9[%dma_start3A_1181, %dma_start3A_1182] : memref<5120x128xf32, #tpu.memory_space<vmem_shared>> -> memref<5120x128xf32, #tpu.memory_space<vmem_shared>>
      tpu.enqueue_indirect_dma source(%arg8 : memref<16x128xf32, #tpu.memory_space<vmem>>) target(%dma_start3A_1183 : memref<5120x128xf32, #tpu.memory_space<vmem_shared>>) offsets(%get3A_1180 : vector<16xi32>) semaphore(%arg14 : memref<!tpu.dma_semaphore, #tpu.memory_space<semaphore_mem>>) {add = true}
      %get3A_1184 = arith.constant 6 : i32
      %get3A_1185 = arith.index_cast %get3A_1184 : i32 to index
      %get3A_1186 = arith.constant 112 : index
      %get3A_1187 = tpu.vector_load %arg5[%get3A_1185, %get3A_1186] {strides = array<i32>} : memref<8x128xi32, #tpu.memory_space<vmem>>, vector<1x16xi32>,
      %get3A_1188 = vector.shape_cast %get3A_1187 : vector<1x16xi32> to vector<16xi32>
      %dma_wait3A_1189 = arith.constant 0 : i32
      %dma_wait3A_1190 = arith.constant 0 : i32
      %dma_wait3A_1191 = tpu.memref_slice %arg9[%dma_wait3A_1189, %dma_wait3A_1190] : memref<5120x128xf32, #tpu.memory_space<vmem_shared>> -> memref<5120x128xf32, #tpu.memory_space<vmem_shared>>
      tpu.wait_indirect_dma semaphore(%arg13 : memref<!tpu.dma_semaphore, #tpu.memory_space<semaphore_mem>>) src(%arg7 : memref<16x128xf32, #tpu.memory_space<vmem>>) dst(%dma_wait3A_1191 : memref<5120x128xf32, #tpu.memory_space<vmem_shared>>)
      %get3A_1192 = arith.constant 7 : i32
      %get3A_1193 = arith.index_cast %get3A_1192 : i32 to index
      %get3A_1194 = arith.constant 0 : index
      %get3A_1195 = tpu.vector_load %arg5[%get3A_1193, %get3A_1194] {strides = array<i32>} : memref<8x128xi32, #tpu.memory_space<vmem>>, vector<1x16xi32>,
      %get3A_1196 = vector.shape_cast %get3A_1195 : vector<1x16xi32> to vector<16xi32>
      %dma_start3A_1197 = arith.constant 0 : i32
      %dma_start3A_1198 = arith.constant 0 : i32
      %dma_start3A_1199 = tpu.memref_slice %arg10[%dma_start3A_1197, %dma_start3A_1198] : memref<10112x128xf32, #tpu.memory_space<vmem_shared>> -> memref<10112x128xf32, #tpu.memory_space<vmem_shared>>
      tpu.enqueue_indirect_dma source(%dma_start3A_1199 : memref<10112x128xf32, #tpu.memory_space<vmem_shared>>) target(%arg7 : memref<16x128xf32, #tpu.memory_space<vmem>>) offsets(%get3A_1196 : vector<16xi32>) semaphore(%arg11 : memref<!tpu.dma_semaphore, #tpu.memory_space<semaphore_mem>>)
      %get3A_1200 = arith.constant 7 : i32
      %get3A_1201 = arith.index_cast %get3A_1200 : i32 to index
      %get3A_1202 = arith.constant 0 : index
      %get3A_1203 = tpu.vector_load %arg5[%get3A_1201, %get3A_1202] {strides = array<i32>} : memref<8x128xi32, #tpu.memory_space<vmem>>, vector<1x16xi32>,
      %get3A_1204 = vector.shape_cast %get3A_1203 : vector<1x16xi32> to vector<16xi32>
      %dma_wait3A_1205 = arith.constant 0 : i32
      %dma_wait3A_1206 = arith.constant 0 : i32
      %dma_wait3A_1207 = tpu.memref_slice %arg10[%dma_wait3A_1205, %dma_wait3A_1206] : memref<10112x128xf32, #tpu.memory_space<vmem_shared>> -> memref<10112x128xf32, #tpu.memory_space<vmem_shared>>
      tpu.wait_indirect_dma semaphore(%arg11 : memref<!tpu.dma_semaphore, #tpu.memory_space<semaphore_mem>>) src(%dma_wait3A_1207 : memref<10112x128xf32, #tpu.memory_space<vmem_shared>>) dst(%arg7 : memref<16x128xf32, #tpu.memory_space<vmem>>)
      %get3A_1208 = arith.constant 7 : i32
      %get3A_1209 = arith.index_cast %get3A_1208 : i32 to index
      %get3A_1210 = arith.constant 16 : index
      %get3A_1211 = tpu.vector_load %arg5[%get3A_1209, %get3A_1210] {strides = array<i32>} : memref<8x128xi32, #tpu.memory_space<vmem>>, vector<1x16xi32>,
      %get3A_1212 = vector.shape_cast %get3A_1211 : vector<1x16xi32> to vector<16xi32>
      %dma_start3A_1213 = arith.constant 0 : i32
      %dma_start3A_1214 = arith.constant 0 : i32
      %dma_start3A_1215 = tpu.memref_slice %arg9[%dma_start3A_1213, %dma_start3A_1214] : memref<5120x128xf32, #tpu.memory_space<vmem_shared>> -> memref<5120x128xf32, #tpu.memory_space<vmem_shared>>
      tpu.enqueue_indirect_dma source(%arg7 : memref<16x128xf32, #tpu.memory_space<vmem>>) target(%dma_start3A_1215 : memref<5120x128xf32, #tpu.memory_space<vmem_shared>>) offsets(%get3A_1212 : vector<16xi32>) semaphore(%arg13 : memref<!tpu.dma_semaphore, #tpu.memory_space<semaphore_mem>>) {add = true}
      %get3A_1216 = arith.constant 7 : i32
      %get3A_1217 = arith.index_cast %get3A_1216 : i32 to index
      %get3A_1218 = arith.constant 16 : index
      %get3A_1219 = tpu.vector_load %arg5[%get3A_1217, %get3A_1218] {strides = array<i32>} : memref<8x128xi32, #tpu.memory_space<vmem>>, vector<1x16xi32>,
      %get3A_1220 = vector.shape_cast %get3A_1219 : vector<1x16xi32> to vector<16xi32>
      %dma_wait3A_1221 = arith.constant 0 : i32
      %dma_wait3A_1222 = arith.constant 0 : i32
      %dma_wait3A_1223 = tpu.memref_slice %arg9[%dma_wait3A_1221, %dma_wait3A_1222] : memref<5120x128xf32, #tpu.memory_space<vmem_shared>> -> memref<5120x128xf32, #tpu.memory_space<vmem_shared>>
      tpu.wait_indirect_dma semaphore(%arg14 : memref<!tpu.dma_semaphore, #tpu.memory_space<semaphore_mem>>) src(%arg8 : memref<16x128xf32, #tpu.memory_space<vmem>>) dst(%dma_wait3A_1223 : memref<5120x128xf32, #tpu.memory_space<vmem_shared>>)
      %get3A_1224 = arith.constant 7 : i32
      %get3A_1225 = arith.index_cast %get3A_1224 : i32 to index
      %get3A_1226 = arith.constant 32 : index
      %get3A_1227 = tpu.vector_load %arg5[%get3A_1225, %get3A_1226] {strides = array<i32>} : memref<8x128xi32, #tpu.memory_space<vmem>>, vector<1x16xi32>,
      %get3A_1228 = vector.shape_cast %get3A_1227 : vector<1x16xi32> to vector<16xi32>
      %dma_start3A_1229 = arith.constant 0 : i32
      %dma_start3A_1230 = arith.constant 0 : i32
      %dma_start3A_1231 = tpu.memref_slice %arg10[%dma_start3A_1229, %dma_start3A_1230] : memref<10112x128xf32, #tpu.memory_space<vmem_shared>> -> memref<10112x128xf32, #tpu.memory_space<vmem_shared>>
      tpu.enqueue_indirect_dma source(%dma_start3A_1231 : memref<10112x128xf32, #tpu.memory_space<vmem_shared>>) target(%arg8 : memref<16x128xf32, #tpu.memory_space<vmem>>) offsets(%get3A_1228 : vector<16xi32>) semaphore(%arg12 : memref<!tpu.dma_semaphore, #tpu.memory_space<semaphore_mem>>)
      %get3A_1232 = arith.constant 7 : i32
      %get3A_1233 = arith.index_cast %get3A_1232 : i32 to index
      %get3A_1234 = arith.constant 32 : index
      %get3A_1235 = tpu.vector_load %arg5[%get3A_1233, %get3A_1234] {strides = array<i32>} : memref<8x128xi32, #tpu.memory_space<vmem>>, vector<1x16xi32>,
      %get3A_1236 = vector.shape_cast %get3A_1235 : vector<1x16xi32> to vector<16xi32>
      %dma_wait3A_1237 = arith.constant 0 : i32
      %dma_wait3A_1238 = arith.constant 0 : i32
      %dma_wait3A_1239 = tpu.memref_slice %arg10[%dma_wait3A_1237, %dma_wait3A_1238] : memref<10112x128xf32, #tpu.memory_space<vmem_shared>> -> memref<10112x128xf32, #tpu.memory_space<vmem_shared>>
      tpu.wait_indirect_dma semaphore(%arg12 : memref<!tpu.dma_semaphore, #tpu.memory_space<semaphore_mem>>) src(%dma_wait3A_1239 : memref<10112x128xf32, #tpu.memory_space<vmem_shared>>) dst(%arg8 : memref<16x128xf32, #tpu.memory_space<vmem>>)
      %get3A_1240 = arith.constant 7 : i32
      %get3A_1241 = arith.index_cast %get3A_1240 : i32 to index
      %get3A_1242 = arith.constant 48 : index
      %get3A_1243 = tpu.vector_load %arg5[%get3A_1241, %get3A_1242] {strides = array<i32>} : memref<8x128xi32, #tpu.memory_space<vmem>>, vector<1x16xi32>,
      %get3A_1244 = vector.shape_cast %get3A_1243 : vector<1x16xi32> to vector<16xi32>
      %dma_start3A_1245 = arith.constant 0 : i32
      %dma_start3A_1246 = arith.constant 0 : i32
      %dma_start3A_1247 = tpu.memref_slice %arg9[%dma_start3A_1245, %dma_start3A_1246] : memref<5120x128xf32, #tpu.memory_space<vmem_shared>> -> memref<5120x128xf32, #tpu.memory_space<vmem_shared>>
      tpu.enqueue_indirect_dma source(%arg8 : memref<16x128xf32, #tpu.memory_space<vmem>>) target(%dma_start3A_1247 : memref<5120x128xf32, #tpu.memory_space<vmem_shared>>) offsets(%get3A_1244 : vector<16xi32>) semaphore(%arg14 : memref<!tpu.dma_semaphore, #tpu.memory_space<semaphore_mem>>) {add = true}
      %get3A_1248 = arith.constant 7 : i32
      %get3A_1249 = arith.index_cast %get3A_1248 : i32 to index
      %get3A_1250 = arith.constant 48 : index
      %get3A_1251 = tpu.vector_load %arg5[%get3A_1249, %get3A_1250] {strides = array<i32>} : memref<8x128xi32, #tpu.memory_space<vmem>>, vector<1x16xi32>,
      %get3A_1252 = vector.shape_cast %get3A_1251 : vector<1x16xi32> to vector<16xi32>
      %dma_wait3A_1253 = arith.constant 0 : i32
      %dma_wait3A_1254 = arith.constant 0 : i32
      %dma_wait3A_1255 = tpu.memref_slice %arg9[%dma_wait3A_1253, %dma_wait3A_1254] : memref<5120x128xf32, #tpu.memory_space<vmem_shared>> -> memref<5120x128xf32, #tpu.memory_space<vmem_shared>>
      tpu.wait_indirect_dma semaphore(%arg13 : memref<!tpu.dma_semaphore, #tpu.memory_space<semaphore_mem>>) src(%arg7 : memref<16x128xf32, #tpu.memory_space<vmem>>) dst(%dma_wait3A_1255 : memref<5120x128xf32, #tpu.memory_space<vmem_shared>>)
      %get3A_1256 = arith.constant 7 : i32
      %get3A_1257 = arith.index_cast %get3A_1256 : i32 to index
      %get3A_1258 = arith.constant 64 : index
      %get3A_1259 = tpu.vector_load %arg5[%get3A_1257, %get3A_1258] {strides = array<i32>} : memref<8x128xi32, #tpu.memory_space<vmem>>, vector<1x16xi32>,
      %get3A_1260 = vector.shape_cast %get3A_1259 : vector<1x16xi32> to vector<16xi32>
      %dma_start3A_1261 = arith.constant 0 : i32
      %dma_start3A_1262 = arith.constant 0 : i32
      %dma_start3A_1263 = tpu.memref_slice %arg10[%dma_start3A_1261, %dma_start3A_1262] : memref<10112x128xf32, #tpu.memory_space<vmem_shared>> -> memref<10112x128xf32, #tpu.memory_space<vmem_shared>>
      tpu.enqueue_indirect_dma source(%dma_start3A_1263 : memref<10112x128xf32, #tpu.memory_space<vmem_shared>>) target(%arg7 : memref<16x128xf32, #tpu.memory_space<vmem>>) offsets(%get3A_1260 : vector<16xi32>) semaphore(%arg11 : memref<!tpu.dma_semaphore, #tpu.memory_space<semaphore_mem>>)
      %get3A_1264 = arith.constant 7 : i32
      %get3A_1265 = arith.index_cast %get3A_1264 : i32 to index
      %get3A_1266 = arith.constant 64 : index
      %get3A_1267 = tpu.vector_load %arg5[%get3A_1265, %get3A_1266] {strides = array<i32>} : memref<8x128xi32, #tpu.memory_space<vmem>>, vector<1x16xi32>,
      %get3A_1268 = vector.shape_cast %get3A_1267 : vector<1x16xi32> to vector<16xi32>
      %dma_wait3A_1269 = arith.constant 0 : i32
      %dma_wait3A_1270 = arith.constant 0 : i32
      %dma_wait3A_1271 = tpu.memref_slice %arg10[%dma_wait3A_1269, %dma_wait3A_1270] : memref<10112x128xf32, #tpu.memory_space<vmem_shared>> -> memref<10112x128xf32, #tpu.memory_space<vmem_shared>>
      tpu.wait_indirect_dma semaphore(%arg11 : memref<!tpu.dma_semaphore, #tpu.memory_space<semaphore_mem>>) src(%dma_wait3A_1271 : memref<10112x128xf32, #tpu.memory_space<vmem_shared>>) dst(%arg7 : memref<16x128xf32, #tpu.memory_space<vmem>>)
      %get3A_1272 = arith.constant 7 : i32
      %get3A_1273 = arith.index_cast %get3A_1272 : i32 to index
      %get3A_1274 = arith.constant 80 : index
      %get3A_1275 = tpu.vector_load %arg5[%get3A_1273, %get3A_1274] {strides = array<i32>} : memref<8x128xi32, #tpu.memory_space<vmem>>, vector<1x16xi32>,
      %get3A_1276 = vector.shape_cast %get3A_1275 : vector<1x16xi32> to vector<16xi32>
      %dma_start3A_1277 = arith.constant 0 : i32
      %dma_start3A_1278 = arith.constant 0 : i32
      %dma_start3A_1279 = tpu.memref_slice %arg9[%dma_start3A_1277, %dma_start3A_1278] : memref<5120x128xf32, #tpu.memory_space<vmem_shared>> -> memref<5120x128xf32, #tpu.memory_space<vmem_shared>>
      tpu.enqueue_indirect_dma source(%arg7 : memref<16x128xf32, #tpu.memory_space<vmem>>) target(%dma_start3A_1279 : memref<5120x128xf32, #tpu.memory_space<vmem_shared>>) offsets(%get3A_1276 : vector<16xi32>) semaphore(%arg13 : memref<!tpu.dma_semaphore, #tpu.memory_space<semaphore_mem>>) {add = true}
      %get3A_1280 = arith.constant 7 : i32
      %get3A_1281 = arith.index_cast %get3A_1280 : i32 to index
      %get3A_1282 = arith.constant 80 : index
      %get3A_1283 = tpu.vector_load %arg5[%get3A_1281, %get3A_1282] {strides = array<i32>} : memref<8x128xi32, #tpu.memory_space<vmem>>, vector<1x16xi32>,
      %get3A_1284 = vector.shape_cast %get3A_1283 : vector<1x16xi32> to vector<16xi32>
      %dma_wait3A_1285 = arith.constant 0 : i32
      %dma_wait3A_1286 = arith.constant 0 : i32
      %dma_wait3A_1287 = tpu.memref_slice %arg9[%dma_wait3A_1285, %dma_wait3A_1286] : memref<5120x128xf32, #tpu.memory_space<vmem_shared>> -> memref<5120x128xf32, #tpu.memory_space<vmem_shared>>
      tpu.wait_indirect_dma semaphore(%arg14 : memref<!tpu.dma_semaphore, #tpu.memory_space<semaphore_mem>>) src(%arg8 : memref<16x128xf32, #tpu.memory_space<vmem>>) dst(%dma_wait3A_1287 : memref<5120x128xf32, #tpu.memory_space<vmem_shared>>)
      %get3A_1288 = arith.constant 7 : i32
      %get3A_1289 = arith.index_cast %get3A_1288 : i32 to index
      %get3A_1290 = arith.constant 96 : index
      %get3A_1291 = tpu.vector_load %arg5[%get3A_1289, %get3A_1290] {strides = array<i32>} : memref<8x128xi32, #tpu.memory_space<vmem>>, vector<1x16xi32>,
      %get3A_1292 = vector.shape_cast %get3A_1291 : vector<1x16xi32> to vector<16xi32>
      %dma_start3A_1293 = arith.constant 0 : i32
      %dma_start3A_1294 = arith.constant 0 : i32
      %dma_start3A_1295 = tpu.memref_slice %arg10[%dma_start3A_1293, %dma_start3A_1294] : memref<10112x128xf32, #tpu.memory_space<vmem_shared>> -> memref<10112x128xf32, #tpu.memory_space<vmem_shared>>
      tpu.enqueue_indirect_dma source(%dma_start3A_1295 : memref<10112x128xf32, #tpu.memory_space<vmem_shared>>) target(%arg8 : memref<16x128xf32, #tpu.memory_space<vmem>>) offsets(%get3A_1292 : vector<16xi32>) semaphore(%arg12 : memref<!tpu.dma_semaphore, #tpu.memory_space<semaphore_mem>>)
      %get3A_1296 = arith.constant 7 : i32
      %get3A_1297 = arith.index_cast %get3A_1296 : i32 to index
      %get3A_1298 = arith.constant 96 : index
      %get3A_1299 = tpu.vector_load %arg5[%get3A_1297, %get3A_1298] {strides = array<i32>} : memref<8x128xi32, #tpu.memory_space<vmem>>, vector<1x16xi32>,
      %get3A_1300 = vector.shape_cast %get3A_1299 : vector<1x16xi32> to vector<16xi32>
      %dma_wait3A_1301 = arith.constant 0 : i32
      %dma_wait3A_1302 = arith.constant 0 : i32
      %dma_wait3A_1303 = tpu.memref_slice %arg10[%dma_wait3A_1301, %dma_wait3A_1302] : memref<10112x128xf32, #tpu.memory_space<vmem_shared>> -> memref<10112x128xf32, #tpu.memory_space<vmem_shared>>
      tpu.wait_indirect_dma semaphore(%arg12 : memref<!tpu.dma_semaphore, #tpu.memory_space<semaphore_mem>>) src(%dma_wait3A_1303 : memref<10112x128xf32, #tpu.memory_space<vmem_shared>>) dst(%arg8 : memref<16x128xf32, #tpu.memory_space<vmem>>)
      %get3A_1304 = arith.constant 7 : i32
      %get3A_1305 = arith.index_cast %get3A_1304 : i32 to index
      %get3A_1306 = arith.constant 112 : index
      %get3A_1307 = tpu.vector_load %arg5[%get3A_1305, %get3A_1306] {strides = array<i32>} : memref<8x128xi32, #tpu.memory_space<vmem>>, vector<1x16xi32>,
      %get3A_1308 = vector.shape_cast %get3A_1307 : vector<1x16xi32> to vector<16xi32>
      %dma_start3A_1309 = arith.constant 0 : i32
      %dma_start3A_1310 = arith.constant 0 : i32
      %dma_start3A_1311 = tpu.memref_slice %arg9[%dma_start3A_1309, %dma_start3A_1310] : memref<5120x128xf32, #tpu.memory_space<vmem_shared>> -> memref<5120x128xf32, #tpu.memory_space<vmem_shared>>
      tpu.enqueue_indirect_dma source(%arg8 : memref<16x128xf32, #tpu.memory_space<vmem>>) target(%dma_start3A_1311 : memref<5120x128xf32, #tpu.memory_space<vmem_shared>>) offsets(%get3A_1308 : vector<16xi32>) semaphore(%arg14 : memref<!tpu.dma_semaphore, #tpu.memory_space<semaphore_mem>>) {add = true}
      %get3A_1312 = arith.constant 7 : i32
      %get3A_1313 = arith.index_cast %get3A_1312 : i32 to index
      %get3A_1314 = arith.constant 112 : index
      %get3A_1315 = tpu.vector_load %arg5[%get3A_1313, %get3A_1314] {strides = array<i32>} : memref<8x128xi32, #tpu.memory_space<vmem>>, vector<1x16xi32>,
      %get3A_1316 = vector.shape_cast %get3A_1315 : vector<1x16xi32> to vector<16xi32>
      %dma_wait3A_1317 = arith.constant 0 : i32
      %dma_wait3A_1318 = arith.constant 0 : i32
      %dma_wait3A_1319 = tpu.memref_slice %arg9[%dma_wait3A_1317, %dma_wait3A_1318] : memref<5120x128xf32, #tpu.memory_space<vmem_shared>> -> memref<5120x128xf32, #tpu.memory_space<vmem_shared>>
      tpu.wait_indirect_dma semaphore(%arg13 : memref<!tpu.dma_semaphore, #tpu.memory_space<semaphore_mem>>) src(%arg7 : memref<16x128xf32, #tpu.memory_space<vmem>>) dst(%dma_wait3A_1319 : memref<5120x128xf32, #tpu.memory_space<vmem_shared>>)
      %add3A_1320 = arith.constant 1 : i32
      %add3A_1321 = arith.addi %add3A_293, %add3A_1320 : i32
      %dma_wait3A_1322 = arith.constant 0 : i32
      %dma_wait3A_1323 = arith.constant 0 : i32
      %dma_wait3A_1324 = tpu.memref_slice %arg2[%add3A, %add3A_1321, %dma_wait3A_1322, %dma_wait3A_1323] : memref<32x41x8x128xi32, #tpu.memory_space<hbm>> -> memref<1x1x8x128xi32, #tpu.memory_space<hbm>>
      %dma_wait3A_1325 = tpu.memref_squeeze %dma_wait3A_1324 : memref<1x1x8x128xi32, #tpu.memory_space<hbm>> -> memref<8x128xi32, #tpu.memory_space<hbm>>
      %dma_wait3A_1326 = arith.constant 0 : i32
      %dma_wait3A_1327 = arith.constant 0 : i32
      %dma_wait3A_1328 = tpu.memref_slice %arg2[%add3A, %add3A_1321, %dma_wait3A_1326, %dma_wait3A_1327] : memref<32x41x8x128xi32, #tpu.memory_space<hbm>> -> memref<1x1x8x128xi32, #tpu.memory_space<hbm>>
      %dma_wait3A_1329 = tpu.memref_squeeze %dma_wait3A_1328 : memref<1x1x8x128xi32, #tpu.memory_space<hbm>> -> memref<8x128xi32, #tpu.memory_space<hbm>>
      tpu.wait_dma2 semaphore(%arg16 : memref<!tpu.dma_semaphore, #tpu.memory_space<semaphore_mem>>) src(%dma_wait3A_1329 : memref<8x128xi32, #tpu.memory_space<hbm>>) dst(%arg6 : memref<8x128xi32, #tpu.memory_space<vmem>>)
      %get3A_1330 = arith.constant 0 : i32
      %get3A_1331 = arith.index_cast %get3A_1330 : i32 to index
      %get3A_1332 = arith.constant 0 : index
      %get3A_1333 = tpu.vector_load %arg6[%get3A_1331, %get3A_1332] {strides = array<i32>} : memref<8x128xi32, #tpu.memory_space<vmem>>, vector<1x16xi32>,
      %get3A_1334 = vector.shape_cast %get3A_1333 : vector<1x16xi32> to vector<16xi32>
      %dma_start3A_1335 = arith.constant 0 : i32
      %dma_start3A_1336 = arith.constant 0 : i32
      %dma_start3A_1337 = tpu.memref_slice %arg10[%dma_start3A_1335, %dma_start3A_1336] : memref<10112x128xf32, #tpu.memory_space<vmem_shared>> -> memref<10112x128xf32, #tpu.memory_space<vmem_shared>>
      tpu.enqueue_indirect_dma source(%dma_start3A_1337 : memref<10112x128xf32, #tpu.memory_space<vmem_shared>>) target(%arg7 : memref<16x128xf32, #tpu.memory_space<vmem>>) offsets(%get3A_1334 : vector<16xi32>) semaphore(%arg11 : memref<!tpu.dma_semaphore, #tpu.memory_space<semaphore_mem>>)
      %mul3A_1338 = arith.constant 2 : i32
      %mul3A_1339 = arith.muli %scan3A_289, %mul3A_1338 : i32
      %add3A_1340 = arith.constant 1 : i32
      %add3A_1341 = arith.addi %mul3A_1339, %add3A_1340 : i32
      %get3A_1342 = arith.constant 0 : i32
      %get3A_1343 = arith.index_cast %get3A_1342 : i32 to index
      %get3A_1344 = arith.constant 0 : index
      %get3A_1345 = tpu.vector_load %arg6[%get3A_1343, %get3A_1344] {strides = array<i32>} : memref<8x128xi32, #tpu.memory_space<vmem>>, vector<1x16xi32>,
      %get3A_1346 = vector.shape_cast %get3A_1345 : vector<1x16xi32> to vector<16xi32>
      %dma_wait3A_1347 = arith.constant 0 : i32
      %dma_wait3A_1348 = arith.constant 0 : i32
      %dma_wait3A_1349 = tpu.memref_slice %arg10[%dma_wait3A_1347, %dma_wait3A_1348] : memref<10112x128xf32, #tpu.memory_space<vmem_shared>> -> memref<10112x128xf32, #tpu.memory_space<vmem_shared>>
      tpu.wait_indirect_dma semaphore(%arg11 : memref<!tpu.dma_semaphore, #tpu.memory_space<semaphore_mem>>) src(%dma_wait3A_1349 : memref<10112x128xf32, #tpu.memory_space<vmem_shared>>) dst(%arg7 : memref<16x128xf32, #tpu.memory_space<vmem>>)
      %get3A_1350 = arith.constant 0 : i32
      %get3A_1351 = arith.index_cast %get3A_1350 : i32 to index
      %get3A_1352 = arith.constant 16 : index
      %get3A_1353 = tpu.vector_load %arg6[%get3A_1351, %get3A_1352] {strides = array<i32>} : memref<8x128xi32, #tpu.memory_space<vmem>>, vector<1x16xi32>,
      %get3A_1354 = vector.shape_cast %get3A_1353 : vector<1x16xi32> to vector<16xi32>
      %dma_start3A_1355 = arith.constant 0 : i32
      %dma_start3A_1356 = arith.constant 0 : i32
      %dma_start3A_1357 = tpu.memref_slice %arg9[%dma_start3A_1355, %dma_start3A_1356] : memref<5120x128xf32, #tpu.memory_space<vmem_shared>> -> memref<5120x128xf32, #tpu.memory_space<vmem_shared>>
      tpu.enqueue_indirect_dma source(%arg7 : memref<16x128xf32, #tpu.memory_space<vmem>>) target(%dma_start3A_1357 : memref<5120x128xf32, #tpu.memory_space<vmem_shared>>) offsets(%get3A_1354 : vector<16xi32>) semaphore(%arg13 : memref<!tpu.dma_semaphore, #tpu.memory_space<semaphore_mem>>) {add = true}
      %get3A_1358 = arith.constant 0 : i32
      %get3A_1359 = arith.index_cast %get3A_1358 : i32 to index
      %get3A_1360 = arith.constant 16 : index
      %get3A_1361 = tpu.vector_load %arg6[%get3A_1359, %get3A_1360] {strides = array<i32>} : memref<8x128xi32, #tpu.memory_space<vmem>>, vector<1x16xi32>,
      %get3A_1362 = vector.shape_cast %get3A_1361 : vector<1x16xi32> to vector<16xi32>
      %dma_wait3A_1363 = arith.constant 0 : i32
      %dma_wait3A_1364 = arith.constant 0 : i32
      %dma_wait3A_1365 = tpu.memref_slice %arg9[%dma_wait3A_1363, %dma_wait3A_1364] : memref<5120x128xf32, #tpu.memory_space<vmem_shared>> -> memref<5120x128xf32, #tpu.memory_space<vmem_shared>>
      tpu.wait_indirect_dma semaphore(%arg14 : memref<!tpu.dma_semaphore, #tpu.memory_space<semaphore_mem>>) src(%arg8 : memref<16x128xf32, #tpu.memory_space<vmem>>) dst(%dma_wait3A_1365 : memref<5120x128xf32, #tpu.memory_space<vmem_shared>>)
      %get3A_1366 = arith.constant 0 : i32
      %get3A_1367 = arith.index_cast %get3A_1366 : i32 to index
      %get3A_1368 = arith.constant 32 : index
      %get3A_1369 = tpu.vector_load %arg6[%get3A_1367, %get3A_1368] {strides = array<i32>} : memref<8x128xi32, #tpu.memory_space<vmem>>, vector<1x16xi32>,
      %get3A_1370 = vector.shape_cast %get3A_1369 : vector<1x16xi32> to vector<16xi32>
      %dma_start3A_1371 = arith.constant 0 : i32
      %dma_start3A_1372 = arith.constant 0 : i32
      %dma_start3A_1373 = tpu.memref_slice %arg10[%dma_start3A_1371, %dma_start3A_1372] : memref<10112x128xf32, #tpu.memory_space<vmem_shared>> -> memref<10112x128xf32, #tpu.memory_space<vmem_shared>>
      tpu.enqueue_indirect_dma source(%dma_start3A_1373 : memref<10112x128xf32, #tpu.memory_space<vmem_shared>>) target(%arg8 : memref<16x128xf32, #tpu.memory_space<vmem>>) offsets(%get3A_1370 : vector<16xi32>) semaphore(%arg12 : memref<!tpu.dma_semaphore, #tpu.memory_space<semaphore_mem>>)
      %get3A_1374 = arith.constant 0 : i32
      %get3A_1375 = arith.index_cast %get3A_1374 : i32 to index
      %get3A_1376 = arith.constant 32 : index
      %get3A_1377 = tpu.vector_load %arg6[%get3A_1375, %get3A_1376] {strides = array<i32>} : memref<8x128xi32, #tpu.memory_space<vmem>>, vector<1x16xi32>,
      %get3A_1378 = vector.shape_cast %get3A_1377 : vector<1x16xi32> to vector<16xi32>
      %dma_wait3A_1379 = arith.constant 0 : i32
      %dma_wait3A_1380 = arith.constant 0 : i32
      %dma_wait3A_1381 = tpu.memref_slice %arg10[%dma_wait3A_1379, %dma_wait3A_1380] : memref<10112x128xf32, #tpu.memory_space<vmem_shared>> -> memref<10112x128xf32, #tpu.memory_space<vmem_shared>>
      tpu.wait_indirect_dma semaphore(%arg12 : memref<!tpu.dma_semaphore, #tpu.memory_space<semaphore_mem>>) src(%dma_wait3A_1381 : memref<10112x128xf32, #tpu.memory_space<vmem_shared>>) dst(%arg8 : memref<16x128xf32, #tpu.memory_space<vmem>>)
      %get3A_1382 = arith.constant 0 : i32
      %get3A_1383 = arith.index_cast %get3A_1382 : i32 to index
      %get3A_1384 = arith.constant 48 : index
      %get3A_1385 = tpu.vector_load %arg6[%get3A_1383, %get3A_1384] {strides = array<i32>} : memref<8x128xi32, #tpu.memory_space<vmem>>, vector<1x16xi32>,
      %get3A_1386 = vector.shape_cast %get3A_1385 : vector<1x16xi32> to vector<16xi32>
      %dma_start3A_1387 = arith.constant 0 : i32
      %dma_start3A_1388 = arith.constant 0 : i32
      %dma_start3A_1389 = tpu.memref_slice %arg9[%dma_start3A_1387, %dma_start3A_1388] : memref<5120x128xf32, #tpu.memory_space<vmem_shared>> -> memref<5120x128xf32, #tpu.memory_space<vmem_shared>>
      tpu.enqueue_indirect_dma source(%arg8 : memref<16x128xf32, #tpu.memory_space<vmem>>) target(%dma_start3A_1389 : memref<5120x128xf32, #tpu.memory_space<vmem_shared>>) offsets(%get3A_1386 : vector<16xi32>) semaphore(%arg14 : memref<!tpu.dma_semaphore, #tpu.memory_space<semaphore_mem>>) {add = true}
      %get3A_1390 = arith.constant 0 : i32
      %get3A_1391 = arith.index_cast %get3A_1390 : i32 to index
      %get3A_1392 = arith.constant 48 : index
      %get3A_1393 = tpu.vector_load %arg6[%get3A_1391, %get3A_1392] {strides = array<i32>} : memref<8x128xi32, #tpu.memory_space<vmem>>, vector<1x16xi32>,
      %get3A_1394 = vector.shape_cast %get3A_1393 : vector<1x16xi32> to vector<16xi32>
      %dma_wait3A_1395 = arith.constant 0 : i32
      %dma_wait3A_1396 = arith.constant 0 : i32
      %dma_wait3A_1397 = tpu.memref_slice %arg9[%dma_wait3A_1395, %dma_wait3A_1396] : memref<5120x128xf32, #tpu.memory_space<vmem_shared>> -> memref<5120x128xf32, #tpu.memory_space<vmem_shared>>
      tpu.wait_indirect_dma semaphore(%arg13 : memref<!tpu.dma_semaphore, #tpu.memory_space<semaphore_mem>>) src(%arg7 : memref<16x128xf32, #tpu.memory_space<vmem>>) dst(%dma_wait3A_1397 : memref<5120x128xf32, #tpu.memory_space<vmem_shared>>)
      %get3A_1398 = arith.constant 0 : i32
      %get3A_1399 = arith.index_cast %get3A_1398 : i32 to index
      %get3A_1400 = arith.constant 64 : index
      %get3A_1401 = tpu.vector_load %arg6[%get3A_1399, %get3A_1400] {strides = array<i32>} : memref<8x128xi32, #tpu.memory_space<vmem>>, vector<1x16xi32>,
      %get3A_1402 = vector.shape_cast %get3A_1401 : vector<1x16xi32> to vector<16xi32>
      %dma_start3A_1403 = arith.constant 0 : i32
      %dma_start3A_1404 = arith.constant 0 : i32
      %dma_start3A_1405 = tpu.memref_slice %arg10[%dma_start3A_1403, %dma_start3A_1404] : memref<10112x128xf32, #tpu.memory_space<vmem_shared>> -> memref<10112x128xf32, #tpu.memory_space<vmem_shared>>
      tpu.enqueue_indirect_dma source(%dma_start3A_1405 : memref<10112x128xf32, #tpu.memory_space<vmem_shared>>) target(%arg7 : memref<16x128xf32, #tpu.memory_space<vmem>>) offsets(%get3A_1402 : vector<16xi32>) semaphore(%arg11 : memref<!tpu.dma_semaphore, #tpu.memory_space<semaphore_mem>>)
      %get3A_1406 = arith.constant 0 : i32
      %get3A_1407 = arith.index_cast %get3A_1406 : i32 to index
      %get3A_1408 = arith.constant 64 : index
      %get3A_1409 = tpu.vector_load %arg6[%get3A_1407, %get3A_1408] {strides = array<i32>} : memref<8x128xi32, #tpu.memory_space<vmem>>, vector<1x16xi32>,
      %get3A_1410 = vector.shape_cast %get3A_1409 : vector<1x16xi32> to vector<16xi32>
      %dma_wait3A_1411 = arith.constant 0 : i32
      %dma_wait3A_1412 = arith.constant 0 : i32
      %dma_wait3A_1413 = tpu.memref_slice %arg10[%dma_wait3A_1411, %dma_wait3A_1412] : memref<10112x128xf32, #tpu.memory_space<vmem_shared>> -> memref<10112x128xf32, #tpu.memory_space<vmem_shared>>
      tpu.wait_indirect_dma semaphore(%arg11 : memref<!tpu.dma_semaphore, #tpu.memory_space<semaphore_mem>>) src(%dma_wait3A_1413 : memref<10112x128xf32, #tpu.memory_space<vmem_shared>>) dst(%arg7 : memref<16x128xf32, #tpu.memory_space<vmem>>)
      %add3A_1414 = arith.constant 1 : i32
      %add3A_1415 = arith.addi %add3A_1341, %add3A_1414 : i32
      %dma_start3A_1416 = arith.constant 0 : i32
      %dma_start3A_1417 = arith.constant 0 : i32
      %dma_start3A_1418 = tpu.memref_slice %arg2[%add3A, %add3A_1415, %dma_start3A_1416, %dma_start3A_1417] : memref<32x41x8x128xi32, #tpu.memory_space<hbm>> -> memref<1x1x8x128xi32, #tpu.memory_space<hbm>>
      %dma_start3A_1419 = tpu.memref_squeeze %dma_start3A_1418 : memref<1x1x8x128xi32, #tpu.memory_space<hbm>> -> memref<8x128xi32, #tpu.memory_space<hbm>>
      %dma_start3A_1420 = arith.constant 0 : i32
      %dma_start3A_1421 = arith.constant 0 : i32
      %dma_start3A_1422 = tpu.memref_slice %arg2[%add3A, %add3A_1415, %dma_start3A_1420, %dma_start3A_1421] : memref<32x41x8x128xi32, #tpu.memory_space<hbm>> -> memref<1x1x8x128xi32, #tpu.memory_space<hbm>>
      %dma_start3A_1423 = tpu.memref_squeeze %dma_start3A_1422 : memref<1x1x8x128xi32, #tpu.memory_space<hbm>> -> memref<8x128xi32, #tpu.memory_space<hbm>>
      tpu.enqueue_dma source(%dma_start3A_1423 : memref<8x128xi32, #tpu.memory_space<hbm>>) target(%arg5 : memref<8x128xi32, #tpu.memory_space<vmem>>) target_semaphore(%arg15 : memref<!tpu.dma_semaphore, #tpu.memory_space<semaphore_mem>>)
      %get3A_1424 = arith.constant 0 : i32
      %get3A_1425 = arith.index_cast %get3A_1424 : i32 to index
      %get3A_1426 = arith.constant 80 : index
      %get3A_1427 = tpu.vector_load %arg6[%get3A_1425, %get3A_1426] {strides = array<i32>} : memref<8x128xi32, #tpu.memory_space<vmem>>, vector<1x16xi32>,
      %get3A_1428 = vector.shape_cast %get3A_1427 : vector<1x16xi32> to vector<16xi32>
      %dma_start3A_1429 = arith.constant 0 : i32
      %dma_start3A_1430 = arith.constant 0 : i32
      %dma_start3A_1431 = tpu.memref_slice %arg9[%dma_start3A_1429, %dma_start3A_1430] : memref<5120x128xf32, #tpu.memory_space<vmem_shared>> -> memref<5120x128xf32, #tpu.memory_space<vmem_shared>>
      tpu.enqueue_indirect_dma source(%arg7 : memref<16x128xf32, #tpu.memory_space<vmem>>) target(%dma_start3A_1431 : memref<5120x128xf32, #tpu.memory_space<vmem_shared>>) offsets(%get3A_1428 : vector<16xi32>) semaphore(%arg13 : memref<!tpu.dma_semaphore, #tpu.memory_space<semaphore_mem>>) {add = true}
      %get3A_1432 = arith.constant 0 : i32
      %get3A_1433 = arith.index_cast %get3A_1432 : i32 to index
      %get3A_1434 = arith.constant 80 : index
      %get3A_1435 = tpu.vector_load %arg6[%get3A_1433, %get3A_1434] {strides = array<i32>} : memref<8x128xi32, #tpu.memory_space<vmem>>, vector<1x16xi32>,
      %get3A_1436 = vector.shape_cast %get3A_1435 : vector<1x16xi32> to vector<16xi32>
      %dma_wait3A_1437 = arith.constant 0 : i32
      %dma_wait3A_1438 = arith.constant 0 : i32
      %dma_wait3A_1439 = tpu.memref_slice %arg9[%dma_wait3A_1437, %dma_wait3A_1438] : memref<5120x128xf32, #tpu.memory_space<vmem_shared>> -> memref<5120x128xf32, #tpu.memory_space<vmem_shared>>
      tpu.wait_indirect_dma semaphore(%arg14 : memref<!tpu.dma_semaphore, #tpu.memory_space<semaphore_mem>>) src(%arg8 : memref<16x128xf32, #tpu.memory_space<vmem>>) dst(%dma_wait3A_1439 : memref<5120x128xf32, #tpu.memory_space<vmem_shared>>)
      %get3A_1440 = arith.constant 0 : i32
      %get3A_1441 = arith.index_cast %get3A_1440 : i32 to index
      %get3A_1442 = arith.constant 96 : index
      %get3A_1443 = tpu.vector_load %arg6[%get3A_1441, %get3A_1442] {strides = array<i32>} : memref<8x128xi32, #tpu.memory_space<vmem>>, vector<1x16xi32>,
      %get3A_1444 = vector.shape_cast %get3A_1443 : vector<1x16xi32> to vector<16xi32>
      %dma_start3A_1445 = arith.constant 0 : i32
      %dma_start3A_1446 = arith.constant 0 : i32
      %dma_start3A_1447 = tpu.memref_slice %arg10[%dma_start3A_1445, %dma_start3A_1446] : memref<10112x128xf32, #tpu.memory_space<vmem_shared>> -> memref<10112x128xf32, #tpu.memory_space<vmem_shared>>
      tpu.enqueue_indirect_dma source(%dma_start3A_1447 : memref<10112x128xf32, #tpu.memory_space<vmem_shared>>) target(%arg8 : memref<16x128xf32, #tpu.memory_space<vmem>>) offsets(%get3A_1444 : vector<16xi32>) semaphore(%arg12 : memref<!tpu.dma_semaphore, #tpu.memory_space<semaphore_mem>>)
      %get3A_1448 = arith.constant 0 : i32
      %get3A_1449 = arith.index_cast %get3A_1448 : i32 to index
      %get3A_1450 = arith.constant 96 : index
      %get3A_1451 = tpu.vector_load %arg6[%get3A_1449, %get3A_1450] {strides = array<i32>} : memref<8x128xi32, #tpu.memory_space<vmem>>, vector<1x16xi32>,
      %get3A_1452 = vector.shape_cast %get3A_1451 : vector<1x16xi32> to vector<16xi32>
      %dma_wait3A_1453 = arith.constant 0 : i32
      %dma_wait3A_1454 = arith.constant 0 : i32
      %dma_wait3A_1455 = tpu.memref_slice %arg10[%dma_wait3A_1453, %dma_wait3A_1454] : memref<10112x128xf32, #tpu.memory_space<vmem_shared>> -> memref<10112x128xf32, #tpu.memory_space<vmem_shared>>
      tpu.wait_indirect_dma semaphore(%arg12 : memref<!tpu.dma_semaphore, #tpu.memory_space<semaphore_mem>>) src(%dma_wait3A_1455 : memref<10112x128xf32, #tpu.memory_space<vmem_shared>>) dst(%arg8 : memref<16x128xf32, #tpu.memory_space<vmem>>)
      %get3A_1456 = arith.constant 0 : i32
      %get3A_1457 = arith.index_cast %get3A_1456 : i32 to index
      %get3A_1458 = arith.constant 112 : index
      %get3A_1459 = tpu.vector_load %arg6[%get3A_1457, %get3A_1458] {strides = array<i32>} : memref<8x128xi32, #tpu.memory_space<vmem>>, vector<1x16xi32>,
      %get3A_1460 = vector.shape_cast %get3A_1459 : vector<1x16xi32> to vector<16xi32>
      %dma_start3A_1461 = arith.constant 0 : i32
      %dma_start3A_1462 = arith.constant 0 : i32
      %dma_start3A_1463 = tpu.memref_slice %arg9[%dma_start3A_1461, %dma_start3A_1462] : memref<5120x128xf32, #tpu.memory_space<vmem_shared>> -> memref<5120x128xf32, #tpu.memory_space<vmem_shared>>
      tpu.enqueue_indirect_dma source(%arg8 : memref<16x128xf32, #tpu.memory_space<vmem>>) target(%dma_start3A_1463 : memref<5120x128xf32, #tpu.memory_space<vmem_shared>>) offsets(%get3A_1460 : vector<16xi32>) semaphore(%arg14 : memref<!tpu.dma_semaphore, #tpu.memory_space<semaphore_mem>>) {add = true}
      %get3A_1464 = arith.constant 0 : i32
      %get3A_1465 = arith.index_cast %get3A_1464 : i32 to index
      %get3A_1466 = arith.constant 112 : index
      %get3A_1467 = tpu.vector_load %arg6[%get3A_1465, %get3A_1466] {strides = array<i32>} : memref<8x128xi32, #tpu.memory_space<vmem>>, vector<1x16xi32>,
      %get3A_1468 = vector.shape_cast %get3A_1467 : vector<1x16xi32> to vector<16xi32>
      %dma_wait3A_1469 = arith.constant 0 : i32
      %dma_wait3A_1470 = arith.constant 0 : i32
      %dma_wait3A_1471 = tpu.memref_slice %arg9[%dma_wait3A_1469, %dma_wait3A_1470] : memref<5120x128xf32, #tpu.memory_space<vmem_shared>> -> memref<5120x128xf32, #tpu.memory_space<vmem_shared>>
      tpu.wait_indirect_dma semaphore(%arg13 : memref<!tpu.dma_semaphore, #tpu.memory_space<semaphore_mem>>) src(%arg7 : memref<16x128xf32, #tpu.memory_space<vmem>>) dst(%dma_wait3A_1471 : memref<5120x128xf32, #tpu.memory_space<vmem_shared>>)
      %get3A_1472 = arith.constant 1 : i32
      %get3A_1473 = arith.index_cast %get3A_1472 : i32 to index
      %get3A_1474 = arith.constant 0 : index
      %get3A_1475 = tpu.vector_load %arg6[%get3A_1473, %get3A_1474] {strides = array<i32>} : memref<8x128xi32, #tpu.memory_space<vmem>>, vector<1x16xi32>,
      %get3A_1476 = vector.shape_cast %get3A_1475 : vector<1x16xi32> to vector<16xi32>
      %dma_start3A_1477 = arith.constant 0 : i32
      %dma_start3A_1478 = arith.constant 0 : i32
      %dma_start3A_1479 = tpu.memref_slice %arg10[%dma_start3A_1477, %dma_start3A_1478] : memref<10112x128xf32, #tpu.memory_space<vmem_shared>> -> memref<10112x128xf32, #tpu.memory_space<vmem_shared>>
      tpu.enqueue_indirect_dma source(%dma_start3A_1479 : memref<10112x128xf32, #tpu.memory_space<vmem_shared>>) target(%arg7 : memref<16x128xf32, #tpu.memory_space<vmem>>) offsets(%get3A_1476 : vector<16xi32>) semaphore(%arg11 : memref<!tpu.dma_semaphore, #tpu.memory_space<semaphore_mem>>)
      %get3A_1480 = arith.constant 1 : i32
      %get3A_1481 = arith.index_cast %get3A_1480 : i32 to index
      %get3A_1482 = arith.constant 0 : index
      %get3A_1483 = tpu.vector_load %arg6[%get3A_1481, %get3A_1482] {strides = array<i32>} : memref<8x128xi32, #tpu.memory_space<vmem>>, vector<1x16xi32>,
      %get3A_1484 = vector.shape_cast %get3A_1483 : vector<1x16xi32> to vector<16xi32>
      %dma_wait3A_1485 = arith.constant 0 : i32
      %dma_wait3A_1486 = arith.constant 0 : i32
      %dma_wait3A_1487 = tpu.memref_slice %arg10[%dma_wait3A_1485, %dma_wait3A_1486] : memref<10112x128xf32, #tpu.memory_space<vmem_shared>> -> memref<10112x128xf32, #tpu.memory_space<vmem_shared>>
      tpu.wait_indirect_dma semaphore(%arg11 : memref<!tpu.dma_semaphore, #tpu.memory_space<semaphore_mem>>) src(%dma_wait3A_1487 : memref<10112x128xf32, #tpu.memory_space<vmem_shared>>) dst(%arg7 : memref<16x128xf32, #tpu.memory_space<vmem>>)
      %get3A_1488 = arith.constant 1 : i32
      %get3A_1489 = arith.index_cast %get3A_1488 : i32 to index
      %get3A_1490 = arith.constant 16 : index
      %get3A_1491 = tpu.vector_load %arg6[%get3A_1489, %get3A_1490] {strides = array<i32>} : memref<8x128xi32, #tpu.memory_space<vmem>>, vector<1x16xi32>,
      %get3A_1492 = vector.shape_cast %get3A_1491 : vector<1x16xi32> to vector<16xi32>
      %dma_start3A_1493 = arith.constant 0 : i32
      %dma_start3A_1494 = arith.constant 0 : i32
      %dma_start3A_1495 = tpu.memref_slice %arg9[%dma_start3A_1493, %dma_start3A_1494] : memref<5120x128xf32, #tpu.memory_space<vmem_shared>> -> memref<5120x128xf32, #tpu.memory_space<vmem_shared>>
      tpu.enqueue_indirect_dma source(%arg7 : memref<16x128xf32, #tpu.memory_space<vmem>>) target(%dma_start3A_1495 : memref<5120x128xf32, #tpu.memory_space<vmem_shared>>) offsets(%get3A_1492 : vector<16xi32>) semaphore(%arg13 : memref<!tpu.dma_semaphore, #tpu.memory_space<semaphore_mem>>) {add = true}
      %get3A_1496 = arith.constant 1 : i32
      %get3A_1497 = arith.index_cast %get3A_1496 : i32 to index
      %get3A_1498 = arith.constant 16 : index
      %get3A_1499 = tpu.vector_load %arg6[%get3A_1497, %get3A_1498] {strides = array<i32>} : memref<8x128xi32, #tpu.memory_space<vmem>>, vector<1x16xi32>,
      %get3A_1500 = vector.shape_cast %get3A_1499 : vector<1x16xi32> to vector<16xi32>
      %dma_wait3A_1501 = arith.constant 0 : i32
      %dma_wait3A_1502 = arith.constant 0 : i32
      %dma_wait3A_1503 = tpu.memref_slice %arg9[%dma_wait3A_1501, %dma_wait3A_1502] : memref<5120x128xf32, #tpu.memory_space<vmem_shared>> -> memref<5120x128xf32, #tpu.memory_space<vmem_shared>>
      tpu.wait_indirect_dma semaphore(%arg14 : memref<!tpu.dma_semaphore, #tpu.memory_space<semaphore_mem>>) src(%arg8 : memref<16x128xf32, #tpu.memory_space<vmem>>) dst(%dma_wait3A_1503 : memref<5120x128xf32, #tpu.memory_space<vmem_shared>>)
      %get3A_1504 = arith.constant 1 : i32
      %get3A_1505 = arith.index_cast %get3A_1504 : i32 to index
      %get3A_1506 = arith.constant 32 : index
      %get3A_1507 = tpu.vector_load %arg6[%get3A_1505, %get3A_1506] {strides = array<i32>} : memref<8x128xi32, #tpu.memory_space<vmem>>, vector<1x16xi32>,
      %get3A_1508 = vector.shape_cast %get3A_1507 : vector<1x16xi32> to vector<16xi32>
      %dma_start3A_1509 = arith.constant 0 : i32
      %dma_start3A_1510 = arith.constant 0 : i32
      %dma_start3A_1511 = tpu.memref_slice %arg10[%dma_start3A_1509, %dma_start3A_1510] : memref<10112x128xf32, #tpu.memory_space<vmem_shared>> -> memref<10112x128xf32, #tpu.memory_space<vmem_shared>>
      tpu.enqueue_indirect_dma source(%dma_start3A_1511 : memref<10112x128xf32, #tpu.memory_space<vmem_shared>>) target(%arg8 : memref<16x128xf32, #tpu.memory_space<vmem>>) offsets(%get3A_1508 : vector<16xi32>) semaphore(%arg12 : memref<!tpu.dma_semaphore, #tpu.memory_space<semaphore_mem>>)
      %get3A_1512 = arith.constant 1 : i32
      %get3A_1513 = arith.index_cast %get3A_1512 : i32 to index
      %get3A_1514 = arith.constant 32 : index
      %get3A_1515 = tpu.vector_load %arg6[%get3A_1513, %get3A_1514] {strides = array<i32>} : memref<8x128xi32, #tpu.memory_space<vmem>>, vector<1x16xi32>,
      %get3A_1516 = vector.shape_cast %get3A_1515 : vector<1x16xi32> to vector<16xi32>
      %dma_wait3A_1517 = arith.constant 0 : i32
      %dma_wait3A_1518 = arith.constant 0 : i32
      %dma_wait3A_1519 = tpu.memref_slice %arg10[%dma_wait3A_1517, %dma_wait3A_1518] : memref<10112x128xf32, #tpu.memory_space<vmem_shared>> -> memref<10112x128xf32, #tpu.memory_space<vmem_shared>>
      tpu.wait_indirect_dma semaphore(%arg12 : memref<!tpu.dma_semaphore, #tpu.memory_space<semaphore_mem>>) src(%dma_wait3A_1519 : memref<10112x128xf32, #tpu.memory_space<vmem_shared>>) dst(%arg8 : memref<16x128xf32, #tpu.memory_space<vmem>>)
      %get3A_1520 = arith.constant 1 : i32
      %get3A_1521 = arith.index_cast %get3A_1520 : i32 to index
      %get3A_1522 = arith.constant 48 : index
      %get3A_1523 = tpu.vector_load %arg6[%get3A_1521, %get3A_1522] {strides = array<i32>} : memref<8x128xi32, #tpu.memory_space<vmem>>, vector<1x16xi32>,
      %get3A_1524 = vector.shape_cast %get3A_1523 : vector<1x16xi32> to vector<16xi32>
      %dma_start3A_1525 = arith.constant 0 : i32
      %dma_start3A_1526 = arith.constant 0 : i32
      %dma_start3A_1527 = tpu.memref_slice %arg9[%dma_start3A_1525, %dma_start3A_1526] : memref<5120x128xf32, #tpu.memory_space<vmem_shared>> -> memref<5120x128xf32, #tpu.memory_space<vmem_shared>>
      tpu.enqueue_indirect_dma source(%arg8 : memref<16x128xf32, #tpu.memory_space<vmem>>) target(%dma_start3A_1527 : memref<5120x128xf32, #tpu.memory_space<vmem_shared>>) offsets(%get3A_1524 : vector<16xi32>) semaphore(%arg14 : memref<!tpu.dma_semaphore, #tpu.memory_space<semaphore_mem>>) {add = true}
      %get3A_1528 = arith.constant 1 : i32
      %get3A_1529 = arith.index_cast %get3A_1528 : i32 to index
      %get3A_1530 = arith.constant 48 : index
      %get3A_1531 = tpu.vector_load %arg6[%get3A_1529, %get3A_1530] {strides = array<i32>} : memref<8x128xi32, #tpu.memory_space<vmem>>, vector<1x16xi32>,
      %get3A_1532 = vector.shape_cast %get3A_1531 : vector<1x16xi32> to vector<16xi32>
      %dma_wait3A_1533 = arith.constant 0 : i32
      %dma_wait3A_1534 = arith.constant 0 : i32
      %dma_wait3A_1535 = tpu.memref_slice %arg9[%dma_wait3A_1533, %dma_wait3A_1534] : memref<5120x128xf32, #tpu.memory_space<vmem_shared>> -> memref<5120x128xf32, #tpu.memory_space<vmem_shared>>
      tpu.wait_indirect_dma semaphore(%arg13 : memref<!tpu.dma_semaphore, #tpu.memory_space<semaphore_mem>>) src(%arg7 : memref<16x128xf32, #tpu.memory_space<vmem>>) dst(%dma_wait3A_1535 : memref<5120x128xf32, #tpu.memory_space<vmem_shared>>)
      %get3A_1536 = arith.constant 1 : i32
      %get3A_1537 = arith.index_cast %get3A_1536 : i32 to index
      %get3A_1538 = arith.constant 64 : index
      %get3A_1539 = tpu.vector_load %arg6[%get3A_1537, %get3A_1538] {strides = array<i32>} : memref<8x128xi32, #tpu.memory_space<vmem>>, vector<1x16xi32>,
      %get3A_1540 = vector.shape_cast %get3A_1539 : vector<1x16xi32> to vector<16xi32>
      %dma_start3A_1541 = arith.constant 0 : i32
      %dma_start3A_1542 = arith.constant 0 : i32
      %dma_start3A_1543 = tpu.memref_slice %arg10[%dma_start3A_1541, %dma_start3A_1542] : memref<10112x128xf32, #tpu.memory_space<vmem_shared>> -> memref<10112x128xf32, #tpu.memory_space<vmem_shared>>
      tpu.enqueue_indirect_dma source(%dma_start3A_1543 : memref<10112x128xf32, #tpu.memory_space<vmem_shared>>) target(%arg7 : memref<16x128xf32, #tpu.memory_space<vmem>>) offsets(%get3A_1540 : vector<16xi32>) semaphore(%arg11 : memref<!tpu.dma_semaphore, #tpu.memory_space<semaphore_mem>>)
      %get3A_1544 = arith.constant 1 : i32
      %get3A_1545 = arith.index_cast %get3A_1544 : i32 to index
      %get3A_1546 = arith.constant 64 : index
      %get3A_1547 = tpu.vector_load %arg6[%get3A_1545, %get3A_1546] {strides = array<i32>} : memref<8x128xi32, #tpu.memory_space<vmem>>, vector<1x16xi32>,
      %get3A_1548 = vector.shape_cast %get3A_1547 : vector<1x16xi32> to vector<16xi32>
      %dma_wait3A_1549 = arith.constant 0 : i32
      %dma_wait3A_1550 = arith.constant 0 : i32
      %dma_wait3A_1551 = tpu.memref_slice %arg10[%dma_wait3A_1549, %dma_wait3A_1550] : memref<10112x128xf32, #tpu.memory_space<vmem_shared>> -> memref<10112x128xf32, #tpu.memory_space<vmem_shared>>
      tpu.wait_indirect_dma semaphore(%arg11 : memref<!tpu.dma_semaphore, #tpu.memory_space<semaphore_mem>>) src(%dma_wait3A_1551 : memref<10112x128xf32, #tpu.memory_space<vmem_shared>>) dst(%arg7 : memref<16x128xf32, #tpu.memory_space<vmem>>)
      %get3A_1552 = arith.constant 1 : i32
      %get3A_1553 = arith.index_cast %get3A_1552 : i32 to index
      %get3A_1554 = arith.constant 80 : index
      %get3A_1555 = tpu.vector_load %arg6[%get3A_1553, %get3A_1554] {strides = array<i32>} : memref<8x128xi32, #tpu.memory_space<vmem>>, vector<1x16xi32>,
      %get3A_1556 = vector.shape_cast %get3A_1555 : vector<1x16xi32> to vector<16xi32>
      %dma_start3A_1557 = arith.constant 0 : i32
      %dma_start3A_1558 = arith.constant 0 : i32
      %dma_start3A_1559 = tpu.memref_slice %arg9[%dma_start3A_1557, %dma_start3A_1558] : memref<5120x128xf32, #tpu.memory_space<vmem_shared>> -> memref<5120x128xf32, #tpu.memory_space<vmem_shared>>
      tpu.enqueue_indirect_dma source(%arg7 : memref<16x128xf32, #tpu.memory_space<vmem>>) target(%dma_start3A_1559 : memref<5120x128xf32, #tpu.memory_space<vmem_shared>>) offsets(%get3A_1556 : vector<16xi32>) semaphore(%arg13 : memref<!tpu.dma_semaphore, #tpu.memory_space<semaphore_mem>>) {add = true}
      %get3A_1560 = arith.constant 1 : i32
      %get3A_1561 = arith.index_cast %get3A_1560 : i32 to index
      %get3A_1562 = arith.constant 80 : index
      %get3A_1563 = tpu.vector_load %arg6[%get3A_1561, %get3A_1562] {strides = array<i32>} : memref<8x128xi32, #tpu.memory_space<vmem>>, vector<1x16xi32>,
      %get3A_1564 = vector.shape_cast %get3A_1563 : vector<1x16xi32> to vector<16xi32>
      %dma_wait3A_1565 = arith.constant 0 : i32
      %dma_wait3A_1566 = arith.constant 0 : i32
      %dma_wait3A_1567 = tpu.memref_slice %arg9[%dma_wait3A_1565, %dma_wait3A_1566] : memref<5120x128xf32, #tpu.memory_space<vmem_shared>> -> memref<5120x128xf32, #tpu.memory_space<vmem_shared>>
      tpu.wait_indirect_dma semaphore(%arg14 : memref<!tpu.dma_semaphore, #tpu.memory_space<semaphore_mem>>) src(%arg8 : memref<16x128xf32, #tpu.memory_space<vmem>>) dst(%dma_wait3A_1567 : memref<5120x128xf32, #tpu.memory_space<vmem_shared>>)
      %get3A_1568 = arith.constant 1 : i32
      %get3A_1569 = arith.index_cast %get3A_1568 : i32 to index
      %get3A_1570 = arith.constant 96 : index
      %get3A_1571 = tpu.vector_load %arg6[%get3A_1569, %get3A_1570] {strides = array<i32>} : memref<8x128xi32, #tpu.memory_space<vmem>>, vector<1x16xi32>,
      %get3A_1572 = vector.shape_cast %get3A_1571 : vector<1x16xi32> to vector<16xi32>
      %dma_start3A_1573 = arith.constant 0 : i32
      %dma_start3A_1574 = arith.constant 0 : i32
      %dma_start3A_1575 = tpu.memref_slice %arg10[%dma_start3A_1573, %dma_start3A_1574] : memref<10112x128xf32, #tpu.memory_space<vmem_shared>> -> memref<10112x128xf32, #tpu.memory_space<vmem_shared>>
      tpu.enqueue_indirect_dma source(%dma_start3A_1575 : memref<10112x128xf32, #tpu.memory_space<vmem_shared>>) target(%arg8 : memref<16x128xf32, #tpu.memory_space<vmem>>) offsets(%get3A_1572 : vector<16xi32>) semaphore(%arg12 : memref<!tpu.dma_semaphore, #tpu.memory_space<semaphore_mem>>)
      %get3A_1576 = arith.constant 1 : i32
      %get3A_1577 = arith.index_cast %get3A_1576 : i32 to index
      %get3A_1578 = arith.constant 96 : index
      %get3A_1579 = tpu.vector_load %arg6[%get3A_1577, %get3A_1578] {strides = array<i32>} : memref<8x128xi32, #tpu.memory_space<vmem>>, vector<1x16xi32>,
      %get3A_1580 = vector.shape_cast %get3A_1579 : vector<1x16xi32> to vector<16xi32>
      %dma_wait3A_1581 = arith.constant 0 : i32
      %dma_wait3A_1582 = arith.constant 0 : i32
      %dma_wait3A_1583 = tpu.memref_slice %arg10[%dma_wait3A_1581, %dma_wait3A_1582] : memref<10112x128xf32, #tpu.memory_space<vmem_shared>> -> memref<10112x128xf32, #tpu.memory_space<vmem_shared>>
      tpu.wait_indirect_dma semaphore(%arg12 : memref<!tpu.dma_semaphore, #tpu.memory_space<semaphore_mem>>) src(%dma_wait3A_1583 : memref<10112x128xf32, #tpu.memory_space<vmem_shared>>) dst(%arg8 : memref<16x128xf32, #tpu.memory_space<vmem>>)
      %get3A_1584 = arith.constant 1 : i32
      %get3A_1585 = arith.index_cast %get3A_1584 : i32 to index
      %get3A_1586 = arith.constant 112 : index
      %get3A_1587 = tpu.vector_load %arg6[%get3A_1585, %get3A_1586] {strides = array<i32>} : memref<8x128xi32, #tpu.memory_space<vmem>>, vector<1x16xi32>,
      %get3A_1588 = vector.shape_cast %get3A_1587 : vector<1x16xi32> to vector<16xi32>
      %dma_start3A_1589 = arith.constant 0 : i32
      %dma_start3A_1590 = arith.constant 0 : i32
      %dma_start3A_1591 = tpu.memref_slice %arg9[%dma_start3A_1589, %dma_start3A_1590] : memref<5120x128xf32, #tpu.memory_space<vmem_shared>> -> memref<5120x128xf32, #tpu.memory_space<vmem_shared>>
      tpu.enqueue_indirect_dma source(%arg8 : memref<16x128xf32, #tpu.memory_space<vmem>>) target(%dma_start3A_1591 : memref<5120x128xf32, #tpu.memory_space<vmem_shared>>) offsets(%get3A_1588 : vector<16xi32>) semaphore(%arg14 : memref<!tpu.dma_semaphore, #tpu.memory_space<semaphore_mem>>) {add = true}
      %get3A_1592 = arith.constant 1 : i32
      %get3A_1593 = arith.index_cast %get3A_1592 : i32 to index
      %get3A_1594 = arith.constant 112 : index
      %get3A_1595 = tpu.vector_load %arg6[%get3A_1593, %get3A_1594] {strides = array<i32>} : memref<8x128xi32, #tpu.memory_space<vmem>>, vector<1x16xi32>,
      %get3A_1596 = vector.shape_cast %get3A_1595 : vector<1x16xi32> to vector<16xi32>
      %dma_wait3A_1597 = arith.constant 0 : i32
      %dma_wait3A_1598 = arith.constant 0 : i32
      %dma_wait3A_1599 = tpu.memref_slice %arg9[%dma_wait3A_1597, %dma_wait3A_1598] : memref<5120x128xf32, #tpu.memory_space<vmem_shared>> -> memref<5120x128xf32, #tpu.memory_space<vmem_shared>>
      tpu.wait_indirect_dma semaphore(%arg13 : memref<!tpu.dma_semaphore, #tpu.memory_space<semaphore_mem>>) src(%arg7 : memref<16x128xf32, #tpu.memory_space<vmem>>) dst(%dma_wait3A_1599 : memref<5120x128xf32, #tpu.memory_space<vmem_shared>>)
      %get3A_1600 = arith.constant 2 : i32
      %get3A_1601 = arith.index_cast %get3A_1600 : i32 to index
      %get3A_1602 = arith.constant 0 : index
      %get3A_1603 = tpu.vector_load %arg6[%get3A_1601, %get3A_1602] {strides = array<i32>} : memref<8x128xi32, #tpu.memory_space<vmem>>, vector<1x16xi32>,
      %get3A_1604 = vector.shape_cast %get3A_1603 : vector<1x16xi32> to vector<16xi32>
      %dma_start3A_1605 = arith.constant 0 : i32
      %dma_start3A_1606 = arith.constant 0 : i32
      %dma_start3A_1607 = tpu.memref_slice %arg10[%dma_start3A_1605, %dma_start3A_1606] : memref<10112x128xf32, #tpu.memory_space<vmem_shared>> -> memref<10112x128xf32, #tpu.memory_space<vmem_shared>>
      tpu.enqueue_indirect_dma source(%dma_start3A_1607 : memref<10112x128xf32, #tpu.memory_space<vmem_shared>>) target(%arg7 : memref<16x128xf32, #tpu.memory_space<vmem>>) offsets(%get3A_1604 : vector<16xi32>) semaphore(%arg11 : memref<!tpu.dma_semaphore, #tpu.memory_space<semaphore_mem>>)
      %get3A_1608 = arith.constant 2 : i32
      %get3A_1609 = arith.index_cast %get3A_1608 : i32 to index
      %get3A_1610 = arith.constant 0 : index
      %get3A_1611 = tpu.vector_load %arg6[%get3A_1609, %get3A_1610] {strides = array<i32>} : memref<8x128xi32, #tpu.memory_space<vmem>>, vector<1x16xi32>,
      %get3A_1612 = vector.shape_cast %get3A_1611 : vector<1x16xi32> to vector<16xi32>
      %dma_wait3A_1613 = arith.constant 0 : i32
      %dma_wait3A_1614 = arith.constant 0 : i32
      %dma_wait3A_1615 = tpu.memref_slice %arg10[%dma_wait3A_1613, %dma_wait3A_1614] : memref<10112x128xf32, #tpu.memory_space<vmem_shared>> -> memref<10112x128xf32, #tpu.memory_space<vmem_shared>>
      tpu.wait_indirect_dma semaphore(%arg11 : memref<!tpu.dma_semaphore, #tpu.memory_space<semaphore_mem>>) src(%dma_wait3A_1615 : memref<10112x128xf32, #tpu.memory_space<vmem_shared>>) dst(%arg7 : memref<16x128xf32, #tpu.memory_space<vmem>>)
      %get3A_1616 = arith.constant 2 : i32
      %get3A_1617 = arith.index_cast %get3A_1616 : i32 to index
      %get3A_1618 = arith.constant 16 : index
      %get3A_1619 = tpu.vector_load %arg6[%get3A_1617, %get3A_1618] {strides = array<i32>} : memref<8x128xi32, #tpu.memory_space<vmem>>, vector<1x16xi32>,
      %get3A_1620 = vector.shape_cast %get3A_1619 : vector<1x16xi32> to vector<16xi32>
      %dma_start3A_1621 = arith.constant 0 : i32
      %dma_start3A_1622 = arith.constant 0 : i32
      %dma_start3A_1623 = tpu.memref_slice %arg9[%dma_start3A_1621, %dma_start3A_1622] : memref<5120x128xf32, #tpu.memory_space<vmem_shared>> -> memref<5120x128xf32, #tpu.memory_space<vmem_shared>>
      tpu.enqueue_indirect_dma source(%arg7 : memref<16x128xf32, #tpu.memory_space<vmem>>) target(%dma_start3A_1623 : memref<5120x128xf32, #tpu.memory_space<vmem_shared>>) offsets(%get3A_1620 : vector<16xi32>) semaphore(%arg13 : memref<!tpu.dma_semaphore, #tpu.memory_space<semaphore_mem>>) {add = true}
      %get3A_1624 = arith.constant 2 : i32
      %get3A_1625 = arith.index_cast %get3A_1624 : i32 to index
      %get3A_1626 = arith.constant 16 : index
      %get3A_1627 = tpu.vector_load %arg6[%get3A_1625, %get3A_1626] {strides = array<i32>} : memref<8x128xi32, #tpu.memory_space<vmem>>, vector<1x16xi32>,
      %get3A_1628 = vector.shape_cast %get3A_1627 : vector<1x16xi32> to vector<16xi32>
      %dma_wait3A_1629 = arith.constant 0 : i32
      %dma_wait3A_1630 = arith.constant 0 : i32
      %dma_wait3A_1631 = tpu.memref_slice %arg9[%dma_wait3A_1629, %dma_wait3A_1630] : memref<5120x128xf32, #tpu.memory_space<vmem_shared>> -> memref<5120x128xf32, #tpu.memory_space<vmem_shared>>
      tpu.wait_indirect_dma semaphore(%arg14 : memref<!tpu.dma_semaphore, #tpu.memory_space<semaphore_mem>>) src(%arg8 : memref<16x128xf32, #tpu.memory_space<vmem>>) dst(%dma_wait3A_1631 : memref<5120x128xf32, #tpu.memory_space<vmem_shared>>)
      %get3A_1632 = arith.constant 2 : i32
      %get3A_1633 = arith.index_cast %get3A_1632 : i32 to index
      %get3A_1634 = arith.constant 32 : index
      %get3A_1635 = tpu.vector_load %arg6[%get3A_1633, %get3A_1634] {strides = array<i32>} : memref<8x128xi32, #tpu.memory_space<vmem>>, vector<1x16xi32>,
      %get3A_1636 = vector.shape_cast %get3A_1635 : vector<1x16xi32> to vector<16xi32>
      %dma_start3A_1637 = arith.constant 0 : i32
      %dma_start3A_1638 = arith.constant 0 : i32
      %dma_start3A_1639 = tpu.memref_slice %arg10[%dma_start3A_1637, %dma_start3A_1638] : memref<10112x128xf32, #tpu.memory_space<vmem_shared>> -> memref<10112x128xf32, #tpu.memory_space<vmem_shared>>
      tpu.enqueue_indirect_dma source(%dma_start3A_1639 : memref<10112x128xf32, #tpu.memory_space<vmem_shared>>) target(%arg8 : memref<16x128xf32, #tpu.memory_space<vmem>>) offsets(%get3A_1636 : vector<16xi32>) semaphore(%arg12 : memref<!tpu.dma_semaphore, #tpu.memory_space<semaphore_mem>>)
      %get3A_1640 = arith.constant 2 : i32
      %get3A_1641 = arith.index_cast %get3A_1640 : i32 to index
      %get3A_1642 = arith.constant 32 : index
      %get3A_1643 = tpu.vector_load %arg6[%get3A_1641, %get3A_1642] {strides = array<i32>} : memref<8x128xi32, #tpu.memory_space<vmem>>, vector<1x16xi32>,
      %get3A_1644 = vector.shape_cast %get3A_1643 : vector<1x16xi32> to vector<16xi32>
      %dma_wait3A_1645 = arith.constant 0 : i32
      %dma_wait3A_1646 = arith.constant 0 : i32
      %dma_wait3A_1647 = tpu.memref_slice %arg10[%dma_wait3A_1645, %dma_wait3A_1646] : memref<10112x128xf32, #tpu.memory_space<vmem_shared>> -> memref<10112x128xf32, #tpu.memory_space<vmem_shared>>
      tpu.wait_indirect_dma semaphore(%arg12 : memref<!tpu.dma_semaphore, #tpu.memory_space<semaphore_mem>>) src(%dma_wait3A_1647 : memref<10112x128xf32, #tpu.memory_space<vmem_shared>>) dst(%arg8 : memref<16x128xf32, #tpu.memory_space<vmem>>)
      %get3A_1648 = arith.constant 2 : i32
      %get3A_1649 = arith.index_cast %get3A_1648 : i32 to index
      %get3A_1650 = arith.constant 48 : index
      %get3A_1651 = tpu.vector_load %arg6[%get3A_1649, %get3A_1650] {strides = array<i32>} : memref<8x128xi32, #tpu.memory_space<vmem>>, vector<1x16xi32>,
      %get3A_1652 = vector.shape_cast %get3A_1651 : vector<1x16xi32> to vector<16xi32>
      %dma_start3A_1653 = arith.constant 0 : i32
      %dma_start3A_1654 = arith.constant 0 : i32
      %dma_start3A_1655 = tpu.memref_slice %arg9[%dma_start3A_1653, %dma_start3A_1654] : memref<5120x128xf32, #tpu.memory_space<vmem_shared>> -> memref<5120x128xf32, #tpu.memory_space<vmem_shared>>
      tpu.enqueue_indirect_dma source(%arg8 : memref<16x128xf32, #tpu.memory_space<vmem>>) target(%dma_start3A_1655 : memref<5120x128xf32, #tpu.memory_space<vmem_shared>>) offsets(%get3A_1652 : vector<16xi32>) semaphore(%arg14 : memref<!tpu.dma_semaphore, #tpu.memory_space<semaphore_mem>>) {add = true}
      %get3A_1656 = arith.constant 2 : i32
      %get3A_1657 = arith.index_cast %get3A_1656 : i32 to index
      %get3A_1658 = arith.constant 48 : index
      %get3A_1659 = tpu.vector_load %arg6[%get3A_1657, %get3A_1658] {strides = array<i32>} : memref<8x128xi32, #tpu.memory_space<vmem>>, vector<1x16xi32>,
      %get3A_1660 = vector.shape_cast %get3A_1659 : vector<1x16xi32> to vector<16xi32>
      %dma_wait3A_1661 = arith.constant 0 : i32
      %dma_wait3A_1662 = arith.constant 0 : i32
      %dma_wait3A_1663 = tpu.memref_slice %arg9[%dma_wait3A_1661, %dma_wait3A_1662] : memref<5120x128xf32, #tpu.memory_space<vmem_shared>> -> memref<5120x128xf32, #tpu.memory_space<vmem_shared>>
      tpu.wait_indirect_dma semaphore(%arg13 : memref<!tpu.dma_semaphore, #tpu.memory_space<semaphore_mem>>) src(%arg7 : memref<16x128xf32, #tpu.memory_space<vmem>>) dst(%dma_wait3A_1663 : memref<5120x128xf32, #tpu.memory_space<vmem_shared>>)
      %get3A_1664 = arith.constant 2 : i32
      %get3A_1665 = arith.index_cast %get3A_1664 : i32 to index
      %get3A_1666 = arith.constant 64 : index
      %get3A_1667 = tpu.vector_load %arg6[%get3A_1665, %get3A_1666] {strides = array<i32>} : memref<8x128xi32, #tpu.memory_space<vmem>>, vector<1x16xi32>,
      %get3A_1668 = vector.shape_cast %get3A_1667 : vector<1x16xi32> to vector<16xi32>
      %dma_start3A_1669 = arith.constant 0 : i32
      %dma_start3A_1670 = arith.constant 0 : i32
      %dma_start3A_1671 = tpu.memref_slice %arg10[%dma_start3A_1669, %dma_start3A_1670] : memref<10112x128xf32, #tpu.memory_space<vmem_shared>> -> memref<10112x128xf32, #tpu.memory_space<vmem_shared>>
      tpu.enqueue_indirect_dma source(%dma_start3A_1671 : memref<10112x128xf32, #tpu.memory_space<vmem_shared>>) target(%arg7 : memref<16x128xf32, #tpu.memory_space<vmem>>) offsets(%get3A_1668 : vector<16xi32>) semaphore(%arg11 : memref<!tpu.dma_semaphore, #tpu.memory_space<semaphore_mem>>)
      %get3A_1672 = arith.constant 2 : i32
      %get3A_1673 = arith.index_cast %get3A_1672 : i32 to index
      %get3A_1674 = arith.constant 64 : index
      %get3A_1675 = tpu.vector_load %arg6[%get3A_1673, %get3A_1674] {strides = array<i32>} : memref<8x128xi32, #tpu.memory_space<vmem>>, vector<1x16xi32>,
      %get3A_1676 = vector.shape_cast %get3A_1675 : vector<1x16xi32> to vector<16xi32>
      %dma_wait3A_1677 = arith.constant 0 : i32
      %dma_wait3A_1678 = arith.constant 0 : i32
      %dma_wait3A_1679 = tpu.memref_slice %arg10[%dma_wait3A_1677, %dma_wait3A_1678] : memref<10112x128xf32, #tpu.memory_space<vmem_shared>> -> memref<10112x128xf32, #tpu.memory_space<vmem_shared>>
      tpu.wait_indirect_dma semaphore(%arg11 : memref<!tpu.dma_semaphore, #tpu.memory_space<semaphore_mem>>) src(%dma_wait3A_1679 : memref<10112x128xf32, #tpu.memory_space<vmem_shared>>) dst(%arg7 : memref<16x128xf32, #tpu.memory_space<vmem>>)
      %get3A_1680 = arith.constant 2 : i32
      %get3A_1681 = arith.index_cast %get3A_1680 : i32 to index
      %get3A_1682 = arith.constant 80 : index
      %get3A_1683 = tpu.vector_load %arg6[%get3A_1681, %get3A_1682] {strides = array<i32>} : memref<8x128xi32, #tpu.memory_space<vmem>>, vector<1x16xi32>,
      %get3A_1684 = vector.shape_cast %get3A_1683 : vector<1x16xi32> to vector<16xi32>
      %dma_start3A_1685 = arith.constant 0 : i32
      %dma_start3A_1686 = arith.constant 0 : i32
      %dma_start3A_1687 = tpu.memref_slice %arg9[%dma_start3A_1685, %dma_start3A_1686] : memref<5120x128xf32, #tpu.memory_space<vmem_shared>> -> memref<5120x128xf32, #tpu.memory_space<vmem_shared>>
      tpu.enqueue_indirect_dma source(%arg7 : memref<16x128xf32, #tpu.memory_space<vmem>>) target(%dma_start3A_1687 : memref<5120x128xf32, #tpu.memory_space<vmem_shared>>) offsets(%get3A_1684 : vector<16xi32>) semaphore(%arg13 : memref<!tpu.dma_semaphore, #tpu.memory_space<semaphore_mem>>) {add = true}
      %get3A_1688 = arith.constant 2 : i32
      %get3A_1689 = arith.index_cast %get3A_1688 : i32 to index
      %get3A_1690 = arith.constant 80 : index
      %get3A_1691 = tpu.vector_load %arg6[%get3A_1689, %get3A_1690] {strides = array<i32>} : memref<8x128xi32, #tpu.memory_space<vmem>>, vector<1x16xi32>,
      %get3A_1692 = vector.shape_cast %get3A_1691 : vector<1x16xi32> to vector<16xi32>
      %dma_wait3A_1693 = arith.constant 0 : i32
      %dma_wait3A_1694 = arith.constant 0 : i32
      %dma_wait3A_1695 = tpu.memref_slice %arg9[%dma_wait3A_1693, %dma_wait3A_1694] : memref<5120x128xf32, #tpu.memory_space<vmem_shared>> -> memref<5120x128xf32, #tpu.memory_space<vmem_shared>>
      tpu.wait_indirect_dma semaphore(%arg14 : memref<!tpu.dma_semaphore, #tpu.memory_space<semaphore_mem>>) src(%arg8 : memref<16x128xf32, #tpu.memory_space<vmem>>) dst(%dma_wait3A_1695 : memref<5120x128xf32, #tpu.memory_space<vmem_shared>>)
      %get3A_1696 = arith.constant 2 : i32
      %get3A_1697 = arith.index_cast %get3A_1696 : i32 to index
      %get3A_1698 = arith.constant 96 : index
      %get3A_1699 = tpu.vector_load %arg6[%get3A_1697, %get3A_1698] {strides = array<i32>} : memref<8x128xi32, #tpu.memory_space<vmem>>, vector<1x16xi32>,
      %get3A_1700 = vector.shape_cast %get3A_1699 : vector<1x16xi32> to vector<16xi32>
      %dma_start3A_1701 = arith.constant 0 : i32
      %dma_start3A_1702 = arith.constant 0 : i32
      %dma_start3A_1703 = tpu.memref_slice %arg10[%dma_start3A_1701, %dma_start3A_1702] : memref<10112x128xf32, #tpu.memory_space<vmem_shared>> -> memref<10112x128xf32, #tpu.memory_space<vmem_shared>>
      tpu.enqueue_indirect_dma source(%dma_start3A_1703 : memref<10112x128xf32, #tpu.memory_space<vmem_shared>>) target(%arg8 : memref<16x128xf32, #tpu.memory_space<vmem>>) offsets(%get3A_1700 : vector<16xi32>) semaphore(%arg12 : memref<!tpu.dma_semaphore, #tpu.memory_space<semaphore_mem>>)
      %get3A_1704 = arith.constant 2 : i32
      %get3A_1705 = arith.index_cast %get3A_1704 : i32 to index
      %get3A_1706 = arith.constant 96 : index
      %get3A_1707 = tpu.vector_load %arg6[%get3A_1705, %get3A_1706] {strides = array<i32>} : memref<8x128xi32, #tpu.memory_space<vmem>>, vector<1x16xi32>,
      %get3A_1708 = vector.shape_cast %get3A_1707 : vector<1x16xi32> to vector<16xi32>
      %dma_wait3A_1709 = arith.constant 0 : i32
      %dma_wait3A_1710 = arith.constant 0 : i32
      %dma_wait3A_1711 = tpu.memref_slice %arg10[%dma_wait3A_1709, %dma_wait3A_1710] : memref<10112x128xf32, #tpu.memory_space<vmem_shared>> -> memref<10112x128xf32, #tpu.memory_space<vmem_shared>>
      tpu.wait_indirect_dma semaphore(%arg12 : memref<!tpu.dma_semaphore, #tpu.memory_space<semaphore_mem>>) src(%dma_wait3A_1711 : memref<10112x128xf32, #tpu.memory_space<vmem_shared>>) dst(%arg8 : memref<16x128xf32, #tpu.memory_space<vmem>>)
      %get3A_1712 = arith.constant 2 : i32
      %get3A_1713 = arith.index_cast %get3A_1712 : i32 to index
      %get3A_1714 = arith.constant 112 : index
      %get3A_1715 = tpu.vector_load %arg6[%get3A_1713, %get3A_1714] {strides = array<i32>} : memref<8x128xi32, #tpu.memory_space<vmem>>, vector<1x16xi32>,
      %get3A_1716 = vector.shape_cast %get3A_1715 : vector<1x16xi32> to vector<16xi32>
      %dma_start3A_1717 = arith.constant 0 : i32
      %dma_start3A_1718 = arith.constant 0 : i32
      %dma_start3A_1719 = tpu.memref_slice %arg9[%dma_start3A_1717, %dma_start3A_1718] : memref<5120x128xf32, #tpu.memory_space<vmem_shared>> -> memref<5120x128xf32, #tpu.memory_space<vmem_shared>>
      tpu.enqueue_indirect_dma source(%arg8 : memref<16x128xf32, #tpu.memory_space<vmem>>) target(%dma_start3A_1719 : memref<5120x128xf32, #tpu.memory_space<vmem_shared>>) offsets(%get3A_1716 : vector<16xi32>) semaphore(%arg14 : memref<!tpu.dma_semaphore, #tpu.memory_space<semaphore_mem>>) {add = true}
      %get3A_1720 = arith.constant 2 : i32
      %get3A_1721 = arith.index_cast %get3A_1720 : i32 to index
      %get3A_1722 = arith.constant 112 : index
      %get3A_1723 = tpu.vector_load %arg6[%get3A_1721, %get3A_1722] {strides = array<i32>} : memref<8x128xi32, #tpu.memory_space<vmem>>, vector<1x16xi32>,
      %get3A_1724 = vector.shape_cast %get3A_1723 : vector<1x16xi32> to vector<16xi32>
      %dma_wait3A_1725 = arith.constant 0 : i32
      %dma_wait3A_1726 = arith.constant 0 : i32
      %dma_wait3A_1727 = tpu.memref_slice %arg9[%dma_wait3A_1725, %dma_wait3A_1726] : memref<5120x128xf32, #tpu.memory_space<vmem_shared>> -> memref<5120x128xf32, #tpu.memory_space<vmem_shared>>
      tpu.wait_indirect_dma semaphore(%arg13 : memref<!tpu.dma_semaphore, #tpu.memory_space<semaphore_mem>>) src(%arg7 : memref<16x128xf32, #tpu.memory_space<vmem>>) dst(%dma_wait3A_1727 : memref<5120x128xf32, #tpu.memory_space<vmem_shared>>)
      %get3A_1728 = arith.constant 3 : i32
      %get3A_1729 = arith.index_cast %get3A_1728 : i32 to index
      %get3A_1730 = arith.constant 0 : index
      %get3A_1731 = tpu.vector_load %arg6[%get3A_1729, %get3A_1730] {strides = array<i32>} : memref<8x128xi32, #tpu.memory_space<vmem>>, vector<1x16xi32>,
      %get3A_1732 = vector.shape_cast %get3A_1731 : vector<1x16xi32> to vector<16xi32>
      %dma_start3A_1733 = arith.constant 0 : i32
      %dma_start3A_1734 = arith.constant 0 : i32
      %dma_start3A_1735 = tpu.memref_slice %arg10[%dma_start3A_1733, %dma_start3A_1734] : memref<10112x128xf32, #tpu.memory_space<vmem_shared>> -> memref<10112x128xf32, #tpu.memory_space<vmem_shared>>
      tpu.enqueue_indirect_dma source(%dma_start3A_1735 : memref<10112x128xf32, #tpu.memory_space<vmem_shared>>) target(%arg7 : memref<16x128xf32, #tpu.memory_space<vmem>>) offsets(%get3A_1732 : vector<16xi32>) semaphore(%arg11 : memref<!tpu.dma_semaphore, #tpu.memory_space<semaphore_mem>>)
      %get3A_1736 = arith.constant 3 : i32
      %get3A_1737 = arith.index_cast %get3A_1736 : i32 to index
      %get3A_1738 = arith.constant 0 : index
      %get3A_1739 = tpu.vector_load %arg6[%get3A_1737, %get3A_1738] {strides = array<i32>} : memref<8x128xi32, #tpu.memory_space<vmem>>, vector<1x16xi32>,
      %get3A_1740 = vector.shape_cast %get3A_1739 : vector<1x16xi32> to vector<16xi32>
      %dma_wait3A_1741 = arith.constant 0 : i32
      %dma_wait3A_1742 = arith.constant 0 : i32
      %dma_wait3A_1743 = tpu.memref_slice %arg10[%dma_wait3A_1741, %dma_wait3A_1742] : memref<10112x128xf32, #tpu.memory_space<vmem_shared>> -> memref<10112x128xf32, #tpu.memory_space<vmem_shared>>
      tpu.wait_indirect_dma semaphore(%arg11 : memref<!tpu.dma_semaphore, #tpu.memory_space<semaphore_mem>>) src(%dma_wait3A_1743 : memref<10112x128xf32, #tpu.memory_space<vmem_shared>>) dst(%arg7 : memref<16x128xf32, #tpu.memory_space<vmem>>)
      %get3A_1744 = arith.constant 3 : i32
      %get3A_1745 = arith.index_cast %get3A_1744 : i32 to index
      %get3A_1746 = arith.constant 16 : index
      %get3A_1747 = tpu.vector_load %arg6[%get3A_1745, %get3A_1746] {strides = array<i32>} : memref<8x128xi32, #tpu.memory_space<vmem>>, vector<1x16xi32>,
      %get3A_1748 = vector.shape_cast %get3A_1747 : vector<1x16xi32> to vector<16xi32>
      %dma_start3A_1749 = arith.constant 0 : i32
      %dma_start3A_1750 = arith.constant 0 : i32
      %dma_start3A_1751 = tpu.memref_slice %arg9[%dma_start3A_1749, %dma_start3A_1750] : memref<5120x128xf32, #tpu.memory_space<vmem_shared>> -> memref<5120x128xf32, #tpu.memory_space<vmem_shared>>
      tpu.enqueue_indirect_dma source(%arg7 : memref<16x128xf32, #tpu.memory_space<vmem>>) target(%dma_start3A_1751 : memref<5120x128xf32, #tpu.memory_space<vmem_shared>>) offsets(%get3A_1748 : vector<16xi32>) semaphore(%arg13 : memref<!tpu.dma_semaphore, #tpu.memory_space<semaphore_mem>>) {add = true}
      %get3A_1752 = arith.constant 3 : i32
      %get3A_1753 = arith.index_cast %get3A_1752 : i32 to index
      %get3A_1754 = arith.constant 16 : index
      %get3A_1755 = tpu.vector_load %arg6[%get3A_1753, %get3A_1754] {strides = array<i32>} : memref<8x128xi32, #tpu.memory_space<vmem>>, vector<1x16xi32>,
      %get3A_1756 = vector.shape_cast %get3A_1755 : vector<1x16xi32> to vector<16xi32>
      %dma_wait3A_1757 = arith.constant 0 : i32
      %dma_wait3A_1758 = arith.constant 0 : i32
      %dma_wait3A_1759 = tpu.memref_slice %arg9[%dma_wait3A_1757, %dma_wait3A_1758] : memref<5120x128xf32, #tpu.memory_space<vmem_shared>> -> memref<5120x128xf32, #tpu.memory_space<vmem_shared>>
      tpu.wait_indirect_dma semaphore(%arg14 : memref<!tpu.dma_semaphore, #tpu.memory_space<semaphore_mem>>) src(%arg8 : memref<16x128xf32, #tpu.memory_space<vmem>>) dst(%dma_wait3A_1759 : memref<5120x128xf32, #tpu.memory_space<vmem_shared>>)
      %get3A_1760 = arith.constant 3 : i32
      %get3A_1761 = arith.index_cast %get3A_1760 : i32 to index
      %get3A_1762 = arith.constant 32 : index
      %get3A_1763 = tpu.vector_load %arg6[%get3A_1761, %get3A_1762] {strides = array<i32>} : memref<8x128xi32, #tpu.memory_space<vmem>>, vector<1x16xi32>,
      %get3A_1764 = vector.shape_cast %get3A_1763 : vector<1x16xi32> to vector<16xi32>
      %dma_start3A_1765 = arith.constant 0 : i32
      %dma_start3A_1766 = arith.constant 0 : i32
      %dma_start3A_1767 = tpu.memref_slice %arg10[%dma_start3A_1765, %dma_start3A_1766] : memref<10112x128xf32, #tpu.memory_space<vmem_shared>> -> memref<10112x128xf32, #tpu.memory_space<vmem_shared>>
      tpu.enqueue_indirect_dma source(%dma_start3A_1767 : memref<10112x128xf32, #tpu.memory_space<vmem_shared>>) target(%arg8 : memref<16x128xf32, #tpu.memory_space<vmem>>) offsets(%get3A_1764 : vector<16xi32>) semaphore(%arg12 : memref<!tpu.dma_semaphore, #tpu.memory_space<semaphore_mem>>)
      %get3A_1768 = arith.constant 3 : i32
      %get3A_1769 = arith.index_cast %get3A_1768 : i32 to index
      %get3A_1770 = arith.constant 32 : index
      %get3A_1771 = tpu.vector_load %arg6[%get3A_1769, %get3A_1770] {strides = array<i32>} : memref<8x128xi32, #tpu.memory_space<vmem>>, vector<1x16xi32>,
      %get3A_1772 = vector.shape_cast %get3A_1771 : vector<1x16xi32> to vector<16xi32>
      %dma_wait3A_1773 = arith.constant 0 : i32
      %dma_wait3A_1774 = arith.constant 0 : i32
      %dma_wait3A_1775 = tpu.memref_slice %arg10[%dma_wait3A_1773, %dma_wait3A_1774] : memref<10112x128xf32, #tpu.memory_space<vmem_shared>> -> memref<10112x128xf32, #tpu.memory_space<vmem_shared>>
      tpu.wait_indirect_dma semaphore(%arg12 : memref<!tpu.dma_semaphore, #tpu.memory_space<semaphore_mem>>) src(%dma_wait3A_1775 : memref<10112x128xf32, #tpu.memory_space<vmem_shared>>) dst(%arg8 : memref<16x128xf32, #tpu.memory_space<vmem>>)
      %get3A_1776 = arith.constant 3 : i32
      %get3A_1777 = arith.index_cast %get3A_1776 : i32 to index
      %get3A_1778 = arith.constant 48 : index
      %get3A_1779 = tpu.vector_load %arg6[%get3A_1777, %get3A_1778] {strides = array<i32>} : memref<8x128xi32, #tpu.memory_space<vmem>>, vector<1x16xi32>,
      %get3A_1780 = vector.shape_cast %get3A_1779 : vector<1x16xi32> to vector<16xi32>
      %dma_start3A_1781 = arith.constant 0 : i32
      %dma_start3A_1782 = arith.constant 0 : i32
      %dma_start3A_1783 = tpu.memref_slice %arg9[%dma_start3A_1781, %dma_start3A_1782] : memref<5120x128xf32, #tpu.memory_space<vmem_shared>> -> memref<5120x128xf32, #tpu.memory_space<vmem_shared>>
      tpu.enqueue_indirect_dma source(%arg8 : memref<16x128xf32, #tpu.memory_space<vmem>>) target(%dma_start3A_1783 : memref<5120x128xf32, #tpu.memory_space<vmem_shared>>) offsets(%get3A_1780 : vector<16xi32>) semaphore(%arg14 : memref<!tpu.dma_semaphore, #tpu.memory_space<semaphore_mem>>) {add = true}
      %get3A_1784 = arith.constant 3 : i32
      %get3A_1785 = arith.index_cast %get3A_1784 : i32 to index
      %get3A_1786 = arith.constant 48 : index
      %get3A_1787 = tpu.vector_load %arg6[%get3A_1785, %get3A_1786] {strides = array<i32>} : memref<8x128xi32, #tpu.memory_space<vmem>>, vector<1x16xi32>,
      %get3A_1788 = vector.shape_cast %get3A_1787 : vector<1x16xi32> to vector<16xi32>
      %dma_wait3A_1789 = arith.constant 0 : i32
      %dma_wait3A_1790 = arith.constant 0 : i32
      %dma_wait3A_1791 = tpu.memref_slice %arg9[%dma_wait3A_1789, %dma_wait3A_1790] : memref<5120x128xf32, #tpu.memory_space<vmem_shared>> -> memref<5120x128xf32, #tpu.memory_space<vmem_shared>>
      tpu.wait_indirect_dma semaphore(%arg13 : memref<!tpu.dma_semaphore, #tpu.memory_space<semaphore_mem>>) src(%arg7 : memref<16x128xf32, #tpu.memory_space<vmem>>) dst(%dma_wait3A_1791 : memref<5120x128xf32, #tpu.memory_space<vmem_shared>>)
      %get3A_1792 = arith.constant 3 : i32
      %get3A_1793 = arith.index_cast %get3A_1792 : i32 to index
      %get3A_1794 = arith.constant 64 : index
      %get3A_1795 = tpu.vector_load %arg6[%get3A_1793, %get3A_1794] {strides = array<i32>} : memref<8x128xi32, #tpu.memory_space<vmem>>, vector<1x16xi32>,
      %get3A_1796 = vector.shape_cast %get3A_1795 : vector<1x16xi32> to vector<16xi32>
      %dma_start3A_1797 = arith.constant 0 : i32
      %dma_start3A_1798 = arith.constant 0 : i32
      %dma_start3A_1799 = tpu.memref_slice %arg10[%dma_start3A_1797, %dma_start3A_1798] : memref<10112x128xf32, #tpu.memory_space<vmem_shared>> -> memref<10112x128xf32, #tpu.memory_space<vmem_shared>>
      tpu.enqueue_indirect_dma source(%dma_start3A_1799 : memref<10112x128xf32, #tpu.memory_space<vmem_shared>>) target(%arg7 : memref<16x128xf32, #tpu.memory_space<vmem>>) offsets(%get3A_1796 : vector<16xi32>) semaphore(%arg11 : memref<!tpu.dma_semaphore, #tpu.memory_space<semaphore_mem>>)
      %get3A_1800 = arith.constant 3 : i32
      %get3A_1801 = arith.index_cast %get3A_1800 : i32 to index
      %get3A_1802 = arith.constant 64 : index
      %get3A_1803 = tpu.vector_load %arg6[%get3A_1801, %get3A_1802] {strides = array<i32>} : memref<8x128xi32, #tpu.memory_space<vmem>>, vector<1x16xi32>,
      %get3A_1804 = vector.shape_cast %get3A_1803 : vector<1x16xi32> to vector<16xi32>
      %dma_wait3A_1805 = arith.constant 0 : i32
      %dma_wait3A_1806 = arith.constant 0 : i32
      %dma_wait3A_1807 = tpu.memref_slice %arg10[%dma_wait3A_1805, %dma_wait3A_1806] : memref<10112x128xf32, #tpu.memory_space<vmem_shared>> -> memref<10112x128xf32, #tpu.memory_space<vmem_shared>>
      tpu.wait_indirect_dma semaphore(%arg11 : memref<!tpu.dma_semaphore, #tpu.memory_space<semaphore_mem>>) src(%dma_wait3A_1807 : memref<10112x128xf32, #tpu.memory_space<vmem_shared>>) dst(%arg7 : memref<16x128xf32, #tpu.memory_space<vmem>>)
      %get3A_1808 = arith.constant 3 : i32
      %get3A_1809 = arith.index_cast %get3A_1808 : i32 to index
      %get3A_1810 = arith.constant 80 : index
      %get3A_1811 = tpu.vector_load %arg6[%get3A_1809, %get3A_1810] {strides = array<i32>} : memref<8x128xi32, #tpu.memory_space<vmem>>, vector<1x16xi32>,
      %get3A_1812 = vector.shape_cast %get3A_1811 : vector<1x16xi32> to vector<16xi32>
      %dma_start3A_1813 = arith.constant 0 : i32
      %dma_start3A_1814 = arith.constant 0 : i32
      %dma_start3A_1815 = tpu.memref_slice %arg9[%dma_start3A_1813, %dma_start3A_1814] : memref<5120x128xf32, #tpu.memory_space<vmem_shared>> -> memref<5120x128xf32, #tpu.memory_space<vmem_shared>>
      tpu.enqueue_indirect_dma source(%arg7 : memref<16x128xf32, #tpu.memory_space<vmem>>) target(%dma_start3A_1815 : memref<5120x128xf32, #tpu.memory_space<vmem_shared>>) offsets(%get3A_1812 : vector<16xi32>) semaphore(%arg13 : memref<!tpu.dma_semaphore, #tpu.memory_space<semaphore_mem>>) {add = true}
      %get3A_1816 = arith.constant 3 : i32
      %get3A_1817 = arith.index_cast %get3A_1816 : i32 to index
      %get3A_1818 = arith.constant 80 : index
      %get3A_1819 = tpu.vector_load %arg6[%get3A_1817, %get3A_1818] {strides = array<i32>} : memref<8x128xi32, #tpu.memory_space<vmem>>, vector<1x16xi32>,
      %get3A_1820 = vector.shape_cast %get3A_1819 : vector<1x16xi32> to vector<16xi32>
      %dma_wait3A_1821 = arith.constant 0 : i32
      %dma_wait3A_1822 = arith.constant 0 : i32
      %dma_wait3A_1823 = tpu.memref_slice %arg9[%dma_wait3A_1821, %dma_wait3A_1822] : memref<5120x128xf32, #tpu.memory_space<vmem_shared>> -> memref<5120x128xf32, #tpu.memory_space<vmem_shared>>
      tpu.wait_indirect_dma semaphore(%arg14 : memref<!tpu.dma_semaphore, #tpu.memory_space<semaphore_mem>>) src(%arg8 : memref<16x128xf32, #tpu.memory_space<vmem>>) dst(%dma_wait3A_1823 : memref<5120x128xf32, #tpu.memory_space<vmem_shared>>)
      %get3A_1824 = arith.constant 3 : i32
      %get3A_1825 = arith.index_cast %get3A_1824 : i32 to index
      %get3A_1826 = arith.constant 96 : index
      %get3A_1827 = tpu.vector_load %arg6[%get3A_1825, %get3A_1826] {strides = array<i32>} : memref<8x128xi32, #tpu.memory_space<vmem>>, vector<1x16xi32>,
      %get3A_1828 = vector.shape_cast %get3A_1827 : vector<1x16xi32> to vector<16xi32>
      %dma_start3A_1829 = arith.constant 0 : i32
      %dma_start3A_1830 = arith.constant 0 : i32
      %dma_start3A_1831 = tpu.memref_slice %arg10[%dma_start3A_1829, %dma_start3A_1830] : memref<10112x128xf32, #tpu.memory_space<vmem_shared>> -> memref<10112x128xf32, #tpu.memory_space<vmem_shared>>
      tpu.enqueue_indirect_dma source(%dma_start3A_1831 : memref<10112x128xf32, #tpu.memory_space<vmem_shared>>) target(%arg8 : memref<16x128xf32, #tpu.memory_space<vmem>>) offsets(%get3A_1828 : vector<16xi32>) semaphore(%arg12 : memref<!tpu.dma_semaphore, #tpu.memory_space<semaphore_mem>>)
      %get3A_1832 = arith.constant 3 : i32
      %get3A_1833 = arith.index_cast %get3A_1832 : i32 to index
      %get3A_1834 = arith.constant 96 : index
      %get3A_1835 = tpu.vector_load %arg6[%get3A_1833, %get3A_1834] {strides = array<i32>} : memref<8x128xi32, #tpu.memory_space<vmem>>, vector<1x16xi32>,
      %get3A_1836 = vector.shape_cast %get3A_1835 : vector<1x16xi32> to vector<16xi32>
      %dma_wait3A_1837 = arith.constant 0 : i32
      %dma_wait3A_1838 = arith.constant 0 : i32
      %dma_wait3A_1839 = tpu.memref_slice %arg10[%dma_wait3A_1837, %dma_wait3A_1838] : memref<10112x128xf32, #tpu.memory_space<vmem_shared>> -> memref<10112x128xf32, #tpu.memory_space<vmem_shared>>
      tpu.wait_indirect_dma semaphore(%arg12 : memref<!tpu.dma_semaphore, #tpu.memory_space<semaphore_mem>>) src(%dma_wait3A_1839 : memref<10112x128xf32, #tpu.memory_space<vmem_shared>>) dst(%arg8 : memref<16x128xf32, #tpu.memory_space<vmem>>)
      %get3A_1840 = arith.constant 3 : i32
      %get3A_1841 = arith.index_cast %get3A_1840 : i32 to index
      %get3A_1842 = arith.constant 112 : index
      %get3A_1843 = tpu.vector_load %arg6[%get3A_1841, %get3A_1842] {strides = array<i32>} : memref<8x128xi32, #tpu.memory_space<vmem>>, vector<1x16xi32>,
      %get3A_1844 = vector.shape_cast %get3A_1843 : vector<1x16xi32> to vector<16xi32>
      %dma_start3A_1845 = arith.constant 0 : i32
      %dma_start3A_1846 = arith.constant 0 : i32
      %dma_start3A_1847 = tpu.memref_slice %arg9[%dma_start3A_1845, %dma_start3A_1846] : memref<5120x128xf32, #tpu.memory_space<vmem_shared>> -> memref<5120x128xf32, #tpu.memory_space<vmem_shared>>
      tpu.enqueue_indirect_dma source(%arg8 : memref<16x128xf32, #tpu.memory_space<vmem>>) target(%dma_start3A_1847 : memref<5120x128xf32, #tpu.memory_space<vmem_shared>>) offsets(%get3A_1844 : vector<16xi32>) semaphore(%arg14 : memref<!tpu.dma_semaphore, #tpu.memory_space<semaphore_mem>>) {add = true}
      %get3A_1848 = arith.constant 3 : i32
      %get3A_1849 = arith.index_cast %get3A_1848 : i32 to index
      %get3A_1850 = arith.constant 112 : index
      %get3A_1851 = tpu.vector_load %arg6[%get3A_1849, %get3A_1850] {strides = array<i32>} : memref<8x128xi32, #tpu.memory_space<vmem>>, vector<1x16xi32>,
      %get3A_1852 = vector.shape_cast %get3A_1851 : vector<1x16xi32> to vector<16xi32>
      %dma_wait3A_1853 = arith.constant 0 : i32
      %dma_wait3A_1854 = arith.constant 0 : i32
      %dma_wait3A_1855 = tpu.memref_slice %arg9[%dma_wait3A_1853, %dma_wait3A_1854] : memref<5120x128xf32, #tpu.memory_space<vmem_shared>> -> memref<5120x128xf32, #tpu.memory_space<vmem_shared>>
      tpu.wait_indirect_dma semaphore(%arg13 : memref<!tpu.dma_semaphore, #tpu.memory_space<semaphore_mem>>) src(%arg7 : memref<16x128xf32, #tpu.memory_space<vmem>>) dst(%dma_wait3A_1855 : memref<5120x128xf32, #tpu.memory_space<vmem_shared>>)
      %get3A_1856 = arith.constant 4 : i32
      %get3A_1857 = arith.index_cast %get3A_1856 : i32 to index
      %get3A_1858 = arith.constant 0 : index
      %get3A_1859 = tpu.vector_load %arg6[%get3A_1857, %get3A_1858] {strides = array<i32>} : memref<8x128xi32, #tpu.memory_space<vmem>>, vector<1x16xi32>,
      %get3A_1860 = vector.shape_cast %get3A_1859 : vector<1x16xi32> to vector<16xi32>
      %dma_start3A_1861 = arith.constant 0 : i32
      %dma_start3A_1862 = arith.constant 0 : i32
      %dma_start3A_1863 = tpu.memref_slice %arg10[%dma_start3A_1861, %dma_start3A_1862] : memref<10112x128xf32, #tpu.memory_space<vmem_shared>> -> memref<10112x128xf32, #tpu.memory_space<vmem_shared>>
      tpu.enqueue_indirect_dma source(%dma_start3A_1863 : memref<10112x128xf32, #tpu.memory_space<vmem_shared>>) target(%arg7 : memref<16x128xf32, #tpu.memory_space<vmem>>) offsets(%get3A_1860 : vector<16xi32>) semaphore(%arg11 : memref<!tpu.dma_semaphore, #tpu.memory_space<semaphore_mem>>)
      %get3A_1864 = arith.constant 4 : i32
      %get3A_1865 = arith.index_cast %get3A_1864 : i32 to index
      %get3A_1866 = arith.constant 0 : index
      %get3A_1867 = tpu.vector_load %arg6[%get3A_1865, %get3A_1866] {strides = array<i32>} : memref<8x128xi32, #tpu.memory_space<vmem>>, vector<1x16xi32>,
      %get3A_1868 = vector.shape_cast %get3A_1867 : vector<1x16xi32> to vector<16xi32>
      %dma_wait3A_1869 = arith.constant 0 : i32
      %dma_wait3A_1870 = arith.constant 0 : i32
      %dma_wait3A_1871 = tpu.memref_slice %arg10[%dma_wait3A_1869, %dma_wait3A_1870] : memref<10112x128xf32, #tpu.memory_space<vmem_shared>> -> memref<10112x128xf32, #tpu.memory_space<vmem_shared>>
      tpu.wait_indirect_dma semaphore(%arg11 : memref<!tpu.dma_semaphore, #tpu.memory_space<semaphore_mem>>) src(%dma_wait3A_1871 : memref<10112x128xf32, #tpu.memory_space<vmem_shared>>) dst(%arg7 : memref<16x128xf32, #tpu.memory_space<vmem>>)
      %get3A_1872 = arith.constant 4 : i32
      %get3A_1873 = arith.index_cast %get3A_1872 : i32 to index
      %get3A_1874 = arith.constant 16 : index
      %get3A_1875 = tpu.vector_load %arg6[%get3A_1873, %get3A_1874] {strides = array<i32>} : memref<8x128xi32, #tpu.memory_space<vmem>>, vector<1x16xi32>,
      %get3A_1876 = vector.shape_cast %get3A_1875 : vector<1x16xi32> to vector<16xi32>
      %dma_start3A_1877 = arith.constant 0 : i32
      %dma_start3A_1878 = arith.constant 0 : i32
      %dma_start3A_1879 = tpu.memref_slice %arg9[%dma_start3A_1877, %dma_start3A_1878] : memref<5120x128xf32, #tpu.memory_space<vmem_shared>> -> memref<5120x128xf32, #tpu.memory_space<vmem_shared>>
      tpu.enqueue_indirect_dma source(%arg7 : memref<16x128xf32, #tpu.memory_space<vmem>>) target(%dma_start3A_1879 : memref<5120x128xf32, #tpu.memory_space<vmem_shared>>) offsets(%get3A_1876 : vector<16xi32>) semaphore(%arg13 : memref<!tpu.dma_semaphore, #tpu.memory_space<semaphore_mem>>) {add = true}
      %get3A_1880 = arith.constant 4 : i32
      %get3A_1881 = arith.index_cast %get3A_1880 : i32 to index
      %get3A_1882 = arith.constant 16 : index
      %get3A_1883 = tpu.vector_load %arg6[%get3A_1881, %get3A_1882] {strides = array<i32>} : memref<8x128xi32, #tpu.memory_space<vmem>>, vector<1x16xi32>,
      %get3A_1884 = vector.shape_cast %get3A_1883 : vector<1x16xi32> to vector<16xi32>
      %dma_wait3A_1885 = arith.constant 0 : i32
      %dma_wait3A_1886 = arith.constant 0 : i32
      %dma_wait3A_1887 = tpu.memref_slice %arg9[%dma_wait3A_1885, %dma_wait3A_1886] : memref<5120x128xf32, #tpu.memory_space<vmem_shared>> -> memref<5120x128xf32, #tpu.memory_space<vmem_shared>>
      tpu.wait_indirect_dma semaphore(%arg14 : memref<!tpu.dma_semaphore, #tpu.memory_space<semaphore_mem>>) src(%arg8 : memref<16x128xf32, #tpu.memory_space<vmem>>) dst(%dma_wait3A_1887 : memref<5120x128xf32, #tpu.memory_space<vmem_shared>>)
      %get3A_1888 = arith.constant 4 : i32
      %get3A_1889 = arith.index_cast %get3A_1888 : i32 to index
      %get3A_1890 = arith.constant 32 : index
      %get3A_1891 = tpu.vector_load %arg6[%get3A_1889, %get3A_1890] {strides = array<i32>} : memref<8x128xi32, #tpu.memory_space<vmem>>, vector<1x16xi32>,
      %get3A_1892 = vector.shape_cast %get3A_1891 : vector<1x16xi32> to vector<16xi32>
      %dma_start3A_1893 = arith.constant 0 : i32
      %dma_start3A_1894 = arith.constant 0 : i32
      %dma_start3A_1895 = tpu.memref_slice %arg10[%dma_start3A_1893, %dma_start3A_1894] : memref<10112x128xf32, #tpu.memory_space<vmem_shared>> -> memref<10112x128xf32, #tpu.memory_space<vmem_shared>>
      tpu.enqueue_indirect_dma source(%dma_start3A_1895 : memref<10112x128xf32, #tpu.memory_space<vmem_shared>>) target(%arg8 : memref<16x128xf32, #tpu.memory_space<vmem>>) offsets(%get3A_1892 : vector<16xi32>) semaphore(%arg12 : memref<!tpu.dma_semaphore, #tpu.memory_space<semaphore_mem>>)
      %get3A_1896 = arith.constant 4 : i32
      %get3A_1897 = arith.index_cast %get3A_1896 : i32 to index
      %get3A_1898 = arith.constant 32 : index
      %get3A_1899 = tpu.vector_load %arg6[%get3A_1897, %get3A_1898] {strides = array<i32>} : memref<8x128xi32, #tpu.memory_space<vmem>>, vector<1x16xi32>,
      %get3A_1900 = vector.shape_cast %get3A_1899 : vector<1x16xi32> to vector<16xi32>
      %dma_wait3A_1901 = arith.constant 0 : i32
      %dma_wait3A_1902 = arith.constant 0 : i32
      %dma_wait3A_1903 = tpu.memref_slice %arg10[%dma_wait3A_1901, %dma_wait3A_1902] : memref<10112x128xf32, #tpu.memory_space<vmem_shared>> -> memref<10112x128xf32, #tpu.memory_space<vmem_shared>>
      tpu.wait_indirect_dma semaphore(%arg12 : memref<!tpu.dma_semaphore, #tpu.memory_space<semaphore_mem>>) src(%dma_wait3A_1903 : memref<10112x128xf32, #tpu.memory_space<vmem_shared>>) dst(%arg8 : memref<16x128xf32, #tpu.memory_space<vmem>>)
      %get3A_1904 = arith.constant 4 : i32
      %get3A_1905 = arith.index_cast %get3A_1904 : i32 to index
      %get3A_1906 = arith.constant 48 : index
      %get3A_1907 = tpu.vector_load %arg6[%get3A_1905, %get3A_1906] {strides = array<i32>} : memref<8x128xi32, #tpu.memory_space<vmem>>, vector<1x16xi32>,
      %get3A_1908 = vector.shape_cast %get3A_1907 : vector<1x16xi32> to vector<16xi32>
      %dma_start3A_1909 = arith.constant 0 : i32
      %dma_start3A_1910 = arith.constant 0 : i32
      %dma_start3A_1911 = tpu.memref_slice %arg9[%dma_start3A_1909, %dma_start3A_1910] : memref<5120x128xf32, #tpu.memory_space<vmem_shared>> -> memref<5120x128xf32, #tpu.memory_space<vmem_shared>>
      tpu.enqueue_indirect_dma source(%arg8 : memref<16x128xf32, #tpu.memory_space<vmem>>) target(%dma_start3A_1911 : memref<5120x128xf32, #tpu.memory_space<vmem_shared>>) offsets(%get3A_1908 : vector<16xi32>) semaphore(%arg14 : memref<!tpu.dma_semaphore, #tpu.memory_space<semaphore_mem>>) {add = true}
      %get3A_1912 = arith.constant 4 : i32
      %get3A_1913 = arith.index_cast %get3A_1912 : i32 to index
      %get3A_1914 = arith.constant 48 : index
      %get3A_1915 = tpu.vector_load %arg6[%get3A_1913, %get3A_1914] {strides = array<i32>} : memref<8x128xi32, #tpu.memory_space<vmem>>, vector<1x16xi32>,
      %get3A_1916 = vector.shape_cast %get3A_1915 : vector<1x16xi32> to vector<16xi32>
      %dma_wait3A_1917 = arith.constant 0 : i32
      %dma_wait3A_1918 = arith.constant 0 : i32
      %dma_wait3A_1919 = tpu.memref_slice %arg9[%dma_wait3A_1917, %dma_wait3A_1918] : memref<5120x128xf32, #tpu.memory_space<vmem_shared>> -> memref<5120x128xf32, #tpu.memory_space<vmem_shared>>
      tpu.wait_indirect_dma semaphore(%arg13 : memref<!tpu.dma_semaphore, #tpu.memory_space<semaphore_mem>>) src(%arg7 : memref<16x128xf32, #tpu.memory_space<vmem>>) dst(%dma_wait3A_1919 : memref<5120x128xf32, #tpu.memory_space<vmem_shared>>)
      %get3A_1920 = arith.constant 4 : i32
      %get3A_1921 = arith.index_cast %get3A_1920 : i32 to index
      %get3A_1922 = arith.constant 64 : index
      %get3A_1923 = tpu.vector_load %arg6[%get3A_1921, %get3A_1922] {strides = array<i32>} : memref<8x128xi32, #tpu.memory_space<vmem>>, vector<1x16xi32>,
      %get3A_1924 = vector.shape_cast %get3A_1923 : vector<1x16xi32> to vector<16xi32>
      %dma_start3A_1925 = arith.constant 0 : i32
      %dma_start3A_1926 = arith.constant 0 : i32
      %dma_start3A_1927 = tpu.memref_slice %arg10[%dma_start3A_1925, %dma_start3A_1926] : memref<10112x128xf32, #tpu.memory_space<vmem_shared>> -> memref<10112x128xf32, #tpu.memory_space<vmem_shared>>
      tpu.enqueue_indirect_dma source(%dma_start3A_1927 : memref<10112x128xf32, #tpu.memory_space<vmem_shared>>) target(%arg7 : memref<16x128xf32, #tpu.memory_space<vmem>>) offsets(%get3A_1924 : vector<16xi32>) semaphore(%arg11 : memref<!tpu.dma_semaphore, #tpu.memory_space<semaphore_mem>>)
      %get3A_1928 = arith.constant 4 : i32
      %get3A_1929 = arith.index_cast %get3A_1928 : i32 to index
      %get3A_1930 = arith.constant 64 : index
      %get3A_1931 = tpu.vector_load %arg6[%get3A_1929, %get3A_1930] {strides = array<i32>} : memref<8x128xi32, #tpu.memory_space<vmem>>, vector<1x16xi32>,
      %get3A_1932 = vector.shape_cast %get3A_1931 : vector<1x16xi32> to vector<16xi32>
      %dma_wait3A_1933 = arith.constant 0 : i32
      %dma_wait3A_1934 = arith.constant 0 : i32
      %dma_wait3A_1935 = tpu.memref_slice %arg10[%dma_wait3A_1933, %dma_wait3A_1934] : memref<10112x128xf32, #tpu.memory_space<vmem_shared>> -> memref<10112x128xf32, #tpu.memory_space<vmem_shared>>
      tpu.wait_indirect_dma semaphore(%arg11 : memref<!tpu.dma_semaphore, #tpu.memory_space<semaphore_mem>>) src(%dma_wait3A_1935 : memref<10112x128xf32, #tpu.memory_space<vmem_shared>>) dst(%arg7 : memref<16x128xf32, #tpu.memory_space<vmem>>)
      %get3A_1936 = arith.constant 4 : i32
      %get3A_1937 = arith.index_cast %get3A_1936 : i32 to index
      %get3A_1938 = arith.constant 80 : index
      %get3A_1939 = tpu.vector_load %arg6[%get3A_1937, %get3A_1938] {strides = array<i32>} : memref<8x128xi32, #tpu.memory_space<vmem>>, vector<1x16xi32>,
      %get3A_1940 = vector.shape_cast %get3A_1939 : vector<1x16xi32> to vector<16xi32>
      %dma_start3A_1941 = arith.constant 0 : i32
      %dma_start3A_1942 = arith.constant 0 : i32
      %dma_start3A_1943 = tpu.memref_slice %arg9[%dma_start3A_1941, %dma_start3A_1942] : memref<5120x128xf32, #tpu.memory_space<vmem_shared>> -> memref<5120x128xf32, #tpu.memory_space<vmem_shared>>
      tpu.enqueue_indirect_dma source(%arg7 : memref<16x128xf32, #tpu.memory_space<vmem>>) target(%dma_start3A_1943 : memref<5120x128xf32, #tpu.memory_space<vmem_shared>>) offsets(%get3A_1940 : vector<16xi32>) semaphore(%arg13 : memref<!tpu.dma_semaphore, #tpu.memory_space<semaphore_mem>>) {add = true}
      %get3A_1944 = arith.constant 4 : i32
      %get3A_1945 = arith.index_cast %get3A_1944 : i32 to index
      %get3A_1946 = arith.constant 80 : index
      %get3A_1947 = tpu.vector_load %arg6[%get3A_1945, %get3A_1946] {strides = array<i32>} : memref<8x128xi32, #tpu.memory_space<vmem>>, vector<1x16xi32>,
      %get3A_1948 = vector.shape_cast %get3A_1947 : vector<1x16xi32> to vector<16xi32>
      %dma_wait3A_1949 = arith.constant 0 : i32
      %dma_wait3A_1950 = arith.constant 0 : i32
      %dma_wait3A_1951 = tpu.memref_slice %arg9[%dma_wait3A_1949, %dma_wait3A_1950] : memref<5120x128xf32, #tpu.memory_space<vmem_shared>> -> memref<5120x128xf32, #tpu.memory_space<vmem_shared>>
      tpu.wait_indirect_dma semaphore(%arg14 : memref<!tpu.dma_semaphore, #tpu.memory_space<semaphore_mem>>) src(%arg8 : memref<16x128xf32, #tpu.memory_space<vmem>>) dst(%dma_wait3A_1951 : memref<5120x128xf32, #tpu.memory_space<vmem_shared>>)
      %get3A_1952 = arith.constant 4 : i32
      %get3A_1953 = arith.index_cast %get3A_1952 : i32 to index
      %get3A_1954 = arith.constant 96 : index
      %get3A_1955 = tpu.vector_load %arg6[%get3A_1953, %get3A_1954] {strides = array<i32>} : memref<8x128xi32, #tpu.memory_space<vmem>>, vector<1x16xi32>,
      %get3A_1956 = vector.shape_cast %get3A_1955 : vector<1x16xi32> to vector<16xi32>
      %dma_start3A_1957 = arith.constant 0 : i32
      %dma_start3A_1958 = arith.constant 0 : i32
      %dma_start3A_1959 = tpu.memref_slice %arg10[%dma_start3A_1957, %dma_start3A_1958] : memref<10112x128xf32, #tpu.memory_space<vmem_shared>> -> memref<10112x128xf32, #tpu.memory_space<vmem_shared>>
      tpu.enqueue_indirect_dma source(%dma_start3A_1959 : memref<10112x128xf32, #tpu.memory_space<vmem_shared>>) target(%arg8 : memref<16x128xf32, #tpu.memory_space<vmem>>) offsets(%get3A_1956 : vector<16xi32>) semaphore(%arg12 : memref<!tpu.dma_semaphore, #tpu.memory_space<semaphore_mem>>)
      %get3A_1960 = arith.constant 4 : i32
      %get3A_1961 = arith.index_cast %get3A_1960 : i32 to index
      %get3A_1962 = arith.constant 96 : index
      %get3A_1963 = tpu.vector_load %arg6[%get3A_1961, %get3A_1962] {strides = array<i32>} : memref<8x128xi32, #tpu.memory_space<vmem>>, vector<1x16xi32>,
      %get3A_1964 = vector.shape_cast %get3A_1963 : vector<1x16xi32> to vector<16xi32>
      %dma_wait3A_1965 = arith.constant 0 : i32
      %dma_wait3A_1966 = arith.constant 0 : i32
      %dma_wait3A_1967 = tpu.memref_slice %arg10[%dma_wait3A_1965, %dma_wait3A_1966] : memref<10112x128xf32, #tpu.memory_space<vmem_shared>> -> memref<10112x128xf32, #tpu.memory_space<vmem_shared>>
      tpu.wait_indirect_dma semaphore(%arg12 : memref<!tpu.dma_semaphore, #tpu.memory_space<semaphore_mem>>) src(%dma_wait3A_1967 : memref<10112x128xf32, #tpu.memory_space<vmem_shared>>) dst(%arg8 : memref<16x128xf32, #tpu.memory_space<vmem>>)
      %get3A_1968 = arith.constant 4 : i32
      %get3A_1969 = arith.index_cast %get3A_1968 : i32 to index
      %get3A_1970 = arith.constant 112 : index
      %get3A_1971 = tpu.vector_load %arg6[%get3A_1969, %get3A_1970] {strides = array<i32>} : memref<8x128xi32, #tpu.memory_space<vmem>>, vector<1x16xi32>,
      %get3A_1972 = vector.shape_cast %get3A_1971 : vector<1x16xi32> to vector<16xi32>
      %dma_start3A_1973 = arith.constant 0 : i32
      %dma_start3A_1974 = arith.constant 0 : i32
      %dma_start3A_1975 = tpu.memref_slice %arg9[%dma_start3A_1973, %dma_start3A_1974] : memref<5120x128xf32, #tpu.memory_space<vmem_shared>> -> memref<5120x128xf32, #tpu.memory_space<vmem_shared>>
      tpu.enqueue_indirect_dma source(%arg8 : memref<16x128xf32, #tpu.memory_space<vmem>>) target(%dma_start3A_1975 : memref<5120x128xf32, #tpu.memory_space<vmem_shared>>) offsets(%get3A_1972 : vector<16xi32>) semaphore(%arg14 : memref<!tpu.dma_semaphore, #tpu.memory_space<semaphore_mem>>) {add = true}
      %get3A_1976 = arith.constant 4 : i32
      %get3A_1977 = arith.index_cast %get3A_1976 : i32 to index
      %get3A_1978 = arith.constant 112 : index
      %get3A_1979 = tpu.vector_load %arg6[%get3A_1977, %get3A_1978] {strides = array<i32>} : memref<8x128xi32, #tpu.memory_space<vmem>>, vector<1x16xi32>,
      %get3A_1980 = vector.shape_cast %get3A_1979 : vector<1x16xi32> to vector<16xi32>
      %dma_wait3A_1981 = arith.constant 0 : i32
      %dma_wait3A_1982 = arith.constant 0 : i32
      %dma_wait3A_1983 = tpu.memref_slice %arg9[%dma_wait3A_1981, %dma_wait3A_1982] : memref<5120x128xf32, #tpu.memory_space<vmem_shared>> -> memref<5120x128xf32, #tpu.memory_space<vmem_shared>>
      tpu.wait_indirect_dma semaphore(%arg13 : memref<!tpu.dma_semaphore, #tpu.memory_space<semaphore_mem>>) src(%arg7 : memref<16x128xf32, #tpu.memory_space<vmem>>) dst(%dma_wait3A_1983 : memref<5120x128xf32, #tpu.memory_space<vmem_shared>>)
      %get3A_1984 = arith.constant 5 : i32
      %get3A_1985 = arith.index_cast %get3A_1984 : i32 to index
      %get3A_1986 = arith.constant 0 : index
      %get3A_1987 = tpu.vector_load %arg6[%get3A_1985, %get3A_1986] {strides = array<i32>} : memref<8x128xi32, #tpu.memory_space<vmem>>, vector<1x16xi32>,
      %get3A_1988 = vector.shape_cast %get3A_1987 : vector<1x16xi32> to vector<16xi32>
      %dma_start3A_1989 = arith.constant 0 : i32
      %dma_start3A_1990 = arith.constant 0 : i32
      %dma_start3A_1991 = tpu.memref_slice %arg10[%dma_start3A_1989, %dma_start3A_1990] : memref<10112x128xf32, #tpu.memory_space<vmem_shared>> -> memref<10112x128xf32, #tpu.memory_space<vmem_shared>>
      tpu.enqueue_indirect_dma source(%dma_start3A_1991 : memref<10112x128xf32, #tpu.memory_space<vmem_shared>>) target(%arg7 : memref<16x128xf32, #tpu.memory_space<vmem>>) offsets(%get3A_1988 : vector<16xi32>) semaphore(%arg11 : memref<!tpu.dma_semaphore, #tpu.memory_space<semaphore_mem>>)
      %get3A_1992 = arith.constant 5 : i32
      %get3A_1993 = arith.index_cast %get3A_1992 : i32 to index
      %get3A_1994 = arith.constant 0 : index
      %get3A_1995 = tpu.vector_load %arg6[%get3A_1993, %get3A_1994] {strides = array<i32>} : memref<8x128xi32, #tpu.memory_space<vmem>>, vector<1x16xi32>,
      %get3A_1996 = vector.shape_cast %get3A_1995 : vector<1x16xi32> to vector<16xi32>
      %dma_wait3A_1997 = arith.constant 0 : i32
      %dma_wait3A_1998 = arith.constant 0 : i32
      %dma_wait3A_1999 = tpu.memref_slice %arg10[%dma_wait3A_1997, %dma_wait3A_1998] : memref<10112x128xf32, #tpu.memory_space<vmem_shared>> -> memref<10112x128xf32, #tpu.memory_space<vmem_shared>>
      tpu.wait_indirect_dma semaphore(%arg11 : memref<!tpu.dma_semaphore, #tpu.memory_space<semaphore_mem>>) src(%dma_wait3A_1999 : memref<10112x128xf32, #tpu.memory_space<vmem_shared>>) dst(%arg7 : memref<16x128xf32, #tpu.memory_space<vmem>>)
      %get3A_2000 = arith.constant 5 : i32
      %get3A_2001 = arith.index_cast %get3A_2000 : i32 to index
      %get3A_2002 = arith.constant 16 : index
      %get3A_2003 = tpu.vector_load %arg6[%get3A_2001, %get3A_2002] {strides = array<i32>} : memref<8x128xi32, #tpu.memory_space<vmem>>, vector<1x16xi32>,
      %get3A_2004 = vector.shape_cast %get3A_2003 : vector<1x16xi32> to vector<16xi32>
      %dma_start3A_2005 = arith.constant 0 : i32
      %dma_start3A_2006 = arith.constant 0 : i32
      %dma_start3A_2007 = tpu.memref_slice %arg9[%dma_start3A_2005, %dma_start3A_2006] : memref<5120x128xf32, #tpu.memory_space<vmem_shared>> -> memref<5120x128xf32, #tpu.memory_space<vmem_shared>>
      tpu.enqueue_indirect_dma source(%arg7 : memref<16x128xf32, #tpu.memory_space<vmem>>) target(%dma_start3A_2007 : memref<5120x128xf32, #tpu.memory_space<vmem_shared>>) offsets(%get3A_2004 : vector<16xi32>) semaphore(%arg13 : memref<!tpu.dma_semaphore, #tpu.memory_space<semaphore_mem>>) {add = true}
      %get3A_2008 = arith.constant 5 : i32
      %get3A_2009 = arith.index_cast %get3A_2008 : i32 to index
      %get3A_2010 = arith.constant 16 : index
      %get3A_2011 = tpu.vector_load %arg6[%get3A_2009, %get3A_2010] {strides = array<i32>} : memref<8x128xi32, #tpu.memory_space<vmem>>, vector<1x16xi32>,
      %get3A_2012 = vector.shape_cast %get3A_2011 : vector<1x16xi32> to vector<16xi32>
      %dma_wait3A_2013 = arith.constant 0 : i32
      %dma_wait3A_2014 = arith.constant 0 : i32
      %dma_wait3A_2015 = tpu.memref_slice %arg9[%dma_wait3A_2013, %dma_wait3A_2014] : memref<5120x128xf32, #tpu.memory_space<vmem_shared>> -> memref<5120x128xf32, #tpu.memory_space<vmem_shared>>
      tpu.wait_indirect_dma semaphore(%arg14 : memref<!tpu.dma_semaphore, #tpu.memory_space<semaphore_mem>>) src(%arg8 : memref<16x128xf32, #tpu.memory_space<vmem>>) dst(%dma_wait3A_2015 : memref<5120x128xf32, #tpu.memory_space<vmem_shared>>)
      %get3A_2016 = arith.constant 5 : i32
      %get3A_2017 = arith.index_cast %get3A_2016 : i32 to index
      %get3A_2018 = arith.constant 32 : index
      %get3A_2019 = tpu.vector_load %arg6[%get3A_2017, %get3A_2018] {strides = array<i32>} : memref<8x128xi32, #tpu.memory_space<vmem>>, vector<1x16xi32>,
      %get3A_2020 = vector.shape_cast %get3A_2019 : vector<1x16xi32> to vector<16xi32>
      %dma_start3A_2021 = arith.constant 0 : i32
      %dma_start3A_2022 = arith.constant 0 : i32
      %dma_start3A_2023 = tpu.memref_slice %arg10[%dma_start3A_2021, %dma_start3A_2022] : memref<10112x128xf32, #tpu.memory_space<vmem_shared>> -> memref<10112x128xf32, #tpu.memory_space<vmem_shared>>
      tpu.enqueue_indirect_dma source(%dma_start3A_2023 : memref<10112x128xf32, #tpu.memory_space<vmem_shared>>) target(%arg8 : memref<16x128xf32, #tpu.memory_space<vmem>>) offsets(%get3A_2020 : vector<16xi32>) semaphore(%arg12 : memref<!tpu.dma_semaphore, #tpu.memory_space<semaphore_mem>>)
      %get3A_2024 = arith.constant 5 : i32
      %get3A_2025 = arith.index_cast %get3A_2024 : i32 to index
      %get3A_2026 = arith.constant 32 : index
      %get3A_2027 = tpu.vector_load %arg6[%get3A_2025, %get3A_2026] {strides = array<i32>} : memref<8x128xi32, #tpu.memory_space<vmem>>, vector<1x16xi32>,
      %get3A_2028 = vector.shape_cast %get3A_2027 : vector<1x16xi32> to vector<16xi32>
      %dma_wait3A_2029 = arith.constant 0 : i32
      %dma_wait3A_2030 = arith.constant 0 : i32
      %dma_wait3A_2031 = tpu.memref_slice %arg10[%dma_wait3A_2029, %dma_wait3A_2030] : memref<10112x128xf32, #tpu.memory_space<vmem_shared>> -> memref<10112x128xf32, #tpu.memory_space<vmem_shared>>
      tpu.wait_indirect_dma semaphore(%arg12 : memref<!tpu.dma_semaphore, #tpu.memory_space<semaphore_mem>>) src(%dma_wait3A_2031 : memref<10112x128xf32, #tpu.memory_space<vmem_shared>>) dst(%arg8 : memref<16x128xf32, #tpu.memory_space<vmem>>)
      %get3A_2032 = arith.constant 5 : i32
      %get3A_2033 = arith.index_cast %get3A_2032 : i32 to index
      %get3A_2034 = arith.constant 48 : index
      %get3A_2035 = tpu.vector_load %arg6[%get3A_2033, %get3A_2034] {strides = array<i32>} : memref<8x128xi32, #tpu.memory_space<vmem>>, vector<1x16xi32>,
      %get3A_2036 = vector.shape_cast %get3A_2035 : vector<1x16xi32> to vector<16xi32>
      %dma_start3A_2037 = arith.constant 0 : i32
      %dma_start3A_2038 = arith.constant 0 : i32
      %dma_start3A_2039 = tpu.memref_slice %arg9[%dma_start3A_2037, %dma_start3A_2038] : memref<5120x128xf32, #tpu.memory_space<vmem_shared>> -> memref<5120x128xf32, #tpu.memory_space<vmem_shared>>
      tpu.enqueue_indirect_dma source(%arg8 : memref<16x128xf32, #tpu.memory_space<vmem>>) target(%dma_start3A_2039 : memref<5120x128xf32, #tpu.memory_space<vmem_shared>>) offsets(%get3A_2036 : vector<16xi32>) semaphore(%arg14 : memref<!tpu.dma_semaphore, #tpu.memory_space<semaphore_mem>>) {add = true}
      %get3A_2040 = arith.constant 5 : i32
      %get3A_2041 = arith.index_cast %get3A_2040 : i32 to index
      %get3A_2042 = arith.constant 48 : index
      %get3A_2043 = tpu.vector_load %arg6[%get3A_2041, %get3A_2042] {strides = array<i32>} : memref<8x128xi32, #tpu.memory_space<vmem>>, vector<1x16xi32>,
      %get3A_2044 = vector.shape_cast %get3A_2043 : vector<1x16xi32> to vector<16xi32>
      %dma_wait3A_2045 = arith.constant 0 : i32
      %dma_wait3A_2046 = arith.constant 0 : i32
      %dma_wait3A_2047 = tpu.memref_slice %arg9[%dma_wait3A_2045, %dma_wait3A_2046] : memref<5120x128xf32, #tpu.memory_space<vmem_shared>> -> memref<5120x128xf32, #tpu.memory_space<vmem_shared>>
      tpu.wait_indirect_dma semaphore(%arg13 : memref<!tpu.dma_semaphore, #tpu.memory_space<semaphore_mem>>) src(%arg7 : memref<16x128xf32, #tpu.memory_space<vmem>>) dst(%dma_wait3A_2047 : memref<5120x128xf32, #tpu.memory_space<vmem_shared>>)
      %get3A_2048 = arith.constant 5 : i32
      %get3A_2049 = arith.index_cast %get3A_2048 : i32 to index
      %get3A_2050 = arith.constant 64 : index
      %get3A_2051 = tpu.vector_load %arg6[%get3A_2049, %get3A_2050] {strides = array<i32>} : memref<8x128xi32, #tpu.memory_space<vmem>>, vector<1x16xi32>,
      %get3A_2052 = vector.shape_cast %get3A_2051 : vector<1x16xi32> to vector<16xi32>
      %dma_start3A_2053 = arith.constant 0 : i32
      %dma_start3A_2054 = arith.constant 0 : i32
      %dma_start3A_2055 = tpu.memref_slice %arg10[%dma_start3A_2053, %dma_start3A_2054] : memref<10112x128xf32, #tpu.memory_space<vmem_shared>> -> memref<10112x128xf32, #tpu.memory_space<vmem_shared>>
      tpu.enqueue_indirect_dma source(%dma_start3A_2055 : memref<10112x128xf32, #tpu.memory_space<vmem_shared>>) target(%arg7 : memref<16x128xf32, #tpu.memory_space<vmem>>) offsets(%get3A_2052 : vector<16xi32>) semaphore(%arg11 : memref<!tpu.dma_semaphore, #tpu.memory_space<semaphore_mem>>)
      %get3A_2056 = arith.constant 5 : i32
      %get3A_2057 = arith.index_cast %get3A_2056 : i32 to index
      %get3A_2058 = arith.constant 64 : index
      %get3A_2059 = tpu.vector_load %arg6[%get3A_2057, %get3A_2058] {strides = array<i32>} : memref<8x128xi32, #tpu.memory_space<vmem>>, vector<1x16xi32>,
      %get3A_2060 = vector.shape_cast %get3A_2059 : vector<1x16xi32> to vector<16xi32>
      %dma_wait3A_2061 = arith.constant 0 : i32
      %dma_wait3A_2062 = arith.constant 0 : i32
      %dma_wait3A_2063 = tpu.memref_slice %arg10[%dma_wait3A_2061, %dma_wait3A_2062] : memref<10112x128xf32, #tpu.memory_space<vmem_shared>> -> memref<10112x128xf32, #tpu.memory_space<vmem_shared>>
      tpu.wait_indirect_dma semaphore(%arg11 : memref<!tpu.dma_semaphore, #tpu.memory_space<semaphore_mem>>) src(%dma_wait3A_2063 : memref<10112x128xf32, #tpu.memory_space<vmem_shared>>) dst(%arg7 : memref<16x128xf32, #tpu.memory_space<vmem>>)
      %get3A_2064 = arith.constant 5 : i32
      %get3A_2065 = arith.index_cast %get3A_2064 : i32 to index
      %get3A_2066 = arith.constant 80 : index
      %get3A_2067 = tpu.vector_load %arg6[%get3A_2065, %get3A_2066] {strides = array<i32>} : memref<8x128xi32, #tpu.memory_space<vmem>>, vector<1x16xi32>,
      %get3A_2068 = vector.shape_cast %get3A_2067 : vector<1x16xi32> to vector<16xi32>
      %dma_start3A_2069 = arith.constant 0 : i32
      %dma_start3A_2070 = arith.constant 0 : i32
      %dma_start3A_2071 = tpu.memref_slice %arg9[%dma_start3A_2069, %dma_start3A_2070] : memref<5120x128xf32, #tpu.memory_space<vmem_shared>> -> memref<5120x128xf32, #tpu.memory_space<vmem_shared>>
      tpu.enqueue_indirect_dma source(%arg7 : memref<16x128xf32, #tpu.memory_space<vmem>>) target(%dma_start3A_2071 : memref<5120x128xf32, #tpu.memory_space<vmem_shared>>) offsets(%get3A_2068 : vector<16xi32>) semaphore(%arg13 : memref<!tpu.dma_semaphore, #tpu.memory_space<semaphore_mem>>) {add = true}
      %get3A_2072 = arith.constant 5 : i32
      %get3A_2073 = arith.index_cast %get3A_2072 : i32 to index
      %get3A_2074 = arith.constant 80 : index
      %get3A_2075 = tpu.vector_load %arg6[%get3A_2073, %get3A_2074] {strides = array<i32>} : memref<8x128xi32, #tpu.memory_space<vmem>>, vector<1x16xi32>,
      %get3A_2076 = vector.shape_cast %get3A_2075 : vector<1x16xi32> to vector<16xi32>
      %dma_wait3A_2077 = arith.constant 0 : i32
      %dma_wait3A_2078 = arith.constant 0 : i32
      %dma_wait3A_2079 = tpu.memref_slice %arg9[%dma_wait3A_2077, %dma_wait3A_2078] : memref<5120x128xf32, #tpu.memory_space<vmem_shared>> -> memref<5120x128xf32, #tpu.memory_space<vmem_shared>>
      tpu.wait_indirect_dma semaphore(%arg14 : memref<!tpu.dma_semaphore, #tpu.memory_space<semaphore_mem>>) src(%arg8 : memref<16x128xf32, #tpu.memory_space<vmem>>) dst(%dma_wait3A_2079 : memref<5120x128xf32, #tpu.memory_space<vmem_shared>>)
      %get3A_2080 = arith.constant 5 : i32
      %get3A_2081 = arith.index_cast %get3A_2080 : i32 to index
      %get3A_2082 = arith.constant 96 : index
      %get3A_2083 = tpu.vector_load %arg6[%get3A_2081, %get3A_2082] {strides = array<i32>} : memref<8x128xi32, #tpu.memory_space<vmem>>, vector<1x16xi32>,
      %get3A_2084 = vector.shape_cast %get3A_2083 : vector<1x16xi32> to vector<16xi32>
      %dma_start3A_2085 = arith.constant 0 : i32
      %dma_start3A_2086 = arith.constant 0 : i32
      %dma_start3A_2087 = tpu.memref_slice %arg10[%dma_start3A_2085, %dma_start3A_2086] : memref<10112x128xf32, #tpu.memory_space<vmem_shared>> -> memref<10112x128xf32, #tpu.memory_space<vmem_shared>>
      tpu.enqueue_indirect_dma source(%dma_start3A_2087 : memref<10112x128xf32, #tpu.memory_space<vmem_shared>>) target(%arg8 : memref<16x128xf32, #tpu.memory_space<vmem>>) offsets(%get3A_2084 : vector<16xi32>) semaphore(%arg12 : memref<!tpu.dma_semaphore, #tpu.memory_space<semaphore_mem>>)
      %get3A_2088 = arith.constant 5 : i32
      %get3A_2089 = arith.index_cast %get3A_2088 : i32 to index
      %get3A_2090 = arith.constant 96 : index
      %get3A_2091 = tpu.vector_load %arg6[%get3A_2089, %get3A_2090] {strides = array<i32>} : memref<8x128xi32, #tpu.memory_space<vmem>>, vector<1x16xi32>,
      %get3A_2092 = vector.shape_cast %get3A_2091 : vector<1x16xi32> to vector<16xi32>
      %dma_wait3A_2093 = arith.constant 0 : i32
      %dma_wait3A_2094 = arith.constant 0 : i32
      %dma_wait3A_2095 = tpu.memref_slice %arg10[%dma_wait3A_2093, %dma_wait3A_2094] : memref<10112x128xf32, #tpu.memory_space<vmem_shared>> -> memref<10112x128xf32, #tpu.memory_space<vmem_shared>>
      tpu.wait_indirect_dma semaphore(%arg12 : memref<!tpu.dma_semaphore, #tpu.memory_space<semaphore_mem>>) src(%dma_wait3A_2095 : memref<10112x128xf32, #tpu.memory_space<vmem_shared>>) dst(%arg8 : memref<16x128xf32, #tpu.memory_space<vmem>>)
      %get3A_2096 = arith.constant 5 : i32
      %get3A_2097 = arith.index_cast %get3A_2096 : i32 to index
      %get3A_2098 = arith.constant 112 : index
      %get3A_2099 = tpu.vector_load %arg6[%get3A_2097, %get3A_2098] {strides = array<i32>} : memref<8x128xi32, #tpu.memory_space<vmem>>, vector<1x16xi32>,
      %get3A_2100 = vector.shape_cast %get3A_2099 : vector<1x16xi32> to vector<16xi32>
      %dma_start3A_2101 = arith.constant 0 : i32
      %dma_start3A_2102 = arith.constant 0 : i32
      %dma_start3A_2103 = tpu.memref_slice %arg9[%dma_start3A_2101, %dma_start3A_2102] : memref<5120x128xf32, #tpu.memory_space<vmem_shared>> -> memref<5120x128xf32, #tpu.memory_space<vmem_shared>>
      tpu.enqueue_indirect_dma source(%arg8 : memref<16x128xf32, #tpu.memory_space<vmem>>) target(%dma_start3A_2103 : memref<5120x128xf32, #tpu.memory_space<vmem_shared>>) offsets(%get3A_2100 : vector<16xi32>) semaphore(%arg14 : memref<!tpu.dma_semaphore, #tpu.memory_space<semaphore_mem>>) {add = true}
      %get3A_2104 = arith.constant 5 : i32
      %get3A_2105 = arith.index_cast %get3A_2104 : i32 to index
      %get3A_2106 = arith.constant 112 : index
      %get3A_2107 = tpu.vector_load %arg6[%get3A_2105, %get3A_2106] {strides = array<i32>} : memref<8x128xi32, #tpu.memory_space<vmem>>, vector<1x16xi32>,
      %get3A_2108 = vector.shape_cast %get3A_2107 : vector<1x16xi32> to vector<16xi32>
      %dma_wait3A_2109 = arith.constant 0 : i32
      %dma_wait3A_2110 = arith.constant 0 : i32
      %dma_wait3A_2111 = tpu.memref_slice %arg9[%dma_wait3A_2109, %dma_wait3A_2110] : memref<5120x128xf32, #tpu.memory_space<vmem_shared>> -> memref<5120x128xf32, #tpu.memory_space<vmem_shared>>
      tpu.wait_indirect_dma semaphore(%arg13 : memref<!tpu.dma_semaphore, #tpu.memory_space<semaphore_mem>>) src(%arg7 : memref<16x128xf32, #tpu.memory_space<vmem>>) dst(%dma_wait3A_2111 : memref<5120x128xf32, #tpu.memory_space<vmem_shared>>)
      %get3A_2112 = arith.constant 6 : i32
      %get3A_2113 = arith.index_cast %get3A_2112 : i32 to index
      %get3A_2114 = arith.constant 0 : index
      %get3A_2115 = tpu.vector_load %arg6[%get3A_2113, %get3A_2114] {strides = array<i32>} : memref<8x128xi32, #tpu.memory_space<vmem>>, vector<1x16xi32>,
      %get3A_2116 = vector.shape_cast %get3A_2115 : vector<1x16xi32> to vector<16xi32>
      %dma_start3A_2117 = arith.constant 0 : i32
      %dma_start3A_2118 = arith.constant 0 : i32
      %dma_start3A_2119 = tpu.memref_slice %arg10[%dma_start3A_2117, %dma_start3A_2118] : memref<10112x128xf32, #tpu.memory_space<vmem_shared>> -> memref<10112x128xf32, #tpu.memory_space<vmem_shared>>
      tpu.enqueue_indirect_dma source(%dma_start3A_2119 : memref<10112x128xf32, #tpu.memory_space<vmem_shared>>) target(%arg7 : memref<16x128xf32, #tpu.memory_space<vmem>>) offsets(%get3A_2116 : vector<16xi32>) semaphore(%arg11 : memref<!tpu.dma_semaphore, #tpu.memory_space<semaphore_mem>>)
      %get3A_2120 = arith.constant 6 : i32
      %get3A_2121 = arith.index_cast %get3A_2120 : i32 to index
      %get3A_2122 = arith.constant 0 : index
      %get3A_2123 = tpu.vector_load %arg6[%get3A_2121, %get3A_2122] {strides = array<i32>} : memref<8x128xi32, #tpu.memory_space<vmem>>, vector<1x16xi32>,
      %get3A_2124 = vector.shape_cast %get3A_2123 : vector<1x16xi32> to vector<16xi32>
      %dma_wait3A_2125 = arith.constant 0 : i32
      %dma_wait3A_2126 = arith.constant 0 : i32
      %dma_wait3A_2127 = tpu.memref_slice %arg10[%dma_wait3A_2125, %dma_wait3A_2126] : memref<10112x128xf32, #tpu.memory_space<vmem_shared>> -> memref<10112x128xf32, #tpu.memory_space<vmem_shared>>
      tpu.wait_indirect_dma semaphore(%arg11 : memref<!tpu.dma_semaphore, #tpu.memory_space<semaphore_mem>>) src(%dma_wait3A_2127 : memref<10112x128xf32, #tpu.memory_space<vmem_shared>>) dst(%arg7 : memref<16x128xf32, #tpu.memory_space<vmem>>)
      %get3A_2128 = arith.constant 6 : i32
      %get3A_2129 = arith.index_cast %get3A_2128 : i32 to index
      %get3A_2130 = arith.constant 16 : index
      %get3A_2131 = tpu.vector_load %arg6[%get3A_2129, %get3A_2130] {strides = array<i32>} : memref<8x128xi32, #tpu.memory_space<vmem>>, vector<1x16xi32>,
      %get3A_2132 = vector.shape_cast %get3A_2131 : vector<1x16xi32> to vector<16xi32>
      %dma_start3A_2133 = arith.constant 0 : i32
      %dma_start3A_2134 = arith.constant 0 : i32
      %dma_start3A_2135 = tpu.memref_slice %arg9[%dma_start3A_2133, %dma_start3A_2134] : memref<5120x128xf32, #tpu.memory_space<vmem_shared>> -> memref<5120x128xf32, #tpu.memory_space<vmem_shared>>
      tpu.enqueue_indirect_dma source(%arg7 : memref<16x128xf32, #tpu.memory_space<vmem>>) target(%dma_start3A_2135 : memref<5120x128xf32, #tpu.memory_space<vmem_shared>>) offsets(%get3A_2132 : vector<16xi32>) semaphore(%arg13 : memref<!tpu.dma_semaphore, #tpu.memory_space<semaphore_mem>>) {add = true}
      %get3A_2136 = arith.constant 6 : i32
      %get3A_2137 = arith.index_cast %get3A_2136 : i32 to index
      %get3A_2138 = arith.constant 16 : index
      %get3A_2139 = tpu.vector_load %arg6[%get3A_2137, %get3A_2138] {strides = array<i32>} : memref<8x128xi32, #tpu.memory_space<vmem>>, vector<1x16xi32>,
      %get3A_2140 = vector.shape_cast %get3A_2139 : vector<1x16xi32> to vector<16xi32>
      %dma_wait3A_2141 = arith.constant 0 : i32
      %dma_wait3A_2142 = arith.constant 0 : i32
      %dma_wait3A_2143 = tpu.memref_slice %arg9[%dma_wait3A_2141, %dma_wait3A_2142] : memref<5120x128xf32, #tpu.memory_space<vmem_shared>> -> memref<5120x128xf32, #tpu.memory_space<vmem_shared>>
      tpu.wait_indirect_dma semaphore(%arg14 : memref<!tpu.dma_semaphore, #tpu.memory_space<semaphore_mem>>) src(%arg8 : memref<16x128xf32, #tpu.memory_space<vmem>>) dst(%dma_wait3A_2143 : memref<5120x128xf32, #tpu.memory_space<vmem_shared>>)
      %get3A_2144 = arith.constant 6 : i32
      %get3A_2145 = arith.index_cast %get3A_2144 : i32 to index
      %get3A_2146 = arith.constant 32 : index
      %get3A_2147 = tpu.vector_load %arg6[%get3A_2145, %get3A_2146] {strides = array<i32>} : memref<8x128xi32, #tpu.memory_space<vmem>>, vector<1x16xi32>,
      %get3A_2148 = vector.shape_cast %get3A_2147 : vector<1x16xi32> to vector<16xi32>
      %dma_start3A_2149 = arith.constant 0 : i32
      %dma_start3A_2150 = arith.constant 0 : i32
      %dma_start3A_2151 = tpu.memref_slice %arg10[%dma_start3A_2149, %dma_start3A_2150] : memref<10112x128xf32, #tpu.memory_space<vmem_shared>> -> memref<10112x128xf32, #tpu.memory_space<vmem_shared>>
      tpu.enqueue_indirect_dma source(%dma_start3A_2151 : memref<10112x128xf32, #tpu.memory_space<vmem_shared>>) target(%arg8 : memref<16x128xf32, #tpu.memory_space<vmem>>) offsets(%get3A_2148 : vector<16xi32>) semaphore(%arg12 : memref<!tpu.dma_semaphore, #tpu.memory_space<semaphore_mem>>)
      %get3A_2152 = arith.constant 6 : i32
      %get3A_2153 = arith.index_cast %get3A_2152 : i32 to index
      %get3A_2154 = arith.constant 32 : index
      %get3A_2155 = tpu.vector_load %arg6[%get3A_2153, %get3A_2154] {strides = array<i32>} : memref<8x128xi32, #tpu.memory_space<vmem>>, vector<1x16xi32>,
      %get3A_2156 = vector.shape_cast %get3A_2155 : vector<1x16xi32> to vector<16xi32>
      %dma_wait3A_2157 = arith.constant 0 : i32
      %dma_wait3A_2158 = arith.constant 0 : i32
      %dma_wait3A_2159 = tpu.memref_slice %arg10[%dma_wait3A_2157, %dma_wait3A_2158] : memref<10112x128xf32, #tpu.memory_space<vmem_shared>> -> memref<10112x128xf32, #tpu.memory_space<vmem_shared>>
      tpu.wait_indirect_dma semaphore(%arg12 : memref<!tpu.dma_semaphore, #tpu.memory_space<semaphore_mem>>) src(%dma_wait3A_2159 : memref<10112x128xf32, #tpu.memory_space<vmem_shared>>) dst(%arg8 : memref<16x128xf32, #tpu.memory_space<vmem>>)
      %get3A_2160 = arith.constant 6 : i32
      %get3A_2161 = arith.index_cast %get3A_2160 : i32 to index
      %get3A_2162 = arith.constant 48 : index
      %get3A_2163 = tpu.vector_load %arg6[%get3A_2161, %get3A_2162] {strides = array<i32>} : memref<8x128xi32, #tpu.memory_space<vmem>>, vector<1x16xi32>,
      %get3A_2164 = vector.shape_cast %get3A_2163 : vector<1x16xi32> to vector<16xi32>
      %dma_start3A_2165 = arith.constant 0 : i32
      %dma_start3A_2166 = arith.constant 0 : i32
      %dma_start3A_2167 = tpu.memref_slice %arg9[%dma_start3A_2165, %dma_start3A_2166] : memref<5120x128xf32, #tpu.memory_space<vmem_shared>> -> memref<5120x128xf32, #tpu.memory_space<vmem_shared>>
      tpu.enqueue_indirect_dma source(%arg8 : memref<16x128xf32, #tpu.memory_space<vmem>>) target(%dma_start3A_2167 : memref<5120x128xf32, #tpu.memory_space<vmem_shared>>) offsets(%get3A_2164 : vector<16xi32>) semaphore(%arg14 : memref<!tpu.dma_semaphore, #tpu.memory_space<semaphore_mem>>) {add = true}
      %get3A_2168 = arith.constant 6 : i32
      %get3A_2169 = arith.index_cast %get3A_2168 : i32 to index
      %get3A_2170 = arith.constant 48 : index
      %get3A_2171 = tpu.vector_load %arg6[%get3A_2169, %get3A_2170] {strides = array<i32>} : memref<8x128xi32, #tpu.memory_space<vmem>>, vector<1x16xi32>,
      %get3A_2172 = vector.shape_cast %get3A_2171 : vector<1x16xi32> to vector<16xi32>
      %dma_wait3A_2173 = arith.constant 0 : i32
      %dma_wait3A_2174 = arith.constant 0 : i32
      %dma_wait3A_2175 = tpu.memref_slice %arg9[%dma_wait3A_2173, %dma_wait3A_2174] : memref<5120x128xf32, #tpu.memory_space<vmem_shared>> -> memref<5120x128xf32, #tpu.memory_space<vmem_shared>>
      tpu.wait_indirect_dma semaphore(%arg13 : memref<!tpu.dma_semaphore, #tpu.memory_space<semaphore_mem>>) src(%arg7 : memref<16x128xf32, #tpu.memory_space<vmem>>) dst(%dma_wait3A_2175 : memref<5120x128xf32, #tpu.memory_space<vmem_shared>>)
      %get3A_2176 = arith.constant 6 : i32
      %get3A_2177 = arith.index_cast %get3A_2176 : i32 to index
      %get3A_2178 = arith.constant 64 : index
      %get3A_2179 = tpu.vector_load %arg6[%get3A_2177, %get3A_2178] {strides = array<i32>} : memref<8x128xi32, #tpu.memory_space<vmem>>, vector<1x16xi32>,
      %get3A_2180 = vector.shape_cast %get3A_2179 : vector<1x16xi32> to vector<16xi32>
      %dma_start3A_2181 = arith.constant 0 : i32
      %dma_start3A_2182 = arith.constant 0 : i32
      %dma_start3A_2183 = tpu.memref_slice %arg10[%dma_start3A_2181, %dma_start3A_2182] : memref<10112x128xf32, #tpu.memory_space<vmem_shared>> -> memref<10112x128xf32, #tpu.memory_space<vmem_shared>>
      tpu.enqueue_indirect_dma source(%dma_start3A_2183 : memref<10112x128xf32, #tpu.memory_space<vmem_shared>>) target(%arg7 : memref<16x128xf32, #tpu.memory_space<vmem>>) offsets(%get3A_2180 : vector<16xi32>) semaphore(%arg11 : memref<!tpu.dma_semaphore, #tpu.memory_space<semaphore_mem>>)
      %get3A_2184 = arith.constant 6 : i32
      %get3A_2185 = arith.index_cast %get3A_2184 : i32 to index
      %get3A_2186 = arith.constant 64 : index
      %get3A_2187 = tpu.vector_load %arg6[%get3A_2185, %get3A_2186] {strides = array<i32>} : memref<8x128xi32, #tpu.memory_space<vmem>>, vector<1x16xi32>,
      %get3A_2188 = vector.shape_cast %get3A_2187 : vector<1x16xi32> to vector<16xi32>
      %dma_wait3A_2189 = arith.constant 0 : i32
      %dma_wait3A_2190 = arith.constant 0 : i32
      %dma_wait3A_2191 = tpu.memref_slice %arg10[%dma_wait3A_2189, %dma_wait3A_2190] : memref<10112x128xf32, #tpu.memory_space<vmem_shared>> -> memref<10112x128xf32, #tpu.memory_space<vmem_shared>>
      tpu.wait_indirect_dma semaphore(%arg11 : memref<!tpu.dma_semaphore, #tpu.memory_space<semaphore_mem>>) src(%dma_wait3A_2191 : memref<10112x128xf32, #tpu.memory_space<vmem_shared>>) dst(%arg7 : memref<16x128xf32, #tpu.memory_space<vmem>>)
      %get3A_2192 = arith.constant 6 : i32
      %get3A_2193 = arith.index_cast %get3A_2192 : i32 to index
      %get3A_2194 = arith.constant 80 : index
      %get3A_2195 = tpu.vector_load %arg6[%get3A_2193, %get3A_2194] {strides = array<i32>} : memref<8x128xi32, #tpu.memory_space<vmem>>, vector<1x16xi32>,
      %get3A_2196 = vector.shape_cast %get3A_2195 : vector<1x16xi32> to vector<16xi32>
      %dma_start3A_2197 = arith.constant 0 : i32
      %dma_start3A_2198 = arith.constant 0 : i32
      %dma_start3A_2199 = tpu.memref_slice %arg9[%dma_start3A_2197, %dma_start3A_2198] : memref<5120x128xf32, #tpu.memory_space<vmem_shared>> -> memref<5120x128xf32, #tpu.memory_space<vmem_shared>>
      tpu.enqueue_indirect_dma source(%arg7 : memref<16x128xf32, #tpu.memory_space<vmem>>) target(%dma_start3A_2199 : memref<5120x128xf32, #tpu.memory_space<vmem_shared>>) offsets(%get3A_2196 : vector<16xi32>) semaphore(%arg13 : memref<!tpu.dma_semaphore, #tpu.memory_space<semaphore_mem>>) {add = true}
      %get3A_2200 = arith.constant 6 : i32
      %get3A_2201 = arith.index_cast %get3A_2200 : i32 to index
      %get3A_2202 = arith.constant 80 : index
      %get3A_2203 = tpu.vector_load %arg6[%get3A_2201, %get3A_2202] {strides = array<i32>} : memref<8x128xi32, #tpu.memory_space<vmem>>, vector<1x16xi32>,
      %get3A_2204 = vector.shape_cast %get3A_2203 : vector<1x16xi32> to vector<16xi32>
      %dma_wait3A_2205 = arith.constant 0 : i32
      %dma_wait3A_2206 = arith.constant 0 : i32
      %dma_wait3A_2207 = tpu.memref_slice %arg9[%dma_wait3A_2205, %dma_wait3A_2206] : memref<5120x128xf32, #tpu.memory_space<vmem_shared>> -> memref<5120x128xf32, #tpu.memory_space<vmem_shared>>
      tpu.wait_indirect_dma semaphore(%arg14 : memref<!tpu.dma_semaphore, #tpu.memory_space<semaphore_mem>>) src(%arg8 : memref<16x128xf32, #tpu.memory_space<vmem>>) dst(%dma_wait3A_2207 : memref<5120x128xf32, #tpu.memory_space<vmem_shared>>)
      %get3A_2208 = arith.constant 6 : i32
      %get3A_2209 = arith.index_cast %get3A_2208 : i32 to index
      %get3A_2210 = arith.constant 96 : index
      %get3A_2211 = tpu.vector_load %arg6[%get3A_2209, %get3A_2210] {strides = array<i32>} : memref<8x128xi32, #tpu.memory_space<vmem>>, vector<1x16xi32>,
      %get3A_2212 = vector.shape_cast %get3A_2211 : vector<1x16xi32> to vector<16xi32>
      %dma_start3A_2213 = arith.constant 0 : i32
      %dma_start3A_2214 = arith.constant 0 : i32
      %dma_start3A_2215 = tpu.memref_slice %arg10[%dma_start3A_2213, %dma_start3A_2214] : memref<10112x128xf32, #tpu.memory_space<vmem_shared>> -> memref<10112x128xf32, #tpu.memory_space<vmem_shared>>
      tpu.enqueue_indirect_dma source(%dma_start3A_2215 : memref<10112x128xf32, #tpu.memory_space<vmem_shared>>) target(%arg8 : memref<16x128xf32, #tpu.memory_space<vmem>>) offsets(%get3A_2212 : vector<16xi32>) semaphore(%arg12 : memref<!tpu.dma_semaphore, #tpu.memory_space<semaphore_mem>>)
      %get3A_2216 = arith.constant 6 : i32
      %get3A_2217 = arith.index_cast %get3A_2216 : i32 to index
      %get3A_2218 = arith.constant 96 : index
      %get3A_2219 = tpu.vector_load %arg6[%get3A_2217, %get3A_2218] {strides = array<i32>} : memref<8x128xi32, #tpu.memory_space<vmem>>, vector<1x16xi32>,
      %get3A_2220 = vector.shape_cast %get3A_2219 : vector<1x16xi32> to vector<16xi32>
      %dma_wait3A_2221 = arith.constant 0 : i32
      %dma_wait3A_2222 = arith.constant 0 : i32
      %dma_wait3A_2223 = tpu.memref_slice %arg10[%dma_wait3A_2221, %dma_wait3A_2222] : memref<10112x128xf32, #tpu.memory_space<vmem_shared>> -> memref<10112x128xf32, #tpu.memory_space<vmem_shared>>
      tpu.wait_indirect_dma semaphore(%arg12 : memref<!tpu.dma_semaphore, #tpu.memory_space<semaphore_mem>>) src(%dma_wait3A_2223 : memref<10112x128xf32, #tpu.memory_space<vmem_shared>>) dst(%arg8 : memref<16x128xf32, #tpu.memory_space<vmem>>)
      %get3A_2224 = arith.constant 6 : i32
      %get3A_2225 = arith.index_cast %get3A_2224 : i32 to index
      %get3A_2226 = arith.constant 112 : index
      %get3A_2227 = tpu.vector_load %arg6[%get3A_2225, %get3A_2226] {strides = array<i32>} : memref<8x128xi32, #tpu.memory_space<vmem>>, vector<1x16xi32>,
      %get3A_2228 = vector.shape_cast %get3A_2227 : vector<1x16xi32> to vector<16xi32>
      %dma_start3A_2229 = arith.constant 0 : i32
      %dma_start3A_2230 = arith.constant 0 : i32
      %dma_start3A_2231 = tpu.memref_slice %arg9[%dma_start3A_2229, %dma_start3A_2230] : memref<5120x128xf32, #tpu.memory_space<vmem_shared>> -> memref<5120x128xf32, #tpu.memory_space<vmem_shared>>
      tpu.enqueue_indirect_dma source(%arg8 : memref<16x128xf32, #tpu.memory_space<vmem>>) target(%dma_start3A_2231 : memref<5120x128xf32, #tpu.memory_space<vmem_shared>>) offsets(%get3A_2228 : vector<16xi32>) semaphore(%arg14 : memref<!tpu.dma_semaphore, #tpu.memory_space<semaphore_mem>>) {add = true}
      %get3A_2232 = arith.constant 6 : i32
      %get3A_2233 = arith.index_cast %get3A_2232 : i32 to index
      %get3A_2234 = arith.constant 112 : index
      %get3A_2235 = tpu.vector_load %arg6[%get3A_2233, %get3A_2234] {strides = array<i32>} : memref<8x128xi32, #tpu.memory_space<vmem>>, vector<1x16xi32>,
      %get3A_2236 = vector.shape_cast %get3A_2235 : vector<1x16xi32> to vector<16xi32>
      %dma_wait3A_2237 = arith.constant 0 : i32
      %dma_wait3A_2238 = arith.constant 0 : i32
      %dma_wait3A_2239 = tpu.memref_slice %arg9[%dma_wait3A_2237, %dma_wait3A_2238] : memref<5120x128xf32, #tpu.memory_space<vmem_shared>> -> memref<5120x128xf32, #tpu.memory_space<vmem_shared>>
      tpu.wait_indirect_dma semaphore(%arg13 : memref<!tpu.dma_semaphore, #tpu.memory_space<semaphore_mem>>) src(%arg7 : memref<16x128xf32, #tpu.memory_space<vmem>>) dst(%dma_wait3A_2239 : memref<5120x128xf32, #tpu.memory_space<vmem_shared>>)
      %get3A_2240 = arith.constant 7 : i32
      %get3A_2241 = arith.index_cast %get3A_2240 : i32 to index
      %get3A_2242 = arith.constant 0 : index
      %get3A_2243 = tpu.vector_load %arg6[%get3A_2241, %get3A_2242] {strides = array<i32>} : memref<8x128xi32, #tpu.memory_space<vmem>>, vector<1x16xi32>,
      %get3A_2244 = vector.shape_cast %get3A_2243 : vector<1x16xi32> to vector<16xi32>
      %dma_start3A_2245 = arith.constant 0 : i32
      %dma_start3A_2246 = arith.constant 0 : i32
      %dma_start3A_2247 = tpu.memref_slice %arg10[%dma_start3A_2245, %dma_start3A_2246] : memref<10112x128xf32, #tpu.memory_space<vmem_shared>> -> memref<10112x128xf32, #tpu.memory_space<vmem_shared>>
      tpu.enqueue_indirect_dma source(%dma_start3A_2247 : memref<10112x128xf32, #tpu.memory_space<vmem_shared>>) target(%arg7 : memref<16x128xf32, #tpu.memory_space<vmem>>) offsets(%get3A_2244 : vector<16xi32>) semaphore(%arg11 : memref<!tpu.dma_semaphore, #tpu.memory_space<semaphore_mem>>)
      %get3A_2248 = arith.constant 7 : i32
      %get3A_2249 = arith.index_cast %get3A_2248 : i32 to index
      %get3A_2250 = arith.constant 0 : index
      %get3A_2251 = tpu.vector_load %arg6[%get3A_2249, %get3A_2250] {strides = array<i32>} : memref<8x128xi32, #tpu.memory_space<vmem>>, vector<1x16xi32>,
      %get3A_2252 = vector.shape_cast %get3A_2251 : vector<1x16xi32> to vector<16xi32>
      %dma_wait3A_2253 = arith.constant 0 : i32
      %dma_wait3A_2254 = arith.constant 0 : i32
      %dma_wait3A_2255 = tpu.memref_slice %arg10[%dma_wait3A_2253, %dma_wait3A_2254] : memref<10112x128xf32, #tpu.memory_space<vmem_shared>> -> memref<10112x128xf32, #tpu.memory_space<vmem_shared>>
      tpu.wait_indirect_dma semaphore(%arg11 : memref<!tpu.dma_semaphore, #tpu.memory_space<semaphore_mem>>) src(%dma_wait3A_2255 : memref<10112x128xf32, #tpu.memory_space<vmem_shared>>) dst(%arg7 : memref<16x128xf32, #tpu.memory_space<vmem>>)
      %get3A_2256 = arith.constant 7 : i32
      %get3A_2257 = arith.index_cast %get3A_2256 : i32 to index
      %get3A_2258 = arith.constant 16 : index
      %get3A_2259 = tpu.vector_load %arg6[%get3A_2257, %get3A_2258] {strides = array<i32>} : memref<8x128xi32, #tpu.memory_space<vmem>>, vector<1x16xi32>,
      %get3A_2260 = vector.shape_cast %get3A_2259 : vector<1x16xi32> to vector<16xi32>
      %dma_start3A_2261 = arith.constant 0 : i32
      %dma_start3A_2262 = arith.constant 0 : i32
      %dma_start3A_2263 = tpu.memref_slice %arg9[%dma_start3A_2261, %dma_start3A_2262] : memref<5120x128xf32, #tpu.memory_space<vmem_shared>> -> memref<5120x128xf32, #tpu.memory_space<vmem_shared>>
      tpu.enqueue_indirect_dma source(%arg7 : memref<16x128xf32, #tpu.memory_space<vmem>>) target(%dma_start3A_2263 : memref<5120x128xf32, #tpu.memory_space<vmem_shared>>) offsets(%get3A_2260 : vector<16xi32>) semaphore(%arg13 : memref<!tpu.dma_semaphore, #tpu.memory_space<semaphore_mem>>) {add = true}
      %get3A_2264 = arith.constant 7 : i32
      %get3A_2265 = arith.index_cast %get3A_2264 : i32 to index
      %get3A_2266 = arith.constant 16 : index
      %get3A_2267 = tpu.vector_load %arg6[%get3A_2265, %get3A_2266] {strides = array<i32>} : memref<8x128xi32, #tpu.memory_space<vmem>>, vector<1x16xi32>,
      %get3A_2268 = vector.shape_cast %get3A_2267 : vector<1x16xi32> to vector<16xi32>
      %dma_wait3A_2269 = arith.constant 0 : i32
      %dma_wait3A_2270 = arith.constant 0 : i32
      %dma_wait3A_2271 = tpu.memref_slice %arg9[%dma_wait3A_2269, %dma_wait3A_2270] : memref<5120x128xf32, #tpu.memory_space<vmem_shared>> -> memref<5120x128xf32, #tpu.memory_space<vmem_shared>>
      tpu.wait_indirect_dma semaphore(%arg14 : memref<!tpu.dma_semaphore, #tpu.memory_space<semaphore_mem>>) src(%arg8 : memref<16x128xf32, #tpu.memory_space<vmem>>) dst(%dma_wait3A_2271 : memref<5120x128xf32, #tpu.memory_space<vmem_shared>>)
      %get3A_2272 = arith.constant 7 : i32
      %get3A_2273 = arith.index_cast %get3A_2272 : i32 to index
      %get3A_2274 = arith.constant 32 : index
      %get3A_2275 = tpu.vector_load %arg6[%get3A_2273, %get3A_2274] {strides = array<i32>} : memref<8x128xi32, #tpu.memory_space<vmem>>, vector<1x16xi32>,
      %get3A_2276 = vector.shape_cast %get3A_2275 : vector<1x16xi32> to vector<16xi32>
      %dma_start3A_2277 = arith.constant 0 : i32
      %dma_start3A_2278 = arith.constant 0 : i32
      %dma_start3A_2279 = tpu.memref_slice %arg10[%dma_start3A_2277, %dma_start3A_2278] : memref<10112x128xf32, #tpu.memory_space<vmem_shared>> -> memref<10112x128xf32, #tpu.memory_space<vmem_shared>>
      tpu.enqueue_indirect_dma source(%dma_start3A_2279 : memref<10112x128xf32, #tpu.memory_space<vmem_shared>>) target(%arg8 : memref<16x128xf32, #tpu.memory_space<vmem>>) offsets(%get3A_2276 : vector<16xi32>) semaphore(%arg12 : memref<!tpu.dma_semaphore, #tpu.memory_space<semaphore_mem>>)
      %get3A_2280 = arith.constant 7 : i32
      %get3A_2281 = arith.index_cast %get3A_2280 : i32 to index
      %get3A_2282 = arith.constant 32 : index
      %get3A_2283 = tpu.vector_load %arg6[%get3A_2281, %get3A_2282] {strides = array<i32>} : memref<8x128xi32, #tpu.memory_space<vmem>>, vector<1x16xi32>,
      %get3A_2284 = vector.shape_cast %get3A_2283 : vector<1x16xi32> to vector<16xi32>
      %dma_wait3A_2285 = arith.constant 0 : i32
      %dma_wait3A_2286 = arith.constant 0 : i32
      %dma_wait3A_2287 = tpu.memref_slice %arg10[%dma_wait3A_2285, %dma_wait3A_2286] : memref<10112x128xf32, #tpu.memory_space<vmem_shared>> -> memref<10112x128xf32, #tpu.memory_space<vmem_shared>>
      tpu.wait_indirect_dma semaphore(%arg12 : memref<!tpu.dma_semaphore, #tpu.memory_space<semaphore_mem>>) src(%dma_wait3A_2287 : memref<10112x128xf32, #tpu.memory_space<vmem_shared>>) dst(%arg8 : memref<16x128xf32, #tpu.memory_space<vmem>>)
      %get3A_2288 = arith.constant 7 : i32
      %get3A_2289 = arith.index_cast %get3A_2288 : i32 to index
      %get3A_2290 = arith.constant 48 : index
      %get3A_2291 = tpu.vector_load %arg6[%get3A_2289, %get3A_2290] {strides = array<i32>} : memref<8x128xi32, #tpu.memory_space<vmem>>, vector<1x16xi32>,
      %get3A_2292 = vector.shape_cast %get3A_2291 : vector<1x16xi32> to vector<16xi32>
      %dma_start3A_2293 = arith.constant 0 : i32
      %dma_start3A_2294 = arith.constant 0 : i32
      %dma_start3A_2295 = tpu.memref_slice %arg9[%dma_start3A_2293, %dma_start3A_2294] : memref<5120x128xf32, #tpu.memory_space<vmem_shared>> -> memref<5120x128xf32, #tpu.memory_space<vmem_shared>>
      tpu.enqueue_indirect_dma source(%arg8 : memref<16x128xf32, #tpu.memory_space<vmem>>) target(%dma_start3A_2295 : memref<5120x128xf32, #tpu.memory_space<vmem_shared>>) offsets(%get3A_2292 : vector<16xi32>) semaphore(%arg14 : memref<!tpu.dma_semaphore, #tpu.memory_space<semaphore_mem>>) {add = true}
      %get3A_2296 = arith.constant 7 : i32
      %get3A_2297 = arith.index_cast %get3A_2296 : i32 to index
      %get3A_2298 = arith.constant 48 : index
      %get3A_2299 = tpu.vector_load %arg6[%get3A_2297, %get3A_2298] {strides = array<i32>} : memref<8x128xi32, #tpu.memory_space<vmem>>, vector<1x16xi32>,
      %get3A_2300 = vector.shape_cast %get3A_2299 : vector<1x16xi32> to vector<16xi32>
      %dma_wait3A_2301 = arith.constant 0 : i32
      %dma_wait3A_2302 = arith.constant 0 : i32
      %dma_wait3A_2303 = tpu.memref_slice %arg9[%dma_wait3A_2301, %dma_wait3A_2302] : memref<5120x128xf32, #tpu.memory_space<vmem_shared>> -> memref<5120x128xf32, #tpu.memory_space<vmem_shared>>
      tpu.wait_indirect_dma semaphore(%arg13 : memref<!tpu.dma_semaphore, #tpu.memory_space<semaphore_mem>>) src(%arg7 : memref<16x128xf32, #tpu.memory_space<vmem>>) dst(%dma_wait3A_2303 : memref<5120x128xf32, #tpu.memory_space<vmem_shared>>)
      %get3A_2304 = arith.constant 7 : i32
      %get3A_2305 = arith.index_cast %get3A_2304 : i32 to index
      %get3A_2306 = arith.constant 64 : index
      %get3A_2307 = tpu.vector_load %arg6[%get3A_2305, %get3A_2306] {strides = array<i32>} : memref<8x128xi32, #tpu.memory_space<vmem>>, vector<1x16xi32>,
      %get3A_2308 = vector.shape_cast %get3A_2307 : vector<1x16xi32> to vector<16xi32>
      %dma_start3A_2309 = arith.constant 0 : i32
      %dma_start3A_2310 = arith.constant 0 : i32
      %dma_start3A_2311 = tpu.memref_slice %arg10[%dma_start3A_2309, %dma_start3A_2310] : memref<10112x128xf32, #tpu.memory_space<vmem_shared>> -> memref<10112x128xf32, #tpu.memory_space<vmem_shared>>
      tpu.enqueue_indirect_dma source(%dma_start3A_2311 : memref<10112x128xf32, #tpu.memory_space<vmem_shared>>) target(%arg7 : memref<16x128xf32, #tpu.memory_space<vmem>>) offsets(%get3A_2308 : vector<16xi32>) semaphore(%arg11 : memref<!tpu.dma_semaphore, #tpu.memory_space<semaphore_mem>>)
      %get3A_2312 = arith.constant 7 : i32
      %get3A_2313 = arith.index_cast %get3A_2312 : i32 to index
      %get3A_2314 = arith.constant 64 : index
      %get3A_2315 = tpu.vector_load %arg6[%get3A_2313, %get3A_2314] {strides = array<i32>} : memref<8x128xi32, #tpu.memory_space<vmem>>, vector<1x16xi32>,
      %get3A_2316 = vector.shape_cast %get3A_2315 : vector<1x16xi32> to vector<16xi32>
      %dma_wait3A_2317 = arith.constant 0 : i32
      %dma_wait3A_2318 = arith.constant 0 : i32
      %dma_wait3A_2319 = tpu.memref_slice %arg10[%dma_wait3A_2317, %dma_wait3A_2318] : memref<10112x128xf32, #tpu.memory_space<vmem_shared>> -> memref<10112x128xf32, #tpu.memory_space<vmem_shared>>
      tpu.wait_indirect_dma semaphore(%arg11 : memref<!tpu.dma_semaphore, #tpu.memory_space<semaphore_mem>>) src(%dma_wait3A_2319 : memref<10112x128xf32, #tpu.memory_space<vmem_shared>>) dst(%arg7 : memref<16x128xf32, #tpu.memory_space<vmem>>)
      %get3A_2320 = arith.constant 7 : i32
      %get3A_2321 = arith.index_cast %get3A_2320 : i32 to index
      %get3A_2322 = arith.constant 80 : index
      %get3A_2323 = tpu.vector_load %arg6[%get3A_2321, %get3A_2322] {strides = array<i32>} : memref<8x128xi32, #tpu.memory_space<vmem>>, vector<1x16xi32>,
      %get3A_2324 = vector.shape_cast %get3A_2323 : vector<1x16xi32> to vector<16xi32>
      %dma_start3A_2325 = arith.constant 0 : i32
      %dma_start3A_2326 = arith.constant 0 : i32
      %dma_start3A_2327 = tpu.memref_slice %arg9[%dma_start3A_2325, %dma_start3A_2326] : memref<5120x128xf32, #tpu.memory_space<vmem_shared>> -> memref<5120x128xf32, #tpu.memory_space<vmem_shared>>
      tpu.enqueue_indirect_dma source(%arg7 : memref<16x128xf32, #tpu.memory_space<vmem>>) target(%dma_start3A_2327 : memref<5120x128xf32, #tpu.memory_space<vmem_shared>>) offsets(%get3A_2324 : vector<16xi32>) semaphore(%arg13 : memref<!tpu.dma_semaphore, #tpu.memory_space<semaphore_mem>>) {add = true}
      %get3A_2328 = arith.constant 7 : i32
      %get3A_2329 = arith.index_cast %get3A_2328 : i32 to index
      %get3A_2330 = arith.constant 80 : index
      %get3A_2331 = tpu.vector_load %arg6[%get3A_2329, %get3A_2330] {strides = array<i32>} : memref<8x128xi32, #tpu.memory_space<vmem>>, vector<1x16xi32>,
      %get3A_2332 = vector.shape_cast %get3A_2331 : vector<1x16xi32> to vector<16xi32>
      %dma_wait3A_2333 = arith.constant 0 : i32
      %dma_wait3A_2334 = arith.constant 0 : i32
      %dma_wait3A_2335 = tpu.memref_slice %arg9[%dma_wait3A_2333, %dma_wait3A_2334] : memref<5120x128xf32, #tpu.memory_space<vmem_shared>> -> memref<5120x128xf32, #tpu.memory_space<vmem_shared>>
      tpu.wait_indirect_dma semaphore(%arg14 : memref<!tpu.dma_semaphore, #tpu.memory_space<semaphore_mem>>) src(%arg8 : memref<16x128xf32, #tpu.memory_space<vmem>>) dst(%dma_wait3A_2335 : memref<5120x128xf32, #tpu.memory_space<vmem_shared>>)
      %get3A_2336 = arith.constant 7 : i32
      %get3A_2337 = arith.index_cast %get3A_2336 : i32 to index
      %get3A_2338 = arith.constant 96 : index
      %get3A_2339 = tpu.vector_load %arg6[%get3A_2337, %get3A_2338] {strides = array<i32>} : memref<8x128xi32, #tpu.memory_space<vmem>>, vector<1x16xi32>,
      %get3A_2340 = vector.shape_cast %get3A_2339 : vector<1x16xi32> to vector<16xi32>
      %dma_start3A_2341 = arith.constant 0 : i32
      %dma_start3A_2342 = arith.constant 0 : i32
      %dma_start3A_2343 = tpu.memref_slice %arg10[%dma_start3A_2341, %dma_start3A_2342] : memref<10112x128xf32, #tpu.memory_space<vmem_shared>> -> memref<10112x128xf32, #tpu.memory_space<vmem_shared>>
      tpu.enqueue_indirect_dma source(%dma_start3A_2343 : memref<10112x128xf32, #tpu.memory_space<vmem_shared>>) target(%arg8 : memref<16x128xf32, #tpu.memory_space<vmem>>) offsets(%get3A_2340 : vector<16xi32>) semaphore(%arg12 : memref<!tpu.dma_semaphore, #tpu.memory_space<semaphore_mem>>)
      %get3A_2344 = arith.constant 7 : i32
      %get3A_2345 = arith.index_cast %get3A_2344 : i32 to index
      %get3A_2346 = arith.constant 96 : index
      %get3A_2347 = tpu.vector_load %arg6[%get3A_2345, %get3A_2346] {strides = array<i32>} : memref<8x128xi32, #tpu.memory_space<vmem>>, vector<1x16xi32>,
      %get3A_2348 = vector.shape_cast %get3A_2347 : vector<1x16xi32> to vector<16xi32>
      %dma_wait3A_2349 = arith.constant 0 : i32
      %dma_wait3A_2350 = arith.constant 0 : i32
      %dma_wait3A_2351 = tpu.memref_slice %arg10[%dma_wait3A_2349, %dma_wait3A_2350] : memref<10112x128xf32, #tpu.memory_space<vmem_shared>> -> memref<10112x128xf32, #tpu.memory_space<vmem_shared>>
      tpu.wait_indirect_dma semaphore(%arg12 : memref<!tpu.dma_semaphore, #tpu.memory_space<semaphore_mem>>) src(%dma_wait3A_2351 : memref<10112x128xf32, #tpu.memory_space<vmem_shared>>) dst(%arg8 : memref<16x128xf32, #tpu.memory_space<vmem>>)
      %get3A_2352 = arith.constant 7 : i32
      %get3A_2353 = arith.index_cast %get3A_2352 : i32 to index
      %get3A_2354 = arith.constant 112 : index
      %get3A_2355 = tpu.vector_load %arg6[%get3A_2353, %get3A_2354] {strides = array<i32>} : memref<8x128xi32, #tpu.memory_space<vmem>>, vector<1x16xi32>,
      %get3A_2356 = vector.shape_cast %get3A_2355 : vector<1x16xi32> to vector<16xi32>
      %dma_start3A_2357 = arith.constant 0 : i32
      %dma_start3A_2358 = arith.constant 0 : i32
      %dma_start3A_2359 = tpu.memref_slice %arg9[%dma_start3A_2357, %dma_start3A_2358] : memref<5120x128xf32, #tpu.memory_space<vmem_shared>> -> memref<5120x128xf32, #tpu.memory_space<vmem_shared>>
      tpu.enqueue_indirect_dma source(%arg8 : memref<16x128xf32, #tpu.memory_space<vmem>>) target(%dma_start3A_2359 : memref<5120x128xf32, #tpu.memory_space<vmem_shared>>) offsets(%get3A_2356 : vector<16xi32>) semaphore(%arg14 : memref<!tpu.dma_semaphore, #tpu.memory_space<semaphore_mem>>) {add = true}
      %get3A_2360 = arith.constant 7 : i32
      %get3A_2361 = arith.index_cast %get3A_2360 : i32 to index
      %get3A_2362 = arith.constant 112 : index
      %get3A_2363 = tpu.vector_load %arg6[%get3A_2361, %get3A_2362] {strides = array<i32>} : memref<8x128xi32, #tpu.memory_space<vmem>>, vector<1x16xi32>,
      %get3A_2364 = vector.shape_cast %get3A_2363 : vector<1x16xi32> to vector<16xi32>
      %dma_wait3A_2365 = arith.constant 0 : i32
      %dma_wait3A_2366 = arith.constant 0 : i32
      %dma_wait3A_2367 = tpu.memref_slice %arg9[%dma_wait3A_2365, %dma_wait3A_2366] : memref<5120x128xf32, #tpu.memory_space<vmem_shared>> -> memref<5120x128xf32, #tpu.memory_space<vmem_shared>>
      tpu.wait_indirect_dma semaphore(%arg13 : memref<!tpu.dma_semaphore, #tpu.memory_space<semaphore_mem>>) src(%arg7 : memref<16x128xf32, #tpu.memory_space<vmem>>) dst(%dma_wait3A_2367 : memref<5120x128xf32, #tpu.memory_space<vmem_shared>>)
      %add3A_2368 = arith.constant 1 : i32
      %add3A_2369 = arith.addi %add3A_1341, %add3A_2368 : i32
      %dma_wait3A_2370 = arith.constant 0 : i32
      %dma_wait3A_2371 = arith.constant 0 : i32
      %dma_wait3A_2372 = tpu.memref_slice %arg2[%add3A, %add3A_2369, %dma_wait3A_2370, %dma_wait3A_2371] : memref<32x41x8x128xi32, #tpu.memory_space<hbm>> -> memref<1x1x8x128xi32, #tpu.memory_space<hbm>>
      %dma_wait3A_2373 = tpu.memref_squeeze %dma_wait3A_2372 : memref<1x1x8x128xi32, #tpu.memory_space<hbm>> -> memref<8x128xi32, #tpu.memory_space<hbm>>
      %dma_wait3A_2374 = arith.constant 0 : i32
      %dma_wait3A_2375 = arith.constant 0 : i32
      %dma_wait3A_2376 = tpu.memref_slice %arg2[%add3A, %add3A_2369, %dma_wait3A_2374, %dma_wait3A_2375] : memref<32x41x8x128xi32, #tpu.memory_space<hbm>> -> memref<1x1x8x128xi32, #tpu.memory_space<hbm>>
      %dma_wait3A_2377 = tpu.memref_squeeze %dma_wait3A_2376 : memref<1x1x8x128xi32, #tpu.memory_space<hbm>> -> memref<8x128xi32, #tpu.memory_space<hbm>>
      tpu.wait_dma2 semaphore(%arg15 : memref<!tpu.dma_semaphore, #tpu.memory_space<semaphore_mem>>) src(%dma_wait3A_2377 : memref<8x128xi32, #tpu.memory_space<hbm>>) dst(%arg5 : memref<8x128xi32, #tpu.memory_space<vmem>>)
      %get3A_2378 = arith.constant 0 : i32
      %get3A_2379 = arith.index_cast %get3A_2378 : i32 to index
      %get3A_2380 = arith.constant 0 : index
      %get3A_2381 = tpu.vector_load %arg5[%get3A_2379, %get3A_2380] {strides = array<i32>} : memref<8x128xi32, #tpu.memory_space<vmem>>, vector<1x16xi32>,
      %get3A_2382 = vector.shape_cast %get3A_2381 : vector<1x16xi32> to vector<16xi32>
      %dma_start3A_2383 = arith.constant 0 : i32
      %dma_start3A_2384 = arith.constant 0 : i32
      %dma_start3A_2385 = tpu.memref_slice %arg10[%dma_start3A_2383, %dma_start3A_2384] : memref<10112x128xf32, #tpu.memory_space<vmem_shared>> -> memref<10112x128xf32, #tpu.memory_space<vmem_shared>>
      tpu.enqueue_indirect_dma source(%dma_start3A_2385 : memref<10112x128xf32, #tpu.memory_space<vmem_shared>>) target(%arg7 : memref<16x128xf32, #tpu.memory_space<vmem>>) offsets(%get3A_2382 : vector<16xi32>) semaphore(%arg11 : memref<!tpu.dma_semaphore, #tpu.memory_space<semaphore_mem>>)
    }
    %scan3A_269 = arith.constant 20 : i32
    %get3A_270 = arith.constant 0 : i32
    %get3A_271 = arith.index_cast %get3A_270 : i32 to index
    %get3A_272 = arith.constant 0 : index
    %get3A_273 = tpu.vector_load %arg5[%get3A_271, %get3A_272] {strides = array<i32>} : memref<8x128xi32, #tpu.memory_space<vmem>>, vector<1x16xi32>,
    %get3A_274 = vector.shape_cast %get3A_273 : vector<1x16xi32> to vector<16xi32>
    %dma_wait3A_275 = arith.constant 0 : i32
    %dma_wait3A_276 = arith.constant 0 : i32
    %dma_wait3A_277 = tpu.memref_slice %arg10[%dma_wait3A_275, %dma_wait3A_276] : memref<10112x128xf32, #tpu.memory_space<vmem_shared>> -> memref<10112x128xf32, #tpu.memory_space<vmem_shared>>
    tpu.wait_indirect_dma semaphore(%arg11 : memref<!tpu.dma_semaphore, #tpu.memory_space<semaphore_mem>>) src(%dma_wait3A_277 : memref<10112x128xf32, #tpu.memory_space<vmem_shared>>) dst(%arg7 : memref<16x128xf32, #tpu.memory_space<vmem>>)
    %get3A_278 = arith.constant 0 : i32
    %get3A_279 = arith.index_cast %get3A_278 : i32 to index
    %get3A_280 = arith.constant 16 : index
    %get3A_281 = tpu.vector_load %arg5[%get3A_279, %get3A_280] {strides = array<i32>} : memref<8x128xi32, #tpu.memory_space<vmem>>, vector<1x16xi32>,
    %get3A_282 = vector.shape_cast %get3A_281 : vector<1x16xi32> to vector<16xi32>
    %dma_wait3A_283 = arith.constant 0 : i32
    %dma_wait3A_284 = arith.constant 0 : i32
    %dma_wait3A_285 = tpu.memref_slice %arg9[%dma_wait3A_283, %dma_wait3A_284] : memref<5120x128xf32, #tpu.memory_space<vmem_shared>> -> memref<5120x128xf32, #tpu.memory_space<vmem_shared>>
    tpu.wait_indirect_dma semaphore(%arg14 : memref<!tpu.dma_semaphore, #tpu.memory_space<semaphore_mem>>) src(%arg8 : memref<16x128xf32, #tpu.memory_space<vmem>>) dst(%dma_wait3A_285 : memref<5120x128xf32, #tpu.memory_space<vmem_shared>>)
    %barrier3A_286 = arith.constant 0 : index
    tpu.barrier barrier_id(%barrier3A_286)
    %mul3A_287 = arith.constant 320 : i32
    %mul3A_288 = arith.muli %arg1, %mul3A_287 : i32
    "tpu.region"() ({
      %run_scoped3A_289 = tpu.sem_alloc : memref<!tpu.dma_semaphore, #tpu.memory_space<semaphore_mem>>
      %dma_start3A_290 = arith.constant 0 : i32
      %dma_start3A_291 = arith.constant 0 : i32
      %dma_start3A_292 = tpu.memref_slice %arg4[%arg0, %arg1, %dma_start3A_290, %dma_start3A_291] : memref<2x16x320x128xf32, #tpu.memory_space<hbm>> -> memref<1x1x320x128xf32, #tpu.memory_space<hbm>>
      %dma_start3A_293 = tpu.memref_squeeze %dma_start3A_292 : memref<1x1x320x128xf32, #tpu.memory_space<hbm>> -> memref<320x128xf32, #tpu.memory_space<hbm>>
      %dma_start3A_294 = arith.constant 0 : i32
      %dma_start3A_295 = tpu.memref_slice %arg9[%mul3A_288, %dma_start3A_294] : memref<5120x128xf32, #tpu.memory_space<vmem_shared>> -> memref<320x128xf32, #tpu.memory_space<vmem_shared>>
      tpu.enqueue_dma source(%dma_start3A_295 : memref<320x128xf32, #tpu.memory_space<vmem_shared>>) target(%dma_start3A_293 : memref<320x128xf32, #tpu.memory_space<hbm>>) target_semaphore(%run_scoped3A_289 : memref<!tpu.dma_semaphore, #tpu.memory_space<semaphore_mem>>)
      %dma_wait3A_296 = arith.constant 0 : i32
      %dma_wait3A_297 = arith.constant 0 : i32
      %dma_wait3A_298 = tpu.memref_slice %arg4[%arg0, %arg1, %dma_wait3A_296, %dma_wait3A_297] : memref<2x16x320x128xf32, #tpu.memory_space<hbm>> -> memref<1x1x320x128xf32, #tpu.memory_space<hbm>>
      %dma_wait3A_299 = tpu.memref_squeeze %dma_wait3A_298 : memref<1x1x320x128xf32, #tpu.memory_space<hbm>> -> memref<320x128xf32, #tpu.memory_space<hbm>>
      %dma_wait3A_300 = arith.constant 0 : i32
      %dma_wait3A_301 = tpu.memref_slice %arg9[%mul3A_288, %dma_wait3A_300] : memref<5120x128xf32, #tpu.memory_space<vmem_shared>> -> memref<320x128xf32, #tpu.memory_space<vmem_shared>>
      tpu.wait_dma2 semaphore(%run_scoped3A_289 : memref<!tpu.dma_semaphore, #tpu.memory_space<semaphore_mem>>) src(%dma_wait3A_301 : memref<320x128xf32, #tpu.memory_space<vmem_shared>>) dst(%dma_wait3A_299 : memref<320x128xf32, #tpu.memory_space<hbm>>)
      tpu.yield
    }) : () -> ()
    return
  }
}

module attributes {stable_mosaic.version = 14 : i64} {
  func.func @_combine_body(%arg0: i32, %arg1: memref<1x1000x128xf32, #tpu.memory_space<vmem>>, %arg2: memref<128x128xf32, #tpu.memory_space<vmem>>, %arg3: memref<1000x128xf32, #tpu.memory_space<vmem>>) attributes {dimension_semantics = [#tpu.dimension_semantics<arbitrary>], iteration_bounds = array<i64: 10>, scalar_prefetch = 0 : i64, scratch_operands = 0 : i64, tpu.core_type = #tpu.core_type<tc>, window_params = [{transform_indices = @transform_0, window_bounds = array<i64: 1, 1000, 128>}, {pipeline_mode = #tpu.pipeline_mode<synchronous>, transform_indices = @transform_1, window_bounds = array<i64: 128, 128>}, {transform_indices = @transform_2, window_bounds = array<i64: 1000, 128>}]} {
    %get3A = arith.constant 0 : index
    %get3A_0 = arith.constant 0 : index
    %get3A_1 = arith.constant 0 : index
    %get3A_2 = vector.load %arg1[%get3A, %get3A_0, %get3A_1] : memref<1x1000x128xf32, #tpu.memory_space<vmem>>, vector<1x1000x128xf32>
    %get3A_3 = vector.shape_cast %get3A_2 : vector<1x1000x128xf32> to vector<1000x128xf32>
    %get3A_4 = arith.constant 0 : index
    %get3A_5 = arith.constant 0 : index
    %get3A_6 = vector.load %arg2[%get3A_4, %get3A_5] : memref<128x128xf32, #tpu.memory_space<vmem>>, vector<128x128xf32>
    %dot_general3A = arith.constant dense<0.000000e+00> : vector<1000x128xf32>
    %dot_general3A_7 = tpu.matmul %get3A_3, %get3A_6, %dot_general3A {dimension_numbers = #tpu.dot_dimension_numbers<[1], [0], [0], [1], [0, 0, 1, 1], [], []>, transpose_lhs_hint = false} : vector<1000x128xf32>, vector<128x128xf32>, vector<1000x128xf32> -> vector<1000x128xf32>
    %gt3A = arith.constant 0.000000e+00 : f32
    %gt3A_8 = vector.broadcast %gt3A : f32 to vector<1000x128xf32>
    %gt3A_9 = arith.cmpf ogt, %dot_general3A_7, %gt3A_8 : vector<1000x128xf32>
    %exp3A = math.exp %dot_general3A_7 : vector<1000x128xf32>
    %sub3A = arith.constant 1.000000e+00 : f32
    %sub3A_10 = vector.broadcast %sub3A : f32 to vector<1000x128xf32>
    %sub3A_11 = arith.subf %exp3A, %sub3A_10 : vector<1000x128xf32>
    %select_n3A = arith.select %gt3A_9, %dot_general3A_7, %sub3A_11 : vector<1000x128xi1>, vector<1000x128xf32>
    %swap3A = arith.constant 0 : index
    %swap3A_12 = arith.constant 0 : index
    %swap3A_13 = vector.load %arg3[%swap3A, %swap3A_12] : memref<1000x128xf32, #tpu.memory_space<vmem>>, vector<1000x128xf32>
    tpu.vector_store %arg3[%swap3A, %swap3A_12], %select_n3A {strides = array<i32>} : memref<1000x128xf32, #tpu.memory_space<vmem>>, vector<1000x128xf32>,
    return
  }
  func.func @transform_0(%arg0: i32) -> (i32, i32, i32) {
    %jit3A = arith.constant 5 : i32
    %div3A = arith.divsi %arg0, %jit3A : i32
    %sign3A = arith.constant 0 : i32
    %sign3A_0 = arith.cmpi sgt, %arg0, %sign3A : i32
    %sign3A_1 = arith.extui %sign3A_0 : i1 to i32
    %sign3A_2 = arith.constant 0 : i32
    %sign3A_3 = arith.cmpi slt, %arg0, %sign3A_2 : i32
    %sign3A_4 = arith.extui %sign3A_3 : i1 to i32
    %sign3A_5 = arith.subi %sign3A_1, %sign3A_4 : i32
    %sign3A_6 = arith.constant 0 : i32
    %sign3A_7 = arith.cmpi sgt, %jit3A, %sign3A_6 : i32
    %sign3A_8 = arith.extui %sign3A_7 : i1 to i32
    %sign3A_9 = arith.constant 0 : i32
    %sign3A_10 = arith.cmpi slt, %jit3A, %sign3A_9 : i32
    %sign3A_11 = arith.extui %sign3A_10 : i1 to i32
    %sign3A_12 = arith.subi %sign3A_8, %sign3A_11 : i32
    %ne3A = arith.cmpi ne, %sign3A_5, %sign3A_12 : i32
    %rem3A = arith.remsi %arg0, %jit3A : i32
    %ne3A_13 = arith.constant 0 : i32
    %ne3A_14 = arith.cmpi ne, %rem3A, %ne3A_13 : i32
    %and3A = arith.andi %ne3A, %ne3A_14 : i1
    %sub3A = arith.constant 1 : i32
    %sub3A_15 = arith.subi %div3A, %sub3A : i32
    %select_n3A = arith.select %and3A, %sub3A_15, %div3A : i32
    %jit3A_16 = arith.constant 5 : i32
    %eq3A = arith.constant 0 : i32
    %eq3A_17 = arith.cmpi eq, %jit3A_16, %eq3A : i32
    %jit3A_18 = arith.constant 1 : i32
    %select_n3A_19 = arith.select %eq3A_17, %jit3A_18, %jit3A_16 : i32
    %rem3A_20 = arith.remsi %arg0, %select_n3A_19 : i32
    %ne3A_21 = arith.constant 0 : i32
    %ne3A_22 = arith.cmpi ne, %rem3A_20, %ne3A_21 : i32
    %lt3A = arith.constant 0 : i32
    %lt3A_23 = arith.cmpi slt, %rem3A_20, %lt3A : i32
    %lt3A_24 = arith.constant 0 : i32
    %lt3A_25 = arith.cmpi slt, %select_n3A_19, %lt3A_24 : i32
    %ne3A_26 = arith.xori %lt3A_23, %lt3A_25 : i1
    %and3A_27 = arith.andi %ne3A_26, %ne3A_22 : i1
    %add3A = arith.addi %rem3A_20, %select_n3A_19 : i32
    %select_n3A_28 = arith.select %and3A_27, %add3A, %rem3A_20 : i32
    %c0_i32 = arith.constant 0 : i32
    %c0_i32_29 = arith.constant 0 : i32
    return %select_n3A, %select_n3A_28, %c0_i32 : i32, i32, i32
  }
  func.func @transform_1(%arg0: i32) -> (i32, i32) {
    %c0_i32 = arith.constant 0 : i32
    %c0_i32_0 = arith.constant 0 : i32
    %c0_i32_1 = arith.constant 0 : i32
    return %c0_i32, %c0_i32_0 : i32, i32
  }
  func.func @transform_2(%arg0: i32) -> (i32, i32) {
    %c0_i32 = arith.constant 0 : i32
    %c0_i32_0 = arith.constant 0 : i32
    return %arg0, %c0_i32 : i32, i32
  }
}

</mosaic_0001>

<sc_bundles>
// kernel: kernel.4.cloned.1.call-start
scs
__scs_entry_jumppad:
0x0: {  	(pc) =	sbr.rel $0x88, $3  }
0x1: {  	(tag) =	ssettag $0x0;
	lr =	simm.s32 $0x1  }
0x2: {  	[smem:$0x3F9E] =	sst lr;
	_ =	strace $0xD0000000  }
0x3: {  	_ = 	snop  }
0x4: {  	_ = 	snop  }
0x5: {  	_ = 	snop  }
0x6: {  	_ = 	snop  }
0x7: {  	_ = 	snop  }
__scs_overlays_trampoline_lowered:
0x8: {  	[smem:$0x3FAD] =	sst s0  }
0x9: {  	[smem:$0x3FAE] =	sst s1  }
0xa: {  	[smem:$0x3FAF] =	sst s2  }
0xb: {  	[smem:$0x3FB0] =	sst s3  }
0xc: {  	[smem:$0x3FB1] =	sst s4  }
0xd: {  	[smem:$0x3FB2] =	sst s5  }
0xe: {  	[smem:$0x3FB3] =	sst s6  }
0xf: {  	[smem:$0x3FB4] =	sst s7  }
0x10: {  	[smem:$0x3FB5] =	sst s8  }
0x11: {  	[smem:$0x3FB6] =	sst s9;
	s0 =	simm.s32 @!p0 $0x0  }
0x12: {  	s1 =	sld [smem:$0x3F9C];
	s0 =	simm.s32 @p0 $0x1  }
0x13: {  	[smem:$0x3FB7] =	sst s0;
	s0 =	simm.s32 @!p1 $0x0  }
0x14: {  	s2 =	sld [smem:$0x3F9B];
	s0 =	simm.s32 @p1 $0x1  }
0x15: {  	[smem:$0x3FB8] =	sst s0;
	s0 =	simm.s32 @!p2 $0x0  }
0x16: {  	s3 =	sld [smem:$0x3FDB];
	s0 =	simm.s32 @p2 $0x1  }
0x17: {  	s4 =	simm.s32 $0x1BF5;
	[smem:$0x3FBA] =	sst s0  }
0x18: {  	s0 =	sld [smem:$0x3F9D];
	_ =	swait.ge [sflag:s4], $0x0  }
0x19: {  	s7 =	sld [smem:$0x3F9E]  }
0x1a: {  	s8 =	sadd.s32 $0xFFFFE003, lr  }
0x1b: {  	s9 =	sadd.s32 $0xFFFFFEF7, lr;
	s5 =	simm.s32 $0xFFFFFFFF;
	p2 =	slt.u32 s8, $0xFFFFF086  }
0x1c: {  	p1 =	slt.u32 s9, $0xF7A;
	s5 =	simm.s32 @!p2 $0x0  }
0x1d: {  	s5 =	simm.s32 @p1 $0x1;
	p0 =	seq.s32 s7, s2  }
0x1e: {  	s7 =	smul.u32 @!p0 $0xF7A, s2;
	p2 =	seq.s32 @!p0 s5, $0x0  }
0x1f: {  	s9 =	smul.u32 $0xF7A, s1;
	s8 =	simm.s32 @!p0 $0x1BF5;
	p2 =	por !p2, p0  }
0x20: {  	[sflag:s8] =	ssyncset.s32 @!p0 $0xFFFFF086;
	s6 =	sadd.s32 @!p0 s3, s7;
	s7 =	simm.s32 @!p0 $0x108  }
0x21: {  	s3 =	sadd.s32 s3, s9;
	s6 =	sadd.s32 @!p0 $0x88, s6;
	s7 =	simm.s32 @p2 $0x1082  }
0x22: {  	[simem:s7], [sflag:s8] =	dma.local @!p0 [hbm:s6], $0xF7A  }
0x23: {  	s9 =	sor.u32 $0xD0000000, s2;
	s6 =	simm.s32 $0x108;
	_ =	swait.ge @!p0 [sflag:s8], $0x0  }
0x24: {  	s3 =	sadd.s32 $0x88, s3;
	s6 =	simm.s32 @!p1 $0x1082;
	[sflag:s4] =	ssyncset.s32 $0xFFFFF086  }
0x25: {  	[simem:s6], [sflag:s4] =	dma.local [hbm:s3], $0xF7A  }
0x26: {  	[smem:$0x3F9E] =	sst s1;
	(tag) =	ssettag s2;
	_ =	strace s9  }
0x27: {  	s1 =	sld [smem:$0x3FAE]  }
0x28: {  	s2 =	sld [smem:$0x3FAF]  }
0x29: {  	s4 =	sld [smem:$0x3FB1]  }
0x2a: {  	p0 =	seq.s32 s5, $0x0;
	s5 =	sld [smem:$0x3FB2]  }
0x2b: {  	s6 =	sld [smem:$0x3FB3]  }
0x2c: {  	s7 =	sld [smem:$0x3FB4]  }
0x2d: {  	s3 =	simm.s32 $0x108;
	s8 =	sld [smem:$0x3FB5]  }
0x2e: {  	s3 =	simm.s32 @!p0 $0x1082;
	s9 =	sld [smem:$0x3FB6]  }
0x2f: {  	lr =	sadd.s32 s0, s3;
	s0 =	sld [smem:$0x3FAD]  }
0x30: {  	s3 =	sld [smem:$0x3FB0]  }
0x31: {  	[smem:$0x3FB9] =	sst s10  }
0x32: {  	s10 =	sld [smem:$0x3FB7];
	_ =	sdelay $0x3  }
0x33: {  	p0 =	seq.s32 s10, $0x1;
	s10 =	sld [smem:$0x3FB9];
	_ =	sdelay $0x3  }
0x34: {  	[smem:$0x3FB9] =	sst s10  }
0x35: {  	s10 =	sld [smem:$0x3FB8];
	_ =	sdelay $0x3  }
0x36: {  	p1 =	seq.s32 s10, $0x1;
	s10 =	sld [smem:$0x3FB9];
	_ =	sdelay $0x3  }
0x37: {  	[smem:$0x3FB9] =	sst s10  }
0x38: {  	s10 =	sld [smem:$0x3FBA]  }
0x39: {  	_ = 	snop;
	(pc) =	sbr.ind lr, $3  }
0x3a: {  	_ = 	snop  }
0x3b: {  	_ = 	snop  }
0x3c: {  	p2 =	seq.s32 s10, $0x1;
	s10 =	sld [smem:$0x3FB9]  }
0x3d: {  	_ =	shalt  }
0x3e: {  	_ =	shalt  }
0x3f: {  	_ =	shalt  }
0x40: {  	_ =	shalt  }
0x41: {  	_ =	shalt  }
0x42: {  	_ =	shalt  }
0x43: {  	_ =	shalt  }
0x44: {  	_ =	shalt  }
0x45: {  	_ =	shalt  }
0x46: {  	_ =	shalt  }
0x47: {  	_ =	shalt  }
0x48: {  	_ =	shalt  }
0x49: {  	_ =	shalt  }
0x4a: {  	_ =	shalt  }
0x4b: {  	_ =	shalt  }
0x4c: {  	_ =	shalt  }
0x4d: {  	_ =	shalt  }
0x4e: {  	_ =	shalt  }
0x4f: {  	_ =	shalt  }
0x50: {  	_ =	shalt  }
0x51: {  	_ =	shalt  }
0x52: {  	_ =	shalt  }
0x53: {  	_ =	shalt  }
0x54: {  	_ =	shalt  }
0x55: {  	_ =	shalt  }
0x56: {  	_ =	shalt  }
0x57: {  	_ =	shalt  }
0x58: {  	_ =	shalt  }
0x59: {  	_ =	shalt  }
0x5a: {  	_ =	shalt  }
0x5b: {  	_ =	shalt  }
0x5c: {  	_ =	shalt  }
0x5d: {  	_ =	shalt  }
0x5e: {  	_ =	shalt  }
0x5f: {  	_ =	shalt  }
0x60: {  	_ =	shalt  }
0x61: {  	_ =	shalt  }
0x62: {  	_ =	shalt  }
0x63: {  	_ =	shalt  }
0x64: {  	_ =	shalt  }
0x65: {  	_ =	shalt  }
0x66: {  	_ =	shalt  }
0x67: {  	_ =	shalt  }
0x68: {  	_ =	shalt  }
0x69: {  	_ =	shalt  }
0x6a: {  	_ =	shalt  }
0x6b: {  	_ =	shalt  }
0x6c: {  	_ =	shalt  }
0x6d: {  	_ =	shalt  }
0x6e: {  	_ =	shalt  }
0x6f: {  	_ =	shalt  }
0x70: {  	_ =	shalt  }
0x71: {  	_ =	shalt  }
0x72: {  	_ =	shalt  }
0x73: {  	_ =	shalt  }
0x74: {  	_ =	shalt  }
0x75: {  	_ =	shalt  }
0x76: {  	_ =	shalt  }
0x77: {  	_ =	shalt  }
0x78: {  	_ =	shalt  }
0x79: {  	_ =	shalt  }
0x7a: {  	_ =	shalt  }
0x7b: {  	_ =	shalt  }
0x7c: {  	_ =	shalt  }
0x7d: {  	_ =	shalt  }
0x7e: {  	_ =	shalt  }
0x7f: {  	_ =	shalt  }
0x80: {  	_ =	shalt  }
0x81: {  	_ =	shalt  }
0x82: {  	_ =	shalt  }
0x83: {  	_ =	shalt  }
0x84: {  	_ =	shalt  }
0x85: {  	_ =	shalt  }
0x86: {  	_ =	shalt  }
0x87: {  	_ =	shalt  }
.Lfunc_end0:
.L_simem_size_0:
called_computation_lowered:
.L_overlay_start_0:
0x88: {  	s2 =	sld [smem:$0x3FD9]  }
0x89: {  	s3 =	sld [smem:$0x3FFE];
	_ =	sdelay $0x1  }
0x8a: {  	s1 =	srdreg.scid  }
0x8b: {  	s0 =	sand.u32 $0x1, s1  }
0x8c: {  	s16 =	sshll.u32 s0, $0xA;
	s2 =	sadd.s32 s3, s2  }
0x8d: {  	s2 =	sadd.s32 s2, s16  }
0x8e: {  	[smem:$0x3FC5] =	sst s2  }
0x8f: {  	_ = 	snop  }
0x90: {  	(tm) =	ssettm $0x1  }
0x91: {  	s17 =	sld [smem:$0x3FFB];
	_ =	sdelay $0x3  }
0x92: {  	_ =	strace s17  }
0x93: {  	s2 =	sld [smem:$0x3FFC];
	_ =	sdelay $0x3  }
0x94: {  	_ =	strace s2  }
0x95: {  	s2 =	sld [smem:$0x3FFD];
	_ =	sdelay $0x3  }
0x96: {  	_ =	strace s2  }
0x97: {  	_ =	strace $0x8FFFFFFF  }
0x98: {  	s18 =	sld [smem:$0x3FDB];
	_ =	sdelay $0x1  }
0x99: {  	s19 =	simm.s32 $_scs_section_size  }
0x9a: {  	s4 =	simm.s32 $_size__tile_overlayer_lowered;
	s5 =	simm.s32 $_tile_overlayer_lowered  }
0x9b: {  	s22 =	simm.s32 $0x1BFF;
	s21 =	sshll.u32 s5, $0x1;
	s2 =	sadd.s32 s19, s18  }
0x9c: {  	s6 =	simm.s32 $0x0;
	s20 =	sshll.u32 s4, $0x1;
	s4 =	sadd.s32 s21, s2  }
0x9d: {  	[timem:s6], [sflag:s22] =	dma.local [hbm:s4], s20  }
0x9e: {  	_ =	swait.ge [sflag:s22], s20  }
0x9f: {  	s3 =	ssub.s32 $0x0, s20;
	[sflag:s22] =	ssyncset.done $0x0  }
0xa0: {  	[sflag:s22] =	ssyncadd.s32 s3;
	_ =	sdelay $0x1  }
0xa1: {  	s23 =	simm.s32 $0x1B8B  }
0xa2: {  	_ =	swait.ge [sflag:s23], $0x1  }
0xa3: {  	[sflag:s23] =	ssyncset.done $0x0  }
0xa4: {  	s25 =	simm.s32 $0x1B8E;
	s24 =	sld [smem:$0x3FFE];
	[sflag:s23] =	ssyncadd.s32 $0xFFFFFFFF  }
0xa5: {  	s26 =	simm.s32 $execute0_lowered;
	[smem:$0x3FD2] =	sst s25  }
0xa6: {  	s4 =	sshll.u32 s26, $0x1;
	_ =	strace $0x80000046;
	[dreg:$0x1] =	wrdreg $0xFFFFFFFF  }
0xa7: {  	s28 =	simm.s32 $_size_execute0_lowered;
	s2 =	sadd.s32 s2, s4;
	[dreg:$0x0] =	wrdreg $0x0  }
0xa8: {  	s4 =	sshll.u32 s28, $0x1;
	[dreg:$0x2] =	wrdreg s2  }
0xa9: {  	[dreg:$0x3] =	wrdreg s4  }
0xaa: {  	[dreg:$0x4] =	wrdreg $0xC0  }
0xab: {  	_ =	task [dreg:s6], $0x5FFFF  }
0xac: {  	[dreg:$0x1] =	wrdreg $0xFFFFFFFF  }
0xad: {  	[dreg:$0x0] =	wrdreg $0x60  }
0xae: {  	[dreg:$0x2] =	wrdreg s24  }
0xaf: {  	[dreg:$0x3] =	wrdreg $0x18000  }
0xb0: {  	[dreg:$0x4] =	wrdreg $0xB8000  }
0xb1: {  	[dreg:$0x5] =	wrdreg $0x9  }
0xb2: {  	_ =	task.clear_ibuf [dreg:s6], $0x6FFFF;
	_ =	strace $0x90000046  }
0xb3: {  	s29 =	simm.s32 $0x9;
	_ =	strace $0x80000048  }
0xb4: {  	_ =	swait.ge [sflag:s29], $0x1  }
0xb5: {  	[sflag:s29] =	ssyncadd.s32 $0xFFFFFFFF  }
0xb6: {  	_ =	strace $0x90000048  }
0xb7: {  	_ =	sfence  }
0xb8: {  	s30 =	sld [smem:$0x0];
	_ =	sdelay $0x2  }
0xb9: {  	s31 =	sshll.u32 s1, $0xD;
	s1 =	sshrl.u32 s1, $0x2  }
0xba: {  	s3 =	sand.u32 $0x4000, s31;
	s1 =	sadd.s32 s1, s30  }
0xbb: {  	s0 =	sor.u32 s3, s0;
	s1 =	sshll.u32 s1, $0x11  }
0xbc: {  	s0 =	sor.u32 s1, s0  }
0xbd: {  	s0 =	sadd.s32 $0x8F2B, s0  }
0xbe: {  	[sflag:s0] =	ssyncadd.remote.s32 $0x1  }
0xbf: {  	_ =	sfence.sel $0xFFFF  }
0xc0: {  	[dreg:$0x0] =	wrdreg $0xFFFFFFFF;
	(pc) =	sbr.abs _section_cstart, $3  }
0xc1: {  	[dreg:$0x1] =	wrdreg $0xFFFFFFFF  }
0xc2: {  	_ =	task.clear_ibuf [dreg:s6], $0x2FFFF;
	_ =	strace $0x9FFFFFFF  }
0xc3: {  	(tm) =	ssettm $0x7FFFFFFF  }
tec
execute0_lowered:
.L_overlay_start_1:
0x0: {  	(tag) =	ssettag $0x1  }
0x1: {  	s0 =	rddreg [dreg:$0x0];
	s12 =	stileid.u32  }
0x2: {  	s2 =	rddreg [dreg:$0x1];
	s6 =	smul.u32 $0xA000, s12  }
0x3: {  	s1 =	srdreg.scid;
	s7 =	smul.u32 $0x2780, s12  }
0x4: {  	s3 =	rddreg [dreg:$0x2];
	s8 =	smul.u32 $0x28000, s12  }
0x5: {  	s4 =	simm.s32 $0x0;
	s1 =	sand.u32 $0x1, s1;
	s18 =	smul.u32 $0x4F000, s12  }
0x6: {  	[smem:$0x7FF] =	sst s4;
	s10 =	sshll.u32 s12, $0x1;
	s22 =	smul.u32 $0x14800, s12  }
0x7: {  	s23 =	sshll.u32 s12, $0x6;
	s12 =	simm.s32 $0x2;
	s5 =	smul.u32 $0xA0000, s1  }
0x8: {  	_ =	strace $0x80000047;
	s9 =	ssub.s32 $0x2, s1;
	s26 =	sor.u32 s1, s10  }
0x9: {  	s1 =	smul.u32 $0xA400, s1;
	s7 =	sadd.s32 s7, s0;
	s24 =	sshrl.u32 s8, $0x2  }
0xa: {  	s25 =	sshrl.u32 s9, $0x1;
	s10 =	sshrl.u32 s18, $0x2;
	s18 =	simm.s32 $0x0  }
0xb: {  	s6 =	sadd.s32 s6, s5;
	s5 =	sadd.s32 $0x1E00, s0;
	s8 =	ssub.s32 s9, s25  }
0xc: {  	s9 =	smul.u32 $0xA400, s26;
	s10 =	sadd.s32 s10, s3;
	s7 =	sadd.s32 $0x2AE00, s7  }
0xd: {  	s1 =	sadd.s32 s1, s22;
	s6 =	sshrl.u32 s6, $0x3;
	[dreg:$0xf] =	wrdreg s7  }
0xe: {  	s26 =	smax.u32 s8, $0x1;
	s0 =	sadd.s32 s6, s0;
	s6 =	sadd.s32 s24, s2  }
0xf: {  	s25 =	sadd.s32 $0x400, s1;
	[dreg:$0x12] =	wrdreg s26;
	s11 =	sadd.s32 $0x800, s6  }
0x10: {  	s8 =	simm.s32 $0x800;
	s13 =	sadd.s32 $0x1000, s6;
	[dreg:$0x4] =	wrdreg s11  }
0x11: {  	s24 =	sshrl.u32 s9, $0x3;
	s14 =	sadd.s32 $0x1800, s6;
	[dreg:$0x5] =	wrdreg s13  }
0x12: {  	s9 =	simm.s32 $0x1000;
	s15 =	sadd.s32 $0x2000, s6;
	[dreg:$0x6] =	wrdreg s14  }
0x13: {  	s16 =	sadd.s32 $0x2800, s6;
	s17 =	sadd.s32 $0x3000, s6;
	[dreg:$0x7] =	wrdreg s15  }
0x14: {  	s19 =	sadd.s32 $0x4000, s6;
	s20 =	sadd.s32 $0x4800, s6;
	[dreg:$0x8] =	wrdreg s16  }
0x15: {  	s21 =	sadd.s32 $0x5000, s6;
	s7 =	sadd.s32 s5, s24;
	[dreg:$0x9] =	wrdreg s17  }
0x16: {  	s0 =	sadd.s32 $0x52600, s0;
	s26 =	sadd.s32 $0x6000, s6;
	[dreg:$0xb] =	wrdreg s19  }
0x17: {  	s28 =	sadd.s32 $0x6800, s6;
	s29 =	sadd.s32 $0x7000, s6;
	[dreg:$0xc] =	wrdreg s20  }
0x18: {  	s30 =	sadd.s32 $0x7800, s6;
	s31 =	sadd.s32 $0x8000, s6;
	[dreg:$0xd] =	wrdreg s21  }
0x19: {  	s11 =	sadd.s32 $0x3800, s6;
	s13 =	sadd.s32 $0x5800, s6;
	[dreg:$0x10] =	wrdreg s7  }
0x1a: {  	s19 =	sor.u32 $0x1C07, s23;
	[dreg:$0x11] =	wrdreg s0;
	s21 =	sadd.s32 $0x800, s1  }
0x1b: {  	s0 =	sshrl.u32 s25, $0x3;
	s25 =	sshrl.u32 s10, $0x3;
	s1 =	sadd.s32 $0x9000, s6  }
0x1c: {  	s7 =	sadd.s32 $0x9800, s6;
	s10 =	simm.s32 $0x7;
	s14 =	simm.s32 $0x3  }
0x1d: {  	s15 =	simm.s32 $0x400;
	s16 =	simm.s32 $0x6;
	[dreg:$0xa] =	wrdreg s11  }
0x1e: {  	s17 =	simm.s32 $0x5;
	[dreg:$0xe] =	wrdreg s13;
	s24 =	sadd.s32 s0, s5  }
0x1f: {  	v0 =	vimm.f32 $0.0e+00;
	vm0 =	vmmov $0xffff;
	s0 =	sadd.s32 $0x8800, s6;
	s11 =	simm.s32 $0x1;
	s13 =	simm.s32 $0x4  }
.LBB2_1:
0x20: {  	s20 =	simm.s32 $0x0;
	s23 =	simm.s32 $0x200  }
.LBB2_2:
0x21: {  	p0 =	sne.s32 s23, $0x1E00;
	[tilespmem:s20+$0x1070] =	vst v0  }
0x22: {  	[tilespmem:s20+$0x800] =	vst v0  }
0x23: {  	[tilespmem:s20+$0x1000] =	vst v0  }
0x24: {  	[tilespmem:s20+$0x810] =	vst v0  }
0x25: {  	[tilespmem:s20+$0x1010] =	vst v0  }
0x26: {  	[tilespmem:s20+$0x820] =	vst v0  }
0x27: {  	[tilespmem:s20+$0x1020] =	vst v0  }
0x28: {  	[tilespmem:s20+$0x830] =	vst v0  }
0x29: {  	[tilespmem:s20+$0x1030] =	vst v0  }
0x2a: {  	[tilespmem:s20+$0x840] =	vst v0  }
0x2b: {  	[tilespmem:s20+$0x1040] =	vst v0  }
.Ltmp0:
0x2c: {  	[tilespmem:s20+$0x850] =	vst v0;
	(pc) =	sbr.rel @p0 .LBB2_2-.Ltmp0, $4  }
0x2d: {  	[tilespmem:s20+$0x1050] =	vst v0  }
0x2e: {  	[tilespmem:s20+$0x860] =	vst v0  }
0x2f: {  	[tilespmem:s20+$0x1060] =	vst v0  }
0x30: {  	[tilespmem:s20+$0x870] =	vst v0;
	s20 =	sshra.s32 s23, $0x2;
	s23 =	sadd.s32 $0x200, s23  }
0x31: {  	[tilespmem:s20+$0x1070] =	vst v0  }
0x32: {  	[tilespmem:s20+$0x800] =	vst v0  }
0x33: {  	[tilespmem:s20+$0x1000] =	vst v0  }
0x34: {  	[tilespmem:s20+$0x810] =	vst v0  }
0x35: {  	[tilespmem:s20+$0x1010] =	vst v0  }
0x36: {  	[tilespmem:s20+$0x820] =	vst v0  }
0x37: {  	[tilespmem:s20+$0x1020] =	vst v0  }
0x38: {  	[tilespmem:s20+$0x830] =	vst v0  }
0x39: {  	[tilespmem:s20+$0x1030] =	vst v0  }
0x3a: {  	[tilespmem:s20+$0x840] =	vst v0  }
0x3b: {  	[tilespmem:s20+$0x1040] =	vst v0  }
0x3c: {  	[tilespmem:s20+$0x850] =	vst v0  }
0x3d: {  	[tilespmem:s20+$0x1050] =	vst v0  }
0x3e: {  	[tilespmem:s20+$0x860] =	vst v0  }
0x3f: {  	[tilespmem:s20+$0x1060] =	vst v0  }
0x40: {  	[tilespmem:s20+$0x870] =	vst v0  }
0x41: {  	[spmem:s6] =	stream.linear.scatter [tilespmem:s8], [sflag:$0x1], $0x800, $0x38;
	[tilespmem:$0x1F400] =	vst v63  }
0x42: {  	s22 =	rddreg [dreg:$0x4]  }
0x43: {  	[spmem:s22] =	stream.linear.scatter [tilespmem:s9], [sflag:$0x2], $0x800, $0x38;
	[tilespmem:$0x1F400] =	vst v63  }
0x44: {  	s23 =	rddreg [dreg:$0x5]  }
0x45: {  	[spmem:s23] =	stream.linear.scatter [tilespmem:s8], [sflag:$0x1], $0x800, $0x38;
	[tilespmem:$0x1F400] =	vst v63  }
0x46: {  	s22 =	rddreg [dreg:$0x6]  }
0x47: {  	[spmem:s22] =	stream.linear.scatter [tilespmem:s9], [sflag:$0x2], $0x800, $0x38;
	[tilespmem:$0x1F400] =	vst v63  }
0x48: {  	s23 =	rddreg [dreg:$0x7]  }
0x49: {  	[spmem:s23] =	stream.linear.scatter [tilespmem:s8], [sflag:$0x1], $0x800, $0x38;
	[tilespmem:$0x1F400] =	vst v63  }
0x4a: {  	s22 =	rddreg [dreg:$0x8]  }
0x4b: {  	[spmem:s22] =	stream.linear.scatter [tilespmem:s9], [sflag:$0x2], $0x800, $0x38;
	[tilespmem:$0x1F400] =	vst v63  }
0x4c: {  	s23 =	rddreg [dreg:$0x9]  }
0x4d: {  	[spmem:s23] =	stream.linear.scatter [tilespmem:s8], [sflag:$0x1], $0x800, $0x38;
	[tilespmem:$0x1F400] =	vst v63  }
0x4e: {  	s22 =	rddreg [dreg:$0xa]  }
0x4f: {  	[spmem:s22] =	stream.linear.scatter [tilespmem:s9], [sflag:$0x2], $0x800, $0x38;
	[tilespmem:$0x1F400] =	vst v63  }
0x50: {  	s23 =	rddreg [dreg:$0xb]  }
0x51: {  	[spmem:s23] =	stream.linear.scatter [tilespmem:s8], [sflag:$0x1], $0x800, $0x38;
	[tilespmem:$0x1F400] =	vst v63  }
0x52: {  	s22 =	rddreg [dreg:$0xc]  }
0x53: {  	[spmem:s22] =	stream.linear.scatter [tilespmem:s9], [sflag:$0x2], $0x800, $0x38;
	[tilespmem:$0x1F400] =	vst v63  }
0x54: {  	s23 =	rddreg [dreg:$0xd]  }
0x55: {  	[spmem:s23] =	stream.linear.scatter [tilespmem:s8], [sflag:$0x1], $0x800, $0x38;
	[tilespmem:$0x1F400] =	vst v63  }
0x56: {  	s22 =	rddreg [dreg:$0xe]  }
0x57: {  	[spmem:s22] =	stream.linear.scatter [tilespmem:s9], [sflag:$0x2], $0x800, $0x38;
	[tilespmem:$0x1F400] =	vst v63  }
0x58: {  	_ = 	snop  }
0x59: {  	[spmem:s26] =	stream.linear.scatter [tilespmem:s8], [sflag:$0x1], $0x800, $0x38;
	[tilespmem:$0x1F400] =	vst v63  }
0x5a: {  	_ = 	snop  }
0x5b: {  	[spmem:s28] =	stream.linear.scatter [tilespmem:s9], [sflag:$0x2], $0x800, $0x38;
	[tilespmem:$0x1F400] =	vst v63  }
0x5c: {  	_ = 	snop  }
0x5d: {  	[spmem:s29] =	stream.linear.scatter [tilespmem:s8], [sflag:$0x1], $0x800, $0x38;
	[tilespmem:$0x1F400] =	vst v63  }
0x5e: {  	_ = 	snop  }
0x5f: {  	[spmem:s30] =	stream.linear.scatter [tilespmem:s9], [sflag:$0x2], $0x800, $0x38;
	[tilespmem:$0x1F400] =	vst v63  }
0x60: {  	_ = 	snop  }
0x61: {  	[spmem:s31] =	stream.linear.scatter [tilespmem:s8], [sflag:$0x1], $0x800, $0x38;
	[tilespmem:$0x1F400] =	vst v63  }
0x62: {  	_ = 	snop  }
0x63: {  	[spmem:s0] =	stream.linear.scatter [tilespmem:s9], [sflag:$0x2], $0x800, $0x38;
	[tilespmem:$0x1F400] =	vst v63  }
0x64: {  	_ = 	snop  }
0x65: {  	[spmem:s1] =	stream.linear.scatter [tilespmem:s8], [sflag:$0x1], $0x800, $0x38;
	[tilespmem:$0x1F400] =	vst v63  }
0x66: {  	s23 =	rddreg [dreg:$0xf]  }
0x67: {  	[spmem:s7] =	stream.linear.scatter [tilespmem:s9], [sflag:$0x2], $0x800, $0x38;
	[tilespmem:$0x1F400] =	vst v63  }
0x68: {  	[spmem:s25], [sflag:s19] =	dma.local [hbm:s23], $0x2780  }
0x69: {  	_ =	swait.ge [sflag:s10], $0x2780  }
0x6a: {  	[sflag:s10] =	ssyncset.done $0x0  }
0x6b: {  	[sflag:s10] =	ssyncadd.s32 $0xFFFFD880  }
0x6c: {  	_ =	swait.ge [sflag:s11], $0x800  }
0x6d: {  	[sflag:s11] =	ssyncset.done $0x0  }
0x6e: {  	[sflag:s11] =	ssyncadd.s32 $0xFFFFF800  }
0x6f: {  	_ =	swait.ge [sflag:s12], $0x800  }
0x70: {  	[sflag:s12] =	ssyncset.done $0x0  }
0x71: {  	[sflag:s12] =	ssyncadd.s32 $0xFFFFF800  }
0x72: {  	_ =	swait.ge [sflag:s11], $0x800  }
0x73: {  	[sflag:s11] =	ssyncset.done $0x0  }
0x74: {  	[sflag:s11] =	ssyncadd.s32 $0xFFFFF800  }
0x75: {  	_ =	swait.ge [sflag:s12], $0x800  }
0x76: {  	[sflag:s12] =	ssyncset.done $0x0  }
0x77: {  	[sflag:s12] =	ssyncadd.s32 $0xFFFFF800  }
0x78: {  	_ =	swait.ge [sflag:s11], $0x800  }
0x79: {  	[sflag:s11] =	ssyncset.done $0x0  }
0x7a: {  	[sflag:s11] =	ssyncadd.s32 $0xFFFFF800  }
0x7b: {  	_ =	swait.ge [sflag:s12], $0x800  }
0x7c: {  	[sflag:s12] =	ssyncset.done $0x0  }
0x7d: {  	[sflag:s12] =	ssyncadd.s32 $0xFFFFF800  }
0x7e: {  	_ =	swait.ge [sflag:s11], $0x800  }
0x7f: {  	[sflag:s11] =	ssyncset.done $0x0  }
0x80: {  	[sflag:s11] =	ssyncadd.s32 $0xFFFFF800  }
0x81: {  	_ =	swait.ge [sflag:s12], $0x800  }
0x82: {  	[sflag:s12] =	ssyncset.done $0x0  }
0x83: {  	[sflag:s12] =	ssyncadd.s32 $0xFFFFF800  }
0x84: {  	_ =	swait.ge [sflag:s11], $0x800  }
0x85: {  	[sflag:s11] =	ssyncset.done $0x0  }
0x86: {  	[sflag:s11] =	ssyncadd.s32 $0xFFFFF800  }
0x87: {  	_ =	swait.ge [sflag:s12], $0x800  }
0x88: {  	[sflag:s12] =	ssyncset.done $0x0  }
0x89: {  	[sflag:s12] =	ssyncadd.s32 $0xFFFFF800  }
0x8a: {  	_ =	swait.ge [sflag:s11], $0x800  }
0x8b: {  	[sflag:s11] =	ssyncset.done $0x0  }
0x8c: {  	[sflag:s11] =	ssyncadd.s32 $0xFFFFF800  }
0x8d: {  	_ =	swait.ge [sflag:s12], $0x800  }
0x8e: {  	[sflag:s12] =	ssyncset.done $0x0  }
0x8f: {  	[sflag:s12] =	ssyncadd.s32 $0xFFFFF800  }
0x90: {  	_ =	swait.ge [sflag:s11], $0x800  }
0x91: {  	[sflag:s11] =	ssyncset.done $0x0  }
0x92: {  	[sflag:s11] =	ssyncadd.s32 $0xFFFFF800  }
0x93: {  	_ =	swait.ge [sflag:s12], $0x800  }
0x94: {  	[sflag:s12] =	ssyncset.done $0x0  }
0x95: {  	[sflag:s12] =	ssyncadd.s32 $0xFFFFF800  }
0x96: {  	_ =	swait.ge [sflag:s11], $0x800  }
0x97: {  	[sflag:s11] =	ssyncset.done $0x0  }
0x98: {  	[sflag:s11] =	ssyncadd.s32 $0xFFFFF800  }
0x99: {  	_ =	swait.ge [sflag:s12], $0x800  }
0x9a: {  	[sflag:s12] =	ssyncset.done $0x0  }
0x9b: {  	[sflag:s12] =	ssyncadd.s32 $0xFFFFF800  }
0x9c: {  	_ =	swait.ge [sflag:s11], $0x800  }
0x9d: {  	[sflag:s11] =	ssyncset.done $0x0  }
0x9e: {  	[sflag:s11] =	ssyncadd.s32 $0xFFFFF800  }
0x9f: {  	_ =	swait.ge [sflag:s12], $0x800  }
0xa0: {  	[sflag:s12] =	ssyncset.done $0x0  }
0xa1: {  	[sflag:s12] =	ssyncadd.s32 $0xFFFFF800  }
0xa2: {  	_ =	swait.ge [sflag:s11], $0x800  }
0xa3: {  	[sflag:s11] =	ssyncset.done $0x0  }
0xa4: {  	[sflag:s11] =	ssyncadd.s32 $0xFFFFF800  }
0xa5: {  	_ =	swait.ge [sflag:s12], $0x800  }
0xa6: {  	[sflag:s12] =	ssyncset.done $0x0  }
0xa7: {  	[sflag:s12] =	ssyncadd.s32 $0xFFFFF800  }
0xa8: {  	[bflag:$0x0] =	sbarrier.arrive $0xFFFF  }
0xa9: {  	s20 =	simm.s32 $0x0;
	s22 =	rddreg [dreg:$0x10]  }
0xaa: {  	[tilespmem:s20], [sflag:$0x7] =	stream.linear.gather [hbm4b:s22+s20], $0x400, $0x38;
	[tilespmem:$0x1F400] =	vst v63  }
0xab: {  	_ =	swait.ge [sflag:s10], $0x400  }
0xac: {  	[sflag:s10] =	ssyncset.done $0x0  }
0xad: {  	[sflag:s10] =	ssyncadd.s32 $0xFFFFFC00  }
0xae: {  	v1 =	vld [tilespmem:$0x0];
	_ =	sdelay $0x7  }
0xaf: {  	[tilespmem:s8], [sflag:$0x1] =	stream.indirect_vreg.gather [spmem:s3], $0x80, v1, vm0, $0xb8;
	[tilespmem:$0x1F400] =	vst v63  }
0xb0: {  	v1 =	vld [tilespmem:$0x10];
	_ =	sdelay $0x6  }
0xb1: {  	s23 =	smov.u32 s21  }
0xb2: {  	[spmem:s2] =	stream.indirect_vreg.scatter.add.f32 [tilespmem:s9], [sflag:$0x4], $0x80, v1, vm0, $0xb8;
	[tilespmem:$0x1F400] =	vst v63  }
.LBB2_4:
0xb3: {  	_ =	swait.ge [sflag:s11], $0x800  }
0xb4: {  	[sflag:s11] =	ssyncset.done $0x0  }
0xb5: {  	[sflag:s11] =	ssyncadd.s32 $0xFFFFF800  }
0xb6: {  	v1 =	vld [tilespmem:$0x10];
	_ =	sdelay $0x7  }
0xb7: {  	[spmem:s2] =	stream.indirect_vreg.scatter.add.f32 [tilespmem:s8], [sflag:$0x3], $0x80, v1, vm0, $0xb8;
	[tilespmem:$0x1F400] =	vst v63  }
0xb8: {  	_ =	swait.ge [sflag:s13], $0x800  }
0xb9: {  	[sflag:s13] =	ssyncset.done $0x0  }
0xba: {  	[sflag:s13] =	ssyncadd.s32 $0xFFFFF800  }
0xbb: {  	v1 =	vld [tilespmem:$0x20];
	_ =	sdelay $0x7  }
0xbc: {  	[tilespmem:s9], [sflag:$0x2] =	stream.indirect_vreg.gather [spmem:s3], $0x80, v1, vm0, $0xb8;
	[tilespmem:$0x1F400] =	vst v63  }
0xbd: {  	_ =	swait.ge [sflag:s12], $0x800  }
0xbe: {  	[sflag:s12] =	ssyncset.done $0x0  }
0xbf: {  	[sflag:s12] =	ssyncadd.s32 $0xFFFFF800  }
0xc0: {  	v1 =	vld [tilespmem:$0x30];
	_ =	sdelay $0x7  }
0xc1: {  	[spmem:s2] =	stream.indirect_vreg.scatter.add.f32 [tilespmem:s9], [sflag:$0x4], $0x80, v1, vm0, $0xb8;
	[tilespmem:$0x1F400] =	vst v63  }
0xc2: {  	_ =	swait.ge [sflag:s14], $0x800  }
0xc3: {  	[sflag:s14] =	ssyncset.done $0x0  }
0xc4: {  	[sflag:s14] =	ssyncadd.s32 $0xFFFFF800  }
0xc5: {  	v1 =	vld [tilespmem:$0x40];
	_ =	sdelay $0x7  }
0xc6: {  	[tilespmem:s8], [sflag:$0x1] =	stream.indirect_vreg.gather [spmem:s3], $0x80, v1, vm0, $0xb8;
	[tilespmem:$0x1F400] =	vst v63  }
0xc7: {  	_ =	swait.ge [sflag:s11], $0x800  }
0xc8: {  	[sflag:s11] =	ssyncset.done $0x0  }
0xc9: {  	s22 =	sadd.s32 s20, s24;
	[sflag:s11] =	ssyncadd.s32 $0xFFFFF800  }
0xca: {  	[tilespmem:s15], [sflag:$0x6] =	stream.linear.gather [hbm4b:s22+s4], $0x400, $0x38;
	[tilespmem:$0x1F400] =	vst v63  }
0xcb: {  	v1 =	vld [tilespmem:$0x50];
	_ =	sdelay $0x7  }
0xcc: {  	[spmem:s2] =	stream.indirect_vreg.scatter.add.f32 [tilespmem:s8], [sflag:$0x3], $0x80, v1, vm0, $0xb8;
	[tilespmem:$0x1F400] =	vst v63  }
0xcd: {  	_ =	swait.ge [sflag:s13], $0x800  }
0xce: {  	[sflag:s13] =	ssyncset.done $0x0  }
0xcf: {  	[sflag:s13] =	ssyncadd.s32 $0xFFFFF800  }
0xd0: {  	v1 =	vld [tilespmem:$0x60];
	_ =	sdelay $0x7  }
0xd1: {  	[tilespmem:s9], [sflag:$0x2] =	stream.indirect_vreg.gather [spmem:s3], $0x80, v1, vm0, $0xb8;
	[tilespmem:$0x1F400] =	vst v63  }
0xd2: {  	_ =	swait.ge [sflag:s12], $0x800  }
0xd3: {  	[sflag:s12] =	ssyncset.done $0x0  }
0xd4: {  	[sflag:s12] =	ssyncadd.s32 $0xFFFFF800  }
0xd5: {  	v1 =	vld [tilespmem:$0x70];
	_ =	sdelay $0x7  }
0xd6: {  	[spmem:s2] =	stream.indirect_vreg.scatter.add.f32 [tilespmem:s9], [sflag:$0x4], $0x80, v1, vm0, $0xb8;
	[tilespmem:$0x1F400] =	vst v63  }
0xd7: {  	_ =	swait.ge [sflag:s14], $0x800  }
0xd8: {  	[sflag:s14] =	ssyncset.done $0x0  }
0xd9: {  	[sflag:s14] =	ssyncadd.s32 $0xFFFFF800  }
0xda: {  	v1 =	vld [tilespmem:$0x80];
	_ =	sdelay $0x7  }
0xdb: {  	[tilespmem:s8], [sflag:$0x1] =	stream.indirect_vreg.gather [spmem:s3], $0x80, v1, vm0, $0xb8;
	[tilespmem:$0x1F400] =	vst v63  }
0xdc: {  	_ =	swait.ge [sflag:s11], $0x800  }
0xdd: {  	[sflag:s11] =	ssyncset.done $0x0  }
0xde: {  	[sflag:s11] =	ssyncadd.s32 $0xFFFFF800  }
0xdf: {  	v1 =	vld [tilespmem:$0x90];
	_ =	sdelay $0x7  }
0xe0: {  	[spmem:s2] =	stream.indirect_vreg.scatter.add.f32 [tilespmem:s8], [sflag:$0x3], $0x80, v1, vm0, $0xb8;
	[tilespmem:$0x1F400] =	vst v63  }
0xe1: {  	_ =	swait.ge [sflag:s13], $0x800  }
0xe2: {  	[sflag:s13] =	ssyncset.done $0x0  }
0xe3: {  	[sflag:s13] =	ssyncadd.s32 $0xFFFFF800  }
0xe4: {  	v1 =	vld [tilespmem:$0xA0];
	_ =	sdelay $0x7  }
0xe5: {  	[tilespmem:s9], [sflag:$0x2] =	stream.indirect_vreg.gather [spmem:s3], $0x80, v1, vm0, $0xb8;
	[tilespmem:$0x1F400] =	vst v63  }
0xe6: {  	_ =	swait.ge [sflag:s12], $0x800  }
0xe7: {  	[sflag:s12] =	ssyncset.done $0x0  }
0xe8: {  	[sflag:s12] =	ssyncadd.s32 $0xFFFFF800  }
0xe9: {  	v1 =	vld [tilespmem:$0xB0];
	_ =	sdelay $0x7  }
0xea: {  	[spmem:s2] =	stream.indirect_vreg.scatter.add.f32 [tilespmem:s9], [sflag:$0x4], $0x80, v1, vm0, $0xb8;
	[tilespmem:$0x1F400] =	vst v63  }
0xeb: {  	_ =	swait.ge [sflag:s14], $0x800  }
0xec: {  	[sflag:s14] =	ssyncset.done $0x0  }
0xed: {  	[sflag:s14] =	ssyncadd.s32 $0xFFFFF800  }
0xee: {  	v1 =	vld [tilespmem:$0xC0];
	_ =	sdelay $0x7  }
0xef: {  	[tilespmem:s8], [sflag:$0x1] =	stream.indirect_vreg.gather [spmem:s3], $0x80, v1, vm0, $0xb8;
	[tilespmem:$0x1F400] =	vst v63  }
0xf0: {  	_ =	swait.ge [sflag:s11], $0x800  }
0xf1: {  	[sflag:s11] =	ssyncset.done $0x0  }
0xf2: {  	[sflag:s11] =	ssyncadd.s32 $0xFFFFF800  }
0xf3: {  	v1 =	vld [tilespmem:$0xD0];
	_ =	sdelay $0x7  }
0xf4: {  	[spmem:s2] =	stream.indirect_vreg.scatter.add.f32 [tilespmem:s8], [sflag:$0x3], $0x80, v1, vm0, $0xb8;
	[tilespmem:$0x1F400] =	vst v63  }
0xf5: {  	_ =	swait.ge [sflag:s13], $0x800  }
0xf6: {  	[sflag:s13] =	ssyncset.done $0x0  }
0xf7: {  	[sflag:s13] =	ssyncadd.s32 $0xFFFFF800  }
0xf8: {  	v1 =	vld [tilespmem:$0xE0];
	_ =	sdelay $0x7  }
0xf9: {  	[tilespmem:s9], [sflag:$0x2] =	stream.indirect_vreg.gather [spmem:s3], $0x80, v1, vm0, $0xb8;
	[tilespmem:$0x1F400] =	vst v63  }
0xfa: {  	_ =	swait.ge [sflag:s12], $0x800  }
0xfb: {  	[sflag:s12] =	ssyncset.done $0x0  }
0xfc: {  	[sflag:s12] =	ssyncadd.s32 $0xFFFFF800  }
0xfd: {  	v1 =	vld [tilespmem:$0xF0];
	_ =	sdelay $0x7  }
0xfe: {  	[spmem:s2] =	stream.indirect_vreg.scatter.add.f32 [tilespmem:s9], [sflag:$0x4], $0x80, v1, vm0, $0xb8;
	[tilespmem:$0x1F400] =	vst v63  }
0xff: {  	_ =	swait.ge [sflag:s14], $0x800  }
0x100: {  	[sflag:s14] =	ssyncset.done $0x0  }
0x101: {  	[sflag:s14] =	ssyncadd.s32 $0xFFFFF800  }
0x102: {  	v1 =	vld [tilespmem:$0x100];
	_ =	sdelay $0x7  }
0x103: {  	[tilespmem:s8], [sflag:$0x1] =	stream.indirect_vreg.gather [spmem:s3], $0x80, v1, vm0, $0xb8;
	[tilespmem:$0x1F400] =	vst v63  }
0x104: {  	_ =	swait.ge [sflag:s11], $0x800  }
0x105: {  	[sflag:s11] =	ssyncset.done $0x0  }
0x106: {  	[sflag:s11] =	ssyncadd.s32 $0xFFFFF800  }
0x107: {  	v1 =	vld [tilespmem:$0x110];
	_ =	sdelay $0x7  }
0x108: {  	[spmem:s2] =	stream.indirect_vreg.scatter.add.f32 [tilespmem:s8], [sflag:$0x3], $0x80, v1, vm0, $0xb8;
	[tilespmem:$0x1F400] =	vst v63  }
0x109: {  	_ =	swait.ge [sflag:s13], $0x800  }
0x10a: {  	[sflag:s13] =	ssyncset.done $0x0  }
0x10b: {  	[sflag:s13] =	ssyncadd.s32 $0xFFFFF800  }
0x10c: {  	v1 =	vld [tilespmem:$0x120];
	_ =	sdelay $0x7  }
0x10d: {  	[tilespmem:s9], [sflag:$0x2] =	stream.indirect_vreg.gather [spmem:s3], $0x80, v1, vm0, $0xb8;
	[tilespmem:$0x1F400] =	vst v63  }
0x10e: {  	_ =	swait.ge [sflag:s12], $0x800  }
0x10f: {  	[sflag:s12] =	ssyncset.done $0x0  }
0x110: {  	[sflag:s12] =	ssyncadd.s32 $0xFFFFF800  }
0x111: {  	v1 =	vld [tilespmem:$0x130];
	_ =	sdelay $0x7  }
0x112: {  	[spmem:s2] =	stream.indirect_vreg.scatter.add.f32 [tilespmem:s9], [sflag:$0x4], $0x80, v1, vm0, $0xb8;
	[tilespmem:$0x1F400] =	vst v63  }
0x113: {  	_ =	swait.ge [sflag:s14], $0x800  }
0x114: {  	[sflag:s14] =	ssyncset.done $0x0  }
0x115: {  	[sflag:s14] =	ssyncadd.s32 $0xFFFFF800  }
0x116: {  	v1 =	vld [tilespmem:$0x140];
	_ =	sdelay $0x7  }
0x117: {  	[tilespmem:s8], [sflag:$0x1] =	stream.indirect_vreg.gather [spmem:s3], $0x80, v1, vm0, $0xb8;
	[tilespmem:$0x1F400] =	vst v63  }
0x118: {  	_ =	swait.ge [sflag:s11], $0x800  }
0x119: {  	[sflag:s11] =	ssyncset.done $0x0  }
0x11a: {  	[sflag:s11] =	ssyncadd.s32 $0xFFFFF800  }
0x11b: {  	v1 =	vld [tilespmem:$0x150];
	_ =	sdelay $0x7  }
0x11c: {  	[spmem:s2] =	stream.indirect_vreg.scatter.add.f32 [tilespmem:s8], [sflag:$0x3], $0x80, v1, vm0, $0xb8;
	[tilespmem:$0x1F400] =	vst v63  }
0x11d: {  	_ =	swait.ge [sflag:s13], $0x800  }
0x11e: {  	[sflag:s13] =	ssyncset.done $0x0  }
0x11f: {  	[sflag:s13] =	ssyncadd.s32 $0xFFFFF800  }
0x120: {  	v1 =	vld [tilespmem:$0x160];
	_ =	sdelay $0x7  }
0x121: {  	[tilespmem:s9], [sflag:$0x2] =	stream.indirect_vreg.gather [spmem:s3], $0x80, v1, vm0, $0xb8;
	[tilespmem:$0x1F400] =	vst v63  }
0x122: {  	_ =	swait.ge [sflag:s12], $0x800  }
0x123: {  	[sflag:s12] =	ssyncset.done $0x0  }
0x124: {  	[sflag:s12] =	ssyncadd.s32 $0xFFFFF800  }
0x125: {  	v1 =	vld [tilespmem:$0x170];
	_ =	sdelay $0x7  }
0x126: {  	[spmem:s2] =	stream.indirect_vreg.scatter.add.f32 [tilespmem:s9], [sflag:$0x4], $0x80, v1, vm0, $0xb8;
	[tilespmem:$0x1F400] =	vst v63  }
0x127: {  	_ =	swait.ge [sflag:s14], $0x800  }
0x128: {  	[sflag:s14] =	ssyncset.done $0x0  }
0x129: {  	[sflag:s14] =	ssyncadd.s32 $0xFFFFF800  }
0x12a: {  	v1 =	vld [tilespmem:$0x180];
	_ =	sdelay $0x7  }
0x12b: {  	[tilespmem:s8], [sflag:$0x1] =	stream.indirect_vreg.gather [spmem:s3], $0x80, v1, vm0, $0xb8;
	[tilespmem:$0x1F400] =	vst v63  }
0x12c: {  	_ =	swait.ge [sflag:s11], $0x800  }
0x12d: {  	[sflag:s11] =	ssyncset.done $0x0  }
0x12e: {  	[sflag:s11] =	ssyncadd.s32 $0xFFFFF800  }
0x12f: {  	v1 =	vld [tilespmem:$0x190];
	_ =	sdelay $0x7  }
0x130: {  	[spmem:s2] =	stream.indirect_vreg.scatter.add.f32 [tilespmem:s8], [sflag:$0x3], $0x80, v1, vm0, $0xb8;
	[tilespmem:$0x1F400] =	vst v63  }
0x131: {  	_ =	swait.ge [sflag:s13], $0x800  }
0x132: {  	[sflag:s13] =	ssyncset.done $0x0  }
0x133: {  	[sflag:s13] =	ssyncadd.s32 $0xFFFFF800  }
0x134: {  	v1 =	vld [tilespmem:$0x1A0];
	_ =	sdelay $0x7  }
0x135: {  	[tilespmem:s9], [sflag:$0x2] =	stream.indirect_vreg.gather [spmem:s3], $0x80, v1, vm0, $0xb8;
	[tilespmem:$0x1F400] =	vst v63  }
0x136: {  	_ =	swait.ge [sflag:s12], $0x800  }
0x137: {  	[sflag:s12] =	ssyncset.done $0x0  }
0x138: {  	[sflag:s12] =	ssyncadd.s32 $0xFFFFF800  }
0x139: {  	v1 =	vld [tilespmem:$0x1B0];
	_ =	sdelay $0x7  }
0x13a: {  	[spmem:s2] =	stream.indirect_vreg.scatter.add.f32 [tilespmem:s9], [sflag:$0x4], $0x80, v1, vm0, $0xb8;
	[tilespmem:$0x1F400] =	vst v63  }
0x13b: {  	_ =	swait.ge [sflag:s14], $0x800  }
0x13c: {  	[sflag:s14] =	ssyncset.done $0x0  }
0x13d: {  	[sflag:s14] =	ssyncadd.s32 $0xFFFFF800  }
0x13e: {  	v1 =	vld [tilespmem:$0x1C0];
	_ =	sdelay $0x7  }
0x13f: {  	[tilespmem:s8], [sflag:$0x1] =	stream.indirect_vreg.gather [spmem:s3], $0x80, v1, vm0, $0xb8;
	[tilespmem:$0x1F400] =	vst v63  }
0x140: {  	_ =	swait.ge [sflag:s11], $0x800  }
0x141: {  	[sflag:s11] =	ssyncset.done $0x0  }
0x142: {  	[sflag:s11] =	ssyncadd.s32 $0xFFFFF800  }
0x143: {  	v1 =	vld [tilespmem:$0x1D0];
	_ =	sdelay $0x7  }
0x144: {  	[spmem:s2] =	stream.indirect_vreg.scatter.add.f32 [tilespmem:s8], [sflag:$0x3], $0x80, v1, vm0, $0xb8;
	[tilespmem:$0x1F400] =	vst v63  }
0x145: {  	_ =	swait.ge [sflag:s13], $0x800  }
0x146: {  	[sflag:s13] =	ssyncset.done $0x0  }
0x147: {  	[sflag:s13] =	ssyncadd.s32 $0xFFFFF800  }
0x148: {  	v1 =	vld [tilespmem:$0x1E0];
	_ =	sdelay $0x7  }
0x149: {  	[tilespmem:s9], [sflag:$0x2] =	stream.indirect_vreg.gather [spmem:s3], $0x80, v1, vm0, $0xb8;
	[tilespmem:$0x1F400] =	vst v63  }
0x14a: {  	_ =	swait.ge [sflag:s12], $0x800  }
0x14b: {  	[sflag:s12] =	ssyncset.done $0x0  }
0x14c: {  	[sflag:s12] =	ssyncadd.s32 $0xFFFFF800  }
0x14d: {  	v1 =	vld [tilespmem:$0x1F0];
	_ =	sdelay $0x7  }
0x14e: {  	[spmem:s2] =	stream.indirect_vreg.scatter.add.f32 [tilespmem:s9], [sflag:$0x4], $0x80, v1, vm0, $0xb8;
	[tilespmem:$0x1F400] =	vst v63  }
0x14f: {  	_ =	swait.ge [sflag:s14], $0x800  }
0x150: {  	[sflag:s14] =	ssyncset.done $0x0  }
0x151: {  	[sflag:s14] =	ssyncadd.s32 $0xFFFFF800  }
0x152: {  	v1 =	vld [tilespmem:$0x200];
	_ =	sdelay $0x7  }
0x153: {  	[tilespmem:s8], [sflag:$0x1] =	stream.indirect_vreg.gather [spmem:s3], $0x80, v1, vm0, $0xb8;
	[tilespmem:$0x1F400] =	vst v63  }
0x154: {  	_ =	swait.ge [sflag:s11], $0x800  }
0x155: {  	[sflag:s11] =	ssyncset.done $0x0  }
0x156: {  	[sflag:s11] =	ssyncadd.s32 $0xFFFFF800  }
0x157: {  	v1 =	vld [tilespmem:$0x210];
	_ =	sdelay $0x7  }
0x158: {  	[spmem:s2] =	stream.indirect_vreg.scatter.add.f32 [tilespmem:s8], [sflag:$0x3], $0x80, v1, vm0, $0xb8;
	[tilespmem:$0x1F400] =	vst v63  }
0x159: {  	_ =	swait.ge [sflag:s13], $0x800  }
0x15a: {  	[sflag:s13] =	ssyncset.done $0x0  }
0x15b: {  	[sflag:s13] =	ssyncadd.s32 $0xFFFFF800  }
0x15c: {  	v1 =	vld [tilespmem:$0x220];
	_ =	sdelay $0x7  }
0x15d: {  	[tilespmem:s9], [sflag:$0x2] =	stream.indirect_vreg.gather [spmem:s3], $0x80, v1, vm0, $0xb8;
	[tilespmem:$0x1F400] =	vst v63  }
0x15e: {  	_ =	swait.ge [sflag:s12], $0x800  }
0x15f: {  	[sflag:s12] =	ssyncset.done $0x0  }
0x160: {  	[sflag:s12] =	ssyncadd.s32 $0xFFFFF800  }
0x161: {  	v1 =	vld [tilespmem:$0x230];
	_ =	sdelay $0x7  }
0x162: {  	[spmem:s2] =	stream.indirect_vreg.scatter.add.f32 [tilespmem:s9], [sflag:$0x4], $0x80, v1, vm0, $0xb8;
	[tilespmem:$0x1F400] =	vst v63  }
0x163: {  	_ =	swait.ge [sflag:s14], $0x800  }
0x164: {  	[sflag:s14] =	ssyncset.done $0x0  }
0x165: {  	[sflag:s14] =	ssyncadd.s32 $0xFFFFF800  }
0x166: {  	v1 =	vld [tilespmem:$0x240];
	_ =	sdelay $0x7  }
0x167: {  	[tilespmem:s8], [sflag:$0x1] =	stream.indirect_vreg.gather [spmem:s3], $0x80, v1, vm0, $0xb8;
	[tilespmem:$0x1F400] =	vst v63  }
0x168: {  	_ =	swait.ge [sflag:s11], $0x800  }
0x169: {  	[sflag:s11] =	ssyncset.done $0x0  }
0x16a: {  	[sflag:s11] =	ssyncadd.s32 $0xFFFFF800  }
0x16b: {  	v1 =	vld [tilespmem:$0x250];
	_ =	sdelay $0x7  }
0x16c: {  	[spmem:s2] =	stream.indirect_vreg.scatter.add.f32 [tilespmem:s8], [sflag:$0x3], $0x80, v1, vm0, $0xb8;
	[tilespmem:$0x1F400] =	vst v63  }
0x16d: {  	_ =	swait.ge [sflag:s13], $0x800  }
0x16e: {  	[sflag:s13] =	ssyncset.done $0x0  }
0x16f: {  	[sflag:s13] =	ssyncadd.s32 $0xFFFFF800  }
0x170: {  	v1 =	vld [tilespmem:$0x260];
	_ =	sdelay $0x7  }
0x171: {  	[tilespmem:s9], [sflag:$0x2] =	stream.indirect_vreg.gather [spmem:s3], $0x80, v1, vm0, $0xb8;
	[tilespmem:$0x1F400] =	vst v63  }
0x172: {  	_ =	swait.ge [sflag:s12], $0x800  }
0x173: {  	[sflag:s12] =	ssyncset.done $0x0  }
0x174: {  	[sflag:s12] =	ssyncadd.s32 $0xFFFFF800  }
0x175: {  	v1 =	vld [tilespmem:$0x270];
	_ =	sdelay $0x7  }
0x176: {  	[spmem:s2] =	stream.indirect_vreg.scatter.add.f32 [tilespmem:s9], [sflag:$0x4], $0x80, v1, vm0, $0xb8;
	[tilespmem:$0x1F400] =	vst v63  }
0x177: {  	_ =	swait.ge [sflag:s14], $0x800  }
0x178: {  	[sflag:s14] =	ssyncset.done $0x0  }
0x179: {  	[sflag:s14] =	ssyncadd.s32 $0xFFFFF800  }
0x17a: {  	v1 =	vld [tilespmem:$0x280];
	_ =	sdelay $0x7  }
0x17b: {  	[tilespmem:s8], [sflag:$0x1] =	stream.indirect_vreg.gather [spmem:s3], $0x80, v1, vm0, $0xb8;
	[tilespmem:$0x1F400] =	vst v63  }
0x17c: {  	_ =	swait.ge [sflag:s11], $0x800  }
0x17d: {  	[sflag:s11] =	ssyncset.done $0x0  }
0x17e: {  	[sflag:s11] =	ssyncadd.s32 $0xFFFFF800  }
0x17f: {  	v1 =	vld [tilespmem:$0x290];
	_ =	sdelay $0x7  }
0x180: {  	[spmem:s2] =	stream.indirect_vreg.scatter.add.f32 [tilespmem:s8], [sflag:$0x3], $0x80, v1, vm0, $0xb8;
	[tilespmem:$0x1F400] =	vst v63  }
0x181: {  	_ =	swait.ge [sflag:s13], $0x800  }
0x182: {  	[sflag:s13] =	ssyncset.done $0x0  }
0x183: {  	[sflag:s13] =	ssyncadd.s32 $0xFFFFF800  }
0x184: {  	v1 =	vld [tilespmem:$0x2A0];
	_ =	sdelay $0x7  }
0x185: {  	[tilespmem:s9], [sflag:$0x2] =	stream.indirect_vreg.gather [spmem:s3], $0x80, v1, vm0, $0xb8;
	[tilespmem:$0x1F400] =	vst v63  }
0x186: {  	_ =	swait.ge [sflag:s12], $0x800  }
0x187: {  	[sflag:s12] =	ssyncset.done $0x0  }
0x188: {  	[sflag:s12] =	ssyncadd.s32 $0xFFFFF800  }
0x189: {  	v1 =	vld [tilespmem:$0x2B0];
	_ =	sdelay $0x7  }
0x18a: {  	[spmem:s2] =	stream.indirect_vreg.scatter.add.f32 [tilespmem:s9], [sflag:$0x4], $0x80, v1, vm0, $0xb8;
	[tilespmem:$0x1F400] =	vst v63  }
0x18b: {  	_ =	swait.ge [sflag:s14], $0x800  }
0x18c: {  	[sflag:s14] =	ssyncset.done $0x0  }
0x18d: {  	[sflag:s14] =	ssyncadd.s32 $0xFFFFF800  }
0x18e: {  	v1 =	vld [tilespmem:$0x2C0];
	_ =	sdelay $0x7  }
0x18f: {  	[tilespmem:s8], [sflag:$0x1] =	stream.indirect_vreg.gather [spmem:s3], $0x80, v1, vm0, $0xb8;
	[tilespmem:$0x1F400] =	vst v63  }
0x190: {  	_ =	swait.ge [sflag:s11], $0x800  }
0x191: {  	[sflag:s11] =	ssyncset.done $0x0  }
0x192: {  	[sflag:s11] =	ssyncadd.s32 $0xFFFFF800  }
0x193: {  	v1 =	vld [tilespmem:$0x2D0];
	_ =	sdelay $0x7  }
0x194: {  	[spmem:s2] =	stream.indirect_vreg.scatter.add.f32 [tilespmem:s8], [sflag:$0x3], $0x80, v1, vm0, $0xb8;
	[tilespmem:$0x1F400] =	vst v63  }
0x195: {  	_ =	swait.ge [sflag:s13], $0x800  }
0x196: {  	[sflag:s13] =	ssyncset.done $0x0  }
0x197: {  	[sflag:s13] =	ssyncadd.s32 $0xFFFFF800  }
0x198: {  	v1 =	vld [tilespmem:$0x2E0];
	_ =	sdelay $0x7  }
0x199: {  	[tilespmem:s9], [sflag:$0x2] =	stream.indirect_vreg.gather [spmem:s3], $0x80, v1, vm0, $0xb8;
	[tilespmem:$0x1F400] =	vst v63  }
0x19a: {  	_ =	swait.ge [sflag:s12], $0x800  }
0x19b: {  	[sflag:s12] =	ssyncset.done $0x0  }
0x19c: {  	[sflag:s12] =	ssyncadd.s32 $0xFFFFF800  }
0x19d: {  	v1 =	vld [tilespmem:$0x2F0];
	_ =	sdelay $0x7  }
0x19e: {  	[spmem:s2] =	stream.indirect_vreg.scatter.add.f32 [tilespmem:s9], [sflag:$0x4], $0x80, v1, vm0, $0xb8;
	[tilespmem:$0x1F400] =	vst v63  }
0x19f: {  	_ =	swait.ge [sflag:s14], $0x800  }
0x1a0: {  	[sflag:s14] =	ssyncset.done $0x0  }
0x1a1: {  	[sflag:s14] =	ssyncadd.s32 $0xFFFFF800  }
0x1a2: {  	v1 =	vld [tilespmem:$0x300];
	_ =	sdelay $0x7  }
0x1a3: {  	[tilespmem:s8], [sflag:$0x1] =	stream.indirect_vreg.gather [spmem:s3], $0x80, v1, vm0, $0xb8;
	[tilespmem:$0x1F400] =	vst v63  }
0x1a4: {  	_ =	swait.ge [sflag:s11], $0x800  }
0x1a5: {  	[sflag:s11] =	ssyncset.done $0x0  }
0x1a6: {  	[sflag:s11] =	ssyncadd.s32 $0xFFFFF800  }
0x1a7: {  	v1 =	vld [tilespmem:$0x310];
	_ =	sdelay $0x7  }
0x1a8: {  	[spmem:s2] =	stream.indirect_vreg.scatter.add.f32 [tilespmem:s8], [sflag:$0x3], $0x80, v1, vm0, $0xb8;
	[tilespmem:$0x1F400] =	vst v63  }
0x1a9: {  	_ =	swait.ge [sflag:s13], $0x800  }
0x1aa: {  	[sflag:s13] =	ssyncset.done $0x0  }
0x1ab: {  	[sflag:s13] =	ssyncadd.s32 $0xFFFFF800  }
0x1ac: {  	v1 =	vld [tilespmem:$0x320];
	_ =	sdelay $0x7  }
0x1ad: {  	[tilespmem:s9], [sflag:$0x2] =	stream.indirect_vreg.gather [spmem:s3], $0x80, v1, vm0, $0xb8;
	[tilespmem:$0x1F400] =	vst v63  }
0x1ae: {  	_ =	swait.ge [sflag:s12], $0x800  }
0x1af: {  	[sflag:s12] =	ssyncset.done $0x0  }
0x1b0: {  	[sflag:s12] =	ssyncadd.s32 $0xFFFFF800  }
0x1b1: {  	v1 =	vld [tilespmem:$0x330];
	_ =	sdelay $0x7  }
0x1b2: {  	[spmem:s2] =	stream.indirect_vreg.scatter.add.f32 [tilespmem:s9], [sflag:$0x4], $0x80, v1, vm0, $0xb8;
	[tilespmem:$0x1F400] =	vst v63  }
0x1b3: {  	_ =	swait.ge [sflag:s14], $0x800  }
0x1b4: {  	[sflag:s14] =	ssyncset.done $0x0  }
0x1b5: {  	[sflag:s14] =	ssyncadd.s32 $0xFFFFF800  }
0x1b6: {  	v1 =	vld [tilespmem:$0x340];
	_ =	sdelay $0x7  }
0x1b7: {  	[tilespmem:s8], [sflag:$0x1] =	stream.indirect_vreg.gather [spmem:s3], $0x80, v1, vm0, $0xb8;
	[tilespmem:$0x1F400] =	vst v63  }
0x1b8: {  	_ =	swait.ge [sflag:s11], $0x800  }
0x1b9: {  	[sflag:s11] =	ssyncset.done $0x0  }
0x1ba: {  	[sflag:s11] =	ssyncadd.s32 $0xFFFFF800  }
0x1bb: {  	v1 =	vld [tilespmem:$0x350];
	_ =	sdelay $0x7  }
0x1bc: {  	[spmem:s2] =	stream.indirect_vreg.scatter.add.f32 [tilespmem:s8], [sflag:$0x3], $0x80, v1, vm0, $0xb8;
	[tilespmem:$0x1F400] =	vst v63  }
0x1bd: {  	_ =	swait.ge [sflag:s13], $0x800  }
0x1be: {  	[sflag:s13] =	ssyncset.done $0x0  }
0x1bf: {  	[sflag:s13] =	ssyncadd.s32 $0xFFFFF800  }
0x1c0: {  	v1 =	vld [tilespmem:$0x360];
	_ =	sdelay $0x7  }
0x1c1: {  	[tilespmem:s9], [sflag:$0x2] =	stream.indirect_vreg.gather [spmem:s3], $0x80, v1, vm0, $0xb8;
	[tilespmem:$0x1F400] =	vst v63  }
0x1c2: {  	_ =	swait.ge [sflag:s12], $0x800  }
0x1c3: {  	[sflag:s12] =	ssyncset.done $0x0  }
0x1c4: {  	[sflag:s12] =	ssyncadd.s32 $0xFFFFF800  }
0x1c5: {  	v1 =	vld [tilespmem:$0x370];
	_ =	sdelay $0x7  }
0x1c6: {  	[spmem:s2] =	stream.indirect_vreg.scatter.add.f32 [tilespmem:s9], [sflag:$0x4], $0x80, v1, vm0, $0xb8;
	[tilespmem:$0x1F400] =	vst v63  }
0x1c7: {  	_ =	swait.ge [sflag:s14], $0x800  }
0x1c8: {  	[sflag:s14] =	ssyncset.done $0x0  }
0x1c9: {  	[sflag:s14] =	ssyncadd.s32 $0xFFFFF800  }
0x1ca: {  	v1 =	vld [tilespmem:$0x380];
	_ =	sdelay $0x7  }
0x1cb: {  	[tilespmem:s8], [sflag:$0x1] =	stream.indirect_vreg.gather [spmem:s3], $0x80, v1, vm0, $0xb8;
	[tilespmem:$0x1F400] =	vst v63  }
0x1cc: {  	_ =	swait.ge [sflag:s11], $0x800  }
0x1cd: {  	[sflag:s11] =	ssyncset.done $0x0  }
0x1ce: {  	[sflag:s11] =	ssyncadd.s32 $0xFFFFF800  }
0x1cf: {  	v1 =	vld [tilespmem:$0x390];
	_ =	sdelay $0x7  }
0x1d0: {  	[spmem:s2] =	stream.indirect_vreg.scatter.add.f32 [tilespmem:s8], [sflag:$0x3], $0x80, v1, vm0, $0xb8;
	[tilespmem:$0x1F400] =	vst v63  }
0x1d1: {  	_ =	swait.ge [sflag:s13], $0x800  }
0x1d2: {  	[sflag:s13] =	ssyncset.done $0x0  }
0x1d3: {  	[sflag:s13] =	ssyncadd.s32 $0xFFFFF800  }
0x1d4: {  	v1 =	vld [tilespmem:$0x3A0];
	_ =	sdelay $0x7  }
0x1d5: {  	[tilespmem:s9], [sflag:$0x2] =	stream.indirect_vreg.gather [spmem:s3], $0x80, v1, vm0, $0xb8;
	[tilespmem:$0x1F400] =	vst v63  }
0x1d6: {  	_ =	swait.ge [sflag:s12], $0x800  }
0x1d7: {  	[sflag:s12] =	ssyncset.done $0x0  }
0x1d8: {  	[sflag:s12] =	ssyncadd.s32 $0xFFFFF800  }
0x1d9: {  	v1 =	vld [tilespmem:$0x3B0];
	_ =	sdelay $0x7  }
0x1da: {  	[spmem:s2] =	stream.indirect_vreg.scatter.add.f32 [tilespmem:s9], [sflag:$0x4], $0x80, v1, vm0, $0xb8;
	[tilespmem:$0x1F400] =	vst v63  }
0x1db: {  	_ =	swait.ge [sflag:s14], $0x800  }
0x1dc: {  	[sflag:s14] =	ssyncset.done $0x0  }
0x1dd: {  	[sflag:s14] =	ssyncadd.s32 $0xFFFFF800  }
0x1de: {  	v1 =	vld [tilespmem:$0x3C0];
	_ =	sdelay $0x7  }
0x1df: {  	[tilespmem:s8], [sflag:$0x1] =	stream.indirect_vreg.gather [spmem:s3], $0x80, v1, vm0, $0xb8;
	[tilespmem:$0x1F400] =	vst v63  }
0x1e0: {  	_ =	swait.ge [sflag:s11], $0x800  }
0x1e1: {  	[sflag:s11] =	ssyncset.done $0x0  }
0x1e2: {  	[sflag:s11] =	ssyncadd.s32 $0xFFFFF800  }
0x1e3: {  	v1 =	vld [tilespmem:$0x3D0];
	_ =	sdelay $0x7  }
0x1e4: {  	[spmem:s2] =	stream.indirect_vreg.scatter.add.f32 [tilespmem:s8], [sflag:$0x3], $0x80, v1, vm0, $0xb8;
	[tilespmem:$0x1F400] =	vst v63  }
0x1e5: {  	_ =	swait.ge [sflag:s13], $0x800  }
0x1e6: {  	[sflag:s13] =	ssyncset.done $0x0  }
0x1e7: {  	[sflag:s13] =	ssyncadd.s32 $0xFFFFF800  }
0x1e8: {  	v1 =	vld [tilespmem:$0x3E0];
	_ =	sdelay $0x7  }
0x1e9: {  	[tilespmem:s9], [sflag:$0x2] =	stream.indirect_vreg.gather [spmem:s3], $0x80, v1, vm0, $0xb8;
	[tilespmem:$0x1F400] =	vst v63  }
0x1ea: {  	_ =	swait.ge [sflag:s12], $0x800  }
0x1eb: {  	[sflag:s12] =	ssyncset.done $0x0  }
0x1ec: {  	[sflag:s12] =	ssyncadd.s32 $0xFFFFF800  }
0x1ed: {  	v1 =	vld [tilespmem:$0x3F0];
	_ =	sdelay $0x7  }
0x1ee: {  	[spmem:s2] =	stream.indirect_vreg.scatter.add.f32 [tilespmem:s9], [sflag:$0x4], $0x80, v1, vm0, $0xb8;
	[tilespmem:$0x1F400] =	vst v63  }
0x1ef: {  	_ =	swait.ge [sflag:s14], $0x800  }
0x1f0: {  	[sflag:s14] =	ssyncset.done $0x0  }
0x1f1: {  	[sflag:s14] =	ssyncadd.s32 $0xFFFFF800  }
0x1f2: {  	_ =	swait.ge [sflag:s16], $0x400  }
0x1f3: {  	[sflag:s16] =	ssyncset.done $0x0  }
0x1f4: {  	[sflag:s16] =	ssyncadd.s32 $0xFFFFFC00  }
0x1f5: {  	v1 =	vld [tilespmem:$0x400];
	_ =	sdelay $0x7  }
0x1f6: {  	[tilespmem:s8], [sflag:$0x1] =	stream.indirect_vreg.gather [spmem:s3], $0x80, v1, vm0, $0xb8;
	[tilespmem:$0x1F400] =	vst v63  }
0x1f7: {  	_ =	swait.ge [sflag:s11], $0x800  }
0x1f8: {  	[sflag:s11] =	ssyncset.done $0x0  }
0x1f9: {  	[sflag:s11] =	ssyncadd.s32 $0xFFFFF800  }
0x1fa: {  	v1 =	vld [tilespmem:$0x410];
	_ =	sdelay $0x7  }
0x1fb: {  	[spmem:s2] =	stream.indirect_vreg.scatter.add.f32 [tilespmem:s8], [sflag:$0x3], $0x80, v1, vm0, $0xb8;
	[tilespmem:$0x1F400] =	vst v63  }
0x1fc: {  	_ =	swait.ge [sflag:s13], $0x800  }
0x1fd: {  	[sflag:s13] =	ssyncset.done $0x0  }
0x1fe: {  	[sflag:s13] =	ssyncadd.s32 $0xFFFFF800  }
0x1ff: {  	v1 =	vld [tilespmem:$0x420];
	_ =	sdelay $0x7  }
0x200: {  	[tilespmem:s9], [sflag:$0x2] =	stream.indirect_vreg.gather [spmem:s3], $0x80, v1, vm0, $0xb8;
	[tilespmem:$0x1F400] =	vst v63  }
0x201: {  	_ =	swait.ge [sflag:s12], $0x800  }
0x202: {  	[sflag:s12] =	ssyncset.done $0x0  }
0x203: {  	[sflag:s12] =	ssyncadd.s32 $0xFFFFF800  }
0x204: {  	v1 =	vld [tilespmem:$0x430];
	_ =	sdelay $0x7  }
0x205: {  	[spmem:s2] =	stream.indirect_vreg.scatter.add.f32 [tilespmem:s9], [sflag:$0x4], $0x80, v1, vm0, $0xb8;
	[tilespmem:$0x1F400] =	vst v63  }
0x206: {  	_ =	swait.ge [sflag:s14], $0x800  }
0x207: {  	[sflag:s14] =	ssyncset.done $0x0  }
0x208: {  	[sflag:s14] =	ssyncadd.s32 $0xFFFFF800  }
0x209: {  	v1 =	vld [tilespmem:$0x440];
	_ =	sdelay $0x7  }
0x20a: {  	[tilespmem:s8], [sflag:$0x1] =	stream.indirect_vreg.gather [spmem:s3], $0x80, v1, vm0, $0xb8;
	[tilespmem:$0x1F400] =	vst v63  }
0x20b: {  	_ =	swait.ge [sflag:s11], $0x800  }
0x20c: {  	s22 =	sshrl.u32 s23, $0x3;
	[sflag:s11] =	ssyncset.done $0x0  }
0x20d: {  	s22 =	sadd.s32 s5, s22;
	[sflag:s11] =	ssyncadd.s32 $0xFFFFF800  }
0x20e: {  	[tilespmem:s4], [sflag:$0x5] =	stream.linear.gather [hbm4b:s22+s4], $0x400, $0x38;
	[tilespmem:$0x1F400] =	vst v63  }
0x20f: {  	v1 =	vld [tilespmem:$0x450];
	_ =	sdelay $0x7  }
0x210: {  	[spmem:s2] =	stream.indirect_vreg.scatter.add.f32 [tilespmem:s8], [sflag:$0x3], $0x80, v1, vm0, $0xb8;
	[tilespmem:$0x1F400] =	vst v63  }
0x211: {  	_ =	swait.ge [sflag:s13], $0x800  }
0x212: {  	[sflag:s13] =	ssyncset.done $0x0  }
0x213: {  	[sflag:s13] =	ssyncadd.s32 $0xFFFFF800  }
0x214: {  	v1 =	vld [tilespmem:$0x460];
	_ =	sdelay $0x7  }
0x215: {  	[tilespmem:s9], [sflag:$0x2] =	stream.indirect_vreg.gather [spmem:s3], $0x80, v1, vm0, $0xb8;
	[tilespmem:$0x1F400] =	vst v63  }
0x216: {  	_ =	swait.ge [sflag:s12], $0x800  }
0x217: {  	[sflag:s12] =	ssyncset.done $0x0  }
0x218: {  	[sflag:s12] =	ssyncadd.s32 $0xFFFFF800  }
0x219: {  	v1 =	vld [tilespmem:$0x470];
	_ =	sdelay $0x7  }
0x21a: {  	[spmem:s2] =	stream.indirect_vreg.scatter.add.f32 [tilespmem:s9], [sflag:$0x4], $0x80, v1, vm0, $0xb8;
	[tilespmem:$0x1F400] =	vst v63  }
0x21b: {  	_ =	swait.ge [sflag:s14], $0x800  }
0x21c: {  	[sflag:s14] =	ssyncset.done $0x0  }
0x21d: {  	[sflag:s14] =	ssyncadd.s32 $0xFFFFF800  }
0x21e: {  	v1 =	vld [tilespmem:$0x480];
	_ =	sdelay $0x7  }
0x21f: {  	[tilespmem:s8], [sflag:$0x1] =	stream.indirect_vreg.gather [spmem:s3], $0x80, v1, vm0, $0xb8;
	[tilespmem:$0x1F400] =	vst v63  }
0x220: {  	_ =	swait.ge [sflag:s11], $0x800  }
0x221: {  	[sflag:s11] =	ssyncset.done $0x0  }
0x222: {  	[sflag:s11] =	ssyncadd.s32 $0xFFFFF800  }
0x223: {  	v1 =	vld [tilespmem:$0x490];
	_ =	sdelay $0x7  }
0x224: {  	[spmem:s2] =	stream.indirect_vreg.scatter.add.f32 [tilespmem:s8], [sflag:$0x3], $0x80, v1, vm0, $0xb8;
	[tilespmem:$0x1F400] =	vst v63  }
0x225: {  	_ =	swait.ge [sflag:s13], $0x800  }
0x226: {  	[sflag:s13] =	ssyncset.done $0x0  }
0x227: {  	[sflag:s13] =	ssyncadd.s32 $0xFFFFF800  }
0x228: {  	v1 =	vld [tilespmem:$0x4A0];
	_ =	sdelay $0x7  }
0x229: {  	[tilespmem:s9], [sflag:$0x2] =	stream.indirect_vreg.gather [spmem:s3], $0x80, v1, vm0, $0xb8;
	[tilespmem:$0x1F400] =	vst v63  }
0x22a: {  	_ =	swait.ge [sflag:s12], $0x800  }
0x22b: {  	[sflag:s12] =	ssyncset.done $0x0  }
0x22c: {  	[sflag:s12] =	ssyncadd.s32 $0xFFFFF800  }
0x22d: {  	v1 =	vld [tilespmem:$0x4B0];
	_ =	sdelay $0x7  }
0x22e: {  	[spmem:s2] =	stream.indirect_vreg.scatter.add.f32 [tilespmem:s9], [sflag:$0x4], $0x80, v1, vm0, $0xb8;
	[tilespmem:$0x1F400] =	vst v63  }
0x22f: {  	_ =	swait.ge [sflag:s14], $0x800  }
0x230: {  	[sflag:s14] =	ssyncset.done $0x0  }
0x231: {  	[sflag:s14] =	ssyncadd.s32 $0xFFFFF800  }
0x232: {  	v1 =	vld [tilespmem:$0x4C0];
	_ =	sdelay $0x7  }
0x233: {  	[tilespmem:s8], [sflag:$0x1] =	stream.indirect_vreg.gather [spmem:s3], $0x80, v1, vm0, $0xb8;
	[tilespmem:$0x1F400] =	vst v63  }
0x234: {  	_ =	swait.ge [sflag:s11], $0x800  }
0x235: {  	[sflag:s11] =	ssyncset.done $0x0  }
0x236: {  	[sflag:s11] =	ssyncadd.s32 $0xFFFFF800  }
0x237: {  	v1 =	vld [tilespmem:$0x4D0];
	_ =	sdelay $0x7  }
0x238: {  	[spmem:s2] =	stream.indirect_vreg.scatter.add.f32 [tilespmem:s8], [sflag:$0x3], $0x80, v1, vm0, $0xb8;
	[tilespmem:$0x1F400] =	vst v63  }
0x239: {  	_ =	swait.ge [sflag:s13], $0x800  }
0x23a: {  	[sflag:s13] =	ssyncset.done $0x0  }
0x23b: {  	[sflag:s13] =	ssyncadd.s32 $0xFFFFF800  }
0x23c: {  	v1 =	vld [tilespmem:$0x4E0];
	_ =	sdelay $0x7  }
0x23d: {  	[tilespmem:s9], [sflag:$0x2] =	stream.indirect_vreg.gather [spmem:s3], $0x80, v1, vm0, $0xb8;
	[tilespmem:$0x1F400] =	vst v63  }
0x23e: {  	_ =	swait.ge [sflag:s12], $0x800  }
0x23f: {  	[sflag:s12] =	ssyncset.done $0x0  }
0x240: {  	[sflag:s12] =	ssyncadd.s32 $0xFFFFF800  }
0x241: {  	v1 =	vld [tilespmem:$0x4F0];
	_ =	sdelay $0x7  }
0x242: {  	[spmem:s2] =	stream.indirect_vreg.scatter.add.f32 [tilespmem:s9], [sflag:$0x4], $0x80, v1, vm0, $0xb8;
	[tilespmem:$0x1F400] =	vst v63  }
0x243: {  	_ =	swait.ge [sflag:s14], $0x800  }
0x244: {  	[sflag:s14] =	ssyncset.done $0x0  }
0x245: {  	[sflag:s14] =	ssyncadd.s32 $0xFFFFF800  }
0x246: {  	v1 =	vld [tilespmem:$0x500];
	_ =	sdelay $0x7  }
0x247: {  	[tilespmem:s8], [sflag:$0x1] =	stream.indirect_vreg.gather [spmem:s3], $0x80, v1, vm0, $0xb8;
	[tilespmem:$0x1F400] =	vst v63  }
0x248: {  	_ =	swait.ge [sflag:s11], $0x800  }
0x249: {  	[sflag:s11] =	ssyncset.done $0x0  }
0x24a: {  	[sflag:s11] =	ssyncadd.s32 $0xFFFFF800  }
0x24b: {  	v1 =	vld [tilespmem:$0x510];
	_ =	sdelay $0x7  }
0x24c: {  	[spmem:s2] =	stream.indirect_vreg.scatter.add.f32 [tilespmem:s8], [sflag:$0x3], $0x80, v1, vm0, $0xb8;
	[tilespmem:$0x1F400] =	vst v63  }
0x24d: {  	_ =	swait.ge [sflag:s13], $0x800  }
0x24e: {  	[sflag:s13] =	ssyncset.done $0x0  }
0x24f: {  	[sflag:s13] =	ssyncadd.s32 $0xFFFFF800  }
0x250: {  	v1 =	vld [tilespmem:$0x520];
	_ =	sdelay $0x7  }
0x251: {  	[tilespmem:s9], [sflag:$0x2] =	stream.indirect_vreg.gather [spmem:s3], $0x80, v1, vm0, $0xb8;
	[tilespmem:$0x1F400] =	vst v63  }
0x252: {  	_ =	swait.ge [sflag:s12], $0x800  }
0x253: {  	[sflag:s12] =	ssyncset.done $0x0  }
0x254: {  	[sflag:s12] =	ssyncadd.s32 $0xFFFFF800  }
0x255: {  	v1 =	vld [tilespmem:$0x530];
	_ =	sdelay $0x7  }
0x256: {  	[spmem:s2] =	stream.indirect_vreg.scatter.add.f32 [tilespmem:s9], [sflag:$0x4], $0x80, v1, vm0, $0xb8;
	[tilespmem:$0x1F400] =	vst v63  }
0x257: {  	_ =	swait.ge [sflag:s14], $0x800  }
0x258: {  	[sflag:s14] =	ssyncset.done $0x0  }
0x259: {  	[sflag:s14] =	ssyncadd.s32 $0xFFFFF800  }
0x25a: {  	v1 =	vld [tilespmem:$0x540];
	_ =	sdelay $0x7  }
0x25b: {  	[tilespmem:s8], [sflag:$0x1] =	stream.indirect_vreg.gather [spmem:s3], $0x80, v1, vm0, $0xb8;
	[tilespmem:$0x1F400] =	vst v63  }
0x25c: {  	_ =	swait.ge [sflag:s11], $0x800  }
0x25d: {  	[sflag:s11] =	ssyncset.done $0x0  }
0x25e: {  	[sflag:s11] =	ssyncadd.s32 $0xFFFFF800  }
0x25f: {  	v1 =	vld [tilespmem:$0x550];
	_ =	sdelay $0x7  }
0x260: {  	[spmem:s2] =	stream.indirect_vreg.scatter.add.f32 [tilespmem:s8], [sflag:$0x3], $0x80, v1, vm0, $0xb8;
	[tilespmem:$0x1F400] =	vst v63  }
0x261: {  	_ =	swait.ge [sflag:s13], $0x800  }
0x262: {  	[sflag:s13] =	ssyncset.done $0x0  }
0x263: {  	[sflag:s13] =	ssyncadd.s32 $0xFFFFF800  }
0x264: {  	v1 =	vld [tilespmem:$0x560];
	_ =	sdelay $0x7  }
0x265: {  	[tilespmem:s9], [sflag:$0x2] =	stream.indirect_vreg.gather [spmem:s3], $0x80, v1, vm0, $0xb8;
	[tilespmem:$0x1F400] =	vst v63  }
0x266: {  	_ =	swait.ge [sflag:s12], $0x800  }
0x267: {  	[sflag:s12] =	ssyncset.done $0x0  }
0x268: {  	[sflag:s12] =	ssyncadd.s32 $0xFFFFF800  }
0x269: {  	v1 =	vld [tilespmem:$0x570];
	_ =	sdelay $0x7  }
0x26a: {  	[spmem:s2] =	stream.indirect_vreg.scatter.add.f32 [tilespmem:s9], [sflag:$0x4], $0x80, v1, vm0, $0xb8;
	[tilespmem:$0x1F400] =	vst v63  }
0x26b: {  	_ =	swait.ge [sflag:s14], $0x800  }
0x26c: {  	[sflag:s14] =	ssyncset.done $0x0  }
0x26d: {  	[sflag:s14] =	ssyncadd.s32 $0xFFFFF800  }
0x26e: {  	v1 =	vld [tilespmem:$0x580];
	_ =	sdelay $0x7  }
0x26f: {  	[tilespmem:s8], [sflag:$0x1] =	stream.indirect_vreg.gather [spmem:s3], $0x80, v1, vm0, $0xb8;
	[tilespmem:$0x1F400] =	vst v63  }
0x270: {  	_ =	swait.ge [sflag:s11], $0x800  }
0x271: {  	[sflag:s11] =	ssyncset.done $0x0  }
0x272: {  	[sflag:s11] =	ssyncadd.s32 $0xFFFFF800  }
0x273: {  	v1 =	vld [tilespmem:$0x590];
	_ =	sdelay $0x7  }
0x274: {  	[spmem:s2] =	stream.indirect_vreg.scatter.add.f32 [tilespmem:s8], [sflag:$0x3], $0x80, v1, vm0, $0xb8;
	[tilespmem:$0x1F400] =	vst v63  }
0x275: {  	_ =	swait.ge [sflag:s13], $0x800  }
0x276: {  	[sflag:s13] =	ssyncset.done $0x0  }
0x277: {  	[sflag:s13] =	ssyncadd.s32 $0xFFFFF800  }
0x278: {  	v1 =	vld [tilespmem:$0x5A0];
	_ =	sdelay $0x7  }
0x279: {  	[tilespmem:s9], [sflag:$0x2] =	stream.indirect_vreg.gather [spmem:s3], $0x80, v1, vm0, $0xb8;
	[tilespmem:$0x1F400] =	vst v63  }
0x27a: {  	_ =	swait.ge [sflag:s12], $0x800  }
0x27b: {  	[sflag:s12] =	ssyncset.done $0x0  }
0x27c: {  	[sflag:s12] =	ssyncadd.s32 $0xFFFFF800  }
0x27d: {  	v1 =	vld [tilespmem:$0x5B0];
	_ =	sdelay $0x7  }
0x27e: {  	[spmem:s2] =	stream.indirect_vreg.scatter.add.f32 [tilespmem:s9], [sflag:$0x4], $0x80, v1, vm0, $0xb8;
	[tilespmem:$0x1F400] =	vst v63  }
0x27f: {  	_ =	swait.ge [sflag:s14], $0x800  }
0x280: {  	[sflag:s14] =	ssyncset.done $0x0  }
0x281: {  	[sflag:s14] =	ssyncadd.s32 $0xFFFFF800  }
0x282: {  	v1 =	vld [tilespmem:$0x5C0];
	_ =	sdelay $0x7  }
0x283: {  	[tilespmem:s8], [sflag:$0x1] =	stream.indirect_vreg.gather [spmem:s3], $0x80, v1, vm0, $0xb8;
	[tilespmem:$0x1F400] =	vst v63  }
0x284: {  	_ =	swait.ge [sflag:s11], $0x800  }
0x285: {  	[sflag:s11] =	ssyncset.done $0x0  }
0x286: {  	[sflag:s11] =	ssyncadd.s32 $0xFFFFF800  }
0x287: {  	v1 =	vld [tilespmem:$0x5D0];
	_ =	sdelay $0x7  }
0x288: {  	[spmem:s2] =	stream.indirect_vreg.scatter.add.f32 [tilespmem:s8], [sflag:$0x3], $0x80, v1, vm0, $0xb8;
	[tilespmem:$0x1F400] =	vst v63  }
0x289: {  	_ =	swait.ge [sflag:s13], $0x800  }
0x28a: {  	[sflag:s13] =	ssyncset.done $0x0  }
0x28b: {  	[sflag:s13] =	ssyncadd.s32 $0xFFFFF800  }
0x28c: {  	v1 =	vld [tilespmem:$0x5E0];
	_ =	sdelay $0x7  }
0x28d: {  	[tilespmem:s9], [sflag:$0x2] =	stream.indirect_vreg.gather [spmem:s3], $0x80, v1, vm0, $0xb8;
	[tilespmem:$0x1F400] =	vst v63  }
0x28e: {  	_ =	swait.ge [sflag:s12], $0x800  }
0x28f: {  	[sflag:s12] =	ssyncset.done $0x0  }
0x290: {  	[sflag:s12] =	ssyncadd.s32 $0xFFFFF800  }
0x291: {  	v1 =	vld [tilespmem:$0x5F0];
	_ =	sdelay $0x7  }
0x292: {  	[spmem:s2] =	stream.indirect_vreg.scatter.add.f32 [tilespmem:s9], [sflag:$0x4], $0x80, v1, vm0, $0xb8;
	[tilespmem:$0x1F400] =	vst v63  }
0x293: {  	_ =	swait.ge [sflag:s14], $0x800  }
0x294: {  	[sflag:s14] =	ssyncset.done $0x0  }
0x295: {  	[sflag:s14] =	ssyncadd.s32 $0xFFFFF800  }
0x296: {  	v1 =	vld [tilespmem:$0x600];
	_ =	sdelay $0x7  }
0x297: {  	[tilespmem:s8], [sflag:$0x1] =	stream.indirect_vreg.gather [spmem:s3], $0x80, v1, vm0, $0xb8;
	[tilespmem:$0x1F400] =	vst v63  }
0x298: {  	_ =	swait.ge [sflag:s11], $0x800  }
0x299: {  	[sflag:s11] =	ssyncset.done $0x0  }
0x29a: {  	[sflag:s11] =	ssyncadd.s32 $0xFFFFF800  }
0x29b: {  	v1 =	vld [tilespmem:$0x610];
	_ =	sdelay $0x7  }
0x29c: {  	[spmem:s2] =	stream.indirect_vreg.scatter.add.f32 [tilespmem:s8], [sflag:$0x3], $0x80, v1, vm0, $0xb8;
	[tilespmem:$0x1F400] =	vst v63  }
0x29d: {  	_ =	swait.ge [sflag:s13], $0x800  }
0x29e: {  	[sflag:s13] =	ssyncset.done $0x0  }
0x29f: {  	[sflag:s13] =	ssyncadd.s32 $0xFFFFF800  }
0x2a0: {  	v1 =	vld [tilespmem:$0x620];
	_ =	sdelay $0x7  }
0x2a1: {  	[tilespmem:s9], [sflag:$0x2] =	stream.indirect_vreg.gather [spmem:s3], $0x80, v1, vm0, $0xb8;
	[tilespmem:$0x1F400] =	vst v63  }
0x2a2: {  	_ =	swait.ge [sflag:s12], $0x800  }
0x2a3: {  	[sflag:s12] =	ssyncset.done $0x0  }
0x2a4: {  	[sflag:s12] =	ssyncadd.s32 $0xFFFFF800  }
0x2a5: {  	v1 =	vld [tilespmem:$0x630];
	_ =	sdelay $0x7  }
0x2a6: {  	[spmem:s2] =	stream.indirect_vreg.scatter.add.f32 [tilespmem:s9], [sflag:$0x4], $0x80, v1, vm0, $0xb8;
	[tilespmem:$0x1F400] =	vst v63  }
0x2a7: {  	_ =	swait.ge [sflag:s14], $0x800  }
0x2a8: {  	[sflag:s14] =	ssyncset.done $0x0  }
0x2a9: {  	[sflag:s14] =	ssyncadd.s32 $0xFFFFF800  }
0x2aa: {  	v1 =	vld [tilespmem:$0x640];
	_ =	sdelay $0x7  }
0x2ab: {  	[tilespmem:s8], [sflag:$0x1] =	stream.indirect_vreg.gather [spmem:s3], $0x80, v1, vm0, $0xb8;
	[tilespmem:$0x1F400] =	vst v63  }
0x2ac: {  	_ =	swait.ge [sflag:s11], $0x800  }
0x2ad: {  	[sflag:s11] =	ssyncset.done $0x0  }
0x2ae: {  	[sflag:s11] =	ssyncadd.s32 $0xFFFFF800  }
0x2af: {  	v1 =	vld [tilespmem:$0x650];
	_ =	sdelay $0x7  }
0x2b0: {  	[spmem:s2] =	stream.indirect_vreg.scatter.add.f32 [tilespmem:s8], [sflag:$0x3], $0x80, v1, vm0, $0xb8;
	[tilespmem:$0x1F400] =	vst v63  }
0x2b1: {  	_ =	swait.ge [sflag:s13], $0x800  }
0x2b2: {  	[sflag:s13] =	ssyncset.done $0x0  }
0x2b3: {  	[sflag:s13] =	ssyncadd.s32 $0xFFFFF800  }
0x2b4: {  	v1 =	vld [tilespmem:$0x660];
	_ =	sdelay $0x7  }
0x2b5: {  	[tilespmem:s9], [sflag:$0x2] =	stream.indirect_vreg.gather [spmem:s3], $0x80, v1, vm0, $0xb8;
	[tilespmem:$0x1F400] =	vst v63  }
0x2b6: {  	_ =	swait.ge [sflag:s12], $0x800  }
0x2b7: {  	[sflag:s12] =	ssyncset.done $0x0  }
0x2b8: {  	[sflag:s12] =	ssyncadd.s32 $0xFFFFF800  }
0x2b9: {  	v1 =	vld [tilespmem:$0x670];
	_ =	sdelay $0x7  }
0x2ba: {  	[spmem:s2] =	stream.indirect_vreg.scatter.add.f32 [tilespmem:s9], [sflag:$0x4], $0x80, v1, vm0, $0xb8;
	[tilespmem:$0x1F400] =	vst v63  }
0x2bb: {  	_ =	swait.ge [sflag:s14], $0x800  }
0x2bc: {  	[sflag:s14] =	ssyncset.done $0x0  }
0x2bd: {  	[sflag:s14] =	ssyncadd.s32 $0xFFFFF800  }
0x2be: {  	v1 =	vld [tilespmem:$0x680];
	_ =	sdelay $0x7  }
0x2bf: {  	[tilespmem:s8], [sflag:$0x1] =	stream.indirect_vreg.gather [spmem:s3], $0x80, v1, vm0, $0xb8;
	[tilespmem:$0x1F400] =	vst v63  }
0x2c0: {  	_ =	swait.ge [sflag:s11], $0x800  }
0x2c1: {  	[sflag:s11] =	ssyncset.done $0x0  }
0x2c2: {  	[sflag:s11] =	ssyncadd.s32 $0xFFFFF800  }
0x2c3: {  	v1 =	vld [tilespmem:$0x690];
	_ =	sdelay $0x7  }
0x2c4: {  	[spmem:s2] =	stream.indirect_vreg.scatter.add.f32 [tilespmem:s8], [sflag:$0x3], $0x80, v1, vm0, $0xb8;
	[tilespmem:$0x1F400] =	vst v63  }
0x2c5: {  	_ =	swait.ge [sflag:s13], $0x800  }
0x2c6: {  	[sflag:s13] =	ssyncset.done $0x0  }
0x2c7: {  	[sflag:s13] =	ssyncadd.s32 $0xFFFFF800  }
0x2c8: {  	v1 =	vld [tilespmem:$0x6A0];
	_ =	sdelay $0x7  }
0x2c9: {  	[tilespmem:s9], [sflag:$0x2] =	stream.indirect_vreg.gather [spmem:s3], $0x80, v1, vm0, $0xb8;
	[tilespmem:$0x1F400] =	vst v63  }
0x2ca: {  	_ =	swait.ge [sflag:s12], $0x800  }
0x2cb: {  	[sflag:s12] =	ssyncset.done $0x0  }
0x2cc: {  	[sflag:s12] =	ssyncadd.s32 $0xFFFFF800  }
0x2cd: {  	v1 =	vld [tilespmem:$0x6B0];
	_ =	sdelay $0x7  }
0x2ce: {  	[spmem:s2] =	stream.indirect_vreg.scatter.add.f32 [tilespmem:s9], [sflag:$0x4], $0x80, v1, vm0, $0xb8;
	[tilespmem:$0x1F400] =	vst v63  }
0x2cf: {  	_ =	swait.ge [sflag:s14], $0x800  }
0x2d0: {  	[sflag:s14] =	ssyncset.done $0x0  }
0x2d1: {  	[sflag:s14] =	ssyncadd.s32 $0xFFFFF800  }
0x2d2: {  	v1 =	vld [tilespmem:$0x6C0];
	_ =	sdelay $0x7  }
0x2d3: {  	[tilespmem:s8], [sflag:$0x1] =	stream.indirect_vreg.gather [spmem:s3], $0x80, v1, vm0, $0xb8;
	[tilespmem:$0x1F400] =	vst v63  }
0x2d4: {  	_ =	swait.ge [sflag:s11], $0x800  }
0x2d5: {  	[sflag:s11] =	ssyncset.done $0x0  }
0x2d6: {  	[sflag:s11] =	ssyncadd.s32 $0xFFFFF800  }
0x2d7: {  	v1 =	vld [tilespmem:$0x6D0];
	_ =	sdelay $0x7  }
0x2d8: {  	[spmem:s2] =	stream.indirect_vreg.scatter.add.f32 [tilespmem:s8], [sflag:$0x3], $0x80, v1, vm0, $0xb8;
	[tilespmem:$0x1F400] =	vst v63  }
0x2d9: {  	_ =	swait.ge [sflag:s13], $0x800  }
0x2da: {  	[sflag:s13] =	ssyncset.done $0x0  }
0x2db: {  	[sflag:s13] =	ssyncadd.s32 $0xFFFFF800  }
0x2dc: {  	v1 =	vld [tilespmem:$0x6E0];
	_ =	sdelay $0x7  }
0x2dd: {  	[tilespmem:s9], [sflag:$0x2] =	stream.indirect_vreg.gather [spmem:s3], $0x80, v1, vm0, $0xb8;
	[tilespmem:$0x1F400] =	vst v63  }
0x2de: {  	_ =	swait.ge [sflag:s12], $0x800  }
0x2df: {  	[sflag:s12] =	ssyncset.done $0x0  }
0x2e0: {  	[sflag:s12] =	ssyncadd.s32 $0xFFFFF800  }
0x2e1: {  	v1 =	vld [tilespmem:$0x6F0];
	_ =	sdelay $0x7  }
0x2e2: {  	[spmem:s2] =	stream.indirect_vreg.scatter.add.f32 [tilespmem:s9], [sflag:$0x4], $0x80, v1, vm0, $0xb8;
	[tilespmem:$0x1F400] =	vst v63  }
0x2e3: {  	_ =	swait.ge [sflag:s14], $0x800  }
0x2e4: {  	[sflag:s14] =	ssyncset.done $0x0  }
0x2e5: {  	[sflag:s14] =	ssyncadd.s32 $0xFFFFF800  }
0x2e6: {  	v1 =	vld [tilespmem:$0x700];
	_ =	sdelay $0x7  }
0x2e7: {  	[tilespmem:s8], [sflag:$0x1] =	stream.indirect_vreg.gather [spmem:s3], $0x80, v1, vm0, $0xb8;
	[tilespmem:$0x1F400] =	vst v63  }
0x2e8: {  	_ =	swait.ge [sflag:s11], $0x800  }
0x2e9: {  	[sflag:s11] =	ssyncset.done $0x0  }
0x2ea: {  	[sflag:s11] =	ssyncadd.s32 $0xFFFFF800  }
0x2eb: {  	v1 =	vld [tilespmem:$0x710];
	_ =	sdelay $0x7  }
0x2ec: {  	[spmem:s2] =	stream.indirect_vreg.scatter.add.f32 [tilespmem:s8], [sflag:$0x3], $0x80, v1, vm0, $0xb8;
	[tilespmem:$0x1F400] =	vst v63  }
0x2ed: {  	_ =	swait.ge [sflag:s13], $0x800  }
0x2ee: {  	[sflag:s13] =	ssyncset.done $0x0  }
0x2ef: {  	[sflag:s13] =	ssyncadd.s32 $0xFFFFF800  }
0x2f0: {  	v1 =	vld [tilespmem:$0x720];
	_ =	sdelay $0x7  }
0x2f1: {  	[tilespmem:s9], [sflag:$0x2] =	stream.indirect_vreg.gather [spmem:s3], $0x80, v1, vm0, $0xb8;
	[tilespmem:$0x1F400] =	vst v63  }
0x2f2: {  	_ =	swait.ge [sflag:s12], $0x800  }
0x2f3: {  	[sflag:s12] =	ssyncset.done $0x0  }
0x2f4: {  	[sflag:s12] =	ssyncadd.s32 $0xFFFFF800  }
0x2f5: {  	v1 =	vld [tilespmem:$0x730];
	_ =	sdelay $0x7  }
0x2f6: {  	[spmem:s2] =	stream.indirect_vreg.scatter.add.f32 [tilespmem:s9], [sflag:$0x4], $0x80, v1, vm0, $0xb8;
	[tilespmem:$0x1F400] =	vst v63  }
0x2f7: {  	_ =	swait.ge [sflag:s14], $0x800  }
0x2f8: {  	[sflag:s14] =	ssyncset.done $0x0  }
0x2f9: {  	[sflag:s14] =	ssyncadd.s32 $0xFFFFF800  }
0x2fa: {  	v1 =	vld [tilespmem:$0x740];
	_ =	sdelay $0x7  }
0x2fb: {  	[tilespmem:s8], [sflag:$0x1] =	stream.indirect_vreg.gather [spmem:s3], $0x80, v1, vm0, $0xb8;
	[tilespmem:$0x1F400] =	vst v63  }
0x2fc: {  	_ =	swait.ge [sflag:s11], $0x800  }
0x2fd: {  	[sflag:s11] =	ssyncset.done $0x0  }
0x2fe: {  	[sflag:s11] =	ssyncadd.s32 $0xFFFFF800  }
0x2ff: {  	v1 =	vld [tilespmem:$0x750];
	_ =	sdelay $0x7  }
0x300: {  	[spmem:s2] =	stream.indirect_vreg.scatter.add.f32 [tilespmem:s8], [sflag:$0x3], $0x80, v1, vm0, $0xb8;
	[tilespmem:$0x1F400] =	vst v63  }
0x301: {  	_ =	swait.ge [sflag:s13], $0x800  }
0x302: {  	[sflag:s13] =	ssyncset.done $0x0  }
0x303: {  	[sflag:s13] =	ssyncadd.s32 $0xFFFFF800  }
0x304: {  	v1 =	vld [tilespmem:$0x760];
	_ =	sdelay $0x7  }
0x305: {  	[tilespmem:s9], [sflag:$0x2] =	stream.indirect_vreg.gather [spmem:s3], $0x80, v1, vm0, $0xb8;
	[tilespmem:$0x1F400] =	vst v63  }
0x306: {  	_ =	swait.ge [sflag:s12], $0x800  }
0x307: {  	[sflag:s12] =	ssyncset.done $0x0  }
0x308: {  	[sflag:s12] =	ssyncadd.s32 $0xFFFFF800  }
0x309: {  	v1 =	vld [tilespmem:$0x770];
	_ =	sdelay $0x7  }
0x30a: {  	[spmem:s2] =	stream.indirect_vreg.scatter.add.f32 [tilespmem:s9], [sflag:$0x4], $0x80, v1, vm0, $0xb8;
	[tilespmem:$0x1F400] =	vst v63  }
0x30b: {  	_ =	swait.ge [sflag:s14], $0x800  }
0x30c: {  	[sflag:s14] =	ssyncset.done $0x0  }
0x30d: {  	[sflag:s14] =	ssyncadd.s32 $0xFFFFF800  }
0x30e: {  	v1 =	vld [tilespmem:$0x780];
	_ =	sdelay $0x7  }
0x30f: {  	[tilespmem:s8], [sflag:$0x1] =	stream.indirect_vreg.gather [spmem:s3], $0x80, v1, vm0, $0xb8;
	[tilespmem:$0x1F400] =	vst v63  }
0x310: {  	_ =	swait.ge [sflag:s11], $0x800  }
0x311: {  	[sflag:s11] =	ssyncset.done $0x0  }
0x312: {  	[sflag:s11] =	ssyncadd.s32 $0xFFFFF800  }
0x313: {  	v1 =	vld [tilespmem:$0x790];
	_ =	sdelay $0x7  }
0x314: {  	[spmem:s2] =	stream.indirect_vreg.scatter.add.f32 [tilespmem:s8], [sflag:$0x3], $0x80, v1, vm0, $0xb8;
	[tilespmem:$0x1F400] =	vst v63  }
0x315: {  	_ =	swait.ge [sflag:s13], $0x800  }
0x316: {  	[sflag:s13] =	ssyncset.done $0x0  }
0x317: {  	[sflag:s13] =	ssyncadd.s32 $0xFFFFF800  }
0x318: {  	v1 =	vld [tilespmem:$0x7A0];
	_ =	sdelay $0x7  }
0x319: {  	[tilespmem:s9], [sflag:$0x2] =	stream.indirect_vreg.gather [spmem:s3], $0x80, v1, vm0, $0xb8;
	[tilespmem:$0x1F400] =	vst v63  }
0x31a: {  	_ =	swait.ge [sflag:s12], $0x800  }
0x31b: {  	[sflag:s12] =	ssyncset.done $0x0  }
0x31c: {  	[sflag:s12] =	ssyncadd.s32 $0xFFFFF800  }
0x31d: {  	v1 =	vld [tilespmem:$0x7B0];
	_ =	sdelay $0x7  }
0x31e: {  	[spmem:s2] =	stream.indirect_vreg.scatter.add.f32 [tilespmem:s9], [sflag:$0x4], $0x80, v1, vm0, $0xb8;
	[tilespmem:$0x1F400] =	vst v63  }
0x31f: {  	_ =	swait.ge [sflag:s14], $0x800  }
0x320: {  	[sflag:s14] =	ssyncset.done $0x0  }
0x321: {  	[sflag:s14] =	ssyncadd.s32 $0xFFFFF800  }
0x322: {  	v1 =	vld [tilespmem:$0x7C0];
	_ =	sdelay $0x7  }
0x323: {  	[tilespmem:s8], [sflag:$0x1] =	stream.indirect_vreg.gather [spmem:s3], $0x80, v1, vm0, $0xb8;
	[tilespmem:$0x1F400] =	vst v63  }
0x324: {  	_ =	swait.ge [sflag:s11], $0x800  }
0x325: {  	[sflag:s11] =	ssyncset.done $0x0  }
0x326: {  	[sflag:s11] =	ssyncadd.s32 $0xFFFFF800  }
0x327: {  	v1 =	vld [tilespmem:$0x7D0];
	_ =	sdelay $0x7  }
0x328: {  	[spmem:s2] =	stream.indirect_vreg.scatter.add.f32 [tilespmem:s8], [sflag:$0x3], $0x80, v1, vm0, $0xb8;
	[tilespmem:$0x1F400] =	vst v63  }
0x329: {  	_ =	swait.ge [sflag:s13], $0x800  }
0x32a: {  	[sflag:s13] =	ssyncset.done $0x0  }
0x32b: {  	[sflag:s13] =	ssyncadd.s32 $0xFFFFF800  }
0x32c: {  	v1 =	vld [tilespmem:$0x7E0];
	_ =	sdelay $0x7  }
0x32d: {  	[tilespmem:s9], [sflag:$0x2] =	stream.indirect_vreg.gather [spmem:s3], $0x80, v1, vm0, $0xb8;
	[tilespmem:$0x1F400] =	vst v63  }
0x32e: {  	_ =	swait.ge [sflag:s12], $0x800  }
0x32f: {  	[sflag:s12] =	ssyncset.done $0x0  }
0x330: {  	[sflag:s12] =	ssyncadd.s32 $0xFFFFF800  }
0x331: {  	v1 =	vld [tilespmem:$0x7F0];
	_ =	sdelay $0x7  }
0x332: {  	[spmem:s2] =	stream.indirect_vreg.scatter.add.f32 [tilespmem:s9], [sflag:$0x4], $0x80, v1, vm0, $0xb8;
	[tilespmem:$0x1F400] =	vst v63  }
0x333: {  	_ =	swait.ge [sflag:s14], $0x800  }
0x334: {  	[sflag:s14] =	ssyncset.done $0x0  }
0x335: {  	[sflag:s14] =	ssyncadd.s32 $0xFFFFF800  }
0x336: {  	_ =	swait.ge [sflag:s17], $0x400  }
0x337: {  	[sflag:s17] =	ssyncset.done $0x0  }
0x338: {  	[sflag:s17] =	ssyncadd.s32 $0xFFFFFC00  }
0x339: {  	v1 =	vld [tilespmem:$0x0];
	_ =	sdelay $0x2  }
0x33a: {  	p0 =	sne.s32 s20, $0x1300  }
.Ltmp1:
0x33b: {  	_ = 	snop;
	(pc) =	sbr.rel @p0 .LBB2_4-.Ltmp1, $3  }
0x33c: {  	_ =	sdelay $0x1  }
0x33d: {  	s20 =	sadd.s32 $0x100, s20;
	s23 =	sadd.s32 $0x800, s23  }
0x33e: {  	[tilespmem:s8], [sflag:$0x1] =	stream.indirect_vreg.gather [spmem:s3], $0x80, v1, vm0, $0xb8;
	[tilespmem:$0x1F400] =	vst v63  }
0x33f: {  	_ =	swait.ge [sflag:s11], $0x800  }
0x340: {  	[sflag:s11] =	ssyncset.done $0x0  }
0x341: {  	[sflag:s11] =	ssyncadd.s32 $0xFFFFF800  }
0x342: {  	_ =	swait.ge [sflag:s13], $0x800  }
0x343: {  	[sflag:s13] =	ssyncset.done $0x0  }
0x344: {  	[sflag:s13] =	ssyncadd.s32 $0xFFFFF800  }
0x345: {  	[bflag:$0x0] =	sbarrier.arrive $0xFFFF  }
0x346: {  	s20 =	sshrl.u32 s6, $0x3;
	s22 =	rddreg [dreg:$0x11]  }
0x347: {  	[hbm:s22], [sflag:s19] =	dma.local [spmem:s20], $0x1400  }
0x348: {  	_ =	swait.ge [sflag:s10], $0x1400  }
0x349: {  	s18 =	sadd.s32 $0x1, s18;
	s23 =	rddreg [dreg:$0x12]  }
0x34a: {  	p0 =	sne.s32 s18, s23  }
.Ltmp2:
0x34b: {  	_ = 	snop;
	(pc) =	sbr.rel @p0 .LBB2_1-.Ltmp2, $3  }
0x34c: {  	_ =	sdelay $0x1  }
0x34d: {  	[sflag:s10] =	ssyncset.done $0x0  }
0x34e: {  	[sflag:s10] =	ssyncadd.s32 $0xFFFFEC00  }
0x34f: {  	_ =	sfence.sel $0x180000  }
0x350: {  	[bflag:$0x0] =	sbarrier.arrive $0xFFFF  }
0x351: {  	_ =	strace $0x90000047  }
0x352: {  	s0 =	stileid.u32;
	[bflag:$0x2] =	sbarrier.arrive $0xFFFF  }
0x353: {  	p0 =	sne.s32 s0, $0x0;
	s0 =	rddreg [dreg:$0x3]  }
0x354: {  	s0 =	sadd.s32 @!p0 $0x100000, s0  }
0x355: {  	[sflag:s0] =	ssyncadd.tile.s32 @!p0 $0x1;
	_ =	shalt  }
.Lfunc_end2:
_tile_overlayer_lowered:
.L_overlay_start_2:
0x356: {  	(tag) =	ssettag $0x2  }
0x357: {  	s0 =	rddreg [dreg:$0x0];
	s2 =	stileid.u32  }
0x358: {  	s1 =	rddreg [dreg:$0x1];
	p0 =	sne.s32 s2, $0x0  }
0x359: {  	s3 =	rddreg [dreg:$0x2];
	[bflag:$0x3] =	sbarrier.arrive $0xFFFF;
	s2 =	simm.s32 @!p0 $0x1C07  }
0x35a: {  	[timem:s3], [sflag:s2] =	dma.local @!p0 [hbm:s0], s1  }
0x35b: {  	s0 =	simm.s32 @!p0 $0x7  }
0x35c: {  	_ =	swait.ge @!p0 [sflag:s0], s1  }
0x35d: {  	s1 =	ssub.s32 @!p0 $0x0, s1;
	[sflag:s0] =	ssyncset.done @!p0 $0x0  }
0x35e: {  	[sflag:s0] =	ssyncadd.s32 @!p0 s1  }
0x35f: {  	[bflag:$0x3] =	sbarrier.arrive $0xFFFF  }
0x360: {  	_ =	shalt  }

</sc_bundles>
